<compile_context>
chip_gen: v7x
topology: tpu7x:2x2x1
jax: 0.10.2.dev20260603
libtpu: 0.0.44.dev20260713+nightly
codegen_flags: <defaults>
</compile_context>

<pallas_src>
import functools

import jax
import jax.numpy as jnp
from jax import lax
from jax.experimental import pallas as pl
from jax.experimental.pallas import tpu as pltpu
from jax.experimental.pallas import tpu_sc as plsc

NB = 768
NC, NS, L = 2, 16, 16
NW = NC * NS
P = 1024
HP = 2 * NB


def _sc_hist_fn(B, C, N):
    SH = NW // B
    NP = N // SH
    NCH = NP // P
    HSZ = C * HP
    NBf = float(NB)

    mesh = plsc.VectorSubcoreMesh(
        core_axis_name="c", subcore_axis_name="s",
        num_cores=NC, num_subcores=NS)

    @functools.partial(
        pl.kernel,
        out_type=jax.ShapeDtypeStruct((SH, B, HSZ), jnp.int32),
        mesh=mesh,
        compiler_params=pltpu.CompilerParams(needs_layout_passes=False),
        scratch_types=[
            pltpu.VMEM((C, P), jnp.float32),
            pltpu.VMEM((C, P), jnp.float32),
            pltpu.VMEM((P,), jnp.int32),
            pltpu.VMEM((P,), jnp.int32),
            pltpu.VMEM((P * C,), jnp.int32),
            pltpu.VMEM((HSZ,), jnp.int32),
            pltpu.SemaphoreType.DMA,
            pltpu.SemaphoreType.DMA,
        ],
    )
    def k(logits_hbm, labels_hbm, out_hbm, lbufA, lbufB, labA, labB, gbuf, hist, semA, semB):
        wid = lax.axis_index("s") * NC + lax.axis_index("c")
        b = wid // SH
        sh = wid % SH

        zeros16 = jnp.zeros((L,), jnp.int32)
        ones16 = jnp.ones((L,), jnp.int32)
        lane = lax.iota(jnp.int32, L)
        lane_c = lane * C

        def zbody(i, carry):
            hist[pl.ds(i * L, L)] = zeros16
            return carry
        lax.fori_loop(0, HSZ // L, zbody, 0)

        def chunk_body(i, carry):
            baseA = sh * NP + (i * 2) * P
            baseB = baseA + P
            dA1 = pltpu.async_copy(logits_hbm.at[b, :, pl.ds(baseA, P)], lbufA, semA)
            dA2 = pltpu.async_copy(labels_hbm.at[b, pl.ds(baseA, P)], labA, semA)
            dB1 = pltpu.async_copy(logits_hbm.at[b, :, pl.ds(baseB, P)], lbufB, semB)
            dB2 = pltpu.async_copy(labels_hbm.at[b, pl.ds(baseB, P)], labB, semB)

            def compute_region(lbuf, labbuf, v):
                off = v * L
                lab = labbuf[pl.ds(off, L)]
                es = [jnp.exp(lbuf[c, pl.ds(off, L)]) for c in range(C)]
                lvl = es
                while len(lvl) > 1:
                    nxt = [lvl[i] + lvl[i + 1] for i in range(0, len(lvl) - 1, 2)]
                    if len(lvl) % 2:
                        nxt.append(lvl[-1])
                    lvl = nxt
                rsN = NBf / lvl[0]
                sbase = lane_c + off * C
                for c in range(C):
                    pe = es[c] * rsN
                    fg = lab == c
                    errN = jnp.where(fg, NBf - pe, pe)
                    binv = jnp.minimum(errN.astype(jnp.int32), NB - 1)
                    gb = binv + jnp.where(fg, c * HP + NB, c * HP)
                    plsc.store_scatter(gbuf, [sbase + c], gb)

            def scatter_region(v):
                roff = v * (L * C)
                for u in range(C):
                    vals = gbuf[pl.ds(roff + u * L, L)]
                    plsc.addupdate_scatter(hist, [vals], ones16)

            def run(lbuf, labbuf):
                compute_region(lbuf, labbuf, 0)
                def vec_body(v, vcarry):
                    compute_region(lbuf, labbuf, v)
                    scatter_region(v - 1)
                    return vcarry
                lax.fori_loop(1, P // L, vec_body, 0)
                scatter_region(P // L - 1)
            dA1.wait()
            dA2.wait()
            run(lbufA, labA)
            dB1.wait()
            dB2.wait()
            run(lbufB, labB)
            return carry
        lax.fori_loop(0, NCH // 2, chunk_body, 0)

        pltpu.sync_copy(hist, out_hbm.at[sh, b])

    return k


def _finalize_fn(B, C, N):
    SH = NW // B

    def body(h_ref, o_ref):
        h = h_ref[...].astype(jnp.float32)
        hs = jnp.sum(h, axis=0)
        c0 = hs[:, :NB]
        c1 = hs[:, NB:]
        i_r = lax.broadcasted_iota(jnp.int32, (NB, NB), 0)
        i_c = lax.broadcasted_iota(jnp.int32, (NB, NB), 1)
        m = (i_r <= i_c).astype(jnp.float32)
        a0 = jnp.dot(c0, m, preferred_element_type=jnp.float32)
        a1 = jnp.dot(c1, m, preferred_element_type=jnp.float32)
        b0 = a0 - c0
        b1 = a1 - c1
        tot = jnp.float32(N)
        d_a = jnp.maximum(tot - a0, 0.5)
        d_b = jnp.maximum(tot - b0, 0.5)
        jd = a1 / d_a - b1 / d_b
        ehat = (lax.broadcasted_iota(jnp.int32, (1, NB), 1).astype(jnp.float32)
                + 0.5) / NB
        losses = jnp.sum(ehat * jd, axis=1)
        gcnt = jnp.sum(c1, axis=1)
        pres = (gcnt > 0).astype(jnp.float32)
        total = jnp.sum(losses * pres)
        cnt = jnp.sum(pres)
        val = jnp.where(cnt > 0, total / cnt, jnp.float32(0.0))
        o_ref[...] = jnp.broadcast_to(val, (1, 1))

    return pl.pallas_call(
        body,
        out_shape=jax.ShapeDtypeStruct((1, 1), jnp.float32),
    )


def kernel(logits, labels):
    B, C, N = logits.shape
    hist = _sc_hist_fn(B, C, N)(logits, labels.astype(jnp.int32))
    SH = NW // B
    h3 = hist.reshape(SH, B * C, 2 * NB)
    out = _finalize_fn(B, C, N)(h3)
    return out.reshape(())

# --- scband reference (transcript-rebuilt; emitter-appended) ---
"""Pipeline reference for scband-lovasz-softmax-loss-13314398617788 (READ-ONLY COPY).

The authoritative reference and input builder live on the scoring server;
editing this copy changes nothing except your own understanding.
"""

import jax, jax.numpy as jnp
import numpy as np


def setup_inputs(seed: int = 0) -> dict:
    key = jax.random.key(seed)
    k1, k2 = jax.random.split(key)
    logits = jax.random.normal(k1, (4, 21, 262144), dtype=jnp.float32)
    labels = jax.random.randint(k2, (4, 262144), 0, 21)
    return {"logits": logits, "labels": labels}


def _lovasz_grad(gt_sorted):
    gts = jnp.sum(gt_sorted)
    intersection = gts - jnp.cumsum(gt_sorted)
    union = gts + jnp.cumsum(1.0 - gt_sorted)
    jaccard = 1.0 - intersection / union
    # jaccard[1:] -= jaccard[:-1]
    jaccard = jnp.concatenate([jaccard[:1], jaccard[1:] - jaccard[:-1]])
    return jaccard


def _per_class_loss(prob_c, fg):
    # prob_c: [N] softmax prob of class c; fg: [N] binary foreground mask
    errors = jnp.abs(fg - prob_c)
    perm = jnp.argsort(-errors)  # descending sort of errors
    errors_sorted = errors[perm]
    fg_sorted = fg[perm]
    grad = _lovasz_grad(fg_sorted)
    return jnp.dot(errors_sorted, grad)


def reference(logits, labels):
    B, C, N = logits.shape
    probs = jax.nn.softmax(logits, axis=1)
    # fg[b, c, n] = 1.0 if labels[b, n] == c
    fg = (labels[:, None, :] == jnp.arange(C)[None, :, None]).astype(jnp.float32)
    # vmap over batch, then over class
    per_bc = jax.vmap(jax.vmap(_per_class_loss))
    losses = per_bc(probs, fg)  # [B, C]
    # classes='present': only average over classes present in each image
    present = (jnp.sum(fg, axis=2) > 0).astype(jnp.float32)  # [B, C]
    total = jnp.sum(losses * present)
    cnt = jnp.sum(present)
    return jnp.where(cnt > 0, total / cnt, jnp.float32(0.0))

if __name__ == "__main__":
    import jax
    _d = setup_inputs()
    print(jax.jit(kernel)(*tuple(_d.values())))

</pallas_src>

<mosaic_0001>
#map = affine_map<(d0, d1) -> (0, 0, 0)>
#map1 = affine_map<(d0, d1) -> (0, 0)>
module attributes {stable_mosaic.version = 14 : i64} {
  func.func @k(%arg0: i32, %arg1: i32, %arg2: memref<4x21x262144xf32, #tpu.memory_space<hbm>>, %arg3: memref<4x262144xi32, #tpu.memory_space<hbm>>, %arg4: memref<8x4x32256xi32, #tpu.memory_space<hbm>>, %arg5: memref<21x1024xf32, #tpu.memory_space<vmem>>, %arg6: memref<21x1024xf32, #tpu.memory_space<vmem>>, %arg7: memref<1024xi32, #tpu.memory_space<vmem>>, %arg8: memref<1024xi32, #tpu.memory_space<vmem>>, %arg9: memref<21504xi32, #tpu.memory_space<vmem>>, %arg10: memref<32256xi32, #tpu.memory_space<vmem>>, %arg11: memref<!tpu.dma_semaphore, #tpu.memory_space<semaphore_mem>>, %arg12: memref<!tpu.dma_semaphore, #tpu.memory_space<semaphore_mem>>) attributes {dimension_semantics = [#tpu.dimension_semantics<core_parallel>, #tpu.dimension_semantics<subcore_parallel>], iteration_bounds = array<i64: 2, 16>, scalar_prefetch = 0 : i64, scratch_operands = 8 : i64, tpu.core_type = #tpu.core_type<sc_vector_subcore>, window_params = [{transform_indices = #map}, {transform_indices = #map1}, {transform_indices = #map}]} {
    %mul3A = arith.constant 2 : i32
    %mul3A_0 = arith.muli %arg1, %mul3A : i32
    %add3A = arith.addi %mul3A_0, %arg0 : i32
    %jit3A = arith.constant 8 : i32
    %div3A = arith.divsi %add3A, %jit3A : i32
    %sign3A = arith.constant 0 : i32
    %sign3A_1 = arith.cmpi sgt, %add3A, %sign3A : i32
    %sign3A_2 = arith.extui %sign3A_1 : i1 to i32
    %sign3A_3 = arith.constant 0 : i32
    %sign3A_4 = arith.cmpi slt, %add3A, %sign3A_3 : i32
    %sign3A_5 = arith.extui %sign3A_4 : i1 to i32
    %sign3A_6 = arith.subi %sign3A_2, %sign3A_5 : i32
    %sign3A_7 = arith.constant 0 : i32
    %sign3A_8 = arith.cmpi sgt, %jit3A, %sign3A_7 : i32
    %sign3A_9 = arith.extui %sign3A_8 : i1 to i32
    %sign3A_10 = arith.constant 0 : i32
    %sign3A_11 = arith.cmpi slt, %jit3A, %sign3A_10 : i32
    %sign3A_12 = arith.extui %sign3A_11 : i1 to i32
    %sign3A_13 = arith.subi %sign3A_9, %sign3A_12 : i32
    %ne3A = arith.cmpi ne, %sign3A_6, %sign3A_13 : i32
    %rem3A = arith.remsi %add3A, %jit3A : i32
    %ne3A_14 = arith.constant 0 : i32
    %ne3A_15 = arith.cmpi ne, %rem3A, %ne3A_14 : i32
    %and3A = arith.andi %ne3A, %ne3A_15 : i1
    %sub3A = arith.constant 1 : i32
    %sub3A_16 = arith.subi %div3A, %sub3A : i32
    %select_n3A = arith.select %and3A, %sub3A_16, %div3A : i32
    %jit3A_17 = arith.constant 8 : i32
    %eq3A = arith.constant 0 : i32
    %eq3A_18 = arith.cmpi eq, %jit3A_17, %eq3A : i32
    %jit3A_19 = arith.constant 1 : i32
    %select_n3A_20 = arith.select %eq3A_18, %jit3A_19, %jit3A_17 : i32
    %rem3A_21 = arith.remsi %add3A, %select_n3A_20 : i32
    %ne3A_22 = arith.constant 0 : i32
    %ne3A_23 = arith.cmpi ne, %rem3A_21, %ne3A_22 : i32
    %lt3A = arith.constant 0 : i32
    %lt3A_24 = arith.cmpi slt, %rem3A_21, %lt3A : i32
    %lt3A_25 = arith.constant 0 : i32
    %lt3A_26 = arith.cmpi slt, %select_n3A_20, %lt3A_25 : i32
    %ne3A_27 = arith.xori %lt3A_24, %lt3A_26 : i1
    %and3A_28 = arith.andi %ne3A_27, %ne3A_23 : i1
    %add3A_29 = arith.addi %rem3A_21, %select_n3A_20 : i32
    %select_n3A_30 = arith.select %and3A_28, %add3A_29, %rem3A_21 : i32
    %broadcast_in_dim3A = arith.constant 0 : i32
    %broadcast_in_dim3A_31 = vector.broadcast %broadcast_in_dim3A : i32 to vector<16xi32>
    %broadcast_in_dim3A_32 = arith.constant 1 : i32
    %broadcast_in_dim3A_33 = vector.broadcast %broadcast_in_dim3A_32 : i32 to vector<16xi32>
    %iota3A = tpu.iota {dimensions = array<i32: 0>} : vector<16xi32>
    %mul3A_34 = arith.constant 21 : i32
    %mul3A_35 = vector.broadcast %mul3A_34 : i32 to vector<16xi32>
    %mul3A_36 = arith.muli %iota3A, %mul3A_35 : vector<16xi32>
    %scan3A = arith.constant 0 : i32
    %scan3A_37 = arith.constant 0 : i32
    %scan3A_38 = arith.constant 2016 : i32
    %scan3A_39 = arith.addi %scan3A_37, %scan3A_38 : i32
    %scan3A_40 = arith.constant 1 : i32
    scf.for %scan3A_48 = %scan3A_37 to %scan3A_39 step %scan3A_40  : i32 {
      %mul3A_49 = arith.constant 16 : i32
      %mul3A_50 = arith.muli %scan3A_48, %mul3A_49 : i32
      %swap3A = arith.index_cast %mul3A_50 : i32 to index
      %swap3A_51 = tpu.vector_load %arg10[%swap3A] {strides = array<i32>} : memref<32256xi32, #tpu.memory_space<vmem>>, vector<16xi32>,
      tpu.vector_store %arg10[%swap3A], %broadcast_in_dim3A_31 {strides = array<i32>} : memref<32256xi32, #tpu.memory_space<vmem>>, vector<16xi32>,
    }
    %scan3A_41 = arith.constant 2016 : i32
    %scan3A_42 = arith.constant 0 : i32
    %scan3A_43 = arith.constant 0 : i32
    %scan3A_44 = arith.constant 16 : i32
    %scan3A_45 = arith.addi %scan3A_43, %scan3A_44 : i32
    %scan3A_46 = arith.constant 1 : i32
    scf.for %scan3A_48 = %scan3A_43 to %scan3A_45 step %scan3A_46  : i32 {
      %mul3A_49 = arith.constant 32768 : i32
      %mul3A_50 = arith.muli %select_n3A_30, %mul3A_49 : i32
      %mul3A_51 = arith.constant 2 : i32
      %mul3A_52 = arith.muli %scan3A_48, %mul3A_51 : i32
      %mul3A_53 = arith.constant 1024 : i32
      %mul3A_54 = arith.muli %mul3A_52, %mul3A_53 : i32
      %add3A_55 = arith.addi %mul3A_50, %mul3A_54 : i32
      %add3A_56 = arith.constant 1024 : i32
      %add3A_57 = arith.addi %add3A_55, %add3A_56 : i32
      %dma_start3A = arith.constant 0 : i32
      %dma_start3A_58 = tpu.memref_slice %arg2[%select_n3A, %dma_start3A, %add3A_55] : memref<4x21x262144xf32, #tpu.memory_space<hbm>> -> memref<1x21x1024xf32, #tpu.memory_space<hbm>>
      %dma_start3A_59 = tpu.memref_squeeze %dma_start3A_58 : memref<1x21x1024xf32, #tpu.memory_space<hbm>> -> memref<21x1024xf32, #tpu.memory_space<hbm>>
      %dma_start3A_60 = arith.constant 0 : i32
      %dma_start3A_61 = tpu.memref_slice %arg2[%select_n3A, %dma_start3A_60, %add3A_55] : memref<4x21x262144xf32, #tpu.memory_space<hbm>> -> memref<1x21x1024xf32, #tpu.memory_space<hbm>>
      %dma_start3A_62 = tpu.memref_squeeze %dma_start3A_61 : memref<1x21x1024xf32, #tpu.memory_space<hbm>> -> memref<21x1024xf32, #tpu.memory_space<hbm>>
      tpu.enqueue_dma source(%dma_start3A_62 : memref<21x1024xf32, #tpu.memory_space<hbm>>) target(%arg5 : memref<21x1024xf32, #tpu.memory_space<vmem>>) target_semaphore(%arg11 : memref<!tpu.dma_semaphore, #tpu.memory_space<semaphore_mem>>)
      %dma_start3A_63 = tpu.memref_slice %arg3[%select_n3A, %add3A_55] : memref<4x262144xi32, #tpu.memory_space<hbm>> -> memref<1x1024xi32, #tpu.memory_space<hbm>>
      %dma_start3A_64 = tpu.memref_squeeze %dma_start3A_63 : memref<1x1024xi32, #tpu.memory_space<hbm>> -> memref<1024xi32, #tpu.memory_space<hbm>>
      %dma_start3A_65 = tpu.memref_slice %arg3[%select_n3A, %add3A_55] : memref<4x262144xi32, #tpu.memory_space<hbm>> -> memref<1x1024xi32, #tpu.memory_space<hbm>>
      %dma_start3A_66 = tpu.memref_squeeze %dma_start3A_65 : memref<1x1024xi32, #tpu.memory_space<hbm>> -> memref<1024xi32, #tpu.memory_space<hbm>>
      tpu.enqueue_dma source(%dma_start3A_66 : memref<1024xi32, #tpu.memory_space<hbm>>) target(%arg7 : memref<1024xi32, #tpu.memory_space<vmem>>) target_semaphore(%arg11 : memref<!tpu.dma_semaphore, #tpu.memory_space<semaphore_mem>>)
      %dma_start3A_67 = arith.constant 0 : i32
      %dma_start3A_68 = tpu.memref_slice %arg2[%select_n3A, %dma_start3A_67, %add3A_57] : memref<4x21x262144xf32, #tpu.memory_space<hbm>> -> memref<1x21x1024xf32, #tpu.memory_space<hbm>>
      %dma_start3A_69 = tpu.memref_squeeze %dma_start3A_68 : memref<1x21x1024xf32, #tpu.memory_space<hbm>> -> memref<21x1024xf32, #tpu.memory_space<hbm>>
      %dma_start3A_70 = arith.constant 0 : i32
      %dma_start3A_71 = tpu.memref_slice %arg2[%select_n3A, %dma_start3A_70, %add3A_57] : memref<4x21x262144xf32, #tpu.memory_space<hbm>> -> memref<1x21x1024xf32, #tpu.memory_space<hbm>>
      %dma_start3A_72 = tpu.memref_squeeze %dma_start3A_71 : memref<1x21x1024xf32, #tpu.memory_space<hbm>> -> memref<21x1024xf32, #tpu.memory_space<hbm>>
      tpu.enqueue_dma source(%dma_start3A_72 : memref<21x1024xf32, #tpu.memory_space<hbm>>) target(%arg6 : memref<21x1024xf32, #tpu.memory_space<vmem>>) target_semaphore(%arg12 : memref<!tpu.dma_semaphore, #tpu.memory_space<semaphore_mem>>)
      %dma_start3A_73 = tpu.memref_slice %arg3[%select_n3A, %add3A_57] : memref<4x262144xi32, #tpu.memory_space<hbm>> -> memref<1x1024xi32, #tpu.memory_space<hbm>>
      %dma_start3A_74 = tpu.memref_squeeze %dma_start3A_73 : memref<1x1024xi32, #tpu.memory_space<hbm>> -> memref<1024xi32, #tpu.memory_space<hbm>>
      %dma_start3A_75 = tpu.memref_slice %arg3[%select_n3A, %add3A_57] : memref<4x262144xi32, #tpu.memory_space<hbm>> -> memref<1x1024xi32, #tpu.memory_space<hbm>>
      %dma_start3A_76 = tpu.memref_squeeze %dma_start3A_75 : memref<1x1024xi32, #tpu.memory_space<hbm>> -> memref<1024xi32, #tpu.memory_space<hbm>>
      tpu.enqueue_dma source(%dma_start3A_76 : memref<1024xi32, #tpu.memory_space<hbm>>) target(%arg8 : memref<1024xi32, #tpu.memory_space<vmem>>) target_semaphore(%arg12 : memref<!tpu.dma_semaphore, #tpu.memory_space<semaphore_mem>>)
      %dma_wait3A = arith.constant 0 : i32
      %dma_wait3A_77 = tpu.memref_slice %arg2[%select_n3A, %dma_wait3A, %add3A_55] : memref<4x21x262144xf32, #tpu.memory_space<hbm>> -> memref<1x21x1024xf32, #tpu.memory_space<hbm>>
      %dma_wait3A_78 = tpu.memref_squeeze %dma_wait3A_77 : memref<1x21x1024xf32, #tpu.memory_space<hbm>> -> memref<21x1024xf32, #tpu.memory_space<hbm>>
      %dma_wait3A_79 = arith.constant 0 : i32
      %dma_wait3A_80 = tpu.memref_slice %arg2[%select_n3A, %dma_wait3A_79, %add3A_55] : memref<4x21x262144xf32, #tpu.memory_space<hbm>> -> memref<1x21x1024xf32, #tpu.memory_space<hbm>>
      %dma_wait3A_81 = tpu.memref_squeeze %dma_wait3A_80 : memref<1x21x1024xf32, #tpu.memory_space<hbm>> -> memref<21x1024xf32, #tpu.memory_space<hbm>>
      tpu.wait_dma2 semaphore(%arg11 : memref<!tpu.dma_semaphore, #tpu.memory_space<semaphore_mem>>) src(%dma_wait3A_81 : memref<21x1024xf32, #tpu.memory_space<hbm>>) dst(%arg5 : memref<21x1024xf32, #tpu.memory_space<vmem>>)
      %dma_wait3A_82 = tpu.memref_slice %arg3[%select_n3A, %add3A_55] : memref<4x262144xi32, #tpu.memory_space<hbm>> -> memref<1x1024xi32, #tpu.memory_space<hbm>>
      %dma_wait3A_83 = tpu.memref_squeeze %dma_wait3A_82 : memref<1x1024xi32, #tpu.memory_space<hbm>> -> memref<1024xi32, #tpu.memory_space<hbm>>
      %dma_wait3A_84 = tpu.memref_slice %arg3[%select_n3A, %add3A_55] : memref<4x262144xi32, #tpu.memory_space<hbm>> -> memref<1x1024xi32, #tpu.memory_space<hbm>>
      %dma_wait3A_85 = tpu.memref_squeeze %dma_wait3A_84 : memref<1x1024xi32, #tpu.memory_space<hbm>> -> memref<1024xi32, #tpu.memory_space<hbm>>
      tpu.wait_dma2 semaphore(%arg11 : memref<!tpu.dma_semaphore, #tpu.memory_space<semaphore_mem>>) src(%dma_wait3A_85 : memref<1024xi32, #tpu.memory_space<hbm>>) dst(%arg7 : memref<1024xi32, #tpu.memory_space<vmem>>)
      %get3A = arith.constant 0 : index
      %get3A_86 = tpu.vector_load %arg7[%get3A] {strides = array<i32>} : memref<1024xi32, #tpu.memory_space<vmem>>, vector<16xi32>,
      %get3A_87 = arith.constant 0 : i32
      %get3A_88 = arith.index_cast %get3A_87 : i32 to index
      %get3A_89 = arith.constant 0 : index
      %get3A_90 = tpu.vector_load %arg5[%get3A_88, %get3A_89] {strides = array<i32>} : memref<21x1024xf32, #tpu.memory_space<vmem>>, vector<16xf32>,
      %exp3A = math.exp %get3A_90 : vector<16xf32>
      %get3A_91 = arith.constant 1 : i32
      %get3A_92 = arith.index_cast %get3A_91 : i32 to index
      %get3A_93 = arith.constant 0 : index
      %get3A_94 = tpu.vector_load %arg5[%get3A_92, %get3A_93] {strides = array<i32>} : memref<21x1024xf32, #tpu.memory_space<vmem>>, vector<16xf32>,
      %exp3A_95 = math.exp %get3A_94 : vector<16xf32>
      %get3A_96 = arith.constant 2 : i32
      %get3A_97 = arith.index_cast %get3A_96 : i32 to index
      %get3A_98 = arith.constant 0 : index
      %get3A_99 = tpu.vector_load %arg5[%get3A_97, %get3A_98] {strides = array<i32>} : memref<21x1024xf32, #tpu.memory_space<vmem>>, vector<16xf32>,
      %exp3A_100 = math.exp %get3A_99 : vector<16xf32>
      %get3A_101 = arith.constant 3 : i32
      %get3A_102 = arith.index_cast %get3A_101 : i32 to index
      %get3A_103 = arith.constant 0 : index
      %get3A_104 = tpu.vector_load %arg5[%get3A_102, %get3A_103] {strides = array<i32>} : memref<21x1024xf32, #tpu.memory_space<vmem>>, vector<16xf32>,
      %exp3A_105 = math.exp %get3A_104 : vector<16xf32>
      %get3A_106 = arith.constant 4 : i32
      %get3A_107 = arith.index_cast %get3A_106 : i32 to index
      %get3A_108 = arith.constant 0 : index
      %get3A_109 = tpu.vector_load %arg5[%get3A_107, %get3A_108] {strides = array<i32>} : memref<21x1024xf32, #tpu.memory_space<vmem>>, vector<16xf32>,
      %exp3A_110 = math.exp %get3A_109 : vector<16xf32>
      %get3A_111 = arith.constant 5 : i32
      %get3A_112 = arith.index_cast %get3A_111 : i32 to index
      %get3A_113 = arith.constant 0 : index
      %get3A_114 = tpu.vector_load %arg5[%get3A_112, %get3A_113] {strides = array<i32>} : memref<21x1024xf32, #tpu.memory_space<vmem>>, vector<16xf32>,
      %exp3A_115 = math.exp %get3A_114 : vector<16xf32>
      %get3A_116 = arith.constant 6 : i32
      %get3A_117 = arith.index_cast %get3A_116 : i32 to index
      %get3A_118 = arith.constant 0 : index
      %get3A_119 = tpu.vector_load %arg5[%get3A_117, %get3A_118] {strides = array<i32>} : memref<21x1024xf32, #tpu.memory_space<vmem>>, vector<16xf32>,
      %exp3A_120 = math.exp %get3A_119 : vector<16xf32>
      %get3A_121 = arith.constant 7 : i32
      %get3A_122 = arith.index_cast %get3A_121 : i32 to index
      %get3A_123 = arith.constant 0 : index
      %get3A_124 = tpu.vector_load %arg5[%get3A_122, %get3A_123] {strides = array<i32>} : memref<21x1024xf32, #tpu.memory_space<vmem>>, vector<16xf32>,
      %exp3A_125 = math.exp %get3A_124 : vector<16xf32>
      %get3A_126 = arith.constant 8 : i32
      %get3A_127 = arith.index_cast %get3A_126 : i32 to index
      %get3A_128 = arith.constant 0 : index
      %get3A_129 = tpu.vector_load %arg5[%get3A_127, %get3A_128] {strides = array<i32>} : memref<21x1024xf32, #tpu.memory_space<vmem>>, vector<16xf32>,
      %exp3A_130 = math.exp %get3A_129 : vector<16xf32>
      %get3A_131 = arith.constant 9 : i32
      %get3A_132 = arith.index_cast %get3A_131 : i32 to index
      %get3A_133 = arith.constant 0 : index
      %get3A_134 = tpu.vector_load %arg5[%get3A_132, %get3A_133] {strides = array<i32>} : memref<21x1024xf32, #tpu.memory_space<vmem>>, vector<16xf32>,
      %exp3A_135 = math.exp %get3A_134 : vector<16xf32>
      %get3A_136 = arith.constant 10 : i32
      %get3A_137 = arith.index_cast %get3A_136 : i32 to index
      %get3A_138 = arith.constant 0 : index
      %get3A_139 = tpu.vector_load %arg5[%get3A_137, %get3A_138] {strides = array<i32>} : memref<21x1024xf32, #tpu.memory_space<vmem>>, vector<16xf32>,
      %exp3A_140 = math.exp %get3A_139 : vector<16xf32>
      %get3A_141 = arith.constant 11 : i32
      %get3A_142 = arith.index_cast %get3A_141 : i32 to index
      %get3A_143 = arith.constant 0 : index
      %get3A_144 = tpu.vector_load %arg5[%get3A_142, %get3A_143] {strides = array<i32>} : memref<21x1024xf32, #tpu.memory_space<vmem>>, vector<16xf32>,
      %exp3A_145 = math.exp %get3A_144 : vector<16xf32>
      %get3A_146 = arith.constant 12 : i32
      %get3A_147 = arith.index_cast %get3A_146 : i32 to index
      %get3A_148 = arith.constant 0 : index
      %get3A_149 = tpu.vector_load %arg5[%get3A_147, %get3A_148] {strides = array<i32>} : memref<21x1024xf32, #tpu.memory_space<vmem>>, vector<16xf32>,
      %exp3A_150 = math.exp %get3A_149 : vector<16xf32>
      %get3A_151 = arith.constant 13 : i32
      %get3A_152 = arith.index_cast %get3A_151 : i32 to index
      %get3A_153 = arith.constant 0 : index
      %get3A_154 = tpu.vector_load %arg5[%get3A_152, %get3A_153] {strides = array<i32>} : memref<21x1024xf32, #tpu.memory_space<vmem>>, vector<16xf32>,
      %exp3A_155 = math.exp %get3A_154 : vector<16xf32>
      %get3A_156 = arith.constant 14 : i32
      %get3A_157 = arith.index_cast %get3A_156 : i32 to index
      %get3A_158 = arith.constant 0 : index
      %get3A_159 = tpu.vector_load %arg5[%get3A_157, %get3A_158] {strides = array<i32>} : memref<21x1024xf32, #tpu.memory_space<vmem>>, vector<16xf32>,
      %exp3A_160 = math.exp %get3A_159 : vector<16xf32>
      %get3A_161 = arith.constant 15 : i32
      %get3A_162 = arith.index_cast %get3A_161 : i32 to index
      %get3A_163 = arith.constant 0 : index
      %get3A_164 = tpu.vector_load %arg5[%get3A_162, %get3A_163] {strides = array<i32>} : memref<21x1024xf32, #tpu.memory_space<vmem>>, vector<16xf32>,
      %exp3A_165 = math.exp %get3A_164 : vector<16xf32>
      %get3A_166 = arith.constant 16 : i32
      %get3A_167 = arith.index_cast %get3A_166 : i32 to index
      %get3A_168 = arith.constant 0 : index
      %get3A_169 = tpu.vector_load %arg5[%get3A_167, %get3A_168] {strides = array<i32>} : memref<21x1024xf32, #tpu.memory_space<vmem>>, vector<16xf32>,
      %exp3A_170 = math.exp %get3A_169 : vector<16xf32>
      %get3A_171 = arith.constant 17 : i32
      %get3A_172 = arith.index_cast %get3A_171 : i32 to index
      %get3A_173 = arith.constant 0 : index
      %get3A_174 = tpu.vector_load %arg5[%get3A_172, %get3A_173] {strides = array<i32>} : memref<21x1024xf32, #tpu.memory_space<vmem>>, vector<16xf32>,
      %exp3A_175 = math.exp %get3A_174 : vector<16xf32>
      %get3A_176 = arith.constant 18 : i32
      %get3A_177 = arith.index_cast %get3A_176 : i32 to index
      %get3A_178 = arith.constant 0 : index
      %get3A_179 = tpu.vector_load %arg5[%get3A_177, %get3A_178] {strides = array<i32>} : memref<21x1024xf32, #tpu.memory_space<vmem>>, vector<16xf32>,
      %exp3A_180 = math.exp %get3A_179 : vector<16xf32>
      %get3A_181 = arith.constant 19 : i32
      %get3A_182 = arith.index_cast %get3A_181 : i32 to index
      %get3A_183 = arith.constant 0 : index
      %get3A_184 = tpu.vector_load %arg5[%get3A_182, %get3A_183] {strides = array<i32>} : memref<21x1024xf32, #tpu.memory_space<vmem>>, vector<16xf32>,
      %exp3A_185 = math.exp %get3A_184 : vector<16xf32>
      %get3A_186 = arith.constant 20 : i32
      %get3A_187 = arith.index_cast %get3A_186 : i32 to index
      %get3A_188 = arith.constant 0 : index
      %get3A_189 = tpu.vector_load %arg5[%get3A_187, %get3A_188] {strides = array<i32>} : memref<21x1024xf32, #tpu.memory_space<vmem>>, vector<16xf32>,
      %exp3A_190 = math.exp %get3A_189 : vector<16xf32>
      %add3A_191 = arith.addf %exp3A, %exp3A_95 : vector<16xf32>
      %add3A_192 = arith.addf %exp3A_100, %exp3A_105 : vector<16xf32>
      %add3A_193 = arith.addf %exp3A_110, %exp3A_115 : vector<16xf32>
      %add3A_194 = arith.addf %exp3A_120, %exp3A_125 : vector<16xf32>
      %add3A_195 = arith.addf %exp3A_130, %exp3A_135 : vector<16xf32>
      %add3A_196 = arith.addf %exp3A_140, %exp3A_145 : vector<16xf32>
      %add3A_197 = arith.addf %exp3A_150, %exp3A_155 : vector<16xf32>
      %add3A_198 = arith.addf %exp3A_160, %exp3A_165 : vector<16xf32>
      %add3A_199 = arith.addf %exp3A_170, %exp3A_175 : vector<16xf32>
      %add3A_200 = arith.addf %exp3A_180, %exp3A_185 : vector<16xf32>
      %add3A_201 = arith.addf %add3A_191, %add3A_192 : vector<16xf32>
      %add3A_202 = arith.addf %add3A_193, %add3A_194 : vector<16xf32>
      %add3A_203 = arith.addf %add3A_195, %add3A_196 : vector<16xf32>
      %add3A_204 = arith.addf %add3A_197, %add3A_198 : vector<16xf32>
      %add3A_205 = arith.addf %add3A_199, %add3A_200 : vector<16xf32>
      %add3A_206 = arith.addf %add3A_201, %add3A_202 : vector<16xf32>
      %add3A_207 = arith.addf %add3A_203, %add3A_204 : vector<16xf32>
      %add3A_208 = arith.addf %add3A_205, %exp3A_190 : vector<16xf32>
      %add3A_209 = arith.addf %add3A_206, %add3A_207 : vector<16xf32>
      %add3A_210 = arith.addf %add3A_209, %add3A_208 : vector<16xf32>
      %div3A_211 = arith.constant 7.680000e+02 : f32
      %div3A_212 = vector.broadcast %div3A_211 : f32 to vector<16xf32>
      %div3A_213 = arith.divf %div3A_212, %add3A_210 : vector<16xf32>
      %add3A_214 = arith.constant 0 : i32
      %add3A_215 = vector.broadcast %add3A_214 : i32 to vector<16xi32>
      %add3A_216 = arith.addi %mul3A_36, %add3A_215 : vector<16xi32>
      %mul3A_217 = arith.mulf %exp3A, %div3A_213 : vector<16xf32>
      %eq3A_218 = arith.constant 0 : i32
      %eq3A_219 = vector.broadcast %eq3A_218 : i32 to vector<16xi32>
      %eq3A_220 = arith.cmpi eq, %get3A_86, %eq3A_219 : vector<16xi32>
      %sub3A_221 = arith.constant 7.680000e+02 : f32
      %sub3A_222 = vector.broadcast %sub3A_221 : f32 to vector<16xf32>
      %sub3A_223 = arith.subf %sub3A_222, %mul3A_217 : vector<16xf32>
      %select_n3A_224 = arith.select %eq3A_220, %sub3A_223, %mul3A_217 : vector<16xi1>, vector<16xf32>
      %convert_element_type3A = arith.fptosi %select_n3A_224 : vector<16xf32> to vector<16xi32>
      %min3A = arith.constant 767 : i32
      %min3A_225 = vector.broadcast %min3A : i32 to vector<16xi32>
      %min3A_226 = arith.minsi %convert_element_type3A, %min3A_225 : vector<16xi32>
      %jit3A_227 = arith.constant 768 : i32
      %jit3A_228 = arith.constant 0 : i32
      %broadcast_in_dim3A_229 = vector.broadcast %jit3A_227 : i32 to vector<16xi32>
      %broadcast_in_dim3A_230 = vector.broadcast %jit3A_228 : i32 to vector<16xi32>
      %select_n3A_231 = arith.select %eq3A_220, %broadcast_in_dim3A_229, %broadcast_in_dim3A_230 : vector<16xi1>, vector<16xi32>
      %add3A_232 = arith.addi %min3A_226, %select_n3A_231 : vector<16xi32>
      %add3A_233 = arith.constant 0 : i32
      %add3A_234 = vector.broadcast %add3A_233 : i32 to vector<16xi32>
      %add3A_235 = arith.addi %add3A_216, %add3A_234 : vector<16xi32>
      tpu.vector_store_idx %arg9[%add3A_235], %add3A_232 : memref<21504xi32, #tpu.memory_space<vmem>>[vector<16xi32>], vector<16xi32>,
      %mul3A_236 = arith.mulf %exp3A_95, %div3A_213 : vector<16xf32>
      %eq3A_237 = arith.constant 1 : i32
      %eq3A_238 = vector.broadcast %eq3A_237 : i32 to vector<16xi32>
      %eq3A_239 = arith.cmpi eq, %get3A_86, %eq3A_238 : vector<16xi32>
      %sub3A_240 = arith.constant 7.680000e+02 : f32
      %sub3A_241 = vector.broadcast %sub3A_240 : f32 to vector<16xf32>
      %sub3A_242 = arith.subf %sub3A_241, %mul3A_236 : vector<16xf32>
      %select_n3A_243 = arith.select %eq3A_239, %sub3A_242, %mul3A_236 : vector<16xi1>, vector<16xf32>
      %convert_element_type3A_244 = arith.fptosi %select_n3A_243 : vector<16xf32> to vector<16xi32>
      %min3A_245 = arith.constant 767 : i32
      %min3A_246 = vector.broadcast %min3A_245 : i32 to vector<16xi32>
      %min3A_247 = arith.minsi %convert_element_type3A_244, %min3A_246 : vector<16xi32>
      %jit3A_248 = arith.constant 2304 : i32
      %jit3A_249 = arith.constant 1536 : i32
      %broadcast_in_dim3A_250 = vector.broadcast %jit3A_248 : i32 to vector<16xi32>
      %broadcast_in_dim3A_251 = vector.broadcast %jit3A_249 : i32 to vector<16xi32>
      %select_n3A_252 = arith.select %eq3A_239, %broadcast_in_dim3A_250, %broadcast_in_dim3A_251 : vector<16xi1>, vector<16xi32>
      %add3A_253 = arith.addi %min3A_247, %select_n3A_252 : vector<16xi32>
      %add3A_254 = arith.constant 1 : i32
      %add3A_255 = vector.broadcast %add3A_254 : i32 to vector<16xi32>
      %add3A_256 = arith.addi %add3A_216, %add3A_255 : vector<16xi32>
      tpu.vector_store_idx %arg9[%add3A_256], %add3A_253 : memref<21504xi32, #tpu.memory_space<vmem>>[vector<16xi32>], vector<16xi32>,
      %mul3A_257 = arith.mulf %exp3A_100, %div3A_213 : vector<16xf32>
      %eq3A_258 = arith.constant 2 : i32
      %eq3A_259 = vector.broadcast %eq3A_258 : i32 to vector<16xi32>
      %eq3A_260 = arith.cmpi eq, %get3A_86, %eq3A_259 : vector<16xi32>
      %sub3A_261 = arith.constant 7.680000e+02 : f32
      %sub3A_262 = vector.broadcast %sub3A_261 : f32 to vector<16xf32>
      %sub3A_263 = arith.subf %sub3A_262, %mul3A_257 : vector<16xf32>
      %select_n3A_264 = arith.select %eq3A_260, %sub3A_263, %mul3A_257 : vector<16xi1>, vector<16xf32>
      %convert_element_type3A_265 = arith.fptosi %select_n3A_264 : vector<16xf32> to vector<16xi32>
      %min3A_266 = arith.constant 767 : i32
      %min3A_267 = vector.broadcast %min3A_266 : i32 to vector<16xi32>
      %min3A_268 = arith.minsi %convert_element_type3A_265, %min3A_267 : vector<16xi32>
      %jit3A_269 = arith.constant 3840 : i32
      %jit3A_270 = arith.constant 3072 : i32
      %broadcast_in_dim3A_271 = vector.broadcast %jit3A_269 : i32 to vector<16xi32>
      %broadcast_in_dim3A_272 = vector.broadcast %jit3A_270 : i32 to vector<16xi32>
      %select_n3A_273 = arith.select %eq3A_260, %broadcast_in_dim3A_271, %broadcast_in_dim3A_272 : vector<16xi1>, vector<16xi32>
      %add3A_274 = arith.addi %min3A_268, %select_n3A_273 : vector<16xi32>
      %add3A_275 = arith.constant 2 : i32
      %add3A_276 = vector.broadcast %add3A_275 : i32 to vector<16xi32>
      %add3A_277 = arith.addi %add3A_216, %add3A_276 : vector<16xi32>
      tpu.vector_store_idx %arg9[%add3A_277], %add3A_274 : memref<21504xi32, #tpu.memory_space<vmem>>[vector<16xi32>], vector<16xi32>,
      %mul3A_278 = arith.mulf %exp3A_105, %div3A_213 : vector<16xf32>
      %eq3A_279 = arith.constant 3 : i32
      %eq3A_280 = vector.broadcast %eq3A_279 : i32 to vector<16xi32>
      %eq3A_281 = arith.cmpi eq, %get3A_86, %eq3A_280 : vector<16xi32>
      %sub3A_282 = arith.constant 7.680000e+02 : f32
      %sub3A_283 = vector.broadcast %sub3A_282 : f32 to vector<16xf32>
      %sub3A_284 = arith.subf %sub3A_283, %mul3A_278 : vector<16xf32>
      %select_n3A_285 = arith.select %eq3A_281, %sub3A_284, %mul3A_278 : vector<16xi1>, vector<16xf32>
      %convert_element_type3A_286 = arith.fptosi %select_n3A_285 : vector<16xf32> to vector<16xi32>
      %min3A_287 = arith.constant 767 : i32
      %min3A_288 = vector.broadcast %min3A_287 : i32 to vector<16xi32>
      %min3A_289 = arith.minsi %convert_element_type3A_286, %min3A_288 : vector<16xi32>
      %jit3A_290 = arith.constant 5376 : i32
      %jit3A_291 = arith.constant 4608 : i32
      %broadcast_in_dim3A_292 = vector.broadcast %jit3A_290 : i32 to vector<16xi32>
      %broadcast_in_dim3A_293 = vector.broadcast %jit3A_291 : i32 to vector<16xi32>
      %select_n3A_294 = arith.select %eq3A_281, %broadcast_in_dim3A_292, %broadcast_in_dim3A_293 : vector<16xi1>, vector<16xi32>
      %add3A_295 = arith.addi %min3A_289, %select_n3A_294 : vector<16xi32>
      %add3A_296 = arith.constant 3 : i32
      %add3A_297 = vector.broadcast %add3A_296 : i32 to vector<16xi32>
      %add3A_298 = arith.addi %add3A_216, %add3A_297 : vector<16xi32>
      tpu.vector_store_idx %arg9[%add3A_298], %add3A_295 : memref<21504xi32, #tpu.memory_space<vmem>>[vector<16xi32>], vector<16xi32>,
      %mul3A_299 = arith.mulf %exp3A_110, %div3A_213 : vector<16xf32>
      %eq3A_300 = arith.constant 4 : i32
      %eq3A_301 = vector.broadcast %eq3A_300 : i32 to vector<16xi32>
      %eq3A_302 = arith.cmpi eq, %get3A_86, %eq3A_301 : vector<16xi32>
      %sub3A_303 = arith.constant 7.680000e+02 : f32
      %sub3A_304 = vector.broadcast %sub3A_303 : f32 to vector<16xf32>
      %sub3A_305 = arith.subf %sub3A_304, %mul3A_299 : vector<16xf32>
      %select_n3A_306 = arith.select %eq3A_302, %sub3A_305, %mul3A_299 : vector<16xi1>, vector<16xf32>
      %convert_element_type3A_307 = arith.fptosi %select_n3A_306 : vector<16xf32> to vector<16xi32>
      %min3A_308 = arith.constant 767 : i32
      %min3A_309 = vector.broadcast %min3A_308 : i32 to vector<16xi32>
      %min3A_310 = arith.minsi %convert_element_type3A_307, %min3A_309 : vector<16xi32>
      %jit3A_311 = arith.constant 6912 : i32
      %jit3A_312 = arith.constant 6144 : i32
      %broadcast_in_dim3A_313 = vector.broadcast %jit3A_311 : i32 to vector<16xi32>
      %broadcast_in_dim3A_314 = vector.broadcast %jit3A_312 : i32 to vector<16xi32>
      %select_n3A_315 = arith.select %eq3A_302, %broadcast_in_dim3A_313, %broadcast_in_dim3A_314 : vector<16xi1>, vector<16xi32>
      %add3A_316 = arith.addi %min3A_310, %select_n3A_315 : vector<16xi32>
      %add3A_317 = arith.constant 4 : i32
      %add3A_318 = vector.broadcast %add3A_317 : i32 to vector<16xi32>
      %add3A_319 = arith.addi %add3A_216, %add3A_318 : vector<16xi32>
      tpu.vector_store_idx %arg9[%add3A_319], %add3A_316 : memref<21504xi32, #tpu.memory_space<vmem>>[vector<16xi32>], vector<16xi32>,
      %mul3A_320 = arith.mulf %exp3A_115, %div3A_213 : vector<16xf32>
      %eq3A_321 = arith.constant 5 : i32
      %eq3A_322 = vector.broadcast %eq3A_321 : i32 to vector<16xi32>
      %eq3A_323 = arith.cmpi eq, %get3A_86, %eq3A_322 : vector<16xi32>
      %sub3A_324 = arith.constant 7.680000e+02 : f32
      %sub3A_325 = vector.broadcast %sub3A_324 : f32 to vector<16xf32>
      %sub3A_326 = arith.subf %sub3A_325, %mul3A_320 : vector<16xf32>
      %select_n3A_327 = arith.select %eq3A_323, %sub3A_326, %mul3A_320 : vector<16xi1>, vector<16xf32>
      %convert_element_type3A_328 = arith.fptosi %select_n3A_327 : vector<16xf32> to vector<16xi32>
      %min3A_329 = arith.constant 767 : i32
      %min3A_330 = vector.broadcast %min3A_329 : i32 to vector<16xi32>
      %min3A_331 = arith.minsi %convert_element_type3A_328, %min3A_330 : vector<16xi32>
      %jit3A_332 = arith.constant 8448 : i32
      %jit3A_333 = arith.constant 7680 : i32
      %broadcast_in_dim3A_334 = vector.broadcast %jit3A_332 : i32 to vector<16xi32>
      %broadcast_in_dim3A_335 = vector.broadcast %jit3A_333 : i32 to vector<16xi32>
      %select_n3A_336 = arith.select %eq3A_323, %broadcast_in_dim3A_334, %broadcast_in_dim3A_335 : vector<16xi1>, vector<16xi32>
      %add3A_337 = arith.addi %min3A_331, %select_n3A_336 : vector<16xi32>
      %add3A_338 = arith.constant 5 : i32
      %add3A_339 = vector.broadcast %add3A_338 : i32 to vector<16xi32>
      %add3A_340 = arith.addi %add3A_216, %add3A_339 : vector<16xi32>
      tpu.vector_store_idx %arg9[%add3A_340], %add3A_337 : memref<21504xi32, #tpu.memory_space<vmem>>[vector<16xi32>], vector<16xi32>,
      %mul3A_341 = arith.mulf %exp3A_120, %div3A_213 : vector<16xf32>
      %eq3A_342 = arith.constant 6 : i32
      %eq3A_343 = vector.broadcast %eq3A_342 : i32 to vector<16xi32>
      %eq3A_344 = arith.cmpi eq, %get3A_86, %eq3A_343 : vector<16xi32>
      %sub3A_345 = arith.constant 7.680000e+02 : f32
      %sub3A_346 = vector.broadcast %sub3A_345 : f32 to vector<16xf32>
      %sub3A_347 = arith.subf %sub3A_346, %mul3A_341 : vector<16xf32>
      %select_n3A_348 = arith.select %eq3A_344, %sub3A_347, %mul3A_341 : vector<16xi1>, vector<16xf32>
      %convert_element_type3A_349 = arith.fptosi %select_n3A_348 : vector<16xf32> to vector<16xi32>
      %min3A_350 = arith.constant 767 : i32
      %min3A_351 = vector.broadcast %min3A_350 : i32 to vector<16xi32>
      %min3A_352 = arith.minsi %convert_element_type3A_349, %min3A_351 : vector<16xi32>
      %jit3A_353 = arith.constant 9984 : i32
      %jit3A_354 = arith.constant 9216 : i32
      %broadcast_in_dim3A_355 = vector.broadcast %jit3A_353 : i32 to vector<16xi32>
      %broadcast_in_dim3A_356 = vector.broadcast %jit3A_354 : i32 to vector<16xi32>
      %select_n3A_357 = arith.select %eq3A_344, %broadcast_in_dim3A_355, %broadcast_in_dim3A_356 : vector<16xi1>, vector<16xi32>
      %add3A_358 = arith.addi %min3A_352, %select_n3A_357 : vector<16xi32>
      %add3A_359 = arith.constant 6 : i32
      %add3A_360 = vector.broadcast %add3A_359 : i32 to vector<16xi32>
      %add3A_361 = arith.addi %add3A_216, %add3A_360 : vector<16xi32>
      tpu.vector_store_idx %arg9[%add3A_361], %add3A_358 : memref<21504xi32, #tpu.memory_space<vmem>>[vector<16xi32>], vector<16xi32>,
      %mul3A_362 = arith.mulf %exp3A_125, %div3A_213 : vector<16xf32>
      %eq3A_363 = arith.constant 7 : i32
      %eq3A_364 = vector.broadcast %eq3A_363 : i32 to vector<16xi32>
      %eq3A_365 = arith.cmpi eq, %get3A_86, %eq3A_364 : vector<16xi32>
      %sub3A_366 = arith.constant 7.680000e+02 : f32
      %sub3A_367 = vector.broadcast %sub3A_366 : f32 to vector<16xf32>
      %sub3A_368 = arith.subf %sub3A_367, %mul3A_362 : vector<16xf32>
      %select_n3A_369 = arith.select %eq3A_365, %sub3A_368, %mul3A_362 : vector<16xi1>, vector<16xf32>
      %convert_element_type3A_370 = arith.fptosi %select_n3A_369 : vector<16xf32> to vector<16xi32>
      %min3A_371 = arith.constant 767 : i32
      %min3A_372 = vector.broadcast %min3A_371 : i32 to vector<16xi32>
      %min3A_373 = arith.minsi %convert_element_type3A_370, %min3A_372 : vector<16xi32>
      %jit3A_374 = arith.constant 11520 : i32
      %jit3A_375 = arith.constant 10752 : i32
      %broadcast_in_dim3A_376 = vector.broadcast %jit3A_374 : i32 to vector<16xi32>
      %broadcast_in_dim3A_377 = vector.broadcast %jit3A_375 : i32 to vector<16xi32>
      %select_n3A_378 = arith.select %eq3A_365, %broadcast_in_dim3A_376, %broadcast_in_dim3A_377 : vector<16xi1>, vector<16xi32>
      %add3A_379 = arith.addi %min3A_373, %select_n3A_378 : vector<16xi32>
      %add3A_380 = arith.constant 7 : i32
      %add3A_381 = vector.broadcast %add3A_380 : i32 to vector<16xi32>
      %add3A_382 = arith.addi %add3A_216, %add3A_381 : vector<16xi32>
      tpu.vector_store_idx %arg9[%add3A_382], %add3A_379 : memref<21504xi32, #tpu.memory_space<vmem>>[vector<16xi32>], vector<16xi32>,
      %mul3A_383 = arith.mulf %exp3A_130, %div3A_213 : vector<16xf32>
      %eq3A_384 = arith.constant 8 : i32
      %eq3A_385 = vector.broadcast %eq3A_384 : i32 to vector<16xi32>
      %eq3A_386 = arith.cmpi eq, %get3A_86, %eq3A_385 : vector<16xi32>
      %sub3A_387 = arith.constant 7.680000e+02 : f32
      %sub3A_388 = vector.broadcast %sub3A_387 : f32 to vector<16xf32>
      %sub3A_389 = arith.subf %sub3A_388, %mul3A_383 : vector<16xf32>
      %select_n3A_390 = arith.select %eq3A_386, %sub3A_389, %mul3A_383 : vector<16xi1>, vector<16xf32>
      %convert_element_type3A_391 = arith.fptosi %select_n3A_390 : vector<16xf32> to vector<16xi32>
      %min3A_392 = arith.constant 767 : i32
      %min3A_393 = vector.broadcast %min3A_392 : i32 to vector<16xi32>
      %min3A_394 = arith.minsi %convert_element_type3A_391, %min3A_393 : vector<16xi32>
      %jit3A_395 = arith.constant 13056 : i32
      %jit3A_396 = arith.constant 12288 : i32
      %broadcast_in_dim3A_397 = vector.broadcast %jit3A_395 : i32 to vector<16xi32>
      %broadcast_in_dim3A_398 = vector.broadcast %jit3A_396 : i32 to vector<16xi32>
      %select_n3A_399 = arith.select %eq3A_386, %broadcast_in_dim3A_397, %broadcast_in_dim3A_398 : vector<16xi1>, vector<16xi32>
      %add3A_400 = arith.addi %min3A_394, %select_n3A_399 : vector<16xi32>
      %add3A_401 = arith.constant 8 : i32
      %add3A_402 = vector.broadcast %add3A_401 : i32 to vector<16xi32>
      %add3A_403 = arith.addi %add3A_216, %add3A_402 : vector<16xi32>
      tpu.vector_store_idx %arg9[%add3A_403], %add3A_400 : memref<21504xi32, #tpu.memory_space<vmem>>[vector<16xi32>], vector<16xi32>,
      %mul3A_404 = arith.mulf %exp3A_135, %div3A_213 : vector<16xf32>
      %eq3A_405 = arith.constant 9 : i32
      %eq3A_406 = vector.broadcast %eq3A_405 : i32 to vector<16xi32>
      %eq3A_407 = arith.cmpi eq, %get3A_86, %eq3A_406 : vector<16xi32>
      %sub3A_408 = arith.constant 7.680000e+02 : f32
      %sub3A_409 = vector.broadcast %sub3A_408 : f32 to vector<16xf32>
      %sub3A_410 = arith.subf %sub3A_409, %mul3A_404 : vector<16xf32>
      %select_n3A_411 = arith.select %eq3A_407, %sub3A_410, %mul3A_404 : vector<16xi1>, vector<16xf32>
      %convert_element_type3A_412 = arith.fptosi %select_n3A_411 : vector<16xf32> to vector<16xi32>
      %min3A_413 = arith.constant 767 : i32
      %min3A_414 = vector.broadcast %min3A_413 : i32 to vector<16xi32>
      %min3A_415 = arith.minsi %convert_element_type3A_412, %min3A_414 : vector<16xi32>
      %jit3A_416 = arith.constant 14592 : i32
      %jit3A_417 = arith.constant 13824 : i32
      %broadcast_in_dim3A_418 = vector.broadcast %jit3A_416 : i32 to vector<16xi32>
      %broadcast_in_dim3A_419 = vector.broadcast %jit3A_417 : i32 to vector<16xi32>
      %select_n3A_420 = arith.select %eq3A_407, %broadcast_in_dim3A_418, %broadcast_in_dim3A_419 : vector<16xi1>, vector<16xi32>
      %add3A_421 = arith.addi %min3A_415, %select_n3A_420 : vector<16xi32>
      %add3A_422 = arith.constant 9 : i32
      %add3A_423 = vector.broadcast %add3A_422 : i32 to vector<16xi32>
      %add3A_424 = arith.addi %add3A_216, %add3A_423 : vector<16xi32>
      tpu.vector_store_idx %arg9[%add3A_424], %add3A_421 : memref<21504xi32, #tpu.memory_space<vmem>>[vector<16xi32>], vector<16xi32>,
      %mul3A_425 = arith.mulf %exp3A_140, %div3A_213 : vector<16xf32>
      %eq3A_426 = arith.constant 10 : i32
      %eq3A_427 = vector.broadcast %eq3A_426 : i32 to vector<16xi32>
      %eq3A_428 = arith.cmpi eq, %get3A_86, %eq3A_427 : vector<16xi32>
      %sub3A_429 = arith.constant 7.680000e+02 : f32
      %sub3A_430 = vector.broadcast %sub3A_429 : f32 to vector<16xf32>
      %sub3A_431 = arith.subf %sub3A_430, %mul3A_425 : vector<16xf32>
      %select_n3A_432 = arith.select %eq3A_428, %sub3A_431, %mul3A_425 : vector<16xi1>, vector<16xf32>
      %convert_element_type3A_433 = arith.fptosi %select_n3A_432 : vector<16xf32> to vector<16xi32>
      %min3A_434 = arith.constant 767 : i32
      %min3A_435 = vector.broadcast %min3A_434 : i32 to vector<16xi32>
      %min3A_436 = arith.minsi %convert_element_type3A_433, %min3A_435 : vector<16xi32>
      %jit3A_437 = arith.constant 16128 : i32
      %jit3A_438 = arith.constant 15360 : i32
      %broadcast_in_dim3A_439 = vector.broadcast %jit3A_437 : i32 to vector<16xi32>
      %broadcast_in_dim3A_440 = vector.broadcast %jit3A_438 : i32 to vector<16xi32>
      %select_n3A_441 = arith.select %eq3A_428, %broadcast_in_dim3A_439, %broadcast_in_dim3A_440 : vector<16xi1>, vector<16xi32>
      %add3A_442 = arith.addi %min3A_436, %select_n3A_441 : vector<16xi32>
      %add3A_443 = arith.constant 10 : i32
      %add3A_444 = vector.broadcast %add3A_443 : i32 to vector<16xi32>
      %add3A_445 = arith.addi %add3A_216, %add3A_444 : vector<16xi32>
      tpu.vector_store_idx %arg9[%add3A_445], %add3A_442 : memref<21504xi32, #tpu.memory_space<vmem>>[vector<16xi32>], vector<16xi32>,
      %mul3A_446 = arith.mulf %exp3A_145, %div3A_213 : vector<16xf32>
      %eq3A_447 = arith.constant 11 : i32
      %eq3A_448 = vector.broadcast %eq3A_447 : i32 to vector<16xi32>
      %eq3A_449 = arith.cmpi eq, %get3A_86, %eq3A_448 : vector<16xi32>
      %sub3A_450 = arith.constant 7.680000e+02 : f32
      %sub3A_451 = vector.broadcast %sub3A_450 : f32 to vector<16xf32>
      %sub3A_452 = arith.subf %sub3A_451, %mul3A_446 : vector<16xf32>
      %select_n3A_453 = arith.select %eq3A_449, %sub3A_452, %mul3A_446 : vector<16xi1>, vector<16xf32>
      %convert_element_type3A_454 = arith.fptosi %select_n3A_453 : vector<16xf32> to vector<16xi32>
      %min3A_455 = arith.constant 767 : i32
      %min3A_456 = vector.broadcast %min3A_455 : i32 to vector<16xi32>
      %min3A_457 = arith.minsi %convert_element_type3A_454, %min3A_456 : vector<16xi32>
      %jit3A_458 = arith.constant 17664 : i32
      %jit3A_459 = arith.constant 16896 : i32
      %broadcast_in_dim3A_460 = vector.broadcast %jit3A_458 : i32 to vector<16xi32>
      %broadcast_in_dim3A_461 = vector.broadcast %jit3A_459 : i32 to vector<16xi32>
      %select_n3A_462 = arith.select %eq3A_449, %broadcast_in_dim3A_460, %broadcast_in_dim3A_461 : vector<16xi1>, vector<16xi32>
      %add3A_463 = arith.addi %min3A_457, %select_n3A_462 : vector<16xi32>
      %add3A_464 = arith.constant 11 : i32
      %add3A_465 = vector.broadcast %add3A_464 : i32 to vector<16xi32>
      %add3A_466 = arith.addi %add3A_216, %add3A_465 : vector<16xi32>
      tpu.vector_store_idx %arg9[%add3A_466], %add3A_463 : memref<21504xi32, #tpu.memory_space<vmem>>[vector<16xi32>], vector<16xi32>,
      %mul3A_467 = arith.mulf %exp3A_150, %div3A_213 : vector<16xf32>
      %eq3A_468 = arith.constant 12 : i32
      %eq3A_469 = vector.broadcast %eq3A_468 : i32 to vector<16xi32>
      %eq3A_470 = arith.cmpi eq, %get3A_86, %eq3A_469 : vector<16xi32>
      %sub3A_471 = arith.constant 7.680000e+02 : f32
      %sub3A_472 = vector.broadcast %sub3A_471 : f32 to vector<16xf32>
      %sub3A_473 = arith.subf %sub3A_472, %mul3A_467 : vector<16xf32>
      %select_n3A_474 = arith.select %eq3A_470, %sub3A_473, %mul3A_467 : vector<16xi1>, vector<16xf32>
      %convert_element_type3A_475 = arith.fptosi %select_n3A_474 : vector<16xf32> to vector<16xi32>
      %min3A_476 = arith.constant 767 : i32
      %min3A_477 = vector.broadcast %min3A_476 : i32 to vector<16xi32>
      %min3A_478 = arith.minsi %convert_element_type3A_475, %min3A_477 : vector<16xi32>
      %jit3A_479 = arith.constant 19200 : i32
      %jit3A_480 = arith.constant 18432 : i32
      %broadcast_in_dim3A_481 = vector.broadcast %jit3A_479 : i32 to vector<16xi32>
      %broadcast_in_dim3A_482 = vector.broadcast %jit3A_480 : i32 to vector<16xi32>
      %select_n3A_483 = arith.select %eq3A_470, %broadcast_in_dim3A_481, %broadcast_in_dim3A_482 : vector<16xi1>, vector<16xi32>
      %add3A_484 = arith.addi %min3A_478, %select_n3A_483 : vector<16xi32>
      %add3A_485 = arith.constant 12 : i32
      %add3A_486 = vector.broadcast %add3A_485 : i32 to vector<16xi32>
      %add3A_487 = arith.addi %add3A_216, %add3A_486 : vector<16xi32>
      tpu.vector_store_idx %arg9[%add3A_487], %add3A_484 : memref<21504xi32, #tpu.memory_space<vmem>>[vector<16xi32>], vector<16xi32>,
      %mul3A_488 = arith.mulf %exp3A_155, %div3A_213 : vector<16xf32>
      %eq3A_489 = arith.constant 13 : i32
      %eq3A_490 = vector.broadcast %eq3A_489 : i32 to vector<16xi32>
      %eq3A_491 = arith.cmpi eq, %get3A_86, %eq3A_490 : vector<16xi32>
      %sub3A_492 = arith.constant 7.680000e+02 : f32
      %sub3A_493 = vector.broadcast %sub3A_492 : f32 to vector<16xf32>
      %sub3A_494 = arith.subf %sub3A_493, %mul3A_488 : vector<16xf32>
      %select_n3A_495 = arith.select %eq3A_491, %sub3A_494, %mul3A_488 : vector<16xi1>, vector<16xf32>
      %convert_element_type3A_496 = arith.fptosi %select_n3A_495 : vector<16xf32> to vector<16xi32>
      %min3A_497 = arith.constant 767 : i32
      %min3A_498 = vector.broadcast %min3A_497 : i32 to vector<16xi32>
      %min3A_499 = arith.minsi %convert_element_type3A_496, %min3A_498 : vector<16xi32>
      %jit3A_500 = arith.constant 20736 : i32
      %jit3A_501 = arith.constant 19968 : i32
      %broadcast_in_dim3A_502 = vector.broadcast %jit3A_500 : i32 to vector<16xi32>
      %broadcast_in_dim3A_503 = vector.broadcast %jit3A_501 : i32 to vector<16xi32>
      %select_n3A_504 = arith.select %eq3A_491, %broadcast_in_dim3A_502, %broadcast_in_dim3A_503 : vector<16xi1>, vector<16xi32>
      %add3A_505 = arith.addi %min3A_499, %select_n3A_504 : vector<16xi32>
      %add3A_506 = arith.constant 13 : i32
      %add3A_507 = vector.broadcast %add3A_506 : i32 to vector<16xi32>
      %add3A_508 = arith.addi %add3A_216, %add3A_507 : vector<16xi32>
      tpu.vector_store_idx %arg9[%add3A_508], %add3A_505 : memref<21504xi32, #tpu.memory_space<vmem>>[vector<16xi32>], vector<16xi32>,
      %mul3A_509 = arith.mulf %exp3A_160, %div3A_213 : vector<16xf32>
      %eq3A_510 = arith.constant 14 : i32
      %eq3A_511 = vector.broadcast %eq3A_510 : i32 to vector<16xi32>
      %eq3A_512 = arith.cmpi eq, %get3A_86, %eq3A_511 : vector<16xi32>
      %sub3A_513 = arith.constant 7.680000e+02 : f32
      %sub3A_514 = vector.broadcast %sub3A_513 : f32 to vector<16xf32>
      %sub3A_515 = arith.subf %sub3A_514, %mul3A_509 : vector<16xf32>
      %select_n3A_516 = arith.select %eq3A_512, %sub3A_515, %mul3A_509 : vector<16xi1>, vector<16xf32>
      %convert_element_type3A_517 = arith.fptosi %select_n3A_516 : vector<16xf32> to vector<16xi32>
      %min3A_518 = arith.constant 767 : i32
      %min3A_519 = vector.broadcast %min3A_518 : i32 to vector<16xi32>
      %min3A_520 = arith.minsi %convert_element_type3A_517, %min3A_519 : vector<16xi32>
      %jit3A_521 = arith.constant 22272 : i32
      %jit3A_522 = arith.constant 21504 : i32
      %broadcast_in_dim3A_523 = vector.broadcast %jit3A_521 : i32 to vector<16xi32>
      %broadcast_in_dim3A_524 = vector.broadcast %jit3A_522 : i32 to vector<16xi32>
      %select_n3A_525 = arith.select %eq3A_512, %broadcast_in_dim3A_523, %broadcast_in_dim3A_524 : vector<16xi1>, vector<16xi32>
      %add3A_526 = arith.addi %min3A_520, %select_n3A_525 : vector<16xi32>
      %add3A_527 = arith.constant 14 : i32
      %add3A_528 = vector.broadcast %add3A_527 : i32 to vector<16xi32>
      %add3A_529 = arith.addi %add3A_216, %add3A_528 : vector<16xi32>
      tpu.vector_store_idx %arg9[%add3A_529], %add3A_526 : memref<21504xi32, #tpu.memory_space<vmem>>[vector<16xi32>], vector<16xi32>,
      %mul3A_530 = arith.mulf %exp3A_165, %div3A_213 : vector<16xf32>
      %eq3A_531 = arith.constant 15 : i32
      %eq3A_532 = vector.broadcast %eq3A_531 : i32 to vector<16xi32>
      %eq3A_533 = arith.cmpi eq, %get3A_86, %eq3A_532 : vector<16xi32>
      %sub3A_534 = arith.constant 7.680000e+02 : f32
      %sub3A_535 = vector.broadcast %sub3A_534 : f32 to vector<16xf32>
      %sub3A_536 = arith.subf %sub3A_535, %mul3A_530 : vector<16xf32>
      %select_n3A_537 = arith.select %eq3A_533, %sub3A_536, %mul3A_530 : vector<16xi1>, vector<16xf32>
      %convert_element_type3A_538 = arith.fptosi %select_n3A_537 : vector<16xf32> to vector<16xi32>
      %min3A_539 = arith.constant 767 : i32
      %min3A_540 = vector.broadcast %min3A_539 : i32 to vector<16xi32>
      %min3A_541 = arith.minsi %convert_element_type3A_538, %min3A_540 : vector<16xi32>
      %jit3A_542 = arith.constant 23808 : i32
      %jit3A_543 = arith.constant 23040 : i32
      %broadcast_in_dim3A_544 = vector.broadcast %jit3A_542 : i32 to vector<16xi32>
      %broadcast_in_dim3A_545 = vector.broadcast %jit3A_543 : i32 to vector<16xi32>
      %select_n3A_546 = arith.select %eq3A_533, %broadcast_in_dim3A_544, %broadcast_in_dim3A_545 : vector<16xi1>, vector<16xi32>
      %add3A_547 = arith.addi %min3A_541, %select_n3A_546 : vector<16xi32>
      %add3A_548 = arith.constant 15 : i32
      %add3A_549 = vector.broadcast %add3A_548 : i32 to vector<16xi32>
      %add3A_550 = arith.addi %add3A_216, %add3A_549 : vector<16xi32>
      tpu.vector_store_idx %arg9[%add3A_550], %add3A_547 : memref<21504xi32, #tpu.memory_space<vmem>>[vector<16xi32>], vector<16xi32>,
      %mul3A_551 = arith.mulf %exp3A_170, %div3A_213 : vector<16xf32>
      %eq3A_552 = arith.constant 16 : i32
      %eq3A_553 = vector.broadcast %eq3A_552 : i32 to vector<16xi32>
      %eq3A_554 = arith.cmpi eq, %get3A_86, %eq3A_553 : vector<16xi32>
      %sub3A_555 = arith.constant 7.680000e+02 : f32
      %sub3A_556 = vector.broadcast %sub3A_555 : f32 to vector<16xf32>
      %sub3A_557 = arith.subf %sub3A_556, %mul3A_551 : vector<16xf32>
      %select_n3A_558 = arith.select %eq3A_554, %sub3A_557, %mul3A_551 : vector<16xi1>, vector<16xf32>
      %convert_element_type3A_559 = arith.fptosi %select_n3A_558 : vector<16xf32> to vector<16xi32>
      %min3A_560 = arith.constant 767 : i32
      %min3A_561 = vector.broadcast %min3A_560 : i32 to vector<16xi32>
      %min3A_562 = arith.minsi %convert_element_type3A_559, %min3A_561 : vector<16xi32>
      %jit3A_563 = arith.constant 25344 : i32
      %jit3A_564 = arith.constant 24576 : i32
      %broadcast_in_dim3A_565 = vector.broadcast %jit3A_563 : i32 to vector<16xi32>
      %broadcast_in_dim3A_566 = vector.broadcast %jit3A_564 : i32 to vector<16xi32>
      %select_n3A_567 = arith.select %eq3A_554, %broadcast_in_dim3A_565, %broadcast_in_dim3A_566 : vector<16xi1>, vector<16xi32>
      %add3A_568 = arith.addi %min3A_562, %select_n3A_567 : vector<16xi32>
      %add3A_569 = arith.constant 16 : i32
      %add3A_570 = vector.broadcast %add3A_569 : i32 to vector<16xi32>
      %add3A_571 = arith.addi %add3A_216, %add3A_570 : vector<16xi32>
      tpu.vector_store_idx %arg9[%add3A_571], %add3A_568 : memref<21504xi32, #tpu.memory_space<vmem>>[vector<16xi32>], vector<16xi32>,
      %mul3A_572 = arith.mulf %exp3A_175, %div3A_213 : vector<16xf32>
      %eq3A_573 = arith.constant 17 : i32
      %eq3A_574 = vector.broadcast %eq3A_573 : i32 to vector<16xi32>
      %eq3A_575 = arith.cmpi eq, %get3A_86, %eq3A_574 : vector<16xi32>
      %sub3A_576 = arith.constant 7.680000e+02 : f32
      %sub3A_577 = vector.broadcast %sub3A_576 : f32 to vector<16xf32>
      %sub3A_578 = arith.subf %sub3A_577, %mul3A_572 : vector<16xf32>
      %select_n3A_579 = arith.select %eq3A_575, %sub3A_578, %mul3A_572 : vector<16xi1>, vector<16xf32>
      %convert_element_type3A_580 = arith.fptosi %select_n3A_579 : vector<16xf32> to vector<16xi32>
      %min3A_581 = arith.constant 767 : i32
      %min3A_582 = vector.broadcast %min3A_581 : i32 to vector<16xi32>
      %min3A_583 = arith.minsi %convert_element_type3A_580, %min3A_582 : vector<16xi32>
      %jit3A_584 = arith.constant 26880 : i32
      %jit3A_585 = arith.constant 26112 : i32
      %broadcast_in_dim3A_586 = vector.broadcast %jit3A_584 : i32 to vector<16xi32>
      %broadcast_in_dim3A_587 = vector.broadcast %jit3A_585 : i32 to vector<16xi32>
      %select_n3A_588 = arith.select %eq3A_575, %broadcast_in_dim3A_586, %broadcast_in_dim3A_587 : vector<16xi1>, vector<16xi32>
      %add3A_589 = arith.addi %min3A_583, %select_n3A_588 : vector<16xi32>
      %add3A_590 = arith.constant 17 : i32
      %add3A_591 = vector.broadcast %add3A_590 : i32 to vector<16xi32>
      %add3A_592 = arith.addi %add3A_216, %add3A_591 : vector<16xi32>
      tpu.vector_store_idx %arg9[%add3A_592], %add3A_589 : memref<21504xi32, #tpu.memory_space<vmem>>[vector<16xi32>], vector<16xi32>,
      %mul3A_593 = arith.mulf %exp3A_180, %div3A_213 : vector<16xf32>
      %eq3A_594 = arith.constant 18 : i32
      %eq3A_595 = vector.broadcast %eq3A_594 : i32 to vector<16xi32>
      %eq3A_596 = arith.cmpi eq, %get3A_86, %eq3A_595 : vector<16xi32>
      %sub3A_597 = arith.constant 7.680000e+02 : f32
      %sub3A_598 = vector.broadcast %sub3A_597 : f32 to vector<16xf32>
      %sub3A_599 = arith.subf %sub3A_598, %mul3A_593 : vector<16xf32>
      %select_n3A_600 = arith.select %eq3A_596, %sub3A_599, %mul3A_593 : vector<16xi1>, vector<16xf32>
      %convert_element_type3A_601 = arith.fptosi %select_n3A_600 : vector<16xf32> to vector<16xi32>
      %min3A_602 = arith.constant 767 : i32
      %min3A_603 = vector.broadcast %min3A_602 : i32 to vector<16xi32>
      %min3A_604 = arith.minsi %convert_element_type3A_601, %min3A_603 : vector<16xi32>
      %jit3A_605 = arith.constant 28416 : i32
      %jit3A_606 = arith.constant 27648 : i32
      %broadcast_in_dim3A_607 = vector.broadcast %jit3A_605 : i32 to vector<16xi32>
      %broadcast_in_dim3A_608 = vector.broadcast %jit3A_606 : i32 to vector<16xi32>
      %select_n3A_609 = arith.select %eq3A_596, %broadcast_in_dim3A_607, %broadcast_in_dim3A_608 : vector<16xi1>, vector<16xi32>
      %add3A_610 = arith.addi %min3A_604, %select_n3A_609 : vector<16xi32>
      %add3A_611 = arith.constant 18 : i32
      %add3A_612 = vector.broadcast %add3A_611 : i32 to vector<16xi32>
      %add3A_613 = arith.addi %add3A_216, %add3A_612 : vector<16xi32>
      tpu.vector_store_idx %arg9[%add3A_613], %add3A_610 : memref<21504xi32, #tpu.memory_space<vmem>>[vector<16xi32>], vector<16xi32>,
      %mul3A_614 = arith.mulf %exp3A_185, %div3A_213 : vector<16xf32>
      %eq3A_615 = arith.constant 19 : i32
      %eq3A_616 = vector.broadcast %eq3A_615 : i32 to vector<16xi32>
      %eq3A_617 = arith.cmpi eq, %get3A_86, %eq3A_616 : vector<16xi32>
      %sub3A_618 = arith.constant 7.680000e+02 : f32
      %sub3A_619 = vector.broadcast %sub3A_618 : f32 to vector<16xf32>
      %sub3A_620 = arith.subf %sub3A_619, %mul3A_614 : vector<16xf32>
      %select_n3A_621 = arith.select %eq3A_617, %sub3A_620, %mul3A_614 : vector<16xi1>, vector<16xf32>
      %convert_element_type3A_622 = arith.fptosi %select_n3A_621 : vector<16xf32> to vector<16xi32>
      %min3A_623 = arith.constant 767 : i32
      %min3A_624 = vector.broadcast %min3A_623 : i32 to vector<16xi32>
      %min3A_625 = arith.minsi %convert_element_type3A_622, %min3A_624 : vector<16xi32>
      %jit3A_626 = arith.constant 29952 : i32
      %jit3A_627 = arith.constant 29184 : i32
      %broadcast_in_dim3A_628 = vector.broadcast %jit3A_626 : i32 to vector<16xi32>
      %broadcast_in_dim3A_629 = vector.broadcast %jit3A_627 : i32 to vector<16xi32>
      %select_n3A_630 = arith.select %eq3A_617, %broadcast_in_dim3A_628, %broadcast_in_dim3A_629 : vector<16xi1>, vector<16xi32>
      %add3A_631 = arith.addi %min3A_625, %select_n3A_630 : vector<16xi32>
      %add3A_632 = arith.constant 19 : i32
      %add3A_633 = vector.broadcast %add3A_632 : i32 to vector<16xi32>
      %add3A_634 = arith.addi %add3A_216, %add3A_633 : vector<16xi32>
      tpu.vector_store_idx %arg9[%add3A_634], %add3A_631 : memref<21504xi32, #tpu.memory_space<vmem>>[vector<16xi32>], vector<16xi32>,
      %mul3A_635 = arith.mulf %exp3A_190, %div3A_213 : vector<16xf32>
      %eq3A_636 = arith.constant 20 : i32
      %eq3A_637 = vector.broadcast %eq3A_636 : i32 to vector<16xi32>
      %eq3A_638 = arith.cmpi eq, %get3A_86, %eq3A_637 : vector<16xi32>
      %sub3A_639 = arith.constant 7.680000e+02 : f32
      %sub3A_640 = vector.broadcast %sub3A_639 : f32 to vector<16xf32>
      %sub3A_641 = arith.subf %sub3A_640, %mul3A_635 : vector<16xf32>
      %select_n3A_642 = arith.select %eq3A_638, %sub3A_641, %mul3A_635 : vector<16xi1>, vector<16xf32>
      %convert_element_type3A_643 = arith.fptosi %select_n3A_642 : vector<16xf32> to vector<16xi32>
      %min3A_644 = arith.constant 767 : i32
      %min3A_645 = vector.broadcast %min3A_644 : i32 to vector<16xi32>
      %min3A_646 = arith.minsi %convert_element_type3A_643, %min3A_645 : vector<16xi32>
      %jit3A_647 = arith.constant 31488 : i32
      %jit3A_648 = arith.constant 30720 : i32
      %broadcast_in_dim3A_649 = vector.broadcast %jit3A_647 : i32 to vector<16xi32>
      %broadcast_in_dim3A_650 = vector.broadcast %jit3A_648 : i32 to vector<16xi32>
      %select_n3A_651 = arith.select %eq3A_638, %broadcast_in_dim3A_649, %broadcast_in_dim3A_650 : vector<16xi1>, vector<16xi32>
      %add3A_652 = arith.addi %min3A_646, %select_n3A_651 : vector<16xi32>
      %add3A_653 = arith.constant 20 : i32
      %add3A_654 = vector.broadcast %add3A_653 : i32 to vector<16xi32>
      %add3A_655 = arith.addi %add3A_216, %add3A_654 : vector<16xi32>
      tpu.vector_store_idx %arg9[%add3A_655], %add3A_652 : memref<21504xi32, #tpu.memory_space<vmem>>[vector<16xi32>], vector<16xi32>,
      %scan3A_656 = arith.constant 0 : i32
      %scan3A_657 = arith.constant 1 : i32
      %scan3A_658 = arith.constant 63 : i32
      %scan3A_659 = arith.addi %scan3A_657, %scan3A_658 : i32
      %scan3A_660 = arith.constant 1 : i32
      scf.for %scan3A_1336 = %scan3A_657 to %scan3A_659 step %scan3A_660  : i32 {
        %mul3A_1337 = arith.constant 16 : i32
        %mul3A_1338 = arith.muli %scan3A_1336, %mul3A_1337 : i32
        %get3A_1339 = arith.index_cast %mul3A_1338 : i32 to index
        %get3A_1340 = tpu.vector_load %arg7[%get3A_1339] {strides = array<i32>} : memref<1024xi32, #tpu.memory_space<vmem>>, vector<16xi32>,
        %get3A_1341 = arith.constant 0 : i32
        %get3A_1342 = arith.index_cast %get3A_1341 : i32 to index
        %get3A_1343 = arith.index_cast %mul3A_1338 : i32 to index
        %get3A_1344 = tpu.vector_load %arg5[%get3A_1342, %get3A_1343] {strides = array<i32>} : memref<21x1024xf32, #tpu.memory_space<vmem>>, vector<16xf32>,
        %exp3A_1345 = math.exp %get3A_1344 : vector<16xf32>
        %get3A_1346 = arith.constant 1 : i32
        %get3A_1347 = arith.index_cast %get3A_1346 : i32 to index
        %get3A_1348 = arith.index_cast %mul3A_1338 : i32 to index
        %get3A_1349 = tpu.vector_load %arg5[%get3A_1347, %get3A_1348] {strides = array<i32>} : memref<21x1024xf32, #tpu.memory_space<vmem>>, vector<16xf32>,
        %exp3A_1350 = math.exp %get3A_1349 : vector<16xf32>
        %get3A_1351 = arith.constant 2 : i32
        %get3A_1352 = arith.index_cast %get3A_1351 : i32 to index
        %get3A_1353 = arith.index_cast %mul3A_1338 : i32 to index
        %get3A_1354 = tpu.vector_load %arg5[%get3A_1352, %get3A_1353] {strides = array<i32>} : memref<21x1024xf32, #tpu.memory_space<vmem>>, vector<16xf32>,
        %exp3A_1355 = math.exp %get3A_1354 : vector<16xf32>
        %get3A_1356 = arith.constant 3 : i32
        %get3A_1357 = arith.index_cast %get3A_1356 : i32 to index
        %get3A_1358 = arith.index_cast %mul3A_1338 : i32 to index
        %get3A_1359 = tpu.vector_load %arg5[%get3A_1357, %get3A_1358] {strides = array<i32>} : memref<21x1024xf32, #tpu.memory_space<vmem>>, vector<16xf32>,
        %exp3A_1360 = math.exp %get3A_1359 : vector<16xf32>
        %get3A_1361 = arith.constant 4 : i32
        %get3A_1362 = arith.index_cast %get3A_1361 : i32 to index
        %get3A_1363 = arith.index_cast %mul3A_1338 : i32 to index
        %get3A_1364 = tpu.vector_load %arg5[%get3A_1362, %get3A_1363] {strides = array<i32>} : memref<21x1024xf32, #tpu.memory_space<vmem>>, vector<16xf32>,
        %exp3A_1365 = math.exp %get3A_1364 : vector<16xf32>
        %get3A_1366 = arith.constant 5 : i32
        %get3A_1367 = arith.index_cast %get3A_1366 : i32 to index
        %get3A_1368 = arith.index_cast %mul3A_1338 : i32 to index
        %get3A_1369 = tpu.vector_load %arg5[%get3A_1367, %get3A_1368] {strides = array<i32>} : memref<21x1024xf32, #tpu.memory_space<vmem>>, vector<16xf32>,
        %exp3A_1370 = math.exp %get3A_1369 : vector<16xf32>
        %get3A_1371 = arith.constant 6 : i32
        %get3A_1372 = arith.index_cast %get3A_1371 : i32 to index
        %get3A_1373 = arith.index_cast %mul3A_1338 : i32 to index
        %get3A_1374 = tpu.vector_load %arg5[%get3A_1372, %get3A_1373] {strides = array<i32>} : memref<21x1024xf32, #tpu.memory_space<vmem>>, vector<16xf32>,
        %exp3A_1375 = math.exp %get3A_1374 : vector<16xf32>
        %get3A_1376 = arith.constant 7 : i32
        %get3A_1377 = arith.index_cast %get3A_1376 : i32 to index
        %get3A_1378 = arith.index_cast %mul3A_1338 : i32 to index
        %get3A_1379 = tpu.vector_load %arg5[%get3A_1377, %get3A_1378] {strides = array<i32>} : memref<21x1024xf32, #tpu.memory_space<vmem>>, vector<16xf32>,
        %exp3A_1380 = math.exp %get3A_1379 : vector<16xf32>
        %get3A_1381 = arith.constant 8 : i32
        %get3A_1382 = arith.index_cast %get3A_1381 : i32 to index
        %get3A_1383 = arith.index_cast %mul3A_1338 : i32 to index
        %get3A_1384 = tpu.vector_load %arg5[%get3A_1382, %get3A_1383] {strides = array<i32>} : memref<21x1024xf32, #tpu.memory_space<vmem>>, vector<16xf32>,
        %exp3A_1385 = math.exp %get3A_1384 : vector<16xf32>
        %get3A_1386 = arith.constant 9 : i32
        %get3A_1387 = arith.index_cast %get3A_1386 : i32 to index
        %get3A_1388 = arith.index_cast %mul3A_1338 : i32 to index
        %get3A_1389 = tpu.vector_load %arg5[%get3A_1387, %get3A_1388] {strides = array<i32>} : memref<21x1024xf32, #tpu.memory_space<vmem>>, vector<16xf32>,
        %exp3A_1390 = math.exp %get3A_1389 : vector<16xf32>
        %get3A_1391 = arith.constant 10 : i32
        %get3A_1392 = arith.index_cast %get3A_1391 : i32 to index
        %get3A_1393 = arith.index_cast %mul3A_1338 : i32 to index
        %get3A_1394 = tpu.vector_load %arg5[%get3A_1392, %get3A_1393] {strides = array<i32>} : memref<21x1024xf32, #tpu.memory_space<vmem>>, vector<16xf32>,
        %exp3A_1395 = math.exp %get3A_1394 : vector<16xf32>
        %get3A_1396 = arith.constant 11 : i32
        %get3A_1397 = arith.index_cast %get3A_1396 : i32 to index
        %get3A_1398 = arith.index_cast %mul3A_1338 : i32 to index
        %get3A_1399 = tpu.vector_load %arg5[%get3A_1397, %get3A_1398] {strides = array<i32>} : memref<21x1024xf32, #tpu.memory_space<vmem>>, vector<16xf32>,
        %exp3A_1400 = math.exp %get3A_1399 : vector<16xf32>
        %get3A_1401 = arith.constant 12 : i32
        %get3A_1402 = arith.index_cast %get3A_1401 : i32 to index
        %get3A_1403 = arith.index_cast %mul3A_1338 : i32 to index
        %get3A_1404 = tpu.vector_load %arg5[%get3A_1402, %get3A_1403] {strides = array<i32>} : memref<21x1024xf32, #tpu.memory_space<vmem>>, vector<16xf32>,
        %exp3A_1405 = math.exp %get3A_1404 : vector<16xf32>
        %get3A_1406 = arith.constant 13 : i32
        %get3A_1407 = arith.index_cast %get3A_1406 : i32 to index
        %get3A_1408 = arith.index_cast %mul3A_1338 : i32 to index
        %get3A_1409 = tpu.vector_load %arg5[%get3A_1407, %get3A_1408] {strides = array<i32>} : memref<21x1024xf32, #tpu.memory_space<vmem>>, vector<16xf32>,
        %exp3A_1410 = math.exp %get3A_1409 : vector<16xf32>
        %get3A_1411 = arith.constant 14 : i32
        %get3A_1412 = arith.index_cast %get3A_1411 : i32 to index
        %get3A_1413 = arith.index_cast %mul3A_1338 : i32 to index
        %get3A_1414 = tpu.vector_load %arg5[%get3A_1412, %get3A_1413] {strides = array<i32>} : memref<21x1024xf32, #tpu.memory_space<vmem>>, vector<16xf32>,
        %exp3A_1415 = math.exp %get3A_1414 : vector<16xf32>
        %get3A_1416 = arith.constant 15 : i32
        %get3A_1417 = arith.index_cast %get3A_1416 : i32 to index
        %get3A_1418 = arith.index_cast %mul3A_1338 : i32 to index
        %get3A_1419 = tpu.vector_load %arg5[%get3A_1417, %get3A_1418] {strides = array<i32>} : memref<21x1024xf32, #tpu.memory_space<vmem>>, vector<16xf32>,
        %exp3A_1420 = math.exp %get3A_1419 : vector<16xf32>
        %get3A_1421 = arith.constant 16 : i32
        %get3A_1422 = arith.index_cast %get3A_1421 : i32 to index
        %get3A_1423 = arith.index_cast %mul3A_1338 : i32 to index
        %get3A_1424 = tpu.vector_load %arg5[%get3A_1422, %get3A_1423] {strides = array<i32>} : memref<21x1024xf32, #tpu.memory_space<vmem>>, vector<16xf32>,
        %exp3A_1425 = math.exp %get3A_1424 : vector<16xf32>
        %get3A_1426 = arith.constant 17 : i32
        %get3A_1427 = arith.index_cast %get3A_1426 : i32 to index
        %get3A_1428 = arith.index_cast %mul3A_1338 : i32 to index
        %get3A_1429 = tpu.vector_load %arg5[%get3A_1427, %get3A_1428] {strides = array<i32>} : memref<21x1024xf32, #tpu.memory_space<vmem>>, vector<16xf32>,
        %exp3A_1430 = math.exp %get3A_1429 : vector<16xf32>
        %get3A_1431 = arith.constant 18 : i32
        %get3A_1432 = arith.index_cast %get3A_1431 : i32 to index
        %get3A_1433 = arith.index_cast %mul3A_1338 : i32 to index
        %get3A_1434 = tpu.vector_load %arg5[%get3A_1432, %get3A_1433] {strides = array<i32>} : memref<21x1024xf32, #tpu.memory_space<vmem>>, vector<16xf32>,
        %exp3A_1435 = math.exp %get3A_1434 : vector<16xf32>
        %get3A_1436 = arith.constant 19 : i32
        %get3A_1437 = arith.index_cast %get3A_1436 : i32 to index
        %get3A_1438 = arith.index_cast %mul3A_1338 : i32 to index
        %get3A_1439 = tpu.vector_load %arg5[%get3A_1437, %get3A_1438] {strides = array<i32>} : memref<21x1024xf32, #tpu.memory_space<vmem>>, vector<16xf32>,
        %exp3A_1440 = math.exp %get3A_1439 : vector<16xf32>
        %get3A_1441 = arith.constant 20 : i32
        %get3A_1442 = arith.index_cast %get3A_1441 : i32 to index
        %get3A_1443 = arith.index_cast %mul3A_1338 : i32 to index
        %get3A_1444 = tpu.vector_load %arg5[%get3A_1442, %get3A_1443] {strides = array<i32>} : memref<21x1024xf32, #tpu.memory_space<vmem>>, vector<16xf32>,
        %exp3A_1445 = math.exp %get3A_1444 : vector<16xf32>
        %add3A_1446 = arith.addf %exp3A_1345, %exp3A_1350 : vector<16xf32>
        %add3A_1447 = arith.addf %exp3A_1355, %exp3A_1360 : vector<16xf32>
        %add3A_1448 = arith.addf %exp3A_1365, %exp3A_1370 : vector<16xf32>
        %add3A_1449 = arith.addf %exp3A_1375, %exp3A_1380 : vector<16xf32>
        %add3A_1450 = arith.addf %exp3A_1385, %exp3A_1390 : vector<16xf32>
        %add3A_1451 = arith.addf %exp3A_1395, %exp3A_1400 : vector<16xf32>
        %add3A_1452 = arith.addf %exp3A_1405, %exp3A_1410 : vector<16xf32>
        %add3A_1453 = arith.addf %exp3A_1415, %exp3A_1420 : vector<16xf32>
        %add3A_1454 = arith.addf %exp3A_1425, %exp3A_1430 : vector<16xf32>
        %add3A_1455 = arith.addf %exp3A_1435, %exp3A_1440 : vector<16xf32>
        %add3A_1456 = arith.addf %add3A_1446, %add3A_1447 : vector<16xf32>
        %add3A_1457 = arith.addf %add3A_1448, %add3A_1449 : vector<16xf32>
        %add3A_1458 = arith.addf %add3A_1450, %add3A_1451 : vector<16xf32>
        %add3A_1459 = arith.addf %add3A_1452, %add3A_1453 : vector<16xf32>
        %add3A_1460 = arith.addf %add3A_1454, %add3A_1455 : vector<16xf32>
        %add3A_1461 = arith.addf %add3A_1456, %add3A_1457 : vector<16xf32>
        %add3A_1462 = arith.addf %add3A_1458, %add3A_1459 : vector<16xf32>
        %add3A_1463 = arith.addf %add3A_1460, %exp3A_1445 : vector<16xf32>
        %add3A_1464 = arith.addf %add3A_1461, %add3A_1462 : vector<16xf32>
        %add3A_1465 = arith.addf %add3A_1464, %add3A_1463 : vector<16xf32>
        %div3A_1466 = arith.constant 7.680000e+02 : f32
        %div3A_1467 = vector.broadcast %div3A_1466 : f32 to vector<16xf32>
        %div3A_1468 = arith.divf %div3A_1467, %add3A_1465 : vector<16xf32>
        %mul3A_1469 = arith.constant 21 : i32
        %mul3A_1470 = arith.muli %mul3A_1338, %mul3A_1469 : i32
        %add3A_1471 = vector.broadcast %mul3A_1470 : i32 to vector<16xi32>
        %add3A_1472 = arith.addi %mul3A_36, %add3A_1471 : vector<16xi32>
        %mul3A_1473 = arith.mulf %exp3A_1345, %div3A_1468 : vector<16xf32>
        %eq3A_1474 = arith.constant 0 : i32
        %eq3A_1475 = vector.broadcast %eq3A_1474 : i32 to vector<16xi32>
        %eq3A_1476 = arith.cmpi eq, %get3A_1340, %eq3A_1475 : vector<16xi32>
        %sub3A_1477 = arith.constant 7.680000e+02 : f32
        %sub3A_1478 = vector.broadcast %sub3A_1477 : f32 to vector<16xf32>
        %sub3A_1479 = arith.subf %sub3A_1478, %mul3A_1473 : vector<16xf32>
        %select_n3A_1480 = arith.select %eq3A_1476, %sub3A_1479, %mul3A_1473 : vector<16xi1>, vector<16xf32>
        %convert_element_type3A_1481 = arith.fptosi %select_n3A_1480 : vector<16xf32> to vector<16xi32>
        %min3A_1482 = arith.constant 767 : i32
        %min3A_1483 = vector.broadcast %min3A_1482 : i32 to vector<16xi32>
        %min3A_1484 = arith.minsi %convert_element_type3A_1481, %min3A_1483 : vector<16xi32>
        %jit3A_1485 = arith.constant 768 : i32
        %jit3A_1486 = arith.constant 0 : i32
        %broadcast_in_dim3A_1487 = vector.broadcast %jit3A_1485 : i32 to vector<16xi32>
        %broadcast_in_dim3A_1488 = vector.broadcast %jit3A_1486 : i32 to vector<16xi32>
        %select_n3A_1489 = arith.select %eq3A_1476, %broadcast_in_dim3A_1487, %broadcast_in_dim3A_1488 : vector<16xi1>, vector<16xi32>
        %add3A_1490 = arith.addi %min3A_1484, %select_n3A_1489 : vector<16xi32>
        %add3A_1491 = arith.constant 0 : i32
        %add3A_1492 = vector.broadcast %add3A_1491 : i32 to vector<16xi32>
        %add3A_1493 = arith.addi %add3A_1472, %add3A_1492 : vector<16xi32>
        tpu.vector_store_idx %arg9[%add3A_1493], %add3A_1490 : memref<21504xi32, #tpu.memory_space<vmem>>[vector<16xi32>], vector<16xi32>,
        %mul3A_1494 = arith.mulf %exp3A_1350, %div3A_1468 : vector<16xf32>
        %eq3A_1495 = arith.constant 1 : i32
        %eq3A_1496 = vector.broadcast %eq3A_1495 : i32 to vector<16xi32>
        %eq3A_1497 = arith.cmpi eq, %get3A_1340, %eq3A_1496 : vector<16xi32>
        %sub3A_1498 = arith.constant 7.680000e+02 : f32
        %sub3A_1499 = vector.broadcast %sub3A_1498 : f32 to vector<16xf32>
        %sub3A_1500 = arith.subf %sub3A_1499, %mul3A_1494 : vector<16xf32>
        %select_n3A_1501 = arith.select %eq3A_1497, %sub3A_1500, %mul3A_1494 : vector<16xi1>, vector<16xf32>
        %convert_element_type3A_1502 = arith.fptosi %select_n3A_1501 : vector<16xf32> to vector<16xi32>
        %min3A_1503 = arith.constant 767 : i32
        %min3A_1504 = vector.broadcast %min3A_1503 : i32 to vector<16xi32>
        %min3A_1505 = arith.minsi %convert_element_type3A_1502, %min3A_1504 : vector<16xi32>
        %jit3A_1506 = arith.constant 2304 : i32
        %jit3A_1507 = arith.constant 1536 : i32
        %broadcast_in_dim3A_1508 = vector.broadcast %jit3A_1506 : i32 to vector<16xi32>
        %broadcast_in_dim3A_1509 = vector.broadcast %jit3A_1507 : i32 to vector<16xi32>
        %select_n3A_1510 = arith.select %eq3A_1497, %broadcast_in_dim3A_1508, %broadcast_in_dim3A_1509 : vector<16xi1>, vector<16xi32>
        %add3A_1511 = arith.addi %min3A_1505, %select_n3A_1510 : vector<16xi32>
        %add3A_1512 = arith.constant 1 : i32
        %add3A_1513 = vector.broadcast %add3A_1512 : i32 to vector<16xi32>
        %add3A_1514 = arith.addi %add3A_1472, %add3A_1513 : vector<16xi32>
        tpu.vector_store_idx %arg9[%add3A_1514], %add3A_1511 : memref<21504xi32, #tpu.memory_space<vmem>>[vector<16xi32>], vector<16xi32>,
        %mul3A_1515 = arith.mulf %exp3A_1355, %div3A_1468 : vector<16xf32>
        %eq3A_1516 = arith.constant 2 : i32
        %eq3A_1517 = vector.broadcast %eq3A_1516 : i32 to vector<16xi32>
        %eq3A_1518 = arith.cmpi eq, %get3A_1340, %eq3A_1517 : vector<16xi32>
        %sub3A_1519 = arith.constant 7.680000e+02 : f32
        %sub3A_1520 = vector.broadcast %sub3A_1519 : f32 to vector<16xf32>
        %sub3A_1521 = arith.subf %sub3A_1520, %mul3A_1515 : vector<16xf32>
        %select_n3A_1522 = arith.select %eq3A_1518, %sub3A_1521, %mul3A_1515 : vector<16xi1>, vector<16xf32>
        %convert_element_type3A_1523 = arith.fptosi %select_n3A_1522 : vector<16xf32> to vector<16xi32>
        %min3A_1524 = arith.constant 767 : i32
        %min3A_1525 = vector.broadcast %min3A_1524 : i32 to vector<16xi32>
        %min3A_1526 = arith.minsi %convert_element_type3A_1523, %min3A_1525 : vector<16xi32>
        %jit3A_1527 = arith.constant 3840 : i32
        %jit3A_1528 = arith.constant 3072 : i32
        %broadcast_in_dim3A_1529 = vector.broadcast %jit3A_1527 : i32 to vector<16xi32>
        %broadcast_in_dim3A_1530 = vector.broadcast %jit3A_1528 : i32 to vector<16xi32>
        %select_n3A_1531 = arith.select %eq3A_1518, %broadcast_in_dim3A_1529, %broadcast_in_dim3A_1530 : vector<16xi1>, vector<16xi32>
        %add3A_1532 = arith.addi %min3A_1526, %select_n3A_1531 : vector<16xi32>
        %add3A_1533 = arith.constant 2 : i32
        %add3A_1534 = vector.broadcast %add3A_1533 : i32 to vector<16xi32>
        %add3A_1535 = arith.addi %add3A_1472, %add3A_1534 : vector<16xi32>
        tpu.vector_store_idx %arg9[%add3A_1535], %add3A_1532 : memref<21504xi32, #tpu.memory_space<vmem>>[vector<16xi32>], vector<16xi32>,
        %mul3A_1536 = arith.mulf %exp3A_1360, %div3A_1468 : vector<16xf32>
        %eq3A_1537 = arith.constant 3 : i32
        %eq3A_1538 = vector.broadcast %eq3A_1537 : i32 to vector<16xi32>
        %eq3A_1539 = arith.cmpi eq, %get3A_1340, %eq3A_1538 : vector<16xi32>
        %sub3A_1540 = arith.constant 7.680000e+02 : f32
        %sub3A_1541 = vector.broadcast %sub3A_1540 : f32 to vector<16xf32>
        %sub3A_1542 = arith.subf %sub3A_1541, %mul3A_1536 : vector<16xf32>
        %select_n3A_1543 = arith.select %eq3A_1539, %sub3A_1542, %mul3A_1536 : vector<16xi1>, vector<16xf32>
        %convert_element_type3A_1544 = arith.fptosi %select_n3A_1543 : vector<16xf32> to vector<16xi32>
        %min3A_1545 = arith.constant 767 : i32
        %min3A_1546 = vector.broadcast %min3A_1545 : i32 to vector<16xi32>
        %min3A_1547 = arith.minsi %convert_element_type3A_1544, %min3A_1546 : vector<16xi32>
        %jit3A_1548 = arith.constant 5376 : i32
        %jit3A_1549 = arith.constant 4608 : i32
        %broadcast_in_dim3A_1550 = vector.broadcast %jit3A_1548 : i32 to vector<16xi32>
        %broadcast_in_dim3A_1551 = vector.broadcast %jit3A_1549 : i32 to vector<16xi32>
        %select_n3A_1552 = arith.select %eq3A_1539, %broadcast_in_dim3A_1550, %broadcast_in_dim3A_1551 : vector<16xi1>, vector<16xi32>
        %add3A_1553 = arith.addi %min3A_1547, %select_n3A_1552 : vector<16xi32>
        %add3A_1554 = arith.constant 3 : i32
        %add3A_1555 = vector.broadcast %add3A_1554 : i32 to vector<16xi32>
        %add3A_1556 = arith.addi %add3A_1472, %add3A_1555 : vector<16xi32>
        tpu.vector_store_idx %arg9[%add3A_1556], %add3A_1553 : memref<21504xi32, #tpu.memory_space<vmem>>[vector<16xi32>], vector<16xi32>,
        %mul3A_1557 = arith.mulf %exp3A_1365, %div3A_1468 : vector<16xf32>
        %eq3A_1558 = arith.constant 4 : i32
        %eq3A_1559 = vector.broadcast %eq3A_1558 : i32 to vector<16xi32>
        %eq3A_1560 = arith.cmpi eq, %get3A_1340, %eq3A_1559 : vector<16xi32>
        %sub3A_1561 = arith.constant 7.680000e+02 : f32
        %sub3A_1562 = vector.broadcast %sub3A_1561 : f32 to vector<16xf32>
        %sub3A_1563 = arith.subf %sub3A_1562, %mul3A_1557 : vector<16xf32>
        %select_n3A_1564 = arith.select %eq3A_1560, %sub3A_1563, %mul3A_1557 : vector<16xi1>, vector<16xf32>
        %convert_element_type3A_1565 = arith.fptosi %select_n3A_1564 : vector<16xf32> to vector<16xi32>
        %min3A_1566 = arith.constant 767 : i32
        %min3A_1567 = vector.broadcast %min3A_1566 : i32 to vector<16xi32>
        %min3A_1568 = arith.minsi %convert_element_type3A_1565, %min3A_1567 : vector<16xi32>
        %jit3A_1569 = arith.constant 6912 : i32
        %jit3A_1570 = arith.constant 6144 : i32
        %broadcast_in_dim3A_1571 = vector.broadcast %jit3A_1569 : i32 to vector<16xi32>
        %broadcast_in_dim3A_1572 = vector.broadcast %jit3A_1570 : i32 to vector<16xi32>
        %select_n3A_1573 = arith.select %eq3A_1560, %broadcast_in_dim3A_1571, %broadcast_in_dim3A_1572 : vector<16xi1>, vector<16xi32>
        %add3A_1574 = arith.addi %min3A_1568, %select_n3A_1573 : vector<16xi32>
        %add3A_1575 = arith.constant 4 : i32
        %add3A_1576 = vector.broadcast %add3A_1575 : i32 to vector<16xi32>
        %add3A_1577 = arith.addi %add3A_1472, %add3A_1576 : vector<16xi32>
        tpu.vector_store_idx %arg9[%add3A_1577], %add3A_1574 : memref<21504xi32, #tpu.memory_space<vmem>>[vector<16xi32>], vector<16xi32>,
        %mul3A_1578 = arith.mulf %exp3A_1370, %div3A_1468 : vector<16xf32>
        %eq3A_1579 = arith.constant 5 : i32
        %eq3A_1580 = vector.broadcast %eq3A_1579 : i32 to vector<16xi32>
        %eq3A_1581 = arith.cmpi eq, %get3A_1340, %eq3A_1580 : vector<16xi32>
        %sub3A_1582 = arith.constant 7.680000e+02 : f32
        %sub3A_1583 = vector.broadcast %sub3A_1582 : f32 to vector<16xf32>
        %sub3A_1584 = arith.subf %sub3A_1583, %mul3A_1578 : vector<16xf32>
        %select_n3A_1585 = arith.select %eq3A_1581, %sub3A_1584, %mul3A_1578 : vector<16xi1>, vector<16xf32>
        %convert_element_type3A_1586 = arith.fptosi %select_n3A_1585 : vector<16xf32> to vector<16xi32>
        %min3A_1587 = arith.constant 767 : i32
        %min3A_1588 = vector.broadcast %min3A_1587 : i32 to vector<16xi32>
        %min3A_1589 = arith.minsi %convert_element_type3A_1586, %min3A_1588 : vector<16xi32>
        %jit3A_1590 = arith.constant 8448 : i32
        %jit3A_1591 = arith.constant 7680 : i32
        %broadcast_in_dim3A_1592 = vector.broadcast %jit3A_1590 : i32 to vector<16xi32>
        %broadcast_in_dim3A_1593 = vector.broadcast %jit3A_1591 : i32 to vector<16xi32>
        %select_n3A_1594 = arith.select %eq3A_1581, %broadcast_in_dim3A_1592, %broadcast_in_dim3A_1593 : vector<16xi1>, vector<16xi32>
        %add3A_1595 = arith.addi %min3A_1589, %select_n3A_1594 : vector<16xi32>
        %add3A_1596 = arith.constant 5 : i32
        %add3A_1597 = vector.broadcast %add3A_1596 : i32 to vector<16xi32>
        %add3A_1598 = arith.addi %add3A_1472, %add3A_1597 : vector<16xi32>
        tpu.vector_store_idx %arg9[%add3A_1598], %add3A_1595 : memref<21504xi32, #tpu.memory_space<vmem>>[vector<16xi32>], vector<16xi32>,
        %mul3A_1599 = arith.mulf %exp3A_1375, %div3A_1468 : vector<16xf32>
        %eq3A_1600 = arith.constant 6 : i32
        %eq3A_1601 = vector.broadcast %eq3A_1600 : i32 to vector<16xi32>
        %eq3A_1602 = arith.cmpi eq, %get3A_1340, %eq3A_1601 : vector<16xi32>
        %sub3A_1603 = arith.constant 7.680000e+02 : f32
        %sub3A_1604 = vector.broadcast %sub3A_1603 : f32 to vector<16xf32>
        %sub3A_1605 = arith.subf %sub3A_1604, %mul3A_1599 : vector<16xf32>
        %select_n3A_1606 = arith.select %eq3A_1602, %sub3A_1605, %mul3A_1599 : vector<16xi1>, vector<16xf32>
        %convert_element_type3A_1607 = arith.fptosi %select_n3A_1606 : vector<16xf32> to vector<16xi32>
        %min3A_1608 = arith.constant 767 : i32
        %min3A_1609 = vector.broadcast %min3A_1608 : i32 to vector<16xi32>
        %min3A_1610 = arith.minsi %convert_element_type3A_1607, %min3A_1609 : vector<16xi32>
        %jit3A_1611 = arith.constant 9984 : i32
        %jit3A_1612 = arith.constant 9216 : i32
        %broadcast_in_dim3A_1613 = vector.broadcast %jit3A_1611 : i32 to vector<16xi32>
        %broadcast_in_dim3A_1614 = vector.broadcast %jit3A_1612 : i32 to vector<16xi32>
        %select_n3A_1615 = arith.select %eq3A_1602, %broadcast_in_dim3A_1613, %broadcast_in_dim3A_1614 : vector<16xi1>, vector<16xi32>
        %add3A_1616 = arith.addi %min3A_1610, %select_n3A_1615 : vector<16xi32>
        %add3A_1617 = arith.constant 6 : i32
        %add3A_1618 = vector.broadcast %add3A_1617 : i32 to vector<16xi32>
        %add3A_1619 = arith.addi %add3A_1472, %add3A_1618 : vector<16xi32>
        tpu.vector_store_idx %arg9[%add3A_1619], %add3A_1616 : memref<21504xi32, #tpu.memory_space<vmem>>[vector<16xi32>], vector<16xi32>,
        %mul3A_1620 = arith.mulf %exp3A_1380, %div3A_1468 : vector<16xf32>
        %eq3A_1621 = arith.constant 7 : i32
        %eq3A_1622 = vector.broadcast %eq3A_1621 : i32 to vector<16xi32>
        %eq3A_1623 = arith.cmpi eq, %get3A_1340, %eq3A_1622 : vector<16xi32>
        %sub3A_1624 = arith.constant 7.680000e+02 : f32
        %sub3A_1625 = vector.broadcast %sub3A_1624 : f32 to vector<16xf32>
        %sub3A_1626 = arith.subf %sub3A_1625, %mul3A_1620 : vector<16xf32>
        %select_n3A_1627 = arith.select %eq3A_1623, %sub3A_1626, %mul3A_1620 : vector<16xi1>, vector<16xf32>
        %convert_element_type3A_1628 = arith.fptosi %select_n3A_1627 : vector<16xf32> to vector<16xi32>
        %min3A_1629 = arith.constant 767 : i32
        %min3A_1630 = vector.broadcast %min3A_1629 : i32 to vector<16xi32>
        %min3A_1631 = arith.minsi %convert_element_type3A_1628, %min3A_1630 : vector<16xi32>
        %jit3A_1632 = arith.constant 11520 : i32
        %jit3A_1633 = arith.constant 10752 : i32
        %broadcast_in_dim3A_1634 = vector.broadcast %jit3A_1632 : i32 to vector<16xi32>
        %broadcast_in_dim3A_1635 = vector.broadcast %jit3A_1633 : i32 to vector<16xi32>
        %select_n3A_1636 = arith.select %eq3A_1623, %broadcast_in_dim3A_1634, %broadcast_in_dim3A_1635 : vector<16xi1>, vector<16xi32>
        %add3A_1637 = arith.addi %min3A_1631, %select_n3A_1636 : vector<16xi32>
        %add3A_1638 = arith.constant 7 : i32
        %add3A_1639 = vector.broadcast %add3A_1638 : i32 to vector<16xi32>
        %add3A_1640 = arith.addi %add3A_1472, %add3A_1639 : vector<16xi32>
        tpu.vector_store_idx %arg9[%add3A_1640], %add3A_1637 : memref<21504xi32, #tpu.memory_space<vmem>>[vector<16xi32>], vector<16xi32>,
        %mul3A_1641 = arith.mulf %exp3A_1385, %div3A_1468 : vector<16xf32>
        %eq3A_1642 = arith.constant 8 : i32
        %eq3A_1643 = vector.broadcast %eq3A_1642 : i32 to vector<16xi32>
        %eq3A_1644 = arith.cmpi eq, %get3A_1340, %eq3A_1643 : vector<16xi32>
        %sub3A_1645 = arith.constant 7.680000e+02 : f32
        %sub3A_1646 = vector.broadcast %sub3A_1645 : f32 to vector<16xf32>
        %sub3A_1647 = arith.subf %sub3A_1646, %mul3A_1641 : vector<16xf32>
        %select_n3A_1648 = arith.select %eq3A_1644, %sub3A_1647, %mul3A_1641 : vector<16xi1>, vector<16xf32>
        %convert_element_type3A_1649 = arith.fptosi %select_n3A_1648 : vector<16xf32> to vector<16xi32>
        %min3A_1650 = arith.constant 767 : i32
        %min3A_1651 = vector.broadcast %min3A_1650 : i32 to vector<16xi32>
        %min3A_1652 = arith.minsi %convert_element_type3A_1649, %min3A_1651 : vector<16xi32>
        %jit3A_1653 = arith.constant 13056 : i32
        %jit3A_1654 = arith.constant 12288 : i32
        %broadcast_in_dim3A_1655 = vector.broadcast %jit3A_1653 : i32 to vector<16xi32>
        %broadcast_in_dim3A_1656 = vector.broadcast %jit3A_1654 : i32 to vector<16xi32>
        %select_n3A_1657 = arith.select %eq3A_1644, %broadcast_in_dim3A_1655, %broadcast_in_dim3A_1656 : vector<16xi1>, vector<16xi32>
        %add3A_1658 = arith.addi %min3A_1652, %select_n3A_1657 : vector<16xi32>
        %add3A_1659 = arith.constant 8 : i32
        %add3A_1660 = vector.broadcast %add3A_1659 : i32 to vector<16xi32>
        %add3A_1661 = arith.addi %add3A_1472, %add3A_1660 : vector<16xi32>
        tpu.vector_store_idx %arg9[%add3A_1661], %add3A_1658 : memref<21504xi32, #tpu.memory_space<vmem>>[vector<16xi32>], vector<16xi32>,
        %mul3A_1662 = arith.mulf %exp3A_1390, %div3A_1468 : vector<16xf32>
        %eq3A_1663 = arith.constant 9 : i32
        %eq3A_1664 = vector.broadcast %eq3A_1663 : i32 to vector<16xi32>
        %eq3A_1665 = arith.cmpi eq, %get3A_1340, %eq3A_1664 : vector<16xi32>
        %sub3A_1666 = arith.constant 7.680000e+02 : f32
        %sub3A_1667 = vector.broadcast %sub3A_1666 : f32 to vector<16xf32>
        %sub3A_1668 = arith.subf %sub3A_1667, %mul3A_1662 : vector<16xf32>
        %select_n3A_1669 = arith.select %eq3A_1665, %sub3A_1668, %mul3A_1662 : vector<16xi1>, vector<16xf32>
        %convert_element_type3A_1670 = arith.fptosi %select_n3A_1669 : vector<16xf32> to vector<16xi32>
        %min3A_1671 = arith.constant 767 : i32
        %min3A_1672 = vector.broadcast %min3A_1671 : i32 to vector<16xi32>
        %min3A_1673 = arith.minsi %convert_element_type3A_1670, %min3A_1672 : vector<16xi32>
        %jit3A_1674 = arith.constant 14592 : i32
        %jit3A_1675 = arith.constant 13824 : i32
        %broadcast_in_dim3A_1676 = vector.broadcast %jit3A_1674 : i32 to vector<16xi32>
        %broadcast_in_dim3A_1677 = vector.broadcast %jit3A_1675 : i32 to vector<16xi32>
        %select_n3A_1678 = arith.select %eq3A_1665, %broadcast_in_dim3A_1676, %broadcast_in_dim3A_1677 : vector<16xi1>, vector<16xi32>
        %add3A_1679 = arith.addi %min3A_1673, %select_n3A_1678 : vector<16xi32>
        %add3A_1680 = arith.constant 9 : i32
        %add3A_1681 = vector.broadcast %add3A_1680 : i32 to vector<16xi32>
        %add3A_1682 = arith.addi %add3A_1472, %add3A_1681 : vector<16xi32>
        tpu.vector_store_idx %arg9[%add3A_1682], %add3A_1679 : memref<21504xi32, #tpu.memory_space<vmem>>[vector<16xi32>], vector<16xi32>,
        %mul3A_1683 = arith.mulf %exp3A_1395, %div3A_1468 : vector<16xf32>
        %eq3A_1684 = arith.constant 10 : i32
        %eq3A_1685 = vector.broadcast %eq3A_1684 : i32 to vector<16xi32>
        %eq3A_1686 = arith.cmpi eq, %get3A_1340, %eq3A_1685 : vector<16xi32>
        %sub3A_1687 = arith.constant 7.680000e+02 : f32
        %sub3A_1688 = vector.broadcast %sub3A_1687 : f32 to vector<16xf32>
        %sub3A_1689 = arith.subf %sub3A_1688, %mul3A_1683 : vector<16xf32>
        %select_n3A_1690 = arith.select %eq3A_1686, %sub3A_1689, %mul3A_1683 : vector<16xi1>, vector<16xf32>
        %convert_element_type3A_1691 = arith.fptosi %select_n3A_1690 : vector<16xf32> to vector<16xi32>
        %min3A_1692 = arith.constant 767 : i32
        %min3A_1693 = vector.broadcast %min3A_1692 : i32 to vector<16xi32>
        %min3A_1694 = arith.minsi %convert_element_type3A_1691, %min3A_1693 : vector<16xi32>
        %jit3A_1695 = arith.constant 16128 : i32
        %jit3A_1696 = arith.constant 15360 : i32
        %broadcast_in_dim3A_1697 = vector.broadcast %jit3A_1695 : i32 to vector<16xi32>
        %broadcast_in_dim3A_1698 = vector.broadcast %jit3A_1696 : i32 to vector<16xi32>
        %select_n3A_1699 = arith.select %eq3A_1686, %broadcast_in_dim3A_1697, %broadcast_in_dim3A_1698 : vector<16xi1>, vector<16xi32>
        %add3A_1700 = arith.addi %min3A_1694, %select_n3A_1699 : vector<16xi32>
        %add3A_1701 = arith.constant 10 : i32
        %add3A_1702 = vector.broadcast %add3A_1701 : i32 to vector<16xi32>
        %add3A_1703 = arith.addi %add3A_1472, %add3A_1702 : vector<16xi32>
        tpu.vector_store_idx %arg9[%add3A_1703], %add3A_1700 : memref<21504xi32, #tpu.memory_space<vmem>>[vector<16xi32>], vector<16xi32>,
        %mul3A_1704 = arith.mulf %exp3A_1400, %div3A_1468 : vector<16xf32>
        %eq3A_1705 = arith.constant 11 : i32
        %eq3A_1706 = vector.broadcast %eq3A_1705 : i32 to vector<16xi32>
        %eq3A_1707 = arith.cmpi eq, %get3A_1340, %eq3A_1706 : vector<16xi32>
        %sub3A_1708 = arith.constant 7.680000e+02 : f32
        %sub3A_1709 = vector.broadcast %sub3A_1708 : f32 to vector<16xf32>
        %sub3A_1710 = arith.subf %sub3A_1709, %mul3A_1704 : vector<16xf32>
        %select_n3A_1711 = arith.select %eq3A_1707, %sub3A_1710, %mul3A_1704 : vector<16xi1>, vector<16xf32>
        %convert_element_type3A_1712 = arith.fptosi %select_n3A_1711 : vector<16xf32> to vector<16xi32>
        %min3A_1713 = arith.constant 767 : i32
        %min3A_1714 = vector.broadcast %min3A_1713 : i32 to vector<16xi32>
        %min3A_1715 = arith.minsi %convert_element_type3A_1712, %min3A_1714 : vector<16xi32>
        %jit3A_1716 = arith.constant 17664 : i32
        %jit3A_1717 = arith.constant 16896 : i32
        %broadcast_in_dim3A_1718 = vector.broadcast %jit3A_1716 : i32 to vector<16xi32>
        %broadcast_in_dim3A_1719 = vector.broadcast %jit3A_1717 : i32 to vector<16xi32>
        %select_n3A_1720 = arith.select %eq3A_1707, %broadcast_in_dim3A_1718, %broadcast_in_dim3A_1719 : vector<16xi1>, vector<16xi32>
        %add3A_1721 = arith.addi %min3A_1715, %select_n3A_1720 : vector<16xi32>
        %add3A_1722 = arith.constant 11 : i32
        %add3A_1723 = vector.broadcast %add3A_1722 : i32 to vector<16xi32>
        %add3A_1724 = arith.addi %add3A_1472, %add3A_1723 : vector<16xi32>
        tpu.vector_store_idx %arg9[%add3A_1724], %add3A_1721 : memref<21504xi32, #tpu.memory_space<vmem>>[vector<16xi32>], vector<16xi32>,
        %mul3A_1725 = arith.mulf %exp3A_1405, %div3A_1468 : vector<16xf32>
        %eq3A_1726 = arith.constant 12 : i32
        %eq3A_1727 = vector.broadcast %eq3A_1726 : i32 to vector<16xi32>
        %eq3A_1728 = arith.cmpi eq, %get3A_1340, %eq3A_1727 : vector<16xi32>
        %sub3A_1729 = arith.constant 7.680000e+02 : f32
        %sub3A_1730 = vector.broadcast %sub3A_1729 : f32 to vector<16xf32>
        %sub3A_1731 = arith.subf %sub3A_1730, %mul3A_1725 : vector<16xf32>
        %select_n3A_1732 = arith.select %eq3A_1728, %sub3A_1731, %mul3A_1725 : vector<16xi1>, vector<16xf32>
        %convert_element_type3A_1733 = arith.fptosi %select_n3A_1732 : vector<16xf32> to vector<16xi32>
        %min3A_1734 = arith.constant 767 : i32
        %min3A_1735 = vector.broadcast %min3A_1734 : i32 to vector<16xi32>
        %min3A_1736 = arith.minsi %convert_element_type3A_1733, %min3A_1735 : vector<16xi32>
        %jit3A_1737 = arith.constant 19200 : i32
        %jit3A_1738 = arith.constant 18432 : i32
        %broadcast_in_dim3A_1739 = vector.broadcast %jit3A_1737 : i32 to vector<16xi32>
        %broadcast_in_dim3A_1740 = vector.broadcast %jit3A_1738 : i32 to vector<16xi32>
        %select_n3A_1741 = arith.select %eq3A_1728, %broadcast_in_dim3A_1739, %broadcast_in_dim3A_1740 : vector<16xi1>, vector<16xi32>
        %add3A_1742 = arith.addi %min3A_1736, %select_n3A_1741 : vector<16xi32>
        %add3A_1743 = arith.constant 12 : i32
        %add3A_1744 = vector.broadcast %add3A_1743 : i32 to vector<16xi32>
        %add3A_1745 = arith.addi %add3A_1472, %add3A_1744 : vector<16xi32>
        tpu.vector_store_idx %arg9[%add3A_1745], %add3A_1742 : memref<21504xi32, #tpu.memory_space<vmem>>[vector<16xi32>], vector<16xi32>,
        %mul3A_1746 = arith.mulf %exp3A_1410, %div3A_1468 : vector<16xf32>
        %eq3A_1747 = arith.constant 13 : i32
        %eq3A_1748 = vector.broadcast %eq3A_1747 : i32 to vector<16xi32>
        %eq3A_1749 = arith.cmpi eq, %get3A_1340, %eq3A_1748 : vector<16xi32>
        %sub3A_1750 = arith.constant 7.680000e+02 : f32
        %sub3A_1751 = vector.broadcast %sub3A_1750 : f32 to vector<16xf32>
        %sub3A_1752 = arith.subf %sub3A_1751, %mul3A_1746 : vector<16xf32>
        %select_n3A_1753 = arith.select %eq3A_1749, %sub3A_1752, %mul3A_1746 : vector<16xi1>, vector<16xf32>
        %convert_element_type3A_1754 = arith.fptosi %select_n3A_1753 : vector<16xf32> to vector<16xi32>
        %min3A_1755 = arith.constant 767 : i32
        %min3A_1756 = vector.broadcast %min3A_1755 : i32 to vector<16xi32>
        %min3A_1757 = arith.minsi %convert_element_type3A_1754, %min3A_1756 : vector<16xi32>
        %jit3A_1758 = arith.constant 20736 : i32
        %jit3A_1759 = arith.constant 19968 : i32
        %broadcast_in_dim3A_1760 = vector.broadcast %jit3A_1758 : i32 to vector<16xi32>
        %broadcast_in_dim3A_1761 = vector.broadcast %jit3A_1759 : i32 to vector<16xi32>
        %select_n3A_1762 = arith.select %eq3A_1749, %broadcast_in_dim3A_1760, %broadcast_in_dim3A_1761 : vector<16xi1>, vector<16xi32>
        %add3A_1763 = arith.addi %min3A_1757, %select_n3A_1762 : vector<16xi32>
        %add3A_1764 = arith.constant 13 : i32
        %add3A_1765 = vector.broadcast %add3A_1764 : i32 to vector<16xi32>
        %add3A_1766 = arith.addi %add3A_1472, %add3A_1765 : vector<16xi32>
        tpu.vector_store_idx %arg9[%add3A_1766], %add3A_1763 : memref<21504xi32, #tpu.memory_space<vmem>>[vector<16xi32>], vector<16xi32>,
        %mul3A_1767 = arith.mulf %exp3A_1415, %div3A_1468 : vector<16xf32>
        %eq3A_1768 = arith.constant 14 : i32
        %eq3A_1769 = vector.broadcast %eq3A_1768 : i32 to vector<16xi32>
        %eq3A_1770 = arith.cmpi eq, %get3A_1340, %eq3A_1769 : vector<16xi32>
        %sub3A_1771 = arith.constant 7.680000e+02 : f32
        %sub3A_1772 = vector.broadcast %sub3A_1771 : f32 to vector<16xf32>
        %sub3A_1773 = arith.subf %sub3A_1772, %mul3A_1767 : vector<16xf32>
        %select_n3A_1774 = arith.select %eq3A_1770, %sub3A_1773, %mul3A_1767 : vector<16xi1>, vector<16xf32>
        %convert_element_type3A_1775 = arith.fptosi %select_n3A_1774 : vector<16xf32> to vector<16xi32>
        %min3A_1776 = arith.constant 767 : i32
        %min3A_1777 = vector.broadcast %min3A_1776 : i32 to vector<16xi32>
        %min3A_1778 = arith.minsi %convert_element_type3A_1775, %min3A_1777 : vector<16xi32>
        %jit3A_1779 = arith.constant 22272 : i32
        %jit3A_1780 = arith.constant 21504 : i32
        %broadcast_in_dim3A_1781 = vector.broadcast %jit3A_1779 : i32 to vector<16xi32>
        %broadcast_in_dim3A_1782 = vector.broadcast %jit3A_1780 : i32 to vector<16xi32>
        %select_n3A_1783 = arith.select %eq3A_1770, %broadcast_in_dim3A_1781, %broadcast_in_dim3A_1782 : vector<16xi1>, vector<16xi32>
        %add3A_1784 = arith.addi %min3A_1778, %select_n3A_1783 : vector<16xi32>
        %add3A_1785 = arith.constant 14 : i32
        %add3A_1786 = vector.broadcast %add3A_1785 : i32 to vector<16xi32>
        %add3A_1787 = arith.addi %add3A_1472, %add3A_1786 : vector<16xi32>
        tpu.vector_store_idx %arg9[%add3A_1787], %add3A_1784 : memref<21504xi32, #tpu.memory_space<vmem>>[vector<16xi32>], vector<16xi32>,
        %mul3A_1788 = arith.mulf %exp3A_1420, %div3A_1468 : vector<16xf32>
        %eq3A_1789 = arith.constant 15 : i32
        %eq3A_1790 = vector.broadcast %eq3A_1789 : i32 to vector<16xi32>
        %eq3A_1791 = arith.cmpi eq, %get3A_1340, %eq3A_1790 : vector<16xi32>
        %sub3A_1792 = arith.constant 7.680000e+02 : f32
        %sub3A_1793 = vector.broadcast %sub3A_1792 : f32 to vector<16xf32>
        %sub3A_1794 = arith.subf %sub3A_1793, %mul3A_1788 : vector<16xf32>
        %select_n3A_1795 = arith.select %eq3A_1791, %sub3A_1794, %mul3A_1788 : vector<16xi1>, vector<16xf32>
        %convert_element_type3A_1796 = arith.fptosi %select_n3A_1795 : vector<16xf32> to vector<16xi32>
        %min3A_1797 = arith.constant 767 : i32
        %min3A_1798 = vector.broadcast %min3A_1797 : i32 to vector<16xi32>
        %min3A_1799 = arith.minsi %convert_element_type3A_1796, %min3A_1798 : vector<16xi32>
        %jit3A_1800 = arith.constant 23808 : i32
        %jit3A_1801 = arith.constant 23040 : i32
        %broadcast_in_dim3A_1802 = vector.broadcast %jit3A_1800 : i32 to vector<16xi32>
        %broadcast_in_dim3A_1803 = vector.broadcast %jit3A_1801 : i32 to vector<16xi32>
        %select_n3A_1804 = arith.select %eq3A_1791, %broadcast_in_dim3A_1802, %broadcast_in_dim3A_1803 : vector<16xi1>, vector<16xi32>
        %add3A_1805 = arith.addi %min3A_1799, %select_n3A_1804 : vector<16xi32>
        %add3A_1806 = arith.constant 15 : i32
        %add3A_1807 = vector.broadcast %add3A_1806 : i32 to vector<16xi32>
        %add3A_1808 = arith.addi %add3A_1472, %add3A_1807 : vector<16xi32>
        tpu.vector_store_idx %arg9[%add3A_1808], %add3A_1805 : memref<21504xi32, #tpu.memory_space<vmem>>[vector<16xi32>], vector<16xi32>,
        %mul3A_1809 = arith.mulf %exp3A_1425, %div3A_1468 : vector<16xf32>
        %eq3A_1810 = arith.constant 16 : i32
        %eq3A_1811 = vector.broadcast %eq3A_1810 : i32 to vector<16xi32>
        %eq3A_1812 = arith.cmpi eq, %get3A_1340, %eq3A_1811 : vector<16xi32>
        %sub3A_1813 = arith.constant 7.680000e+02 : f32
        %sub3A_1814 = vector.broadcast %sub3A_1813 : f32 to vector<16xf32>
        %sub3A_1815 = arith.subf %sub3A_1814, %mul3A_1809 : vector<16xf32>
        %select_n3A_1816 = arith.select %eq3A_1812, %sub3A_1815, %mul3A_1809 : vector<16xi1>, vector<16xf32>
        %convert_element_type3A_1817 = arith.fptosi %select_n3A_1816 : vector<16xf32> to vector<16xi32>
        %min3A_1818 = arith.constant 767 : i32
        %min3A_1819 = vector.broadcast %min3A_1818 : i32 to vector<16xi32>
        %min3A_1820 = arith.minsi %convert_element_type3A_1817, %min3A_1819 : vector<16xi32>
        %jit3A_1821 = arith.constant 25344 : i32
        %jit3A_1822 = arith.constant 24576 : i32
        %broadcast_in_dim3A_1823 = vector.broadcast %jit3A_1821 : i32 to vector<16xi32>
        %broadcast_in_dim3A_1824 = vector.broadcast %jit3A_1822 : i32 to vector<16xi32>
        %select_n3A_1825 = arith.select %eq3A_1812, %broadcast_in_dim3A_1823, %broadcast_in_dim3A_1824 : vector<16xi1>, vector<16xi32>
        %add3A_1826 = arith.addi %min3A_1820, %select_n3A_1825 : vector<16xi32>
        %add3A_1827 = arith.constant 16 : i32
        %add3A_1828 = vector.broadcast %add3A_1827 : i32 to vector<16xi32>
        %add3A_1829 = arith.addi %add3A_1472, %add3A_1828 : vector<16xi32>
        tpu.vector_store_idx %arg9[%add3A_1829], %add3A_1826 : memref<21504xi32, #tpu.memory_space<vmem>>[vector<16xi32>], vector<16xi32>,
        %mul3A_1830 = arith.mulf %exp3A_1430, %div3A_1468 : vector<16xf32>
        %eq3A_1831 = arith.constant 17 : i32
        %eq3A_1832 = vector.broadcast %eq3A_1831 : i32 to vector<16xi32>
        %eq3A_1833 = arith.cmpi eq, %get3A_1340, %eq3A_1832 : vector<16xi32>
        %sub3A_1834 = arith.constant 7.680000e+02 : f32
        %sub3A_1835 = vector.broadcast %sub3A_1834 : f32 to vector<16xf32>
        %sub3A_1836 = arith.subf %sub3A_1835, %mul3A_1830 : vector<16xf32>
        %select_n3A_1837 = arith.select %eq3A_1833, %sub3A_1836, %mul3A_1830 : vector<16xi1>, vector<16xf32>
        %convert_element_type3A_1838 = arith.fptosi %select_n3A_1837 : vector<16xf32> to vector<16xi32>
        %min3A_1839 = arith.constant 767 : i32
        %min3A_1840 = vector.broadcast %min3A_1839 : i32 to vector<16xi32>
        %min3A_1841 = arith.minsi %convert_element_type3A_1838, %min3A_1840 : vector<16xi32>
        %jit3A_1842 = arith.constant 26880 : i32
        %jit3A_1843 = arith.constant 26112 : i32
        %broadcast_in_dim3A_1844 = vector.broadcast %jit3A_1842 : i32 to vector<16xi32>
        %broadcast_in_dim3A_1845 = vector.broadcast %jit3A_1843 : i32 to vector<16xi32>
        %select_n3A_1846 = arith.select %eq3A_1833, %broadcast_in_dim3A_1844, %broadcast_in_dim3A_1845 : vector<16xi1>, vector<16xi32>
        %add3A_1847 = arith.addi %min3A_1841, %select_n3A_1846 : vector<16xi32>
        %add3A_1848 = arith.constant 17 : i32
        %add3A_1849 = vector.broadcast %add3A_1848 : i32 to vector<16xi32>
        %add3A_1850 = arith.addi %add3A_1472, %add3A_1849 : vector<16xi32>
        tpu.vector_store_idx %arg9[%add3A_1850], %add3A_1847 : memref<21504xi32, #tpu.memory_space<vmem>>[vector<16xi32>], vector<16xi32>,
        %mul3A_1851 = arith.mulf %exp3A_1435, %div3A_1468 : vector<16xf32>
        %eq3A_1852 = arith.constant 18 : i32
        %eq3A_1853 = vector.broadcast %eq3A_1852 : i32 to vector<16xi32>
        %eq3A_1854 = arith.cmpi eq, %get3A_1340, %eq3A_1853 : vector<16xi32>
        %sub3A_1855 = arith.constant 7.680000e+02 : f32
        %sub3A_1856 = vector.broadcast %sub3A_1855 : f32 to vector<16xf32>
        %sub3A_1857 = arith.subf %sub3A_1856, %mul3A_1851 : vector<16xf32>
        %select_n3A_1858 = arith.select %eq3A_1854, %sub3A_1857, %mul3A_1851 : vector<16xi1>, vector<16xf32>
        %convert_element_type3A_1859 = arith.fptosi %select_n3A_1858 : vector<16xf32> to vector<16xi32>
        %min3A_1860 = arith.constant 767 : i32
        %min3A_1861 = vector.broadcast %min3A_1860 : i32 to vector<16xi32>
        %min3A_1862 = arith.minsi %convert_element_type3A_1859, %min3A_1861 : vector<16xi32>
        %jit3A_1863 = arith.constant 28416 : i32
        %jit3A_1864 = arith.constant 27648 : i32
        %broadcast_in_dim3A_1865 = vector.broadcast %jit3A_1863 : i32 to vector<16xi32>
        %broadcast_in_dim3A_1866 = vector.broadcast %jit3A_1864 : i32 to vector<16xi32>
        %select_n3A_1867 = arith.select %eq3A_1854, %broadcast_in_dim3A_1865, %broadcast_in_dim3A_1866 : vector<16xi1>, vector<16xi32>
        %add3A_1868 = arith.addi %min3A_1862, %select_n3A_1867 : vector<16xi32>
        %add3A_1869 = arith.constant 18 : i32
        %add3A_1870 = vector.broadcast %add3A_1869 : i32 to vector<16xi32>
        %add3A_1871 = arith.addi %add3A_1472, %add3A_1870 : vector<16xi32>
        tpu.vector_store_idx %arg9[%add3A_1871], %add3A_1868 : memref<21504xi32, #tpu.memory_space<vmem>>[vector<16xi32>], vector<16xi32>,
        %mul3A_1872 = arith.mulf %exp3A_1440, %div3A_1468 : vector<16xf32>
        %eq3A_1873 = arith.constant 19 : i32
        %eq3A_1874 = vector.broadcast %eq3A_1873 : i32 to vector<16xi32>
        %eq3A_1875 = arith.cmpi eq, %get3A_1340, %eq3A_1874 : vector<16xi32>
        %sub3A_1876 = arith.constant 7.680000e+02 : f32
        %sub3A_1877 = vector.broadcast %sub3A_1876 : f32 to vector<16xf32>
        %sub3A_1878 = arith.subf %sub3A_1877, %mul3A_1872 : vector<16xf32>
        %select_n3A_1879 = arith.select %eq3A_1875, %sub3A_1878, %mul3A_1872 : vector<16xi1>, vector<16xf32>
        %convert_element_type3A_1880 = arith.fptosi %select_n3A_1879 : vector<16xf32> to vector<16xi32>
        %min3A_1881 = arith.constant 767 : i32
        %min3A_1882 = vector.broadcast %min3A_1881 : i32 to vector<16xi32>
        %min3A_1883 = arith.minsi %convert_element_type3A_1880, %min3A_1882 : vector<16xi32>
        %jit3A_1884 = arith.constant 29952 : i32
        %jit3A_1885 = arith.constant 29184 : i32
        %broadcast_in_dim3A_1886 = vector.broadcast %jit3A_1884 : i32 to vector<16xi32>
        %broadcast_in_dim3A_1887 = vector.broadcast %jit3A_1885 : i32 to vector<16xi32>
        %select_n3A_1888 = arith.select %eq3A_1875, %broadcast_in_dim3A_1886, %broadcast_in_dim3A_1887 : vector<16xi1>, vector<16xi32>
        %add3A_1889 = arith.addi %min3A_1883, %select_n3A_1888 : vector<16xi32>
        %add3A_1890 = arith.constant 19 : i32
        %add3A_1891 = vector.broadcast %add3A_1890 : i32 to vector<16xi32>
        %add3A_1892 = arith.addi %add3A_1472, %add3A_1891 : vector<16xi32>
        tpu.vector_store_idx %arg9[%add3A_1892], %add3A_1889 : memref<21504xi32, #tpu.memory_space<vmem>>[vector<16xi32>], vector<16xi32>,
        %mul3A_1893 = arith.mulf %exp3A_1445, %div3A_1468 : vector<16xf32>
        %eq3A_1894 = arith.constant 20 : i32
        %eq3A_1895 = vector.broadcast %eq3A_1894 : i32 to vector<16xi32>
        %eq3A_1896 = arith.cmpi eq, %get3A_1340, %eq3A_1895 : vector<16xi32>
        %sub3A_1897 = arith.constant 7.680000e+02 : f32
        %sub3A_1898 = vector.broadcast %sub3A_1897 : f32 to vector<16xf32>
        %sub3A_1899 = arith.subf %sub3A_1898, %mul3A_1893 : vector<16xf32>
        %select_n3A_1900 = arith.select %eq3A_1896, %sub3A_1899, %mul3A_1893 : vector<16xi1>, vector<16xf32>
        %convert_element_type3A_1901 = arith.fptosi %select_n3A_1900 : vector<16xf32> to vector<16xi32>
        %min3A_1902 = arith.constant 767 : i32
        %min3A_1903 = vector.broadcast %min3A_1902 : i32 to vector<16xi32>
        %min3A_1904 = arith.minsi %convert_element_type3A_1901, %min3A_1903 : vector<16xi32>
        %jit3A_1905 = arith.constant 31488 : i32
        %jit3A_1906 = arith.constant 30720 : i32
        %broadcast_in_dim3A_1907 = vector.broadcast %jit3A_1905 : i32 to vector<16xi32>
        %broadcast_in_dim3A_1908 = vector.broadcast %jit3A_1906 : i32 to vector<16xi32>
        %select_n3A_1909 = arith.select %eq3A_1896, %broadcast_in_dim3A_1907, %broadcast_in_dim3A_1908 : vector<16xi1>, vector<16xi32>
        %add3A_1910 = arith.addi %min3A_1904, %select_n3A_1909 : vector<16xi32>
        %add3A_1911 = arith.constant 20 : i32
        %add3A_1912 = vector.broadcast %add3A_1911 : i32 to vector<16xi32>
        %add3A_1913 = arith.addi %add3A_1472, %add3A_1912 : vector<16xi32>
        tpu.vector_store_idx %arg9[%add3A_1913], %add3A_1910 : memref<21504xi32, #tpu.memory_space<vmem>>[vector<16xi32>], vector<16xi32>,
        %sub3A_1914 = arith.constant 1 : i32
        %sub3A_1915 = arith.subi %scan3A_1336, %sub3A_1914 : i32
        %mul3A_1916 = arith.constant 336 : i32
        %mul3A_1917 = arith.muli %sub3A_1915, %mul3A_1916 : i32
        %add3A_1918 = arith.constant 0 : i32
        %add3A_1919 = arith.addi %mul3A_1917, %add3A_1918 : i32
        %get3A_1920 = arith.index_cast %add3A_1919 : i32 to index
        %get3A_1921 = tpu.vector_load %arg9[%get3A_1920] {strides = array<i32>} : memref<21504xi32, #tpu.memory_space<vmem>>, vector<16xi32>,
        tpu.vector_store_idx %arg10[%get3A_1921], %broadcast_in_dim3A_33 {add = true} : memref<32256xi32, #tpu.memory_space<vmem>>[vector<16xi32>], vector<16xi32>,
        %add3A_1922 = arith.constant 16 : i32
        %add3A_1923 = arith.addi %mul3A_1917, %add3A_1922 : i32
        %get3A_1924 = arith.index_cast %add3A_1923 : i32 to index
        %get3A_1925 = tpu.vector_load %arg9[%get3A_1924] {strides = array<i32>} : memref<21504xi32, #tpu.memory_space<vmem>>, vector<16xi32>,
        tpu.vector_store_idx %arg10[%get3A_1925], %broadcast_in_dim3A_33 {add = true} : memref<32256xi32, #tpu.memory_space<vmem>>[vector<16xi32>], vector<16xi32>,
        %add3A_1926 = arith.constant 32 : i32
        %add3A_1927 = arith.addi %mul3A_1917, %add3A_1926 : i32
        %get3A_1928 = arith.index_cast %add3A_1927 : i32 to index
        %get3A_1929 = tpu.vector_load %arg9[%get3A_1928] {strides = array<i32>} : memref<21504xi32, #tpu.memory_space<vmem>>, vector<16xi32>,
        tpu.vector_store_idx %arg10[%get3A_1929], %broadcast_in_dim3A_33 {add = true} : memref<32256xi32, #tpu.memory_space<vmem>>[vector<16xi32>], vector<16xi32>,
        %add3A_1930 = arith.constant 48 : i32
        %add3A_1931 = arith.addi %mul3A_1917, %add3A_1930 : i32
        %get3A_1932 = arith.index_cast %add3A_1931 : i32 to index
        %get3A_1933 = tpu.vector_load %arg9[%get3A_1932] {strides = array<i32>} : memref<21504xi32, #tpu.memory_space<vmem>>, vector<16xi32>,
        tpu.vector_store_idx %arg10[%get3A_1933], %broadcast_in_dim3A_33 {add = true} : memref<32256xi32, #tpu.memory_space<vmem>>[vector<16xi32>], vector<16xi32>,
        %add3A_1934 = arith.constant 64 : i32
        %add3A_1935 = arith.addi %mul3A_1917, %add3A_1934 : i32
        %get3A_1936 = arith.index_cast %add3A_1935 : i32 to index
        %get3A_1937 = tpu.vector_load %arg9[%get3A_1936] {strides = array<i32>} : memref<21504xi32, #tpu.memory_space<vmem>>, vector<16xi32>,
        tpu.vector_store_idx %arg10[%get3A_1937], %broadcast_in_dim3A_33 {add = true} : memref<32256xi32, #tpu.memory_space<vmem>>[vector<16xi32>], vector<16xi32>,
        %add3A_1938 = arith.constant 80 : i32
        %add3A_1939 = arith.addi %mul3A_1917, %add3A_1938 : i32
        %get3A_1940 = arith.index_cast %add3A_1939 : i32 to index
        %get3A_1941 = tpu.vector_load %arg9[%get3A_1940] {strides = array<i32>} : memref<21504xi32, #tpu.memory_space<vmem>>, vector<16xi32>,
        tpu.vector_store_idx %arg10[%get3A_1941], %broadcast_in_dim3A_33 {add = true} : memref<32256xi32, #tpu.memory_space<vmem>>[vector<16xi32>], vector<16xi32>,
        %add3A_1942 = arith.constant 96 : i32
        %add3A_1943 = arith.addi %mul3A_1917, %add3A_1942 : i32
        %get3A_1944 = arith.index_cast %add3A_1943 : i32 to index
        %get3A_1945 = tpu.vector_load %arg9[%get3A_1944] {strides = array<i32>} : memref<21504xi32, #tpu.memory_space<vmem>>, vector<16xi32>,
        tpu.vector_store_idx %arg10[%get3A_1945], %broadcast_in_dim3A_33 {add = true} : memref<32256xi32, #tpu.memory_space<vmem>>[vector<16xi32>], vector<16xi32>,
        %add3A_1946 = arith.constant 112 : i32
        %add3A_1947 = arith.addi %mul3A_1917, %add3A_1946 : i32
        %get3A_1948 = arith.index_cast %add3A_1947 : i32 to index
        %get3A_1949 = tpu.vector_load %arg9[%get3A_1948] {strides = array<i32>} : memref<21504xi32, #tpu.memory_space<vmem>>, vector<16xi32>,
        tpu.vector_store_idx %arg10[%get3A_1949], %broadcast_in_dim3A_33 {add = true} : memref<32256xi32, #tpu.memory_space<vmem>>[vector<16xi32>], vector<16xi32>,
        %add3A_1950 = arith.constant 128 : i32
        %add3A_1951 = arith.addi %mul3A_1917, %add3A_1950 : i32
        %get3A_1952 = arith.index_cast %add3A_1951 : i32 to index
        %get3A_1953 = tpu.vector_load %arg9[%get3A_1952] {strides = array<i32>} : memref<21504xi32, #tpu.memory_space<vmem>>, vector<16xi32>,
        tpu.vector_store_idx %arg10[%get3A_1953], %broadcast_in_dim3A_33 {add = true} : memref<32256xi32, #tpu.memory_space<vmem>>[vector<16xi32>], vector<16xi32>,
        %add3A_1954 = arith.constant 144 : i32
        %add3A_1955 = arith.addi %mul3A_1917, %add3A_1954 : i32
        %get3A_1956 = arith.index_cast %add3A_1955 : i32 to index
        %get3A_1957 = tpu.vector_load %arg9[%get3A_1956] {strides = array<i32>} : memref<21504xi32, #tpu.memory_space<vmem>>, vector<16xi32>,
        tpu.vector_store_idx %arg10[%get3A_1957], %broadcast_in_dim3A_33 {add = true} : memref<32256xi32, #tpu.memory_space<vmem>>[vector<16xi32>], vector<16xi32>,
        %add3A_1958 = arith.constant 160 : i32
        %add3A_1959 = arith.addi %mul3A_1917, %add3A_1958 : i32
        %get3A_1960 = arith.index_cast %add3A_1959 : i32 to index
        %get3A_1961 = tpu.vector_load %arg9[%get3A_1960] {strides = array<i32>} : memref<21504xi32, #tpu.memory_space<vmem>>, vector<16xi32>,
        tpu.vector_store_idx %arg10[%get3A_1961], %broadcast_in_dim3A_33 {add = true} : memref<32256xi32, #tpu.memory_space<vmem>>[vector<16xi32>], vector<16xi32>,
        %add3A_1962 = arith.constant 176 : i32
        %add3A_1963 = arith.addi %mul3A_1917, %add3A_1962 : i32
        %get3A_1964 = arith.index_cast %add3A_1963 : i32 to index
        %get3A_1965 = tpu.vector_load %arg9[%get3A_1964] {strides = array<i32>} : memref<21504xi32, #tpu.memory_space<vmem>>, vector<16xi32>,
        tpu.vector_store_idx %arg10[%get3A_1965], %broadcast_in_dim3A_33 {add = true} : memref<32256xi32, #tpu.memory_space<vmem>>[vector<16xi32>], vector<16xi32>,
        %add3A_1966 = arith.constant 192 : i32
        %add3A_1967 = arith.addi %mul3A_1917, %add3A_1966 : i32
        %get3A_1968 = arith.index_cast %add3A_1967 : i32 to index
        %get3A_1969 = tpu.vector_load %arg9[%get3A_1968] {strides = array<i32>} : memref<21504xi32, #tpu.memory_space<vmem>>, vector<16xi32>,
        tpu.vector_store_idx %arg10[%get3A_1969], %broadcast_in_dim3A_33 {add = true} : memref<32256xi32, #tpu.memory_space<vmem>>[vector<16xi32>], vector<16xi32>,
        %add3A_1970 = arith.constant 208 : i32
        %add3A_1971 = arith.addi %mul3A_1917, %add3A_1970 : i32
        %get3A_1972 = arith.index_cast %add3A_1971 : i32 to index
        %get3A_1973 = tpu.vector_load %arg9[%get3A_1972] {strides = array<i32>} : memref<21504xi32, #tpu.memory_space<vmem>>, vector<16xi32>,
        tpu.vector_store_idx %arg10[%get3A_1973], %broadcast_in_dim3A_33 {add = true} : memref<32256xi32, #tpu.memory_space<vmem>>[vector<16xi32>], vector<16xi32>,
        %add3A_1974 = arith.constant 224 : i32
        %add3A_1975 = arith.addi %mul3A_1917, %add3A_1974 : i32
        %get3A_1976 = arith.index_cast %add3A_1975 : i32 to index
        %get3A_1977 = tpu.vector_load %arg9[%get3A_1976] {strides = array<i32>} : memref<21504xi32, #tpu.memory_space<vmem>>, vector<16xi32>,
        tpu.vector_store_idx %arg10[%get3A_1977], %broadcast_in_dim3A_33 {add = true} : memref<32256xi32, #tpu.memory_space<vmem>>[vector<16xi32>], vector<16xi32>,
        %add3A_1978 = arith.constant 240 : i32
        %add3A_1979 = arith.addi %mul3A_1917, %add3A_1978 : i32
        %get3A_1980 = arith.index_cast %add3A_1979 : i32 to index
        %get3A_1981 = tpu.vector_load %arg9[%get3A_1980] {strides = array<i32>} : memref<21504xi32, #tpu.memory_space<vmem>>, vector<16xi32>,
        tpu.vector_store_idx %arg10[%get3A_1981], %broadcast_in_dim3A_33 {add = true} : memref<32256xi32, #tpu.memory_space<vmem>>[vector<16xi32>], vector<16xi32>,
        %add3A_1982 = arith.constant 256 : i32
        %add3A_1983 = arith.addi %mul3A_1917, %add3A_1982 : i32
        %get3A_1984 = arith.index_cast %add3A_1983 : i32 to index
        %get3A_1985 = tpu.vector_load %arg9[%get3A_1984] {strides = array<i32>} : memref<21504xi32, #tpu.memory_space<vmem>>, vector<16xi32>,
        tpu.vector_store_idx %arg10[%get3A_1985], %broadcast_in_dim3A_33 {add = true} : memref<32256xi32, #tpu.memory_space<vmem>>[vector<16xi32>], vector<16xi32>,
        %add3A_1986 = arith.constant 272 : i32
        %add3A_1987 = arith.addi %mul3A_1917, %add3A_1986 : i32
        %get3A_1988 = arith.index_cast %add3A_1987 : i32 to index
        %get3A_1989 = tpu.vector_load %arg9[%get3A_1988] {strides = array<i32>} : memref<21504xi32, #tpu.memory_space<vmem>>, vector<16xi32>,
        tpu.vector_store_idx %arg10[%get3A_1989], %broadcast_in_dim3A_33 {add = true} : memref<32256xi32, #tpu.memory_space<vmem>>[vector<16xi32>], vector<16xi32>,
        %add3A_1990 = arith.constant 288 : i32
        %add3A_1991 = arith.addi %mul3A_1917, %add3A_1990 : i32
        %get3A_1992 = arith.index_cast %add3A_1991 : i32 to index
        %get3A_1993 = tpu.vector_load %arg9[%get3A_1992] {strides = array<i32>} : memref<21504xi32, #tpu.memory_space<vmem>>, vector<16xi32>,
        tpu.vector_store_idx %arg10[%get3A_1993], %broadcast_in_dim3A_33 {add = true} : memref<32256xi32, #tpu.memory_space<vmem>>[vector<16xi32>], vector<16xi32>,
        %add3A_1994 = arith.constant 304 : i32
        %add3A_1995 = arith.addi %mul3A_1917, %add3A_1994 : i32
        %get3A_1996 = arith.index_cast %add3A_1995 : i32 to index
        %get3A_1997 = tpu.vector_load %arg9[%get3A_1996] {strides = array<i32>} : memref<21504xi32, #tpu.memory_space<vmem>>, vector<16xi32>,
        tpu.vector_store_idx %arg10[%get3A_1997], %broadcast_in_dim3A_33 {add = true} : memref<32256xi32, #tpu.memory_space<vmem>>[vector<16xi32>], vector<16xi32>,
        %add3A_1998 = arith.constant 320 : i32
        %add3A_1999 = arith.addi %mul3A_1917, %add3A_1998 : i32
        %get3A_2000 = arith.index_cast %add3A_1999 : i32 to index
        %get3A_2001 = tpu.vector_load %arg9[%get3A_2000] {strides = array<i32>} : memref<21504xi32, #tpu.memory_space<vmem>>, vector<16xi32>,
        tpu.vector_store_idx %arg10[%get3A_2001], %broadcast_in_dim3A_33 {add = true} : memref<32256xi32, #tpu.memory_space<vmem>>[vector<16xi32>], vector<16xi32>,
      }
      %scan3A_661 = arith.constant 63 : i32
      %get3A_662 = arith.constant 21168 : index
      %get3A_663 = tpu.vector_load %arg9[%get3A_662] {strides = array<i32>} : memref<21504xi32, #tpu.memory_space<vmem>>, vector<16xi32>,
      tpu.vector_store_idx %arg10[%get3A_663], %broadcast_in_dim3A_33 {add = true} : memref<32256xi32, #tpu.memory_space<vmem>>[vector<16xi32>], vector<16xi32>,
      %get3A_664 = arith.constant 21184 : index
      %get3A_665 = tpu.vector_load %arg9[%get3A_664] {strides = array<i32>} : memref<21504xi32, #tpu.memory_space<vmem>>, vector<16xi32>,
      tpu.vector_store_idx %arg10[%get3A_665], %broadcast_in_dim3A_33 {add = true} : memref<32256xi32, #tpu.memory_space<vmem>>[vector<16xi32>], vector<16xi32>,
      %get3A_666 = arith.constant 21200 : index
      %get3A_667 = tpu.vector_load %arg9[%get3A_666] {strides = array<i32>} : memref<21504xi32, #tpu.memory_space<vmem>>, vector<16xi32>,
      tpu.vector_store_idx %arg10[%get3A_667], %broadcast_in_dim3A_33 {add = true} : memref<32256xi32, #tpu.memory_space<vmem>>[vector<16xi32>], vector<16xi32>,
      %get3A_668 = arith.constant 21216 : index
      %get3A_669 = tpu.vector_load %arg9[%get3A_668] {strides = array<i32>} : memref<21504xi32, #tpu.memory_space<vmem>>, vector<16xi32>,
      tpu.vector_store_idx %arg10[%get3A_669], %broadcast_in_dim3A_33 {add = true} : memref<32256xi32, #tpu.memory_space<vmem>>[vector<16xi32>], vector<16xi32>,
      %get3A_670 = arith.constant 21232 : index
      %get3A_671 = tpu.vector_load %arg9[%get3A_670] {strides = array<i32>} : memref<21504xi32, #tpu.memory_space<vmem>>, vector<16xi32>,
      tpu.vector_store_idx %arg10[%get3A_671], %broadcast_in_dim3A_33 {add = true} : memref<32256xi32, #tpu.memory_space<vmem>>[vector<16xi32>], vector<16xi32>,
      %get3A_672 = arith.constant 21248 : index
      %get3A_673 = tpu.vector_load %arg9[%get3A_672] {strides = array<i32>} : memref<21504xi32, #tpu.memory_space<vmem>>, vector<16xi32>,
      tpu.vector_store_idx %arg10[%get3A_673], %broadcast_in_dim3A_33 {add = true} : memref<32256xi32, #tpu.memory_space<vmem>>[vector<16xi32>], vector<16xi32>,
      %get3A_674 = arith.constant 21264 : index
      %get3A_675 = tpu.vector_load %arg9[%get3A_674] {strides = array<i32>} : memref<21504xi32, #tpu.memory_space<vmem>>, vector<16xi32>,
      tpu.vector_store_idx %arg10[%get3A_675], %broadcast_in_dim3A_33 {add = true} : memref<32256xi32, #tpu.memory_space<vmem>>[vector<16xi32>], vector<16xi32>,
      %get3A_676 = arith.constant 21280 : index
      %get3A_677 = tpu.vector_load %arg9[%get3A_676] {strides = array<i32>} : memref<21504xi32, #tpu.memory_space<vmem>>, vector<16xi32>,
      tpu.vector_store_idx %arg10[%get3A_677], %broadcast_in_dim3A_33 {add = true} : memref<32256xi32, #tpu.memory_space<vmem>>[vector<16xi32>], vector<16xi32>,
      %get3A_678 = arith.constant 21296 : index
      %get3A_679 = tpu.vector_load %arg9[%get3A_678] {strides = array<i32>} : memref<21504xi32, #tpu.memory_space<vmem>>, vector<16xi32>,
      tpu.vector_store_idx %arg10[%get3A_679], %broadcast_in_dim3A_33 {add = true} : memref<32256xi32, #tpu.memory_space<vmem>>[vector<16xi32>], vector<16xi32>,
      %get3A_680 = arith.constant 21312 : index
      %get3A_681 = tpu.vector_load %arg9[%get3A_680] {strides = array<i32>} : memref<21504xi32, #tpu.memory_space<vmem>>, vector<16xi32>,
      tpu.vector_store_idx %arg10[%get3A_681], %broadcast_in_dim3A_33 {add = true} : memref<32256xi32, #tpu.memory_space<vmem>>[vector<16xi32>], vector<16xi32>,
      %get3A_682 = arith.constant 21328 : index
      %get3A_683 = tpu.vector_load %arg9[%get3A_682] {strides = array<i32>} : memref<21504xi32, #tpu.memory_space<vmem>>, vector<16xi32>,
      tpu.vector_store_idx %arg10[%get3A_683], %broadcast_in_dim3A_33 {add = true} : memref<32256xi32, #tpu.memory_space<vmem>>[vector<16xi32>], vector<16xi32>,
      %get3A_684 = arith.constant 21344 : index
      %get3A_685 = tpu.vector_load %arg9[%get3A_684] {strides = array<i32>} : memref<21504xi32, #tpu.memory_space<vmem>>, vector<16xi32>,
      tpu.vector_store_idx %arg10[%get3A_685], %broadcast_in_dim3A_33 {add = true} : memref<32256xi32, #tpu.memory_space<vmem>>[vector<16xi32>], vector<16xi32>,
      %get3A_686 = arith.constant 21360 : index
      %get3A_687 = tpu.vector_load %arg9[%get3A_686] {strides = array<i32>} : memref<21504xi32, #tpu.memory_space<vmem>>, vector<16xi32>,
      tpu.vector_store_idx %arg10[%get3A_687], %broadcast_in_dim3A_33 {add = true} : memref<32256xi32, #tpu.memory_space<vmem>>[vector<16xi32>], vector<16xi32>,
      %get3A_688 = arith.constant 21376 : index
      %get3A_689 = tpu.vector_load %arg9[%get3A_688] {strides = array<i32>} : memref<21504xi32, #tpu.memory_space<vmem>>, vector<16xi32>,
      tpu.vector_store_idx %arg10[%get3A_689], %broadcast_in_dim3A_33 {add = true} : memref<32256xi32, #tpu.memory_space<vmem>>[vector<16xi32>], vector<16xi32>,
      %get3A_690 = arith.constant 21392 : index
      %get3A_691 = tpu.vector_load %arg9[%get3A_690] {strides = array<i32>} : memref<21504xi32, #tpu.memory_space<vmem>>, vector<16xi32>,
      tpu.vector_store_idx %arg10[%get3A_691], %broadcast_in_dim3A_33 {add = true} : memref<32256xi32, #tpu.memory_space<vmem>>[vector<16xi32>], vector<16xi32>,
      %get3A_692 = arith.constant 21408 : index
      %get3A_693 = tpu.vector_load %arg9[%get3A_692] {strides = array<i32>} : memref<21504xi32, #tpu.memory_space<vmem>>, vector<16xi32>,
      tpu.vector_store_idx %arg10[%get3A_693], %broadcast_in_dim3A_33 {add = true} : memref<32256xi32, #tpu.memory_space<vmem>>[vector<16xi32>], vector<16xi32>,
      %get3A_694 = arith.constant 21424 : index
      %get3A_695 = tpu.vector_load %arg9[%get3A_694] {strides = array<i32>} : memref<21504xi32, #tpu.memory_space<vmem>>, vector<16xi32>,
      tpu.vector_store_idx %arg10[%get3A_695], %broadcast_in_dim3A_33 {add = true} : memref<32256xi32, #tpu.memory_space<vmem>>[vector<16xi32>], vector<16xi32>,
      %get3A_696 = arith.constant 21440 : index
      %get3A_697 = tpu.vector_load %arg9[%get3A_696] {strides = array<i32>} : memref<21504xi32, #tpu.memory_space<vmem>>, vector<16xi32>,
      tpu.vector_store_idx %arg10[%get3A_697], %broadcast_in_dim3A_33 {add = true} : memref<32256xi32, #tpu.memory_space<vmem>>[vector<16xi32>], vector<16xi32>,
      %get3A_698 = arith.constant 21456 : index
      %get3A_699 = tpu.vector_load %arg9[%get3A_698] {strides = array<i32>} : memref<21504xi32, #tpu.memory_space<vmem>>, vector<16xi32>,
      tpu.vector_store_idx %arg10[%get3A_699], %broadcast_in_dim3A_33 {add = true} : memref<32256xi32, #tpu.memory_space<vmem>>[vector<16xi32>], vector<16xi32>,
      %get3A_700 = arith.constant 21472 : index
      %get3A_701 = tpu.vector_load %arg9[%get3A_700] {strides = array<i32>} : memref<21504xi32, #tpu.memory_space<vmem>>, vector<16xi32>,
      tpu.vector_store_idx %arg10[%get3A_701], %broadcast_in_dim3A_33 {add = true} : memref<32256xi32, #tpu.memory_space<vmem>>[vector<16xi32>], vector<16xi32>,
      %get3A_702 = arith.constant 21488 : index
      %get3A_703 = tpu.vector_load %arg9[%get3A_702] {strides = array<i32>} : memref<21504xi32, #tpu.memory_space<vmem>>, vector<16xi32>,
      tpu.vector_store_idx %arg10[%get3A_703], %broadcast_in_dim3A_33 {add = true} : memref<32256xi32, #tpu.memory_space<vmem>>[vector<16xi32>], vector<16xi32>,
      %dma_wait3A_704 = arith.constant 0 : i32
      %dma_wait3A_705 = tpu.memref_slice %arg2[%select_n3A, %dma_wait3A_704, %add3A_57] : memref<4x21x262144xf32, #tpu.memory_space<hbm>> -> memref<1x21x1024xf32, #tpu.memory_space<hbm>>
      %dma_wait3A_706 = tpu.memref_squeeze %dma_wait3A_705 : memref<1x21x1024xf32, #tpu.memory_space<hbm>> -> memref<21x1024xf32, #tpu.memory_space<hbm>>
      %dma_wait3A_707 = arith.constant 0 : i32
      %dma_wait3A_708 = tpu.memref_slice %arg2[%select_n3A, %dma_wait3A_707, %add3A_57] : memref<4x21x262144xf32, #tpu.memory_space<hbm>> -> memref<1x21x1024xf32, #tpu.memory_space<hbm>>
      %dma_wait3A_709 = tpu.memref_squeeze %dma_wait3A_708 : memref<1x21x1024xf32, #tpu.memory_space<hbm>> -> memref<21x1024xf32, #tpu.memory_space<hbm>>
      tpu.wait_dma2 semaphore(%arg12 : memref<!tpu.dma_semaphore, #tpu.memory_space<semaphore_mem>>) src(%dma_wait3A_709 : memref<21x1024xf32, #tpu.memory_space<hbm>>) dst(%arg6 : memref<21x1024xf32, #tpu.memory_space<vmem>>)
      %dma_wait3A_710 = tpu.memref_slice %arg3[%select_n3A, %add3A_57] : memref<4x262144xi32, #tpu.memory_space<hbm>> -> memref<1x1024xi32, #tpu.memory_space<hbm>>
      %dma_wait3A_711 = tpu.memref_squeeze %dma_wait3A_710 : memref<1x1024xi32, #tpu.memory_space<hbm>> -> memref<1024xi32, #tpu.memory_space<hbm>>
      %dma_wait3A_712 = tpu.memref_slice %arg3[%select_n3A, %add3A_57] : memref<4x262144xi32, #tpu.memory_space<hbm>> -> memref<1x1024xi32, #tpu.memory_space<hbm>>
      %dma_wait3A_713 = tpu.memref_squeeze %dma_wait3A_712 : memref<1x1024xi32, #tpu.memory_space<hbm>> -> memref<1024xi32, #tpu.memory_space<hbm>>
      tpu.wait_dma2 semaphore(%arg12 : memref<!tpu.dma_semaphore, #tpu.memory_space<semaphore_mem>>) src(%dma_wait3A_713 : memref<1024xi32, #tpu.memory_space<hbm>>) dst(%arg8 : memref<1024xi32, #tpu.memory_space<vmem>>)
      %get3A_714 = arith.constant 0 : index
      %get3A_715 = tpu.vector_load %arg8[%get3A_714] {strides = array<i32>} : memref<1024xi32, #tpu.memory_space<vmem>>, vector<16xi32>,
      %get3A_716 = arith.constant 0 : i32
      %get3A_717 = arith.index_cast %get3A_716 : i32 to index
      %get3A_718 = arith.constant 0 : index
      %get3A_719 = tpu.vector_load %arg6[%get3A_717, %get3A_718] {strides = array<i32>} : memref<21x1024xf32, #tpu.memory_space<vmem>>, vector<16xf32>,
      %exp3A_720 = math.exp %get3A_719 : vector<16xf32>
      %get3A_721 = arith.constant 1 : i32
      %get3A_722 = arith.index_cast %get3A_721 : i32 to index
      %get3A_723 = arith.constant 0 : index
      %get3A_724 = tpu.vector_load %arg6[%get3A_722, %get3A_723] {strides = array<i32>} : memref<21x1024xf32, #tpu.memory_space<vmem>>, vector<16xf32>,
      %exp3A_725 = math.exp %get3A_724 : vector<16xf32>
      %get3A_726 = arith.constant 2 : i32
      %get3A_727 = arith.index_cast %get3A_726 : i32 to index
      %get3A_728 = arith.constant 0 : index
      %get3A_729 = tpu.vector_load %arg6[%get3A_727, %get3A_728] {strides = array<i32>} : memref<21x1024xf32, #tpu.memory_space<vmem>>, vector<16xf32>,
      %exp3A_730 = math.exp %get3A_729 : vector<16xf32>
      %get3A_731 = arith.constant 3 : i32
      %get3A_732 = arith.index_cast %get3A_731 : i32 to index
      %get3A_733 = arith.constant 0 : index
      %get3A_734 = tpu.vector_load %arg6[%get3A_732, %get3A_733] {strides = array<i32>} : memref<21x1024xf32, #tpu.memory_space<vmem>>, vector<16xf32>,
      %exp3A_735 = math.exp %get3A_734 : vector<16xf32>
      %get3A_736 = arith.constant 4 : i32
      %get3A_737 = arith.index_cast %get3A_736 : i32 to index
      %get3A_738 = arith.constant 0 : index
      %get3A_739 = tpu.vector_load %arg6[%get3A_737, %get3A_738] {strides = array<i32>} : memref<21x1024xf32, #tpu.memory_space<vmem>>, vector<16xf32>,
      %exp3A_740 = math.exp %get3A_739 : vector<16xf32>
      %get3A_741 = arith.constant 5 : i32
      %get3A_742 = arith.index_cast %get3A_741 : i32 to index
      %get3A_743 = arith.constant 0 : index
      %get3A_744 = tpu.vector_load %arg6[%get3A_742, %get3A_743] {strides = array<i32>} : memref<21x1024xf32, #tpu.memory_space<vmem>>, vector<16xf32>,
      %exp3A_745 = math.exp %get3A_744 : vector<16xf32>
      %get3A_746 = arith.constant 6 : i32
      %get3A_747 = arith.index_cast %get3A_746 : i32 to index
      %get3A_748 = arith.constant 0 : index
      %get3A_749 = tpu.vector_load %arg6[%get3A_747, %get3A_748] {strides = array<i32>} : memref<21x1024xf32, #tpu.memory_space<vmem>>, vector<16xf32>,
      %exp3A_750 = math.exp %get3A_749 : vector<16xf32>
      %get3A_751 = arith.constant 7 : i32
      %get3A_752 = arith.index_cast %get3A_751 : i32 to index
      %get3A_753 = arith.constant 0 : index
      %get3A_754 = tpu.vector_load %arg6[%get3A_752, %get3A_753] {strides = array<i32>} : memref<21x1024xf32, #tpu.memory_space<vmem>>, vector<16xf32>,
      %exp3A_755 = math.exp %get3A_754 : vector<16xf32>
      %get3A_756 = arith.constant 8 : i32
      %get3A_757 = arith.index_cast %get3A_756 : i32 to index
      %get3A_758 = arith.constant 0 : index
      %get3A_759 = tpu.vector_load %arg6[%get3A_757, %get3A_758] {strides = array<i32>} : memref<21x1024xf32, #tpu.memory_space<vmem>>, vector<16xf32>,
      %exp3A_760 = math.exp %get3A_759 : vector<16xf32>
      %get3A_761 = arith.constant 9 : i32
      %get3A_762 = arith.index_cast %get3A_761 : i32 to index
      %get3A_763 = arith.constant 0 : index
      %get3A_764 = tpu.vector_load %arg6[%get3A_762, %get3A_763] {strides = array<i32>} : memref<21x1024xf32, #tpu.memory_space<vmem>>, vector<16xf32>,
      %exp3A_765 = math.exp %get3A_764 : vector<16xf32>
      %get3A_766 = arith.constant 10 : i32
      %get3A_767 = arith.index_cast %get3A_766 : i32 to index
      %get3A_768 = arith.constant 0 : index
      %get3A_769 = tpu.vector_load %arg6[%get3A_767, %get3A_768] {strides = array<i32>} : memref<21x1024xf32, #tpu.memory_space<vmem>>, vector<16xf32>,
      %exp3A_770 = math.exp %get3A_769 : vector<16xf32>
      %get3A_771 = arith.constant 11 : i32
      %get3A_772 = arith.index_cast %get3A_771 : i32 to index
      %get3A_773 = arith.constant 0 : index
      %get3A_774 = tpu.vector_load %arg6[%get3A_772, %get3A_773] {strides = array<i32>} : memref<21x1024xf32, #tpu.memory_space<vmem>>, vector<16xf32>,
      %exp3A_775 = math.exp %get3A_774 : vector<16xf32>
      %get3A_776 = arith.constant 12 : i32
      %get3A_777 = arith.index_cast %get3A_776 : i32 to index
      %get3A_778 = arith.constant 0 : index
      %get3A_779 = tpu.vector_load %arg6[%get3A_777, %get3A_778] {strides = array<i32>} : memref<21x1024xf32, #tpu.memory_space<vmem>>, vector<16xf32>,
      %exp3A_780 = math.exp %get3A_779 : vector<16xf32>
      %get3A_781 = arith.constant 13 : i32
      %get3A_782 = arith.index_cast %get3A_781 : i32 to index
      %get3A_783 = arith.constant 0 : index
      %get3A_784 = tpu.vector_load %arg6[%get3A_782, %get3A_783] {strides = array<i32>} : memref<21x1024xf32, #tpu.memory_space<vmem>>, vector<16xf32>,
      %exp3A_785 = math.exp %get3A_784 : vector<16xf32>
      %get3A_786 = arith.constant 14 : i32
      %get3A_787 = arith.index_cast %get3A_786 : i32 to index
      %get3A_788 = arith.constant 0 : index
      %get3A_789 = tpu.vector_load %arg6[%get3A_787, %get3A_788] {strides = array<i32>} : memref<21x1024xf32, #tpu.memory_space<vmem>>, vector<16xf32>,
      %exp3A_790 = math.exp %get3A_789 : vector<16xf32>
      %get3A_791 = arith.constant 15 : i32
      %get3A_792 = arith.index_cast %get3A_791 : i32 to index
      %get3A_793 = arith.constant 0 : index
      %get3A_794 = tpu.vector_load %arg6[%get3A_792, %get3A_793] {strides = array<i32>} : memref<21x1024xf32, #tpu.memory_space<vmem>>, vector<16xf32>,
      %exp3A_795 = math.exp %get3A_794 : vector<16xf32>
      %get3A_796 = arith.constant 16 : i32
      %get3A_797 = arith.index_cast %get3A_796 : i32 to index
      %get3A_798 = arith.constant 0 : index
      %get3A_799 = tpu.vector_load %arg6[%get3A_797, %get3A_798] {strides = array<i32>} : memref<21x1024xf32, #tpu.memory_space<vmem>>, vector<16xf32>,
      %exp3A_800 = math.exp %get3A_799 : vector<16xf32>
      %get3A_801 = arith.constant 17 : i32
      %get3A_802 = arith.index_cast %get3A_801 : i32 to index
      %get3A_803 = arith.constant 0 : index
      %get3A_804 = tpu.vector_load %arg6[%get3A_802, %get3A_803] {strides = array<i32>} : memref<21x1024xf32, #tpu.memory_space<vmem>>, vector<16xf32>,
      %exp3A_805 = math.exp %get3A_804 : vector<16xf32>
      %get3A_806 = arith.constant 18 : i32
      %get3A_807 = arith.index_cast %get3A_806 : i32 to index
      %get3A_808 = arith.constant 0 : index
      %get3A_809 = tpu.vector_load %arg6[%get3A_807, %get3A_808] {strides = array<i32>} : memref<21x1024xf32, #tpu.memory_space<vmem>>, vector<16xf32>,
      %exp3A_810 = math.exp %get3A_809 : vector<16xf32>
      %get3A_811 = arith.constant 19 : i32
      %get3A_812 = arith.index_cast %get3A_811 : i32 to index
      %get3A_813 = arith.constant 0 : index
      %get3A_814 = tpu.vector_load %arg6[%get3A_812, %get3A_813] {strides = array<i32>} : memref<21x1024xf32, #tpu.memory_space<vmem>>, vector<16xf32>,
      %exp3A_815 = math.exp %get3A_814 : vector<16xf32>
      %get3A_816 = arith.constant 20 : i32
      %get3A_817 = arith.index_cast %get3A_816 : i32 to index
      %get3A_818 = arith.constant 0 : index
      %get3A_819 = tpu.vector_load %arg6[%get3A_817, %get3A_818] {strides = array<i32>} : memref<21x1024xf32, #tpu.memory_space<vmem>>, vector<16xf32>,
      %exp3A_820 = math.exp %get3A_819 : vector<16xf32>
      %add3A_821 = arith.addf %exp3A_720, %exp3A_725 : vector<16xf32>
      %add3A_822 = arith.addf %exp3A_730, %exp3A_735 : vector<16xf32>
      %add3A_823 = arith.addf %exp3A_740, %exp3A_745 : vector<16xf32>
      %add3A_824 = arith.addf %exp3A_750, %exp3A_755 : vector<16xf32>
      %add3A_825 = arith.addf %exp3A_760, %exp3A_765 : vector<16xf32>
      %add3A_826 = arith.addf %exp3A_770, %exp3A_775 : vector<16xf32>
      %add3A_827 = arith.addf %exp3A_780, %exp3A_785 : vector<16xf32>
      %add3A_828 = arith.addf %exp3A_790, %exp3A_795 : vector<16xf32>
      %add3A_829 = arith.addf %exp3A_800, %exp3A_805 : vector<16xf32>
      %add3A_830 = arith.addf %exp3A_810, %exp3A_815 : vector<16xf32>
      %add3A_831 = arith.addf %add3A_821, %add3A_822 : vector<16xf32>
      %add3A_832 = arith.addf %add3A_823, %add3A_824 : vector<16xf32>
      %add3A_833 = arith.addf %add3A_825, %add3A_826 : vector<16xf32>
      %add3A_834 = arith.addf %add3A_827, %add3A_828 : vector<16xf32>
      %add3A_835 = arith.addf %add3A_829, %add3A_830 : vector<16xf32>
      %add3A_836 = arith.addf %add3A_831, %add3A_832 : vector<16xf32>
      %add3A_837 = arith.addf %add3A_833, %add3A_834 : vector<16xf32>
      %add3A_838 = arith.addf %add3A_835, %exp3A_820 : vector<16xf32>
      %add3A_839 = arith.addf %add3A_836, %add3A_837 : vector<16xf32>
      %add3A_840 = arith.addf %add3A_839, %add3A_838 : vector<16xf32>
      %div3A_841 = arith.constant 7.680000e+02 : f32
      %div3A_842 = vector.broadcast %div3A_841 : f32 to vector<16xf32>
      %div3A_843 = arith.divf %div3A_842, %add3A_840 : vector<16xf32>
      %add3A_844 = arith.constant 0 : i32
      %add3A_845 = vector.broadcast %add3A_844 : i32 to vector<16xi32>
      %add3A_846 = arith.addi %mul3A_36, %add3A_845 : vector<16xi32>
      %mul3A_847 = arith.mulf %exp3A_720, %div3A_843 : vector<16xf32>
      %eq3A_848 = arith.constant 0 : i32
      %eq3A_849 = vector.broadcast %eq3A_848 : i32 to vector<16xi32>
      %eq3A_850 = arith.cmpi eq, %get3A_715, %eq3A_849 : vector<16xi32>
      %sub3A_851 = arith.constant 7.680000e+02 : f32
      %sub3A_852 = vector.broadcast %sub3A_851 : f32 to vector<16xf32>
      %sub3A_853 = arith.subf %sub3A_852, %mul3A_847 : vector<16xf32>
      %select_n3A_854 = arith.select %eq3A_850, %sub3A_853, %mul3A_847 : vector<16xi1>, vector<16xf32>
      %convert_element_type3A_855 = arith.fptosi %select_n3A_854 : vector<16xf32> to vector<16xi32>
      %min3A_856 = arith.constant 767 : i32
      %min3A_857 = vector.broadcast %min3A_856 : i32 to vector<16xi32>
      %min3A_858 = arith.minsi %convert_element_type3A_855, %min3A_857 : vector<16xi32>
      %jit3A_859 = arith.constant 768 : i32
      %jit3A_860 = arith.constant 0 : i32
      %broadcast_in_dim3A_861 = vector.broadcast %jit3A_859 : i32 to vector<16xi32>
      %broadcast_in_dim3A_862 = vector.broadcast %jit3A_860 : i32 to vector<16xi32>
      %select_n3A_863 = arith.select %eq3A_850, %broadcast_in_dim3A_861, %broadcast_in_dim3A_862 : vector<16xi1>, vector<16xi32>
      %add3A_864 = arith.addi %min3A_858, %select_n3A_863 : vector<16xi32>
      %add3A_865 = arith.constant 0 : i32
      %add3A_866 = vector.broadcast %add3A_865 : i32 to vector<16xi32>
      %add3A_867 = arith.addi %add3A_846, %add3A_866 : vector<16xi32>
      tpu.vector_store_idx %arg9[%add3A_867], %add3A_864 : memref<21504xi32, #tpu.memory_space<vmem>>[vector<16xi32>], vector<16xi32>,
      %mul3A_868 = arith.mulf %exp3A_725, %div3A_843 : vector<16xf32>
      %eq3A_869 = arith.constant 1 : i32
      %eq3A_870 = vector.broadcast %eq3A_869 : i32 to vector<16xi32>
      %eq3A_871 = arith.cmpi eq, %get3A_715, %eq3A_870 : vector<16xi32>
      %sub3A_872 = arith.constant 7.680000e+02 : f32
      %sub3A_873 = vector.broadcast %sub3A_872 : f32 to vector<16xf32>
      %sub3A_874 = arith.subf %sub3A_873, %mul3A_868 : vector<16xf32>
      %select_n3A_875 = arith.select %eq3A_871, %sub3A_874, %mul3A_868 : vector<16xi1>, vector<16xf32>
      %convert_element_type3A_876 = arith.fptosi %select_n3A_875 : vector<16xf32> to vector<16xi32>
      %min3A_877 = arith.constant 767 : i32
      %min3A_878 = vector.broadcast %min3A_877 : i32 to vector<16xi32>
      %min3A_879 = arith.minsi %convert_element_type3A_876, %min3A_878 : vector<16xi32>
      %jit3A_880 = arith.constant 2304 : i32
      %jit3A_881 = arith.constant 1536 : i32
      %broadcast_in_dim3A_882 = vector.broadcast %jit3A_880 : i32 to vector<16xi32>
      %broadcast_in_dim3A_883 = vector.broadcast %jit3A_881 : i32 to vector<16xi32>
      %select_n3A_884 = arith.select %eq3A_871, %broadcast_in_dim3A_882, %broadcast_in_dim3A_883 : vector<16xi1>, vector<16xi32>
      %add3A_885 = arith.addi %min3A_879, %select_n3A_884 : vector<16xi32>
      %add3A_886 = arith.constant 1 : i32
      %add3A_887 = vector.broadcast %add3A_886 : i32 to vector<16xi32>
      %add3A_888 = arith.addi %add3A_846, %add3A_887 : vector<16xi32>
      tpu.vector_store_idx %arg9[%add3A_888], %add3A_885 : memref<21504xi32, #tpu.memory_space<vmem>>[vector<16xi32>], vector<16xi32>,
      %mul3A_889 = arith.mulf %exp3A_730, %div3A_843 : vector<16xf32>
      %eq3A_890 = arith.constant 2 : i32
      %eq3A_891 = vector.broadcast %eq3A_890 : i32 to vector<16xi32>
      %eq3A_892 = arith.cmpi eq, %get3A_715, %eq3A_891 : vector<16xi32>
      %sub3A_893 = arith.constant 7.680000e+02 : f32
      %sub3A_894 = vector.broadcast %sub3A_893 : f32 to vector<16xf32>
      %sub3A_895 = arith.subf %sub3A_894, %mul3A_889 : vector<16xf32>
      %select_n3A_896 = arith.select %eq3A_892, %sub3A_895, %mul3A_889 : vector<16xi1>, vector<16xf32>
      %convert_element_type3A_897 = arith.fptosi %select_n3A_896 : vector<16xf32> to vector<16xi32>
      %min3A_898 = arith.constant 767 : i32
      %min3A_899 = vector.broadcast %min3A_898 : i32 to vector<16xi32>
      %min3A_900 = arith.minsi %convert_element_type3A_897, %min3A_899 : vector<16xi32>
      %jit3A_901 = arith.constant 3840 : i32
      %jit3A_902 = arith.constant 3072 : i32
      %broadcast_in_dim3A_903 = vector.broadcast %jit3A_901 : i32 to vector<16xi32>
      %broadcast_in_dim3A_904 = vector.broadcast %jit3A_902 : i32 to vector<16xi32>
      %select_n3A_905 = arith.select %eq3A_892, %broadcast_in_dim3A_903, %broadcast_in_dim3A_904 : vector<16xi1>, vector<16xi32>
      %add3A_906 = arith.addi %min3A_900, %select_n3A_905 : vector<16xi32>
      %add3A_907 = arith.constant 2 : i32
      %add3A_908 = vector.broadcast %add3A_907 : i32 to vector<16xi32>
      %add3A_909 = arith.addi %add3A_846, %add3A_908 : vector<16xi32>
      tpu.vector_store_idx %arg9[%add3A_909], %add3A_906 : memref<21504xi32, #tpu.memory_space<vmem>>[vector<16xi32>], vector<16xi32>,
      %mul3A_910 = arith.mulf %exp3A_735, %div3A_843 : vector<16xf32>
      %eq3A_911 = arith.constant 3 : i32
      %eq3A_912 = vector.broadcast %eq3A_911 : i32 to vector<16xi32>
      %eq3A_913 = arith.cmpi eq, %get3A_715, %eq3A_912 : vector<16xi32>
      %sub3A_914 = arith.constant 7.680000e+02 : f32
      %sub3A_915 = vector.broadcast %sub3A_914 : f32 to vector<16xf32>
      %sub3A_916 = arith.subf %sub3A_915, %mul3A_910 : vector<16xf32>
      %select_n3A_917 = arith.select %eq3A_913, %sub3A_916, %mul3A_910 : vector<16xi1>, vector<16xf32>
      %convert_element_type3A_918 = arith.fptosi %select_n3A_917 : vector<16xf32> to vector<16xi32>
      %min3A_919 = arith.constant 767 : i32
      %min3A_920 = vector.broadcast %min3A_919 : i32 to vector<16xi32>
      %min3A_921 = arith.minsi %convert_element_type3A_918, %min3A_920 : vector<16xi32>
      %jit3A_922 = arith.constant 5376 : i32
      %jit3A_923 = arith.constant 4608 : i32
      %broadcast_in_dim3A_924 = vector.broadcast %jit3A_922 : i32 to vector<16xi32>
      %broadcast_in_dim3A_925 = vector.broadcast %jit3A_923 : i32 to vector<16xi32>
      %select_n3A_926 = arith.select %eq3A_913, %broadcast_in_dim3A_924, %broadcast_in_dim3A_925 : vector<16xi1>, vector<16xi32>
      %add3A_927 = arith.addi %min3A_921, %select_n3A_926 : vector<16xi32>
      %add3A_928 = arith.constant 3 : i32
      %add3A_929 = vector.broadcast %add3A_928 : i32 to vector<16xi32>
      %add3A_930 = arith.addi %add3A_846, %add3A_929 : vector<16xi32>
      tpu.vector_store_idx %arg9[%add3A_930], %add3A_927 : memref<21504xi32, #tpu.memory_space<vmem>>[vector<16xi32>], vector<16xi32>,
      %mul3A_931 = arith.mulf %exp3A_740, %div3A_843 : vector<16xf32>
      %eq3A_932 = arith.constant 4 : i32
      %eq3A_933 = vector.broadcast %eq3A_932 : i32 to vector<16xi32>
      %eq3A_934 = arith.cmpi eq, %get3A_715, %eq3A_933 : vector<16xi32>
      %sub3A_935 = arith.constant 7.680000e+02 : f32
      %sub3A_936 = vector.broadcast %sub3A_935 : f32 to vector<16xf32>
      %sub3A_937 = arith.subf %sub3A_936, %mul3A_931 : vector<16xf32>
      %select_n3A_938 = arith.select %eq3A_934, %sub3A_937, %mul3A_931 : vector<16xi1>, vector<16xf32>
      %convert_element_type3A_939 = arith.fptosi %select_n3A_938 : vector<16xf32> to vector<16xi32>
      %min3A_940 = arith.constant 767 : i32
      %min3A_941 = vector.broadcast %min3A_940 : i32 to vector<16xi32>
      %min3A_942 = arith.minsi %convert_element_type3A_939, %min3A_941 : vector<16xi32>
      %jit3A_943 = arith.constant 6912 : i32
      %jit3A_944 = arith.constant 6144 : i32
      %broadcast_in_dim3A_945 = vector.broadcast %jit3A_943 : i32 to vector<16xi32>
      %broadcast_in_dim3A_946 = vector.broadcast %jit3A_944 : i32 to vector<16xi32>
      %select_n3A_947 = arith.select %eq3A_934, %broadcast_in_dim3A_945, %broadcast_in_dim3A_946 : vector<16xi1>, vector<16xi32>
      %add3A_948 = arith.addi %min3A_942, %select_n3A_947 : vector<16xi32>
      %add3A_949 = arith.constant 4 : i32
      %add3A_950 = vector.broadcast %add3A_949 : i32 to vector<16xi32>
      %add3A_951 = arith.addi %add3A_846, %add3A_950 : vector<16xi32>
      tpu.vector_store_idx %arg9[%add3A_951], %add3A_948 : memref<21504xi32, #tpu.memory_space<vmem>>[vector<16xi32>], vector<16xi32>,
      %mul3A_952 = arith.mulf %exp3A_745, %div3A_843 : vector<16xf32>
      %eq3A_953 = arith.constant 5 : i32
      %eq3A_954 = vector.broadcast %eq3A_953 : i32 to vector<16xi32>
      %eq3A_955 = arith.cmpi eq, %get3A_715, %eq3A_954 : vector<16xi32>
      %sub3A_956 = arith.constant 7.680000e+02 : f32
      %sub3A_957 = vector.broadcast %sub3A_956 : f32 to vector<16xf32>
      %sub3A_958 = arith.subf %sub3A_957, %mul3A_952 : vector<16xf32>
      %select_n3A_959 = arith.select %eq3A_955, %sub3A_958, %mul3A_952 : vector<16xi1>, vector<16xf32>
      %convert_element_type3A_960 = arith.fptosi %select_n3A_959 : vector<16xf32> to vector<16xi32>
      %min3A_961 = arith.constant 767 : i32
      %min3A_962 = vector.broadcast %min3A_961 : i32 to vector<16xi32>
      %min3A_963 = arith.minsi %convert_element_type3A_960, %min3A_962 : vector<16xi32>
      %jit3A_964 = arith.constant 8448 : i32
      %jit3A_965 = arith.constant 7680 : i32
      %broadcast_in_dim3A_966 = vector.broadcast %jit3A_964 : i32 to vector<16xi32>
      %broadcast_in_dim3A_967 = vector.broadcast %jit3A_965 : i32 to vector<16xi32>
      %select_n3A_968 = arith.select %eq3A_955, %broadcast_in_dim3A_966, %broadcast_in_dim3A_967 : vector<16xi1>, vector<16xi32>
      %add3A_969 = arith.addi %min3A_963, %select_n3A_968 : vector<16xi32>
      %add3A_970 = arith.constant 5 : i32
      %add3A_971 = vector.broadcast %add3A_970 : i32 to vector<16xi32>
      %add3A_972 = arith.addi %add3A_846, %add3A_971 : vector<16xi32>
      tpu.vector_store_idx %arg9[%add3A_972], %add3A_969 : memref<21504xi32, #tpu.memory_space<vmem>>[vector<16xi32>], vector<16xi32>,
      %mul3A_973 = arith.mulf %exp3A_750, %div3A_843 : vector<16xf32>
      %eq3A_974 = arith.constant 6 : i32
      %eq3A_975 = vector.broadcast %eq3A_974 : i32 to vector<16xi32>
      %eq3A_976 = arith.cmpi eq, %get3A_715, %eq3A_975 : vector<16xi32>
      %sub3A_977 = arith.constant 7.680000e+02 : f32
      %sub3A_978 = vector.broadcast %sub3A_977 : f32 to vector<16xf32>
      %sub3A_979 = arith.subf %sub3A_978, %mul3A_973 : vector<16xf32>
      %select_n3A_980 = arith.select %eq3A_976, %sub3A_979, %mul3A_973 : vector<16xi1>, vector<16xf32>
      %convert_element_type3A_981 = arith.fptosi %select_n3A_980 : vector<16xf32> to vector<16xi32>
      %min3A_982 = arith.constant 767 : i32
      %min3A_983 = vector.broadcast %min3A_982 : i32 to vector<16xi32>
      %min3A_984 = arith.minsi %convert_element_type3A_981, %min3A_983 : vector<16xi32>
      %jit3A_985 = arith.constant 9984 : i32
      %jit3A_986 = arith.constant 9216 : i32
      %broadcast_in_dim3A_987 = vector.broadcast %jit3A_985 : i32 to vector<16xi32>
      %broadcast_in_dim3A_988 = vector.broadcast %jit3A_986 : i32 to vector<16xi32>
      %select_n3A_989 = arith.select %eq3A_976, %broadcast_in_dim3A_987, %broadcast_in_dim3A_988 : vector<16xi1>, vector<16xi32>
      %add3A_990 = arith.addi %min3A_984, %select_n3A_989 : vector<16xi32>
      %add3A_991 = arith.constant 6 : i32
      %add3A_992 = vector.broadcast %add3A_991 : i32 to vector<16xi32>
      %add3A_993 = arith.addi %add3A_846, %add3A_992 : vector<16xi32>
      tpu.vector_store_idx %arg9[%add3A_993], %add3A_990 : memref<21504xi32, #tpu.memory_space<vmem>>[vector<16xi32>], vector<16xi32>,
      %mul3A_994 = arith.mulf %exp3A_755, %div3A_843 : vector<16xf32>
      %eq3A_995 = arith.constant 7 : i32
      %eq3A_996 = vector.broadcast %eq3A_995 : i32 to vector<16xi32>
      %eq3A_997 = arith.cmpi eq, %get3A_715, %eq3A_996 : vector<16xi32>
      %sub3A_998 = arith.constant 7.680000e+02 : f32
      %sub3A_999 = vector.broadcast %sub3A_998 : f32 to vector<16xf32>
      %sub3A_1000 = arith.subf %sub3A_999, %mul3A_994 : vector<16xf32>
      %select_n3A_1001 = arith.select %eq3A_997, %sub3A_1000, %mul3A_994 : vector<16xi1>, vector<16xf32>
      %convert_element_type3A_1002 = arith.fptosi %select_n3A_1001 : vector<16xf32> to vector<16xi32>
      %min3A_1003 = arith.constant 767 : i32
      %min3A_1004 = vector.broadcast %min3A_1003 : i32 to vector<16xi32>
      %min3A_1005 = arith.minsi %convert_element_type3A_1002, %min3A_1004 : vector<16xi32>
      %jit3A_1006 = arith.constant 11520 : i32
      %jit3A_1007 = arith.constant 10752 : i32
      %broadcast_in_dim3A_1008 = vector.broadcast %jit3A_1006 : i32 to vector<16xi32>
      %broadcast_in_dim3A_1009 = vector.broadcast %jit3A_1007 : i32 to vector<16xi32>
      %select_n3A_1010 = arith.select %eq3A_997, %broadcast_in_dim3A_1008, %broadcast_in_dim3A_1009 : vector<16xi1>, vector<16xi32>
      %add3A_1011 = arith.addi %min3A_1005, %select_n3A_1010 : vector<16xi32>
      %add3A_1012 = arith.constant 7 : i32
      %add3A_1013 = vector.broadcast %add3A_1012 : i32 to vector<16xi32>
      %add3A_1014 = arith.addi %add3A_846, %add3A_1013 : vector<16xi32>
      tpu.vector_store_idx %arg9[%add3A_1014], %add3A_1011 : memref<21504xi32, #tpu.memory_space<vmem>>[vector<16xi32>], vector<16xi32>,
      %mul3A_1015 = arith.mulf %exp3A_760, %div3A_843 : vector<16xf32>
      %eq3A_1016 = arith.constant 8 : i32
      %eq3A_1017 = vector.broadcast %eq3A_1016 : i32 to vector<16xi32>
      %eq3A_1018 = arith.cmpi eq, %get3A_715, %eq3A_1017 : vector<16xi32>
      %sub3A_1019 = arith.constant 7.680000e+02 : f32
      %sub3A_1020 = vector.broadcast %sub3A_1019 : f32 to vector<16xf32>
      %sub3A_1021 = arith.subf %sub3A_1020, %mul3A_1015 : vector<16xf32>
      %select_n3A_1022 = arith.select %eq3A_1018, %sub3A_1021, %mul3A_1015 : vector<16xi1>, vector<16xf32>
      %convert_element_type3A_1023 = arith.fptosi %select_n3A_1022 : vector<16xf32> to vector<16xi32>
      %min3A_1024 = arith.constant 767 : i32
      %min3A_1025 = vector.broadcast %min3A_1024 : i32 to vector<16xi32>
      %min3A_1026 = arith.minsi %convert_element_type3A_1023, %min3A_1025 : vector<16xi32>
      %jit3A_1027 = arith.constant 13056 : i32
      %jit3A_1028 = arith.constant 12288 : i32
      %broadcast_in_dim3A_1029 = vector.broadcast %jit3A_1027 : i32 to vector<16xi32>
      %broadcast_in_dim3A_1030 = vector.broadcast %jit3A_1028 : i32 to vector<16xi32>
      %select_n3A_1031 = arith.select %eq3A_1018, %broadcast_in_dim3A_1029, %broadcast_in_dim3A_1030 : vector<16xi1>, vector<16xi32>
      %add3A_1032 = arith.addi %min3A_1026, %select_n3A_1031 : vector<16xi32>
      %add3A_1033 = arith.constant 8 : i32
      %add3A_1034 = vector.broadcast %add3A_1033 : i32 to vector<16xi32>
      %add3A_1035 = arith.addi %add3A_846, %add3A_1034 : vector<16xi32>
      tpu.vector_store_idx %arg9[%add3A_1035], %add3A_1032 : memref<21504xi32, #tpu.memory_space<vmem>>[vector<16xi32>], vector<16xi32>,
      %mul3A_1036 = arith.mulf %exp3A_765, %div3A_843 : vector<16xf32>
      %eq3A_1037 = arith.constant 9 : i32
      %eq3A_1038 = vector.broadcast %eq3A_1037 : i32 to vector<16xi32>
      %eq3A_1039 = arith.cmpi eq, %get3A_715, %eq3A_1038 : vector<16xi32>
      %sub3A_1040 = arith.constant 7.680000e+02 : f32
      %sub3A_1041 = vector.broadcast %sub3A_1040 : f32 to vector<16xf32>
      %sub3A_1042 = arith.subf %sub3A_1041, %mul3A_1036 : vector<16xf32>
      %select_n3A_1043 = arith.select %eq3A_1039, %sub3A_1042, %mul3A_1036 : vector<16xi1>, vector<16xf32>
      %convert_element_type3A_1044 = arith.fptosi %select_n3A_1043 : vector<16xf32> to vector<16xi32>
      %min3A_1045 = arith.constant 767 : i32
      %min3A_1046 = vector.broadcast %min3A_1045 : i32 to vector<16xi32>
      %min3A_1047 = arith.minsi %convert_element_type3A_1044, %min3A_1046 : vector<16xi32>
      %jit3A_1048 = arith.constant 14592 : i32
      %jit3A_1049 = arith.constant 13824 : i32
      %broadcast_in_dim3A_1050 = vector.broadcast %jit3A_1048 : i32 to vector<16xi32>
      %broadcast_in_dim3A_1051 = vector.broadcast %jit3A_1049 : i32 to vector<16xi32>
      %select_n3A_1052 = arith.select %eq3A_1039, %broadcast_in_dim3A_1050, %broadcast_in_dim3A_1051 : vector<16xi1>, vector<16xi32>
      %add3A_1053 = arith.addi %min3A_1047, %select_n3A_1052 : vector<16xi32>
      %add3A_1054 = arith.constant 9 : i32
      %add3A_1055 = vector.broadcast %add3A_1054 : i32 to vector<16xi32>
      %add3A_1056 = arith.addi %add3A_846, %add3A_1055 : vector<16xi32>
      tpu.vector_store_idx %arg9[%add3A_1056], %add3A_1053 : memref<21504xi32, #tpu.memory_space<vmem>>[vector<16xi32>], vector<16xi32>,
      %mul3A_1057 = arith.mulf %exp3A_770, %div3A_843 : vector<16xf32>
      %eq3A_1058 = arith.constant 10 : i32
      %eq3A_1059 = vector.broadcast %eq3A_1058 : i32 to vector<16xi32>
      %eq3A_1060 = arith.cmpi eq, %get3A_715, %eq3A_1059 : vector<16xi32>
      %sub3A_1061 = arith.constant 7.680000e+02 : f32
      %sub3A_1062 = vector.broadcast %sub3A_1061 : f32 to vector<16xf32>
      %sub3A_1063 = arith.subf %sub3A_1062, %mul3A_1057 : vector<16xf32>
      %select_n3A_1064 = arith.select %eq3A_1060, %sub3A_1063, %mul3A_1057 : vector<16xi1>, vector<16xf32>
      %convert_element_type3A_1065 = arith.fptosi %select_n3A_1064 : vector<16xf32> to vector<16xi32>
      %min3A_1066 = arith.constant 767 : i32
      %min3A_1067 = vector.broadcast %min3A_1066 : i32 to vector<16xi32>
      %min3A_1068 = arith.minsi %convert_element_type3A_1065, %min3A_1067 : vector<16xi32>
      %jit3A_1069 = arith.constant 16128 : i32
      %jit3A_1070 = arith.constant 15360 : i32
      %broadcast_in_dim3A_1071 = vector.broadcast %jit3A_1069 : i32 to vector<16xi32>
      %broadcast_in_dim3A_1072 = vector.broadcast %jit3A_1070 : i32 to vector<16xi32>
      %select_n3A_1073 = arith.select %eq3A_1060, %broadcast_in_dim3A_1071, %broadcast_in_dim3A_1072 : vector<16xi1>, vector<16xi32>
      %add3A_1074 = arith.addi %min3A_1068, %select_n3A_1073 : vector<16xi32>
      %add3A_1075 = arith.constant 10 : i32
      %add3A_1076 = vector.broadcast %add3A_1075 : i32 to vector<16xi32>
      %add3A_1077 = arith.addi %add3A_846, %add3A_1076 : vector<16xi32>
      tpu.vector_store_idx %arg9[%add3A_1077], %add3A_1074 : memref<21504xi32, #tpu.memory_space<vmem>>[vector<16xi32>], vector<16xi32>,
      %mul3A_1078 = arith.mulf %exp3A_775, %div3A_843 : vector<16xf32>
      %eq3A_1079 = arith.constant 11 : i32
      %eq3A_1080 = vector.broadcast %eq3A_1079 : i32 to vector<16xi32>
      %eq3A_1081 = arith.cmpi eq, %get3A_715, %eq3A_1080 : vector<16xi32>
      %sub3A_1082 = arith.constant 7.680000e+02 : f32
      %sub3A_1083 = vector.broadcast %sub3A_1082 : f32 to vector<16xf32>
      %sub3A_1084 = arith.subf %sub3A_1083, %mul3A_1078 : vector<16xf32>
      %select_n3A_1085 = arith.select %eq3A_1081, %sub3A_1084, %mul3A_1078 : vector<16xi1>, vector<16xf32>
      %convert_element_type3A_1086 = arith.fptosi %select_n3A_1085 : vector<16xf32> to vector<16xi32>
      %min3A_1087 = arith.constant 767 : i32
      %min3A_1088 = vector.broadcast %min3A_1087 : i32 to vector<16xi32>
      %min3A_1089 = arith.minsi %convert_element_type3A_1086, %min3A_1088 : vector<16xi32>
      %jit3A_1090 = arith.constant 17664 : i32
      %jit3A_1091 = arith.constant 16896 : i32
      %broadcast_in_dim3A_1092 = vector.broadcast %jit3A_1090 : i32 to vector<16xi32>
      %broadcast_in_dim3A_1093 = vector.broadcast %jit3A_1091 : i32 to vector<16xi32>
      %select_n3A_1094 = arith.select %eq3A_1081, %broadcast_in_dim3A_1092, %broadcast_in_dim3A_1093 : vector<16xi1>, vector<16xi32>
      %add3A_1095 = arith.addi %min3A_1089, %select_n3A_1094 : vector<16xi32>
      %add3A_1096 = arith.constant 11 : i32
      %add3A_1097 = vector.broadcast %add3A_1096 : i32 to vector<16xi32>
      %add3A_1098 = arith.addi %add3A_846, %add3A_1097 : vector<16xi32>
      tpu.vector_store_idx %arg9[%add3A_1098], %add3A_1095 : memref<21504xi32, #tpu.memory_space<vmem>>[vector<16xi32>], vector<16xi32>,
      %mul3A_1099 = arith.mulf %exp3A_780, %div3A_843 : vector<16xf32>
      %eq3A_1100 = arith.constant 12 : i32
      %eq3A_1101 = vector.broadcast %eq3A_1100 : i32 to vector<16xi32>
      %eq3A_1102 = arith.cmpi eq, %get3A_715, %eq3A_1101 : vector<16xi32>
      %sub3A_1103 = arith.constant 7.680000e+02 : f32
      %sub3A_1104 = vector.broadcast %sub3A_1103 : f32 to vector<16xf32>
      %sub3A_1105 = arith.subf %sub3A_1104, %mul3A_1099 : vector<16xf32>
      %select_n3A_1106 = arith.select %eq3A_1102, %sub3A_1105, %mul3A_1099 : vector<16xi1>, vector<16xf32>
      %convert_element_type3A_1107 = arith.fptosi %select_n3A_1106 : vector<16xf32> to vector<16xi32>
      %min3A_1108 = arith.constant 767 : i32
      %min3A_1109 = vector.broadcast %min3A_1108 : i32 to vector<16xi32>
      %min3A_1110 = arith.minsi %convert_element_type3A_1107, %min3A_1109 : vector<16xi32>
      %jit3A_1111 = arith.constant 19200 : i32
      %jit3A_1112 = arith.constant 18432 : i32
      %broadcast_in_dim3A_1113 = vector.broadcast %jit3A_1111 : i32 to vector<16xi32>
      %broadcast_in_dim3A_1114 = vector.broadcast %jit3A_1112 : i32 to vector<16xi32>
      %select_n3A_1115 = arith.select %eq3A_1102, %broadcast_in_dim3A_1113, %broadcast_in_dim3A_1114 : vector<16xi1>, vector<16xi32>
      %add3A_1116 = arith.addi %min3A_1110, %select_n3A_1115 : vector<16xi32>
      %add3A_1117 = arith.constant 12 : i32
      %add3A_1118 = vector.broadcast %add3A_1117 : i32 to vector<16xi32>
      %add3A_1119 = arith.addi %add3A_846, %add3A_1118 : vector<16xi32>
      tpu.vector_store_idx %arg9[%add3A_1119], %add3A_1116 : memref<21504xi32, #tpu.memory_space<vmem>>[vector<16xi32>], vector<16xi32>,
      %mul3A_1120 = arith.mulf %exp3A_785, %div3A_843 : vector<16xf32>
      %eq3A_1121 = arith.constant 13 : i32
      %eq3A_1122 = vector.broadcast %eq3A_1121 : i32 to vector<16xi32>
      %eq3A_1123 = arith.cmpi eq, %get3A_715, %eq3A_1122 : vector<16xi32>
      %sub3A_1124 = arith.constant 7.680000e+02 : f32
      %sub3A_1125 = vector.broadcast %sub3A_1124 : f32 to vector<16xf32>
      %sub3A_1126 = arith.subf %sub3A_1125, %mul3A_1120 : vector<16xf32>
      %select_n3A_1127 = arith.select %eq3A_1123, %sub3A_1126, %mul3A_1120 : vector<16xi1>, vector<16xf32>
      %convert_element_type3A_1128 = arith.fptosi %select_n3A_1127 : vector<16xf32> to vector<16xi32>
      %min3A_1129 = arith.constant 767 : i32
      %min3A_1130 = vector.broadcast %min3A_1129 : i32 to vector<16xi32>
      %min3A_1131 = arith.minsi %convert_element_type3A_1128, %min3A_1130 : vector<16xi32>
      %jit3A_1132 = arith.constant 20736 : i32
      %jit3A_1133 = arith.constant 19968 : i32
      %broadcast_in_dim3A_1134 = vector.broadcast %jit3A_1132 : i32 to vector<16xi32>
      %broadcast_in_dim3A_1135 = vector.broadcast %jit3A_1133 : i32 to vector<16xi32>
      %select_n3A_1136 = arith.select %eq3A_1123, %broadcast_in_dim3A_1134, %broadcast_in_dim3A_1135 : vector<16xi1>, vector<16xi32>
      %add3A_1137 = arith.addi %min3A_1131, %select_n3A_1136 : vector<16xi32>
      %add3A_1138 = arith.constant 13 : i32
      %add3A_1139 = vector.broadcast %add3A_1138 : i32 to vector<16xi32>
      %add3A_1140 = arith.addi %add3A_846, %add3A_1139 : vector<16xi32>
      tpu.vector_store_idx %arg9[%add3A_1140], %add3A_1137 : memref<21504xi32, #tpu.memory_space<vmem>>[vector<16xi32>], vector<16xi32>,
      %mul3A_1141 = arith.mulf %exp3A_790, %div3A_843 : vector<16xf32>
      %eq3A_1142 = arith.constant 14 : i32
      %eq3A_1143 = vector.broadcast %eq3A_1142 : i32 to vector<16xi32>
      %eq3A_1144 = arith.cmpi eq, %get3A_715, %eq3A_1143 : vector<16xi32>
      %sub3A_1145 = arith.constant 7.680000e+02 : f32
      %sub3A_1146 = vector.broadcast %sub3A_1145 : f32 to vector<16xf32>
      %sub3A_1147 = arith.subf %sub3A_1146, %mul3A_1141 : vector<16xf32>
      %select_n3A_1148 = arith.select %eq3A_1144, %sub3A_1147, %mul3A_1141 : vector<16xi1>, vector<16xf32>
      %convert_element_type3A_1149 = arith.fptosi %select_n3A_1148 : vector<16xf32> to vector<16xi32>
      %min3A_1150 = arith.constant 767 : i32
      %min3A_1151 = vector.broadcast %min3A_1150 : i32 to vector<16xi32>
      %min3A_1152 = arith.minsi %convert_element_type3A_1149, %min3A_1151 : vector<16xi32>
      %jit3A_1153 = arith.constant 22272 : i32
      %jit3A_1154 = arith.constant 21504 : i32
      %broadcast_in_dim3A_1155 = vector.broadcast %jit3A_1153 : i32 to vector<16xi32>
      %broadcast_in_dim3A_1156 = vector.broadcast %jit3A_1154 : i32 to vector<16xi32>
      %select_n3A_1157 = arith.select %eq3A_1144, %broadcast_in_dim3A_1155, %broadcast_in_dim3A_1156 : vector<16xi1>, vector<16xi32>
      %add3A_1158 = arith.addi %min3A_1152, %select_n3A_1157 : vector<16xi32>
      %add3A_1159 = arith.constant 14 : i32
      %add3A_1160 = vector.broadcast %add3A_1159 : i32 to vector<16xi32>
      %add3A_1161 = arith.addi %add3A_846, %add3A_1160 : vector<16xi32>
      tpu.vector_store_idx %arg9[%add3A_1161], %add3A_1158 : memref<21504xi32, #tpu.memory_space<vmem>>[vector<16xi32>], vector<16xi32>,
      %mul3A_1162 = arith.mulf %exp3A_795, %div3A_843 : vector<16xf32>
      %eq3A_1163 = arith.constant 15 : i32
      %eq3A_1164 = vector.broadcast %eq3A_1163 : i32 to vector<16xi32>
      %eq3A_1165 = arith.cmpi eq, %get3A_715, %eq3A_1164 : vector<16xi32>
      %sub3A_1166 = arith.constant 7.680000e+02 : f32
      %sub3A_1167 = vector.broadcast %sub3A_1166 : f32 to vector<16xf32>
      %sub3A_1168 = arith.subf %sub3A_1167, %mul3A_1162 : vector<16xf32>
      %select_n3A_1169 = arith.select %eq3A_1165, %sub3A_1168, %mul3A_1162 : vector<16xi1>, vector<16xf32>
      %convert_element_type3A_1170 = arith.fptosi %select_n3A_1169 : vector<16xf32> to vector<16xi32>
      %min3A_1171 = arith.constant 767 : i32
      %min3A_1172 = vector.broadcast %min3A_1171 : i32 to vector<16xi32>
      %min3A_1173 = arith.minsi %convert_element_type3A_1170, %min3A_1172 : vector<16xi32>
      %jit3A_1174 = arith.constant 23808 : i32
      %jit3A_1175 = arith.constant 23040 : i32
      %broadcast_in_dim3A_1176 = vector.broadcast %jit3A_1174 : i32 to vector<16xi32>
      %broadcast_in_dim3A_1177 = vector.broadcast %jit3A_1175 : i32 to vector<16xi32>
      %select_n3A_1178 = arith.select %eq3A_1165, %broadcast_in_dim3A_1176, %broadcast_in_dim3A_1177 : vector<16xi1>, vector<16xi32>
      %add3A_1179 = arith.addi %min3A_1173, %select_n3A_1178 : vector<16xi32>
      %add3A_1180 = arith.constant 15 : i32
      %add3A_1181 = vector.broadcast %add3A_1180 : i32 to vector<16xi32>
      %add3A_1182 = arith.addi %add3A_846, %add3A_1181 : vector<16xi32>
      tpu.vector_store_idx %arg9[%add3A_1182], %add3A_1179 : memref<21504xi32, #tpu.memory_space<vmem>>[vector<16xi32>], vector<16xi32>,
      %mul3A_1183 = arith.mulf %exp3A_800, %div3A_843 : vector<16xf32>
      %eq3A_1184 = arith.constant 16 : i32
      %eq3A_1185 = vector.broadcast %eq3A_1184 : i32 to vector<16xi32>
      %eq3A_1186 = arith.cmpi eq, %get3A_715, %eq3A_1185 : vector<16xi32>
      %sub3A_1187 = arith.constant 7.680000e+02 : f32
      %sub3A_1188 = vector.broadcast %sub3A_1187 : f32 to vector<16xf32>
      %sub3A_1189 = arith.subf %sub3A_1188, %mul3A_1183 : vector<16xf32>
      %select_n3A_1190 = arith.select %eq3A_1186, %sub3A_1189, %mul3A_1183 : vector<16xi1>, vector<16xf32>
      %convert_element_type3A_1191 = arith.fptosi %select_n3A_1190 : vector<16xf32> to vector<16xi32>
      %min3A_1192 = arith.constant 767 : i32
      %min3A_1193 = vector.broadcast %min3A_1192 : i32 to vector<16xi32>
      %min3A_1194 = arith.minsi %convert_element_type3A_1191, %min3A_1193 : vector<16xi32>
      %jit3A_1195 = arith.constant 25344 : i32
      %jit3A_1196 = arith.constant 24576 : i32
      %broadcast_in_dim3A_1197 = vector.broadcast %jit3A_1195 : i32 to vector<16xi32>
      %broadcast_in_dim3A_1198 = vector.broadcast %jit3A_1196 : i32 to vector<16xi32>
      %select_n3A_1199 = arith.select %eq3A_1186, %broadcast_in_dim3A_1197, %broadcast_in_dim3A_1198 : vector<16xi1>, vector<16xi32>
      %add3A_1200 = arith.addi %min3A_1194, %select_n3A_1199 : vector<16xi32>
      %add3A_1201 = arith.constant 16 : i32
      %add3A_1202 = vector.broadcast %add3A_1201 : i32 to vector<16xi32>
      %add3A_1203 = arith.addi %add3A_846, %add3A_1202 : vector<16xi32>
      tpu.vector_store_idx %arg9[%add3A_1203], %add3A_1200 : memref<21504xi32, #tpu.memory_space<vmem>>[vector<16xi32>], vector<16xi32>,
      %mul3A_1204 = arith.mulf %exp3A_805, %div3A_843 : vector<16xf32>
      %eq3A_1205 = arith.constant 17 : i32
      %eq3A_1206 = vector.broadcast %eq3A_1205 : i32 to vector<16xi32>
      %eq3A_1207 = arith.cmpi eq, %get3A_715, %eq3A_1206 : vector<16xi32>
      %sub3A_1208 = arith.constant 7.680000e+02 : f32
      %sub3A_1209 = vector.broadcast %sub3A_1208 : f32 to vector<16xf32>
      %sub3A_1210 = arith.subf %sub3A_1209, %mul3A_1204 : vector<16xf32>
      %select_n3A_1211 = arith.select %eq3A_1207, %sub3A_1210, %mul3A_1204 : vector<16xi1>, vector<16xf32>
      %convert_element_type3A_1212 = arith.fptosi %select_n3A_1211 : vector<16xf32> to vector<16xi32>
      %min3A_1213 = arith.constant 767 : i32
      %min3A_1214 = vector.broadcast %min3A_1213 : i32 to vector<16xi32>
      %min3A_1215 = arith.minsi %convert_element_type3A_1212, %min3A_1214 : vector<16xi32>
      %jit3A_1216 = arith.constant 26880 : i32
      %jit3A_1217 = arith.constant 26112 : i32
      %broadcast_in_dim3A_1218 = vector.broadcast %jit3A_1216 : i32 to vector<16xi32>
      %broadcast_in_dim3A_1219 = vector.broadcast %jit3A_1217 : i32 to vector<16xi32>
      %select_n3A_1220 = arith.select %eq3A_1207, %broadcast_in_dim3A_1218, %broadcast_in_dim3A_1219 : vector<16xi1>, vector<16xi32>
      %add3A_1221 = arith.addi %min3A_1215, %select_n3A_1220 : vector<16xi32>
      %add3A_1222 = arith.constant 17 : i32
      %add3A_1223 = vector.broadcast %add3A_1222 : i32 to vector<16xi32>
      %add3A_1224 = arith.addi %add3A_846, %add3A_1223 : vector<16xi32>
      tpu.vector_store_idx %arg9[%add3A_1224], %add3A_1221 : memref<21504xi32, #tpu.memory_space<vmem>>[vector<16xi32>], vector<16xi32>,
      %mul3A_1225 = arith.mulf %exp3A_810, %div3A_843 : vector<16xf32>
      %eq3A_1226 = arith.constant 18 : i32
      %eq3A_1227 = vector.broadcast %eq3A_1226 : i32 to vector<16xi32>
      %eq3A_1228 = arith.cmpi eq, %get3A_715, %eq3A_1227 : vector<16xi32>
      %sub3A_1229 = arith.constant 7.680000e+02 : f32
      %sub3A_1230 = vector.broadcast %sub3A_1229 : f32 to vector<16xf32>
      %sub3A_1231 = arith.subf %sub3A_1230, %mul3A_1225 : vector<16xf32>
      %select_n3A_1232 = arith.select %eq3A_1228, %sub3A_1231, %mul3A_1225 : vector<16xi1>, vector<16xf32>
      %convert_element_type3A_1233 = arith.fptosi %select_n3A_1232 : vector<16xf32> to vector<16xi32>
      %min3A_1234 = arith.constant 767 : i32
      %min3A_1235 = vector.broadcast %min3A_1234 : i32 to vector<16xi32>
      %min3A_1236 = arith.minsi %convert_element_type3A_1233, %min3A_1235 : vector<16xi32>
      %jit3A_1237 = arith.constant 28416 : i32
      %jit3A_1238 = arith.constant 27648 : i32
      %broadcast_in_dim3A_1239 = vector.broadcast %jit3A_1237 : i32 to vector<16xi32>
      %broadcast_in_dim3A_1240 = vector.broadcast %jit3A_1238 : i32 to vector<16xi32>
      %select_n3A_1241 = arith.select %eq3A_1228, %broadcast_in_dim3A_1239, %broadcast_in_dim3A_1240 : vector<16xi1>, vector<16xi32>
      %add3A_1242 = arith.addi %min3A_1236, %select_n3A_1241 : vector<16xi32>
      %add3A_1243 = arith.constant 18 : i32
      %add3A_1244 = vector.broadcast %add3A_1243 : i32 to vector<16xi32>
      %add3A_1245 = arith.addi %add3A_846, %add3A_1244 : vector<16xi32>
      tpu.vector_store_idx %arg9[%add3A_1245], %add3A_1242 : memref<21504xi32, #tpu.memory_space<vmem>>[vector<16xi32>], vector<16xi32>,
      %mul3A_1246 = arith.mulf %exp3A_815, %div3A_843 : vector<16xf32>
      %eq3A_1247 = arith.constant 19 : i32
      %eq3A_1248 = vector.broadcast %eq3A_1247 : i32 to vector<16xi32>
      %eq3A_1249 = arith.cmpi eq, %get3A_715, %eq3A_1248 : vector<16xi32>
      %sub3A_1250 = arith.constant 7.680000e+02 : f32
      %sub3A_1251 = vector.broadcast %sub3A_1250 : f32 to vector<16xf32>
      %sub3A_1252 = arith.subf %sub3A_1251, %mul3A_1246 : vector<16xf32>
      %select_n3A_1253 = arith.select %eq3A_1249, %sub3A_1252, %mul3A_1246 : vector<16xi1>, vector<16xf32>
      %convert_element_type3A_1254 = arith.fptosi %select_n3A_1253 : vector<16xf32> to vector<16xi32>
      %min3A_1255 = arith.constant 767 : i32
      %min3A_1256 = vector.broadcast %min3A_1255 : i32 to vector<16xi32>
      %min3A_1257 = arith.minsi %convert_element_type3A_1254, %min3A_1256 : vector<16xi32>
      %jit3A_1258 = arith.constant 29952 : i32
      %jit3A_1259 = arith.constant 29184 : i32
      %broadcast_in_dim3A_1260 = vector.broadcast %jit3A_1258 : i32 to vector<16xi32>
      %broadcast_in_dim3A_1261 = vector.broadcast %jit3A_1259 : i32 to vector<16xi32>
      %select_n3A_1262 = arith.select %eq3A_1249, %broadcast_in_dim3A_1260, %broadcast_in_dim3A_1261 : vector<16xi1>, vector<16xi32>
      %add3A_1263 = arith.addi %min3A_1257, %select_n3A_1262 : vector<16xi32>
      %add3A_1264 = arith.constant 19 : i32
      %add3A_1265 = vector.broadcast %add3A_1264 : i32 to vector<16xi32>
      %add3A_1266 = arith.addi %add3A_846, %add3A_1265 : vector<16xi32>
      tpu.vector_store_idx %arg9[%add3A_1266], %add3A_1263 : memref<21504xi32, #tpu.memory_space<vmem>>[vector<16xi32>], vector<16xi32>,
      %mul3A_1267 = arith.mulf %exp3A_820, %div3A_843 : vector<16xf32>
      %eq3A_1268 = arith.constant 20 : i32
      %eq3A_1269 = vector.broadcast %eq3A_1268 : i32 to vector<16xi32>
      %eq3A_1270 = arith.cmpi eq, %get3A_715, %eq3A_1269 : vector<16xi32>
      %sub3A_1271 = arith.constant 7.680000e+02 : f32
      %sub3A_1272 = vector.broadcast %sub3A_1271 : f32 to vector<16xf32>
      %sub3A_1273 = arith.subf %sub3A_1272, %mul3A_1267 : vector<16xf32>
      %select_n3A_1274 = arith.select %eq3A_1270, %sub3A_1273, %mul3A_1267 : vector<16xi1>, vector<16xf32>
      %convert_element_type3A_1275 = arith.fptosi %select_n3A_1274 : vector<16xf32> to vector<16xi32>
      %min3A_1276 = arith.constant 767 : i32
      %min3A_1277 = vector.broadcast %min3A_1276 : i32 to vector<16xi32>
      %min3A_1278 = arith.minsi %convert_element_type3A_1275, %min3A_1277 : vector<16xi32>
      %jit3A_1279 = arith.constant 31488 : i32
      %jit3A_1280 = arith.constant 30720 : i32
      %broadcast_in_dim3A_1281 = vector.broadcast %jit3A_1279 : i32 to vector<16xi32>
      %broadcast_in_dim3A_1282 = vector.broadcast %jit3A_1280 : i32 to vector<16xi32>
      %select_n3A_1283 = arith.select %eq3A_1270, %broadcast_in_dim3A_1281, %broadcast_in_dim3A_1282 : vector<16xi1>, vector<16xi32>
      %add3A_1284 = arith.addi %min3A_1278, %select_n3A_1283 : vector<16xi32>
      %add3A_1285 = arith.constant 20 : i32
      %add3A_1286 = vector.broadcast %add3A_1285 : i32 to vector<16xi32>
      %add3A_1287 = arith.addi %add3A_846, %add3A_1286 : vector<16xi32>
      tpu.vector_store_idx %arg9[%add3A_1287], %add3A_1284 : memref<21504xi32, #tpu.memory_space<vmem>>[vector<16xi32>], vector<16xi32>,
      %scan3A_1288 = arith.constant 0 : i32
      %scan3A_1289 = arith.constant 1 : i32
      %scan3A_1290 = arith.constant 63 : i32
      %scan3A_1291 = arith.addi %scan3A_1289, %scan3A_1290 : i32
      %scan3A_1292 = arith.constant 1 : i32
      scf.for %scan3A_1336 = %scan3A_1289 to %scan3A_1291 step %scan3A_1292  : i32 {
        %mul3A_1337 = arith.constant 16 : i32
        %mul3A_1338 = arith.muli %scan3A_1336, %mul3A_1337 : i32
        %get3A_1339 = arith.index_cast %mul3A_1338 : i32 to index
        %get3A_1340 = tpu.vector_load %arg8[%get3A_1339] {strides = array<i32>} : memref<1024xi32, #tpu.memory_space<vmem>>, vector<16xi32>,
        %get3A_1341 = arith.constant 0 : i32
        %get3A_1342 = arith.index_cast %get3A_1341 : i32 to index
        %get3A_1343 = arith.index_cast %mul3A_1338 : i32 to index
        %get3A_1344 = tpu.vector_load %arg6[%get3A_1342, %get3A_1343] {strides = array<i32>} : memref<21x1024xf32, #tpu.memory_space<vmem>>, vector<16xf32>,
        %exp3A_1345 = math.exp %get3A_1344 : vector<16xf32>
        %get3A_1346 = arith.constant 1 : i32
        %get3A_1347 = arith.index_cast %get3A_1346 : i32 to index
        %get3A_1348 = arith.index_cast %mul3A_1338 : i32 to index
        %get3A_1349 = tpu.vector_load %arg6[%get3A_1347, %get3A_1348] {strides = array<i32>} : memref<21x1024xf32, #tpu.memory_space<vmem>>, vector<16xf32>,
        %exp3A_1350 = math.exp %get3A_1349 : vector<16xf32>
        %get3A_1351 = arith.constant 2 : i32
        %get3A_1352 = arith.index_cast %get3A_1351 : i32 to index
        %get3A_1353 = arith.index_cast %mul3A_1338 : i32 to index
        %get3A_1354 = tpu.vector_load %arg6[%get3A_1352, %get3A_1353] {strides = array<i32>} : memref<21x1024xf32, #tpu.memory_space<vmem>>, vector<16xf32>,
        %exp3A_1355 = math.exp %get3A_1354 : vector<16xf32>
        %get3A_1356 = arith.constant 3 : i32
        %get3A_1357 = arith.index_cast %get3A_1356 : i32 to index
        %get3A_1358 = arith.index_cast %mul3A_1338 : i32 to index
        %get3A_1359 = tpu.vector_load %arg6[%get3A_1357, %get3A_1358] {strides = array<i32>} : memref<21x1024xf32, #tpu.memory_space<vmem>>, vector<16xf32>,
        %exp3A_1360 = math.exp %get3A_1359 : vector<16xf32>
        %get3A_1361 = arith.constant 4 : i32
        %get3A_1362 = arith.index_cast %get3A_1361 : i32 to index
        %get3A_1363 = arith.index_cast %mul3A_1338 : i32 to index
        %get3A_1364 = tpu.vector_load %arg6[%get3A_1362, %get3A_1363] {strides = array<i32>} : memref<21x1024xf32, #tpu.memory_space<vmem>>, vector<16xf32>,
        %exp3A_1365 = math.exp %get3A_1364 : vector<16xf32>
        %get3A_1366 = arith.constant 5 : i32
        %get3A_1367 = arith.index_cast %get3A_1366 : i32 to index
        %get3A_1368 = arith.index_cast %mul3A_1338 : i32 to index
        %get3A_1369 = tpu.vector_load %arg6[%get3A_1367, %get3A_1368] {strides = array<i32>} : memref<21x1024xf32, #tpu.memory_space<vmem>>, vector<16xf32>,
        %exp3A_1370 = math.exp %get3A_1369 : vector<16xf32>
        %get3A_1371 = arith.constant 6 : i32
        %get3A_1372 = arith.index_cast %get3A_1371 : i32 to index
        %get3A_1373 = arith.index_cast %mul3A_1338 : i32 to index
        %get3A_1374 = tpu.vector_load %arg6[%get3A_1372, %get3A_1373] {strides = array<i32>} : memref<21x1024xf32, #tpu.memory_space<vmem>>, vector<16xf32>,
        %exp3A_1375 = math.exp %get3A_1374 : vector<16xf32>
        %get3A_1376 = arith.constant 7 : i32
        %get3A_1377 = arith.index_cast %get3A_1376 : i32 to index
        %get3A_1378 = arith.index_cast %mul3A_1338 : i32 to index
        %get3A_1379 = tpu.vector_load %arg6[%get3A_1377, %get3A_1378] {strides = array<i32>} : memref<21x1024xf32, #tpu.memory_space<vmem>>, vector<16xf32>,
        %exp3A_1380 = math.exp %get3A_1379 : vector<16xf32>
        %get3A_1381 = arith.constant 8 : i32
        %get3A_1382 = arith.index_cast %get3A_1381 : i32 to index
        %get3A_1383 = arith.index_cast %mul3A_1338 : i32 to index
        %get3A_1384 = tpu.vector_load %arg6[%get3A_1382, %get3A_1383] {strides = array<i32>} : memref<21x1024xf32, #tpu.memory_space<vmem>>, vector<16xf32>,
        %exp3A_1385 = math.exp %get3A_1384 : vector<16xf32>
        %get3A_1386 = arith.constant 9 : i32
        %get3A_1387 = arith.index_cast %get3A_1386 : i32 to index
        %get3A_1388 = arith.index_cast %mul3A_1338 : i32 to index
        %get3A_1389 = tpu.vector_load %arg6[%get3A_1387, %get3A_1388] {strides = array<i32>} : memref<21x1024xf32, #tpu.memory_space<vmem>>, vector<16xf32>,
        %exp3A_1390 = math.exp %get3A_1389 : vector<16xf32>
        %get3A_1391 = arith.constant 10 : i32
        %get3A_1392 = arith.index_cast %get3A_1391 : i32 to index
        %get3A_1393 = arith.index_cast %mul3A_1338 : i32 to index
        %get3A_1394 = tpu.vector_load %arg6[%get3A_1392, %get3A_1393] {strides = array<i32>} : memref<21x1024xf32, #tpu.memory_space<vmem>>, vector<16xf32>,
        %exp3A_1395 = math.exp %get3A_1394 : vector<16xf32>
        %get3A_1396 = arith.constant 11 : i32
        %get3A_1397 = arith.index_cast %get3A_1396 : i32 to index
        %get3A_1398 = arith.index_cast %mul3A_1338 : i32 to index
        %get3A_1399 = tpu.vector_load %arg6[%get3A_1397, %get3A_1398] {strides = array<i32>} : memref<21x1024xf32, #tpu.memory_space<vmem>>, vector<16xf32>,
        %exp3A_1400 = math.exp %get3A_1399 : vector<16xf32>
        %get3A_1401 = arith.constant 12 : i32
        %get3A_1402 = arith.index_cast %get3A_1401 : i32 to index
        %get3A_1403 = arith.index_cast %mul3A_1338 : i32 to index
        %get3A_1404 = tpu.vector_load %arg6[%get3A_1402, %get3A_1403] {strides = array<i32>} : memref<21x1024xf32, #tpu.memory_space<vmem>>, vector<16xf32>,
        %exp3A_1405 = math.exp %get3A_1404 : vector<16xf32>
        %get3A_1406 = arith.constant 13 : i32
        %get3A_1407 = arith.index_cast %get3A_1406 : i32 to index
        %get3A_1408 = arith.index_cast %mul3A_1338 : i32 to index
        %get3A_1409 = tpu.vector_load %arg6[%get3A_1407, %get3A_1408] {strides = array<i32>} : memref<21x1024xf32, #tpu.memory_space<vmem>>, vector<16xf32>,
        %exp3A_1410 = math.exp %get3A_1409 : vector<16xf32>
        %get3A_1411 = arith.constant 14 : i32
        %get3A_1412 = arith.index_cast %get3A_1411 : i32 to index
        %get3A_1413 = arith.index_cast %mul3A_1338 : i32 to index
        %get3A_1414 = tpu.vector_load %arg6[%get3A_1412, %get3A_1413] {strides = array<i32>} : memref<21x1024xf32, #tpu.memory_space<vmem>>, vector<16xf32>,
        %exp3A_1415 = math.exp %get3A_1414 : vector<16xf32>
        %get3A_1416 = arith.constant 15 : i32
        %get3A_1417 = arith.index_cast %get3A_1416 : i32 to index
        %get3A_1418 = arith.index_cast %mul3A_1338 : i32 to index
        %get3A_1419 = tpu.vector_load %arg6[%get3A_1417, %get3A_1418] {strides = array<i32>} : memref<21x1024xf32, #tpu.memory_space<vmem>>, vector<16xf32>,
        %exp3A_1420 = math.exp %get3A_1419 : vector<16xf32>
        %get3A_1421 = arith.constant 16 : i32
        %get3A_1422 = arith.index_cast %get3A_1421 : i32 to index
        %get3A_1423 = arith.index_cast %mul3A_1338 : i32 to index
        %get3A_1424 = tpu.vector_load %arg6[%get3A_1422, %get3A_1423] {strides = array<i32>} : memref<21x1024xf32, #tpu.memory_space<vmem>>, vector<16xf32>,
        %exp3A_1425 = math.exp %get3A_1424 : vector<16xf32>
        %get3A_1426 = arith.constant 17 : i32
        %get3A_1427 = arith.index_cast %get3A_1426 : i32 to index
        %get3A_1428 = arith.index_cast %mul3A_1338 : i32 to index
        %get3A_1429 = tpu.vector_load %arg6[%get3A_1427, %get3A_1428] {strides = array<i32>} : memref<21x1024xf32, #tpu.memory_space<vmem>>, vector<16xf32>,
        %exp3A_1430 = math.exp %get3A_1429 : vector<16xf32>
        %get3A_1431 = arith.constant 18 : i32
        %get3A_1432 = arith.index_cast %get3A_1431 : i32 to index
        %get3A_1433 = arith.index_cast %mul3A_1338 : i32 to index
        %get3A_1434 = tpu.vector_load %arg6[%get3A_1432, %get3A_1433] {strides = array<i32>} : memref<21x1024xf32, #tpu.memory_space<vmem>>, vector<16xf32>,
        %exp3A_1435 = math.exp %get3A_1434 : vector<16xf32>
        %get3A_1436 = arith.constant 19 : i32
        %get3A_1437 = arith.index_cast %get3A_1436 : i32 to index
        %get3A_1438 = arith.index_cast %mul3A_1338 : i32 to index
        %get3A_1439 = tpu.vector_load %arg6[%get3A_1437, %get3A_1438] {strides = array<i32>} : memref<21x1024xf32, #tpu.memory_space<vmem>>, vector<16xf32>,
        %exp3A_1440 = math.exp %get3A_1439 : vector<16xf32>
        %get3A_1441 = arith.constant 20 : i32
        %get3A_1442 = arith.index_cast %get3A_1441 : i32 to index
        %get3A_1443 = arith.index_cast %mul3A_1338 : i32 to index
        %get3A_1444 = tpu.vector_load %arg6[%get3A_1442, %get3A_1443] {strides = array<i32>} : memref<21x1024xf32, #tpu.memory_space<vmem>>, vector<16xf32>,
        %exp3A_1445 = math.exp %get3A_1444 : vector<16xf32>
        %add3A_1446 = arith.addf %exp3A_1345, %exp3A_1350 : vector<16xf32>
        %add3A_1447 = arith.addf %exp3A_1355, %exp3A_1360 : vector<16xf32>
        %add3A_1448 = arith.addf %exp3A_1365, %exp3A_1370 : vector<16xf32>
        %add3A_1449 = arith.addf %exp3A_1375, %exp3A_1380 : vector<16xf32>
        %add3A_1450 = arith.addf %exp3A_1385, %exp3A_1390 : vector<16xf32>
        %add3A_1451 = arith.addf %exp3A_1395, %exp3A_1400 : vector<16xf32>
        %add3A_1452 = arith.addf %exp3A_1405, %exp3A_1410 : vector<16xf32>
        %add3A_1453 = arith.addf %exp3A_1415, %exp3A_1420 : vector<16xf32>
        %add3A_1454 = arith.addf %exp3A_1425, %exp3A_1430 : vector<16xf32>
        %add3A_1455 = arith.addf %exp3A_1435, %exp3A_1440 : vector<16xf32>
        %add3A_1456 = arith.addf %add3A_1446, %add3A_1447 : vector<16xf32>
        %add3A_1457 = arith.addf %add3A_1448, %add3A_1449 : vector<16xf32>
        %add3A_1458 = arith.addf %add3A_1450, %add3A_1451 : vector<16xf32>
        %add3A_1459 = arith.addf %add3A_1452, %add3A_1453 : vector<16xf32>
        %add3A_1460 = arith.addf %add3A_1454, %add3A_1455 : vector<16xf32>
        %add3A_1461 = arith.addf %add3A_1456, %add3A_1457 : vector<16xf32>
        %add3A_1462 = arith.addf %add3A_1458, %add3A_1459 : vector<16xf32>
        %add3A_1463 = arith.addf %add3A_1460, %exp3A_1445 : vector<16xf32>
        %add3A_1464 = arith.addf %add3A_1461, %add3A_1462 : vector<16xf32>
        %add3A_1465 = arith.addf %add3A_1464, %add3A_1463 : vector<16xf32>
        %div3A_1466 = arith.constant 7.680000e+02 : f32
        %div3A_1467 = vector.broadcast %div3A_1466 : f32 to vector<16xf32>
        %div3A_1468 = arith.divf %div3A_1467, %add3A_1465 : vector<16xf32>
        %mul3A_1469 = arith.constant 21 : i32
        %mul3A_1470 = arith.muli %mul3A_1338, %mul3A_1469 : i32
        %add3A_1471 = vector.broadcast %mul3A_1470 : i32 to vector<16xi32>
        %add3A_1472 = arith.addi %mul3A_36, %add3A_1471 : vector<16xi32>
        %mul3A_1473 = arith.mulf %exp3A_1345, %div3A_1468 : vector<16xf32>
        %eq3A_1474 = arith.constant 0 : i32
        %eq3A_1475 = vector.broadcast %eq3A_1474 : i32 to vector<16xi32>
        %eq3A_1476 = arith.cmpi eq, %get3A_1340, %eq3A_1475 : vector<16xi32>
        %sub3A_1477 = arith.constant 7.680000e+02 : f32
        %sub3A_1478 = vector.broadcast %sub3A_1477 : f32 to vector<16xf32>
        %sub3A_1479 = arith.subf %sub3A_1478, %mul3A_1473 : vector<16xf32>
        %select_n3A_1480 = arith.select %eq3A_1476, %sub3A_1479, %mul3A_1473 : vector<16xi1>, vector<16xf32>
        %convert_element_type3A_1481 = arith.fptosi %select_n3A_1480 : vector<16xf32> to vector<16xi32>
        %min3A_1482 = arith.constant 767 : i32
        %min3A_1483 = vector.broadcast %min3A_1482 : i32 to vector<16xi32>
        %min3A_1484 = arith.minsi %convert_element_type3A_1481, %min3A_1483 : vector<16xi32>
        %jit3A_1485 = arith.constant 768 : i32
        %jit3A_1486 = arith.constant 0 : i32
        %broadcast_in_dim3A_1487 = vector.broadcast %jit3A_1485 : i32 to vector<16xi32>
        %broadcast_in_dim3A_1488 = vector.broadcast %jit3A_1486 : i32 to vector<16xi32>
        %select_n3A_1489 = arith.select %eq3A_1476, %broadcast_in_dim3A_1487, %broadcast_in_dim3A_1488 : vector<16xi1>, vector<16xi32>
        %add3A_1490 = arith.addi %min3A_1484, %select_n3A_1489 : vector<16xi32>
        %add3A_1491 = arith.constant 0 : i32
        %add3A_1492 = vector.broadcast %add3A_1491 : i32 to vector<16xi32>
        %add3A_1493 = arith.addi %add3A_1472, %add3A_1492 : vector<16xi32>
        tpu.vector_store_idx %arg9[%add3A_1493], %add3A_1490 : memref<21504xi32, #tpu.memory_space<vmem>>[vector<16xi32>], vector<16xi32>,
        %mul3A_1494 = arith.mulf %exp3A_1350, %div3A_1468 : vector<16xf32>
        %eq3A_1495 = arith.constant 1 : i32
        %eq3A_1496 = vector.broadcast %eq3A_1495 : i32 to vector<16xi32>
        %eq3A_1497 = arith.cmpi eq, %get3A_1340, %eq3A_1496 : vector<16xi32>
        %sub3A_1498 = arith.constant 7.680000e+02 : f32
        %sub3A_1499 = vector.broadcast %sub3A_1498 : f32 to vector<16xf32>
        %sub3A_1500 = arith.subf %sub3A_1499, %mul3A_1494 : vector<16xf32>
        %select_n3A_1501 = arith.select %eq3A_1497, %sub3A_1500, %mul3A_1494 : vector<16xi1>, vector<16xf32>
        %convert_element_type3A_1502 = arith.fptosi %select_n3A_1501 : vector<16xf32> to vector<16xi32>
        %min3A_1503 = arith.constant 767 : i32
        %min3A_1504 = vector.broadcast %min3A_1503 : i32 to vector<16xi32>
        %min3A_1505 = arith.minsi %convert_element_type3A_1502, %min3A_1504 : vector<16xi32>
        %jit3A_1506 = arith.constant 2304 : i32
        %jit3A_1507 = arith.constant 1536 : i32
        %broadcast_in_dim3A_1508 = vector.broadcast %jit3A_1506 : i32 to vector<16xi32>
        %broadcast_in_dim3A_1509 = vector.broadcast %jit3A_1507 : i32 to vector<16xi32>
        %select_n3A_1510 = arith.select %eq3A_1497, %broadcast_in_dim3A_1508, %broadcast_in_dim3A_1509 : vector<16xi1>, vector<16xi32>
        %add3A_1511 = arith.addi %min3A_1505, %select_n3A_1510 : vector<16xi32>
        %add3A_1512 = arith.constant 1 : i32
        %add3A_1513 = vector.broadcast %add3A_1512 : i32 to vector<16xi32>
        %add3A_1514 = arith.addi %add3A_1472, %add3A_1513 : vector<16xi32>
        tpu.vector_store_idx %arg9[%add3A_1514], %add3A_1511 : memref<21504xi32, #tpu.memory_space<vmem>>[vector<16xi32>], vector<16xi32>,
        %mul3A_1515 = arith.mulf %exp3A_1355, %div3A_1468 : vector<16xf32>
        %eq3A_1516 = arith.constant 2 : i32
        %eq3A_1517 = vector.broadcast %eq3A_1516 : i32 to vector<16xi32>
        %eq3A_1518 = arith.cmpi eq, %get3A_1340, %eq3A_1517 : vector<16xi32>
        %sub3A_1519 = arith.constant 7.680000e+02 : f32
        %sub3A_1520 = vector.broadcast %sub3A_1519 : f32 to vector<16xf32>
        %sub3A_1521 = arith.subf %sub3A_1520, %mul3A_1515 : vector<16xf32>
        %select_n3A_1522 = arith.select %eq3A_1518, %sub3A_1521, %mul3A_1515 : vector<16xi1>, vector<16xf32>
        %convert_element_type3A_1523 = arith.fptosi %select_n3A_1522 : vector<16xf32> to vector<16xi32>
        %min3A_1524 = arith.constant 767 : i32
        %min3A_1525 = vector.broadcast %min3A_1524 : i32 to vector<16xi32>
        %min3A_1526 = arith.minsi %convert_element_type3A_1523, %min3A_1525 : vector<16xi32>
        %jit3A_1527 = arith.constant 3840 : i32
        %jit3A_1528 = arith.constant 3072 : i32
        %broadcast_in_dim3A_1529 = vector.broadcast %jit3A_1527 : i32 to vector<16xi32>
        %broadcast_in_dim3A_1530 = vector.broadcast %jit3A_1528 : i32 to vector<16xi32>
        %select_n3A_1531 = arith.select %eq3A_1518, %broadcast_in_dim3A_1529, %broadcast_in_dim3A_1530 : vector<16xi1>, vector<16xi32>
        %add3A_1532 = arith.addi %min3A_1526, %select_n3A_1531 : vector<16xi32>
        %add3A_1533 = arith.constant 2 : i32
        %add3A_1534 = vector.broadcast %add3A_1533 : i32 to vector<16xi32>
        %add3A_1535 = arith.addi %add3A_1472, %add3A_1534 : vector<16xi32>
        tpu.vector_store_idx %arg9[%add3A_1535], %add3A_1532 : memref<21504xi32, #tpu.memory_space<vmem>>[vector<16xi32>], vector<16xi32>,
        %mul3A_1536 = arith.mulf %exp3A_1360, %div3A_1468 : vector<16xf32>
        %eq3A_1537 = arith.constant 3 : i32
        %eq3A_1538 = vector.broadcast %eq3A_1537 : i32 to vector<16xi32>
        %eq3A_1539 = arith.cmpi eq, %get3A_1340, %eq3A_1538 : vector<16xi32>
        %sub3A_1540 = arith.constant 7.680000e+02 : f32
        %sub3A_1541 = vector.broadcast %sub3A_1540 : f32 to vector<16xf32>
        %sub3A_1542 = arith.subf %sub3A_1541, %mul3A_1536 : vector<16xf32>
        %select_n3A_1543 = arith.select %eq3A_1539, %sub3A_1542, %mul3A_1536 : vector<16xi1>, vector<16xf32>
        %convert_element_type3A_1544 = arith.fptosi %select_n3A_1543 : vector<16xf32> to vector<16xi32>
        %min3A_1545 = arith.constant 767 : i32
        %min3A_1546 = vector.broadcast %min3A_1545 : i32 to vector<16xi32>
        %min3A_1547 = arith.minsi %convert_element_type3A_1544, %min3A_1546 : vector<16xi32>
        %jit3A_1548 = arith.constant 5376 : i32
        %jit3A_1549 = arith.constant 4608 : i32
        %broadcast_in_dim3A_1550 = vector.broadcast %jit3A_1548 : i32 to vector<16xi32>
        %broadcast_in_dim3A_1551 = vector.broadcast %jit3A_1549 : i32 to vector<16xi32>
        %select_n3A_1552 = arith.select %eq3A_1539, %broadcast_in_dim3A_1550, %broadcast_in_dim3A_1551 : vector<16xi1>, vector<16xi32>
        %add3A_1553 = arith.addi %min3A_1547, %select_n3A_1552 : vector<16xi32>
        %add3A_1554 = arith.constant 3 : i32
        %add3A_1555 = vector.broadcast %add3A_1554 : i32 to vector<16xi32>
        %add3A_1556 = arith.addi %add3A_1472, %add3A_1555 : vector<16xi32>
        tpu.vector_store_idx %arg9[%add3A_1556], %add3A_1553 : memref<21504xi32, #tpu.memory_space<vmem>>[vector<16xi32>], vector<16xi32>,
        %mul3A_1557 = arith.mulf %exp3A_1365, %div3A_1468 : vector<16xf32>
        %eq3A_1558 = arith.constant 4 : i32
        %eq3A_1559 = vector.broadcast %eq3A_1558 : i32 to vector<16xi32>
        %eq3A_1560 = arith.cmpi eq, %get3A_1340, %eq3A_1559 : vector<16xi32>
        %sub3A_1561 = arith.constant 7.680000e+02 : f32
        %sub3A_1562 = vector.broadcast %sub3A_1561 : f32 to vector<16xf32>
        %sub3A_1563 = arith.subf %sub3A_1562, %mul3A_1557 : vector<16xf32>
        %select_n3A_1564 = arith.select %eq3A_1560, %sub3A_1563, %mul3A_1557 : vector<16xi1>, vector<16xf32>
        %convert_element_type3A_1565 = arith.fptosi %select_n3A_1564 : vector<16xf32> to vector<16xi32>
        %min3A_1566 = arith.constant 767 : i32
        %min3A_1567 = vector.broadcast %min3A_1566 : i32 to vector<16xi32>
        %min3A_1568 = arith.minsi %convert_element_type3A_1565, %min3A_1567 : vector<16xi32>
        %jit3A_1569 = arith.constant 6912 : i32
        %jit3A_1570 = arith.constant 6144 : i32
        %broadcast_in_dim3A_1571 = vector.broadcast %jit3A_1569 : i32 to vector<16xi32>
        %broadcast_in_dim3A_1572 = vector.broadcast %jit3A_1570 : i32 to vector<16xi32>
        %select_n3A_1573 = arith.select %eq3A_1560, %broadcast_in_dim3A_1571, %broadcast_in_dim3A_1572 : vector<16xi1>, vector<16xi32>
        %add3A_1574 = arith.addi %min3A_1568, %select_n3A_1573 : vector<16xi32>
        %add3A_1575 = arith.constant 4 : i32
        %add3A_1576 = vector.broadcast %add3A_1575 : i32 to vector<16xi32>
        %add3A_1577 = arith.addi %add3A_1472, %add3A_1576 : vector<16xi32>
        tpu.vector_store_idx %arg9[%add3A_1577], %add3A_1574 : memref<21504xi32, #tpu.memory_space<vmem>>[vector<16xi32>], vector<16xi32>,
        %mul3A_1578 = arith.mulf %exp3A_1370, %div3A_1468 : vector<16xf32>
        %eq3A_1579 = arith.constant 5 : i32
        %eq3A_1580 = vector.broadcast %eq3A_1579 : i32 to vector<16xi32>
        %eq3A_1581 = arith.cmpi eq, %get3A_1340, %eq3A_1580 : vector<16xi32>
        %sub3A_1582 = arith.constant 7.680000e+02 : f32
        %sub3A_1583 = vector.broadcast %sub3A_1582 : f32 to vector<16xf32>
        %sub3A_1584 = arith.subf %sub3A_1583, %mul3A_1578 : vector<16xf32>
        %select_n3A_1585 = arith.select %eq3A_1581, %sub3A_1584, %mul3A_1578 : vector<16xi1>, vector<16xf32>
        %convert_element_type3A_1586 = arith.fptosi %select_n3A_1585 : vector<16xf32> to vector<16xi32>
        %min3A_1587 = arith.constant 767 : i32
        %min3A_1588 = vector.broadcast %min3A_1587 : i32 to vector<16xi32>
        %min3A_1589 = arith.minsi %convert_element_type3A_1586, %min3A_1588 : vector<16xi32>
        %jit3A_1590 = arith.constant 8448 : i32
        %jit3A_1591 = arith.constant 7680 : i32
        %broadcast_in_dim3A_1592 = vector.broadcast %jit3A_1590 : i32 to vector<16xi32>
        %broadcast_in_dim3A_1593 = vector.broadcast %jit3A_1591 : i32 to vector<16xi32>
        %select_n3A_1594 = arith.select %eq3A_1581, %broadcast_in_dim3A_1592, %broadcast_in_dim3A_1593 : vector<16xi1>, vector<16xi32>
        %add3A_1595 = arith.addi %min3A_1589, %select_n3A_1594 : vector<16xi32>
        %add3A_1596 = arith.constant 5 : i32
        %add3A_1597 = vector.broadcast %add3A_1596 : i32 to vector<16xi32>
        %add3A_1598 = arith.addi %add3A_1472, %add3A_1597 : vector<16xi32>
        tpu.vector_store_idx %arg9[%add3A_1598], %add3A_1595 : memref<21504xi32, #tpu.memory_space<vmem>>[vector<16xi32>], vector<16xi32>,
        %mul3A_1599 = arith.mulf %exp3A_1375, %div3A_1468 : vector<16xf32>
        %eq3A_1600 = arith.constant 6 : i32
        %eq3A_1601 = vector.broadcast %eq3A_1600 : i32 to vector<16xi32>
        %eq3A_1602 = arith.cmpi eq, %get3A_1340, %eq3A_1601 : vector<16xi32>
        %sub3A_1603 = arith.constant 7.680000e+02 : f32
        %sub3A_1604 = vector.broadcast %sub3A_1603 : f32 to vector<16xf32>
        %sub3A_1605 = arith.subf %sub3A_1604, %mul3A_1599 : vector<16xf32>
        %select_n3A_1606 = arith.select %eq3A_1602, %sub3A_1605, %mul3A_1599 : vector<16xi1>, vector<16xf32>
        %convert_element_type3A_1607 = arith.fptosi %select_n3A_1606 : vector<16xf32> to vector<16xi32>
        %min3A_1608 = arith.constant 767 : i32
        %min3A_1609 = vector.broadcast %min3A_1608 : i32 to vector<16xi32>
        %min3A_1610 = arith.minsi %convert_element_type3A_1607, %min3A_1609 : vector<16xi32>
        %jit3A_1611 = arith.constant 9984 : i32
        %jit3A_1612 = arith.constant 9216 : i32
        %broadcast_in_dim3A_1613 = vector.broadcast %jit3A_1611 : i32 to vector<16xi32>
        %broadcast_in_dim3A_1614 = vector.broadcast %jit3A_1612 : i32 to vector<16xi32>
        %select_n3A_1615 = arith.select %eq3A_1602, %broadcast_in_dim3A_1613, %broadcast_in_dim3A_1614 : vector<16xi1>, vector<16xi32>
        %add3A_1616 = arith.addi %min3A_1610, %select_n3A_1615 : vector<16xi32>
        %add3A_1617 = arith.constant 6 : i32
        %add3A_1618 = vector.broadcast %add3A_1617 : i32 to vector<16xi32>
        %add3A_1619 = arith.addi %add3A_1472, %add3A_1618 : vector<16xi32>
        tpu.vector_store_idx %arg9[%add3A_1619], %add3A_1616 : memref<21504xi32, #tpu.memory_space<vmem>>[vector<16xi32>], vector<16xi32>,
        %mul3A_1620 = arith.mulf %exp3A_1380, %div3A_1468 : vector<16xf32>
        %eq3A_1621 = arith.constant 7 : i32
        %eq3A_1622 = vector.broadcast %eq3A_1621 : i32 to vector<16xi32>
        %eq3A_1623 = arith.cmpi eq, %get3A_1340, %eq3A_1622 : vector<16xi32>
        %sub3A_1624 = arith.constant 7.680000e+02 : f32
        %sub3A_1625 = vector.broadcast %sub3A_1624 : f32 to vector<16xf32>
        %sub3A_1626 = arith.subf %sub3A_1625, %mul3A_1620 : vector<16xf32>
        %select_n3A_1627 = arith.select %eq3A_1623, %sub3A_1626, %mul3A_1620 : vector<16xi1>, vector<16xf32>
        %convert_element_type3A_1628 = arith.fptosi %select_n3A_1627 : vector<16xf32> to vector<16xi32>
        %min3A_1629 = arith.constant 767 : i32
        %min3A_1630 = vector.broadcast %min3A_1629 : i32 to vector<16xi32>
        %min3A_1631 = arith.minsi %convert_element_type3A_1628, %min3A_1630 : vector<16xi32>
        %jit3A_1632 = arith.constant 11520 : i32
        %jit3A_1633 = arith.constant 10752 : i32
        %broadcast_in_dim3A_1634 = vector.broadcast %jit3A_1632 : i32 to vector<16xi32>
        %broadcast_in_dim3A_1635 = vector.broadcast %jit3A_1633 : i32 to vector<16xi32>
        %select_n3A_1636 = arith.select %eq3A_1623, %broadcast_in_dim3A_1634, %broadcast_in_dim3A_1635 : vector<16xi1>, vector<16xi32>
        %add3A_1637 = arith.addi %min3A_1631, %select_n3A_1636 : vector<16xi32>
        %add3A_1638 = arith.constant 7 : i32
        %add3A_1639 = vector.broadcast %add3A_1638 : i32 to vector<16xi32>
        %add3A_1640 = arith.addi %add3A_1472, %add3A_1639 : vector<16xi32>
        tpu.vector_store_idx %arg9[%add3A_1640], %add3A_1637 : memref<21504xi32, #tpu.memory_space<vmem>>[vector<16xi32>], vector<16xi32>,
        %mul3A_1641 = arith.mulf %exp3A_1385, %div3A_1468 : vector<16xf32>
        %eq3A_1642 = arith.constant 8 : i32
        %eq3A_1643 = vector.broadcast %eq3A_1642 : i32 to vector<16xi32>
        %eq3A_1644 = arith.cmpi eq, %get3A_1340, %eq3A_1643 : vector<16xi32>
        %sub3A_1645 = arith.constant 7.680000e+02 : f32
        %sub3A_1646 = vector.broadcast %sub3A_1645 : f32 to vector<16xf32>
        %sub3A_1647 = arith.subf %sub3A_1646, %mul3A_1641 : vector<16xf32>
        %select_n3A_1648 = arith.select %eq3A_1644, %sub3A_1647, %mul3A_1641 : vector<16xi1>, vector<16xf32>
        %convert_element_type3A_1649 = arith.fptosi %select_n3A_1648 : vector<16xf32> to vector<16xi32>
        %min3A_1650 = arith.constant 767 : i32
        %min3A_1651 = vector.broadcast %min3A_1650 : i32 to vector<16xi32>
        %min3A_1652 = arith.minsi %convert_element_type3A_1649, %min3A_1651 : vector<16xi32>
        %jit3A_1653 = arith.constant 13056 : i32
        %jit3A_1654 = arith.constant 12288 : i32
        %broadcast_in_dim3A_1655 = vector.broadcast %jit3A_1653 : i32 to vector<16xi32>
        %broadcast_in_dim3A_1656 = vector.broadcast %jit3A_1654 : i32 to vector<16xi32>
        %select_n3A_1657 = arith.select %eq3A_1644, %broadcast_in_dim3A_1655, %broadcast_in_dim3A_1656 : vector<16xi1>, vector<16xi32>
        %add3A_1658 = arith.addi %min3A_1652, %select_n3A_1657 : vector<16xi32>
        %add3A_1659 = arith.constant 8 : i32
        %add3A_1660 = vector.broadcast %add3A_1659 : i32 to vector<16xi32>
        %add3A_1661 = arith.addi %add3A_1472, %add3A_1660 : vector<16xi32>
        tpu.vector_store_idx %arg9[%add3A_1661], %add3A_1658 : memref<21504xi32, #tpu.memory_space<vmem>>[vector<16xi32>], vector<16xi32>,
        %mul3A_1662 = arith.mulf %exp3A_1390, %div3A_1468 : vector<16xf32>
        %eq3A_1663 = arith.constant 9 : i32
        %eq3A_1664 = vector.broadcast %eq3A_1663 : i32 to vector<16xi32>
        %eq3A_1665 = arith.cmpi eq, %get3A_1340, %eq3A_1664 : vector<16xi32>
        %sub3A_1666 = arith.constant 7.680000e+02 : f32
        %sub3A_1667 = vector.broadcast %sub3A_1666 : f32 to vector<16xf32>
        %sub3A_1668 = arith.subf %sub3A_1667, %mul3A_1662 : vector<16xf32>
        %select_n3A_1669 = arith.select %eq3A_1665, %sub3A_1668, %mul3A_1662 : vector<16xi1>, vector<16xf32>
        %convert_element_type3A_1670 = arith.fptosi %select_n3A_1669 : vector<16xf32> to vector<16xi32>
        %min3A_1671 = arith.constant 767 : i32
        %min3A_1672 = vector.broadcast %min3A_1671 : i32 to vector<16xi32>
        %min3A_1673 = arith.minsi %convert_element_type3A_1670, %min3A_1672 : vector<16xi32>
        %jit3A_1674 = arith.constant 14592 : i32
        %jit3A_1675 = arith.constant 13824 : i32
        %broadcast_in_dim3A_1676 = vector.broadcast %jit3A_1674 : i32 to vector<16xi32>
        %broadcast_in_dim3A_1677 = vector.broadcast %jit3A_1675 : i32 to vector<16xi32>
        %select_n3A_1678 = arith.select %eq3A_1665, %broadcast_in_dim3A_1676, %broadcast_in_dim3A_1677 : vector<16xi1>, vector<16xi32>
        %add3A_1679 = arith.addi %min3A_1673, %select_n3A_1678 : vector<16xi32>
        %add3A_1680 = arith.constant 9 : i32
        %add3A_1681 = vector.broadcast %add3A_1680 : i32 to vector<16xi32>
        %add3A_1682 = arith.addi %add3A_1472, %add3A_1681 : vector<16xi32>
        tpu.vector_store_idx %arg9[%add3A_1682], %add3A_1679 : memref<21504xi32, #tpu.memory_space<vmem>>[vector<16xi32>], vector<16xi32>,
        %mul3A_1683 = arith.mulf %exp3A_1395, %div3A_1468 : vector<16xf32>
        %eq3A_1684 = arith.constant 10 : i32
        %eq3A_1685 = vector.broadcast %eq3A_1684 : i32 to vector<16xi32>
        %eq3A_1686 = arith.cmpi eq, %get3A_1340, %eq3A_1685 : vector<16xi32>
        %sub3A_1687 = arith.constant 7.680000e+02 : f32
        %sub3A_1688 = vector.broadcast %sub3A_1687 : f32 to vector<16xf32>
        %sub3A_1689 = arith.subf %sub3A_1688, %mul3A_1683 : vector<16xf32>
        %select_n3A_1690 = arith.select %eq3A_1686, %sub3A_1689, %mul3A_1683 : vector<16xi1>, vector<16xf32>
        %convert_element_type3A_1691 = arith.fptosi %select_n3A_1690 : vector<16xf32> to vector<16xi32>
        %min3A_1692 = arith.constant 767 : i32
        %min3A_1693 = vector.broadcast %min3A_1692 : i32 to vector<16xi32>
        %min3A_1694 = arith.minsi %convert_element_type3A_1691, %min3A_1693 : vector<16xi32>
        %jit3A_1695 = arith.constant 16128 : i32
        %jit3A_1696 = arith.constant 15360 : i32
        %broadcast_in_dim3A_1697 = vector.broadcast %jit3A_1695 : i32 to vector<16xi32>
        %broadcast_in_dim3A_1698 = vector.broadcast %jit3A_1696 : i32 to vector<16xi32>
        %select_n3A_1699 = arith.select %eq3A_1686, %broadcast_in_dim3A_1697, %broadcast_in_dim3A_1698 : vector<16xi1>, vector<16xi32>
        %add3A_1700 = arith.addi %min3A_1694, %select_n3A_1699 : vector<16xi32>
        %add3A_1701 = arith.constant 10 : i32
        %add3A_1702 = vector.broadcast %add3A_1701 : i32 to vector<16xi32>
        %add3A_1703 = arith.addi %add3A_1472, %add3A_1702 : vector<16xi32>
        tpu.vector_store_idx %arg9[%add3A_1703], %add3A_1700 : memref<21504xi32, #tpu.memory_space<vmem>>[vector<16xi32>], vector<16xi32>,
        %mul3A_1704 = arith.mulf %exp3A_1400, %div3A_1468 : vector<16xf32>
        %eq3A_1705 = arith.constant 11 : i32
        %eq3A_1706 = vector.broadcast %eq3A_1705 : i32 to vector<16xi32>
        %eq3A_1707 = arith.cmpi eq, %get3A_1340, %eq3A_1706 : vector<16xi32>
        %sub3A_1708 = arith.constant 7.680000e+02 : f32
        %sub3A_1709 = vector.broadcast %sub3A_1708 : f32 to vector<16xf32>
        %sub3A_1710 = arith.subf %sub3A_1709, %mul3A_1704 : vector<16xf32>
        %select_n3A_1711 = arith.select %eq3A_1707, %sub3A_1710, %mul3A_1704 : vector<16xi1>, vector<16xf32>
        %convert_element_type3A_1712 = arith.fptosi %select_n3A_1711 : vector<16xf32> to vector<16xi32>
        %min3A_1713 = arith.constant 767 : i32
        %min3A_1714 = vector.broadcast %min3A_1713 : i32 to vector<16xi32>
        %min3A_1715 = arith.minsi %convert_element_type3A_1712, %min3A_1714 : vector<16xi32>
        %jit3A_1716 = arith.constant 17664 : i32
        %jit3A_1717 = arith.constant 16896 : i32
        %broadcast_in_dim3A_1718 = vector.broadcast %jit3A_1716 : i32 to vector<16xi32>
        %broadcast_in_dim3A_1719 = vector.broadcast %jit3A_1717 : i32 to vector<16xi32>
        %select_n3A_1720 = arith.select %eq3A_1707, %broadcast_in_dim3A_1718, %broadcast_in_dim3A_1719 : vector<16xi1>, vector<16xi32>
        %add3A_1721 = arith.addi %min3A_1715, %select_n3A_1720 : vector<16xi32>
        %add3A_1722 = arith.constant 11 : i32
        %add3A_1723 = vector.broadcast %add3A_1722 : i32 to vector<16xi32>
        %add3A_1724 = arith.addi %add3A_1472, %add3A_1723 : vector<16xi32>
        tpu.vector_store_idx %arg9[%add3A_1724], %add3A_1721 : memref<21504xi32, #tpu.memory_space<vmem>>[vector<16xi32>], vector<16xi32>,
        %mul3A_1725 = arith.mulf %exp3A_1405, %div3A_1468 : vector<16xf32>
        %eq3A_1726 = arith.constant 12 : i32
        %eq3A_1727 = vector.broadcast %eq3A_1726 : i32 to vector<16xi32>
        %eq3A_1728 = arith.cmpi eq, %get3A_1340, %eq3A_1727 : vector<16xi32>
        %sub3A_1729 = arith.constant 7.680000e+02 : f32
        %sub3A_1730 = vector.broadcast %sub3A_1729 : f32 to vector<16xf32>
        %sub3A_1731 = arith.subf %sub3A_1730, %mul3A_1725 : vector<16xf32>
        %select_n3A_1732 = arith.select %eq3A_1728, %sub3A_1731, %mul3A_1725 : vector<16xi1>, vector<16xf32>
        %convert_element_type3A_1733 = arith.fptosi %select_n3A_1732 : vector<16xf32> to vector<16xi32>
        %min3A_1734 = arith.constant 767 : i32
        %min3A_1735 = vector.broadcast %min3A_1734 : i32 to vector<16xi32>
        %min3A_1736 = arith.minsi %convert_element_type3A_1733, %min3A_1735 : vector<16xi32>
        %jit3A_1737 = arith.constant 19200 : i32
        %jit3A_1738 = arith.constant 18432 : i32
        %broadcast_in_dim3A_1739 = vector.broadcast %jit3A_1737 : i32 to vector<16xi32>
        %broadcast_in_dim3A_1740 = vector.broadcast %jit3A_1738 : i32 to vector<16xi32>
        %select_n3A_1741 = arith.select %eq3A_1728, %broadcast_in_dim3A_1739, %broadcast_in_dim3A_1740 : vector<16xi1>, vector<16xi32>
        %add3A_1742 = arith.addi %min3A_1736, %select_n3A_1741 : vector<16xi32>
        %add3A_1743 = arith.constant 12 : i32
        %add3A_1744 = vector.broadcast %add3A_1743 : i32 to vector<16xi32>
        %add3A_1745 = arith.addi %add3A_1472, %add3A_1744 : vector<16xi32>
        tpu.vector_store_idx %arg9[%add3A_1745], %add3A_1742 : memref<21504xi32, #tpu.memory_space<vmem>>[vector<16xi32>], vector<16xi32>,
        %mul3A_1746 = arith.mulf %exp3A_1410, %div3A_1468 : vector<16xf32>
        %eq3A_1747 = arith.constant 13 : i32
        %eq3A_1748 = vector.broadcast %eq3A_1747 : i32 to vector<16xi32>
        %eq3A_1749 = arith.cmpi eq, %get3A_1340, %eq3A_1748 : vector<16xi32>
        %sub3A_1750 = arith.constant 7.680000e+02 : f32
        %sub3A_1751 = vector.broadcast %sub3A_1750 : f32 to vector<16xf32>
        %sub3A_1752 = arith.subf %sub3A_1751, %mul3A_1746 : vector<16xf32>
        %select_n3A_1753 = arith.select %eq3A_1749, %sub3A_1752, %mul3A_1746 : vector<16xi1>, vector<16xf32>
        %convert_element_type3A_1754 = arith.fptosi %select_n3A_1753 : vector<16xf32> to vector<16xi32>
        %min3A_1755 = arith.constant 767 : i32
        %min3A_1756 = vector.broadcast %min3A_1755 : i32 to vector<16xi32>
        %min3A_1757 = arith.minsi %convert_element_type3A_1754, %min3A_1756 : vector<16xi32>
        %jit3A_1758 = arith.constant 20736 : i32
        %jit3A_1759 = arith.constant 19968 : i32
        %broadcast_in_dim3A_1760 = vector.broadcast %jit3A_1758 : i32 to vector<16xi32>
        %broadcast_in_dim3A_1761 = vector.broadcast %jit3A_1759 : i32 to vector<16xi32>
        %select_n3A_1762 = arith.select %eq3A_1749, %broadcast_in_dim3A_1760, %broadcast_in_dim3A_1761 : vector<16xi1>, vector<16xi32>
        %add3A_1763 = arith.addi %min3A_1757, %select_n3A_1762 : vector<16xi32>
        %add3A_1764 = arith.constant 13 : i32
        %add3A_1765 = vector.broadcast %add3A_1764 : i32 to vector<16xi32>
        %add3A_1766 = arith.addi %add3A_1472, %add3A_1765 : vector<16xi32>
        tpu.vector_store_idx %arg9[%add3A_1766], %add3A_1763 : memref<21504xi32, #tpu.memory_space<vmem>>[vector<16xi32>], vector<16xi32>,
        %mul3A_1767 = arith.mulf %exp3A_1415, %div3A_1468 : vector<16xf32>
        %eq3A_1768 = arith.constant 14 : i32
        %eq3A_1769 = vector.broadcast %eq3A_1768 : i32 to vector<16xi32>
        %eq3A_1770 = arith.cmpi eq, %get3A_1340, %eq3A_1769 : vector<16xi32>
        %sub3A_1771 = arith.constant 7.680000e+02 : f32
        %sub3A_1772 = vector.broadcast %sub3A_1771 : f32 to vector<16xf32>
        %sub3A_1773 = arith.subf %sub3A_1772, %mul3A_1767 : vector<16xf32>
        %select_n3A_1774 = arith.select %eq3A_1770, %sub3A_1773, %mul3A_1767 : vector<16xi1>, vector<16xf32>
        %convert_element_type3A_1775 = arith.fptosi %select_n3A_1774 : vector<16xf32> to vector<16xi32>
        %min3A_1776 = arith.constant 767 : i32
        %min3A_1777 = vector.broadcast %min3A_1776 : i32 to vector<16xi32>
        %min3A_1778 = arith.minsi %convert_element_type3A_1775, %min3A_1777 : vector<16xi32>
        %jit3A_1779 = arith.constant 22272 : i32
        %jit3A_1780 = arith.constant 21504 : i32
        %broadcast_in_dim3A_1781 = vector.broadcast %jit3A_1779 : i32 to vector<16xi32>
        %broadcast_in_dim3A_1782 = vector.broadcast %jit3A_1780 : i32 to vector<16xi32>
        %select_n3A_1783 = arith.select %eq3A_1770, %broadcast_in_dim3A_1781, %broadcast_in_dim3A_1782 : vector<16xi1>, vector<16xi32>
        %add3A_1784 = arith.addi %min3A_1778, %select_n3A_1783 : vector<16xi32>
        %add3A_1785 = arith.constant 14 : i32
        %add3A_1786 = vector.broadcast %add3A_1785 : i32 to vector<16xi32>
        %add3A_1787 = arith.addi %add3A_1472, %add3A_1786 : vector<16xi32>
        tpu.vector_store_idx %arg9[%add3A_1787], %add3A_1784 : memref<21504xi32, #tpu.memory_space<vmem>>[vector<16xi32>], vector<16xi32>,
        %mul3A_1788 = arith.mulf %exp3A_1420, %div3A_1468 : vector<16xf32>
        %eq3A_1789 = arith.constant 15 : i32
        %eq3A_1790 = vector.broadcast %eq3A_1789 : i32 to vector<16xi32>
        %eq3A_1791 = arith.cmpi eq, %get3A_1340, %eq3A_1790 : vector<16xi32>
        %sub3A_1792 = arith.constant 7.680000e+02 : f32
        %sub3A_1793 = vector.broadcast %sub3A_1792 : f32 to vector<16xf32>
        %sub3A_1794 = arith.subf %sub3A_1793, %mul3A_1788 : vector<16xf32>
        %select_n3A_1795 = arith.select %eq3A_1791, %sub3A_1794, %mul3A_1788 : vector<16xi1>, vector<16xf32>
        %convert_element_type3A_1796 = arith.fptosi %select_n3A_1795 : vector<16xf32> to vector<16xi32>
        %min3A_1797 = arith.constant 767 : i32
        %min3A_1798 = vector.broadcast %min3A_1797 : i32 to vector<16xi32>
        %min3A_1799 = arith.minsi %convert_element_type3A_1796, %min3A_1798 : vector<16xi32>
        %jit3A_1800 = arith.constant 23808 : i32
        %jit3A_1801 = arith.constant 23040 : i32
        %broadcast_in_dim3A_1802 = vector.broadcast %jit3A_1800 : i32 to vector<16xi32>
        %broadcast_in_dim3A_1803 = vector.broadcast %jit3A_1801 : i32 to vector<16xi32>
        %select_n3A_1804 = arith.select %eq3A_1791, %broadcast_in_dim3A_1802, %broadcast_in_dim3A_1803 : vector<16xi1>, vector<16xi32>
        %add3A_1805 = arith.addi %min3A_1799, %select_n3A_1804 : vector<16xi32>
        %add3A_1806 = arith.constant 15 : i32
        %add3A_1807 = vector.broadcast %add3A_1806 : i32 to vector<16xi32>
        %add3A_1808 = arith.addi %add3A_1472, %add3A_1807 : vector<16xi32>
        tpu.vector_store_idx %arg9[%add3A_1808], %add3A_1805 : memref<21504xi32, #tpu.memory_space<vmem>>[vector<16xi32>], vector<16xi32>,
        %mul3A_1809 = arith.mulf %exp3A_1425, %div3A_1468 : vector<16xf32>
        %eq3A_1810 = arith.constant 16 : i32
        %eq3A_1811 = vector.broadcast %eq3A_1810 : i32 to vector<16xi32>
        %eq3A_1812 = arith.cmpi eq, %get3A_1340, %eq3A_1811 : vector<16xi32>
        %sub3A_1813 = arith.constant 7.680000e+02 : f32
        %sub3A_1814 = vector.broadcast %sub3A_1813 : f32 to vector<16xf32>
        %sub3A_1815 = arith.subf %sub3A_1814, %mul3A_1809 : vector<16xf32>
        %select_n3A_1816 = arith.select %eq3A_1812, %sub3A_1815, %mul3A_1809 : vector<16xi1>, vector<16xf32>
        %convert_element_type3A_1817 = arith.fptosi %select_n3A_1816 : vector<16xf32> to vector<16xi32>
        %min3A_1818 = arith.constant 767 : i32
        %min3A_1819 = vector.broadcast %min3A_1818 : i32 to vector<16xi32>
        %min3A_1820 = arith.minsi %convert_element_type3A_1817, %min3A_1819 : vector<16xi32>
        %jit3A_1821 = arith.constant 25344 : i32
        %jit3A_1822 = arith.constant 24576 : i32
        %broadcast_in_dim3A_1823 = vector.broadcast %jit3A_1821 : i32 to vector<16xi32>
        %broadcast_in_dim3A_1824 = vector.broadcast %jit3A_1822 : i32 to vector<16xi32>
        %select_n3A_1825 = arith.select %eq3A_1812, %broadcast_in_dim3A_1823, %broadcast_in_dim3A_1824 : vector<16xi1>, vector<16xi32>
        %add3A_1826 = arith.addi %min3A_1820, %select_n3A_1825 : vector<16xi32>
        %add3A_1827 = arith.constant 16 : i32
        %add3A_1828 = vector.broadcast %add3A_1827 : i32 to vector<16xi32>
        %add3A_1829 = arith.addi %add3A_1472, %add3A_1828 : vector<16xi32>
        tpu.vector_store_idx %arg9[%add3A_1829], %add3A_1826 : memref<21504xi32, #tpu.memory_space<vmem>>[vector<16xi32>], vector<16xi32>,
        %mul3A_1830 = arith.mulf %exp3A_1430, %div3A_1468 : vector<16xf32>
        %eq3A_1831 = arith.constant 17 : i32
        %eq3A_1832 = vector.broadcast %eq3A_1831 : i32 to vector<16xi32>
        %eq3A_1833 = arith.cmpi eq, %get3A_1340, %eq3A_1832 : vector<16xi32>
        %sub3A_1834 = arith.constant 7.680000e+02 : f32
        %sub3A_1835 = vector.broadcast %sub3A_1834 : f32 to vector<16xf32>
        %sub3A_1836 = arith.subf %sub3A_1835, %mul3A_1830 : vector<16xf32>
        %select_n3A_1837 = arith.select %eq3A_1833, %sub3A_1836, %mul3A_1830 : vector<16xi1>, vector<16xf32>
        %convert_element_type3A_1838 = arith.fptosi %select_n3A_1837 : vector<16xf32> to vector<16xi32>
        %min3A_1839 = arith.constant 767 : i32
        %min3A_1840 = vector.broadcast %min3A_1839 : i32 to vector<16xi32>
        %min3A_1841 = arith.minsi %convert_element_type3A_1838, %min3A_1840 : vector<16xi32>
        %jit3A_1842 = arith.constant 26880 : i32
        %jit3A_1843 = arith.constant 26112 : i32
        %broadcast_in_dim3A_1844 = vector.broadcast %jit3A_1842 : i32 to vector<16xi32>
        %broadcast_in_dim3A_1845 = vector.broadcast %jit3A_1843 : i32 to vector<16xi32>
        %select_n3A_1846 = arith.select %eq3A_1833, %broadcast_in_dim3A_1844, %broadcast_in_dim3A_1845 : vector<16xi1>, vector<16xi32>
        %add3A_1847 = arith.addi %min3A_1841, %select_n3A_1846 : vector<16xi32>
        %add3A_1848 = arith.constant 17 : i32
        %add3A_1849 = vector.broadcast %add3A_1848 : i32 to vector<16xi32>
        %add3A_1850 = arith.addi %add3A_1472, %add3A_1849 : vector<16xi32>
        tpu.vector_store_idx %arg9[%add3A_1850], %add3A_1847 : memref<21504xi32, #tpu.memory_space<vmem>>[vector<16xi32>], vector<16xi32>,
        %mul3A_1851 = arith.mulf %exp3A_1435, %div3A_1468 : vector<16xf32>
        %eq3A_1852 = arith.constant 18 : i32
        %eq3A_1853 = vector.broadcast %eq3A_1852 : i32 to vector<16xi32>
        %eq3A_1854 = arith.cmpi eq, %get3A_1340, %eq3A_1853 : vector<16xi32>
        %sub3A_1855 = arith.constant 7.680000e+02 : f32
        %sub3A_1856 = vector.broadcast %sub3A_1855 : f32 to vector<16xf32>
        %sub3A_1857 = arith.subf %sub3A_1856, %mul3A_1851 : vector<16xf32>
        %select_n3A_1858 = arith.select %eq3A_1854, %sub3A_1857, %mul3A_1851 : vector<16xi1>, vector<16xf32>
        %convert_element_type3A_1859 = arith.fptosi %select_n3A_1858 : vector<16xf32> to vector<16xi32>
        %min3A_1860 = arith.constant 767 : i32
        %min3A_1861 = vector.broadcast %min3A_1860 : i32 to vector<16xi32>
        %min3A_1862 = arith.minsi %convert_element_type3A_1859, %min3A_1861 : vector<16xi32>
        %jit3A_1863 = arith.constant 28416 : i32
        %jit3A_1864 = arith.constant 27648 : i32
        %broadcast_in_dim3A_1865 = vector.broadcast %jit3A_1863 : i32 to vector<16xi32>
        %broadcast_in_dim3A_1866 = vector.broadcast %jit3A_1864 : i32 to vector<16xi32>
        %select_n3A_1867 = arith.select %eq3A_1854, %broadcast_in_dim3A_1865, %broadcast_in_dim3A_1866 : vector<16xi1>, vector<16xi32>
        %add3A_1868 = arith.addi %min3A_1862, %select_n3A_1867 : vector<16xi32>
        %add3A_1869 = arith.constant 18 : i32
        %add3A_1870 = vector.broadcast %add3A_1869 : i32 to vector<16xi32>
        %add3A_1871 = arith.addi %add3A_1472, %add3A_1870 : vector<16xi32>
        tpu.vector_store_idx %arg9[%add3A_1871], %add3A_1868 : memref<21504xi32, #tpu.memory_space<vmem>>[vector<16xi32>], vector<16xi32>,
        %mul3A_1872 = arith.mulf %exp3A_1440, %div3A_1468 : vector<16xf32>
        %eq3A_1873 = arith.constant 19 : i32
        %eq3A_1874 = vector.broadcast %eq3A_1873 : i32 to vector<16xi32>
        %eq3A_1875 = arith.cmpi eq, %get3A_1340, %eq3A_1874 : vector<16xi32>
        %sub3A_1876 = arith.constant 7.680000e+02 : f32
        %sub3A_1877 = vector.broadcast %sub3A_1876 : f32 to vector<16xf32>
        %sub3A_1878 = arith.subf %sub3A_1877, %mul3A_1872 : vector<16xf32>
        %select_n3A_1879 = arith.select %eq3A_1875, %sub3A_1878, %mul3A_1872 : vector<16xi1>, vector<16xf32>
        %convert_element_type3A_1880 = arith.fptosi %select_n3A_1879 : vector<16xf32> to vector<16xi32>
        %min3A_1881 = arith.constant 767 : i32
        %min3A_1882 = vector.broadcast %min3A_1881 : i32 to vector<16xi32>
        %min3A_1883 = arith.minsi %convert_element_type3A_1880, %min3A_1882 : vector<16xi32>
        %jit3A_1884 = arith.constant 29952 : i32
        %jit3A_1885 = arith.constant 29184 : i32
        %broadcast_in_dim3A_1886 = vector.broadcast %jit3A_1884 : i32 to vector<16xi32>
        %broadcast_in_dim3A_1887 = vector.broadcast %jit3A_1885 : i32 to vector<16xi32>
        %select_n3A_1888 = arith.select %eq3A_1875, %broadcast_in_dim3A_1886, %broadcast_in_dim3A_1887 : vector<16xi1>, vector<16xi32>
        %add3A_1889 = arith.addi %min3A_1883, %select_n3A_1888 : vector<16xi32>
        %add3A_1890 = arith.constant 19 : i32
        %add3A_1891 = vector.broadcast %add3A_1890 : i32 to vector<16xi32>
        %add3A_1892 = arith.addi %add3A_1472, %add3A_1891 : vector<16xi32>
        tpu.vector_store_idx %arg9[%add3A_1892], %add3A_1889 : memref<21504xi32, #tpu.memory_space<vmem>>[vector<16xi32>], vector<16xi32>,
        %mul3A_1893 = arith.mulf %exp3A_1445, %div3A_1468 : vector<16xf32>
        %eq3A_1894 = arith.constant 20 : i32
        %eq3A_1895 = vector.broadcast %eq3A_1894 : i32 to vector<16xi32>
        %eq3A_1896 = arith.cmpi eq, %get3A_1340, %eq3A_1895 : vector<16xi32>
        %sub3A_1897 = arith.constant 7.680000e+02 : f32
        %sub3A_1898 = vector.broadcast %sub3A_1897 : f32 to vector<16xf32>
        %sub3A_1899 = arith.subf %sub3A_1898, %mul3A_1893 : vector<16xf32>
        %select_n3A_1900 = arith.select %eq3A_1896, %sub3A_1899, %mul3A_1893 : vector<16xi1>, vector<16xf32>
        %convert_element_type3A_1901 = arith.fptosi %select_n3A_1900 : vector<16xf32> to vector<16xi32>
        %min3A_1902 = arith.constant 767 : i32
        %min3A_1903 = vector.broadcast %min3A_1902 : i32 to vector<16xi32>
        %min3A_1904 = arith.minsi %convert_element_type3A_1901, %min3A_1903 : vector<16xi32>
        %jit3A_1905 = arith.constant 31488 : i32
        %jit3A_1906 = arith.constant 30720 : i32
        %broadcast_in_dim3A_1907 = vector.broadcast %jit3A_1905 : i32 to vector<16xi32>
        %broadcast_in_dim3A_1908 = vector.broadcast %jit3A_1906 : i32 to vector<16xi32>
        %select_n3A_1909 = arith.select %eq3A_1896, %broadcast_in_dim3A_1907, %broadcast_in_dim3A_1908 : vector<16xi1>, vector<16xi32>
        %add3A_1910 = arith.addi %min3A_1904, %select_n3A_1909 : vector<16xi32>
        %add3A_1911 = arith.constant 20 : i32
        %add3A_1912 = vector.broadcast %add3A_1911 : i32 to vector<16xi32>
        %add3A_1913 = arith.addi %add3A_1472, %add3A_1912 : vector<16xi32>
        tpu.vector_store_idx %arg9[%add3A_1913], %add3A_1910 : memref<21504xi32, #tpu.memory_space<vmem>>[vector<16xi32>], vector<16xi32>,
        %sub3A_1914 = arith.constant 1 : i32
        %sub3A_1915 = arith.subi %scan3A_1336, %sub3A_1914 : i32
        %mul3A_1916 = arith.constant 336 : i32
        %mul3A_1917 = arith.muli %sub3A_1915, %mul3A_1916 : i32
        %add3A_1918 = arith.constant 0 : i32
        %add3A_1919 = arith.addi %mul3A_1917, %add3A_1918 : i32
        %get3A_1920 = arith.index_cast %add3A_1919 : i32 to index
        %get3A_1921 = tpu.vector_load %arg9[%get3A_1920] {strides = array<i32>} : memref<21504xi32, #tpu.memory_space<vmem>>, vector<16xi32>,
        tpu.vector_store_idx %arg10[%get3A_1921], %broadcast_in_dim3A_33 {add = true} : memref<32256xi32, #tpu.memory_space<vmem>>[vector<16xi32>], vector<16xi32>,
        %add3A_1922 = arith.constant 16 : i32
        %add3A_1923 = arith.addi %mul3A_1917, %add3A_1922 : i32
        %get3A_1924 = arith.index_cast %add3A_1923 : i32 to index
        %get3A_1925 = tpu.vector_load %arg9[%get3A_1924] {strides = array<i32>} : memref<21504xi32, #tpu.memory_space<vmem>>, vector<16xi32>,
        tpu.vector_store_idx %arg10[%get3A_1925], %broadcast_in_dim3A_33 {add = true} : memref<32256xi32, #tpu.memory_space<vmem>>[vector<16xi32>], vector<16xi32>,
        %add3A_1926 = arith.constant 32 : i32
        %add3A_1927 = arith.addi %mul3A_1917, %add3A_1926 : i32
        %get3A_1928 = arith.index_cast %add3A_1927 : i32 to index
        %get3A_1929 = tpu.vector_load %arg9[%get3A_1928] {strides = array<i32>} : memref<21504xi32, #tpu.memory_space<vmem>>, vector<16xi32>,
        tpu.vector_store_idx %arg10[%get3A_1929], %broadcast_in_dim3A_33 {add = true} : memref<32256xi32, #tpu.memory_space<vmem>>[vector<16xi32>], vector<16xi32>,
        %add3A_1930 = arith.constant 48 : i32
        %add3A_1931 = arith.addi %mul3A_1917, %add3A_1930 : i32
        %get3A_1932 = arith.index_cast %add3A_1931 : i32 to index
        %get3A_1933 = tpu.vector_load %arg9[%get3A_1932] {strides = array<i32>} : memref<21504xi32, #tpu.memory_space<vmem>>, vector<16xi32>,
        tpu.vector_store_idx %arg10[%get3A_1933], %broadcast_in_dim3A_33 {add = true} : memref<32256xi32, #tpu.memory_space<vmem>>[vector<16xi32>], vector<16xi32>,
        %add3A_1934 = arith.constant 64 : i32
        %add3A_1935 = arith.addi %mul3A_1917, %add3A_1934 : i32
        %get3A_1936 = arith.index_cast %add3A_1935 : i32 to index
        %get3A_1937 = tpu.vector_load %arg9[%get3A_1936] {strides = array<i32>} : memref<21504xi32, #tpu.memory_space<vmem>>, vector<16xi32>,
        tpu.vector_store_idx %arg10[%get3A_1937], %broadcast_in_dim3A_33 {add = true} : memref<32256xi32, #tpu.memory_space<vmem>>[vector<16xi32>], vector<16xi32>,
        %add3A_1938 = arith.constant 80 : i32
        %add3A_1939 = arith.addi %mul3A_1917, %add3A_1938 : i32
        %get3A_1940 = arith.index_cast %add3A_1939 : i32 to index
        %get3A_1941 = tpu.vector_load %arg9[%get3A_1940] {strides = array<i32>} : memref<21504xi32, #tpu.memory_space<vmem>>, vector<16xi32>,
        tpu.vector_store_idx %arg10[%get3A_1941], %broadcast_in_dim3A_33 {add = true} : memref<32256xi32, #tpu.memory_space<vmem>>[vector<16xi32>], vector<16xi32>,
        %add3A_1942 = arith.constant 96 : i32
        %add3A_1943 = arith.addi %mul3A_1917, %add3A_1942 : i32
        %get3A_1944 = arith.index_cast %add3A_1943 : i32 to index
        %get3A_1945 = tpu.vector_load %arg9[%get3A_1944] {strides = array<i32>} : memref<21504xi32, #tpu.memory_space<vmem>>, vector<16xi32>,
        tpu.vector_store_idx %arg10[%get3A_1945], %broadcast_in_dim3A_33 {add = true} : memref<32256xi32, #tpu.memory_space<vmem>>[vector<16xi32>], vector<16xi32>,
        %add3A_1946 = arith.constant 112 : i32
        %add3A_1947 = arith.addi %mul3A_1917, %add3A_1946 : i32
        %get3A_1948 = arith.index_cast %add3A_1947 : i32 to index
        %get3A_1949 = tpu.vector_load %arg9[%get3A_1948] {strides = array<i32>} : memref<21504xi32, #tpu.memory_space<vmem>>, vector<16xi32>,
        tpu.vector_store_idx %arg10[%get3A_1949], %broadcast_in_dim3A_33 {add = true} : memref<32256xi32, #tpu.memory_space<vmem>>[vector<16xi32>], vector<16xi32>,
        %add3A_1950 = arith.constant 128 : i32
        %add3A_1951 = arith.addi %mul3A_1917, %add3A_1950 : i32
        %get3A_1952 = arith.index_cast %add3A_1951 : i32 to index
        %get3A_1953 = tpu.vector_load %arg9[%get3A_1952] {strides = array<i32>} : memref<21504xi32, #tpu.memory_space<vmem>>, vector<16xi32>,
        tpu.vector_store_idx %arg10[%get3A_1953], %broadcast_in_dim3A_33 {add = true} : memref<32256xi32, #tpu.memory_space<vmem>>[vector<16xi32>], vector<16xi32>,
        %add3A_1954 = arith.constant 144 : i32
        %add3A_1955 = arith.addi %mul3A_1917, %add3A_1954 : i32
        %get3A_1956 = arith.index_cast %add3A_1955 : i32 to index
        %get3A_1957 = tpu.vector_load %arg9[%get3A_1956] {strides = array<i32>} : memref<21504xi32, #tpu.memory_space<vmem>>, vector<16xi32>,
        tpu.vector_store_idx %arg10[%get3A_1957], %broadcast_in_dim3A_33 {add = true} : memref<32256xi32, #tpu.memory_space<vmem>>[vector<16xi32>], vector<16xi32>,
        %add3A_1958 = arith.constant 160 : i32
        %add3A_1959 = arith.addi %mul3A_1917, %add3A_1958 : i32
        %get3A_1960 = arith.index_cast %add3A_1959 : i32 to index
        %get3A_1961 = tpu.vector_load %arg9[%get3A_1960] {strides = array<i32>} : memref<21504xi32, #tpu.memory_space<vmem>>, vector<16xi32>,
        tpu.vector_store_idx %arg10[%get3A_1961], %broadcast_in_dim3A_33 {add = true} : memref<32256xi32, #tpu.memory_space<vmem>>[vector<16xi32>], vector<16xi32>,
        %add3A_1962 = arith.constant 176 : i32
        %add3A_1963 = arith.addi %mul3A_1917, %add3A_1962 : i32
        %get3A_1964 = arith.index_cast %add3A_1963 : i32 to index
        %get3A_1965 = tpu.vector_load %arg9[%get3A_1964] {strides = array<i32>} : memref<21504xi32, #tpu.memory_space<vmem>>, vector<16xi32>,
        tpu.vector_store_idx %arg10[%get3A_1965], %broadcast_in_dim3A_33 {add = true} : memref<32256xi32, #tpu.memory_space<vmem>>[vector<16xi32>], vector<16xi32>,
        %add3A_1966 = arith.constant 192 : i32
        %add3A_1967 = arith.addi %mul3A_1917, %add3A_1966 : i32
        %get3A_1968 = arith.index_cast %add3A_1967 : i32 to index
        %get3A_1969 = tpu.vector_load %arg9[%get3A_1968] {strides = array<i32>} : memref<21504xi32, #tpu.memory_space<vmem>>, vector<16xi32>,
        tpu.vector_store_idx %arg10[%get3A_1969], %broadcast_in_dim3A_33 {add = true} : memref<32256xi32, #tpu.memory_space<vmem>>[vector<16xi32>], vector<16xi32>,
        %add3A_1970 = arith.constant 208 : i32
        %add3A_1971 = arith.addi %mul3A_1917, %add3A_1970 : i32
        %get3A_1972 = arith.index_cast %add3A_1971 : i32 to index
        %get3A_1973 = tpu.vector_load %arg9[%get3A_1972] {strides = array<i32>} : memref<21504xi32, #tpu.memory_space<vmem>>, vector<16xi32>,
        tpu.vector_store_idx %arg10[%get3A_1973], %broadcast_in_dim3A_33 {add = true} : memref<32256xi32, #tpu.memory_space<vmem>>[vector<16xi32>], vector<16xi32>,
        %add3A_1974 = arith.constant 224 : i32
        %add3A_1975 = arith.addi %mul3A_1917, %add3A_1974 : i32
        %get3A_1976 = arith.index_cast %add3A_1975 : i32 to index
        %get3A_1977 = tpu.vector_load %arg9[%get3A_1976] {strides = array<i32>} : memref<21504xi32, #tpu.memory_space<vmem>>, vector<16xi32>,
        tpu.vector_store_idx %arg10[%get3A_1977], %broadcast_in_dim3A_33 {add = true} : memref<32256xi32, #tpu.memory_space<vmem>>[vector<16xi32>], vector<16xi32>,
        %add3A_1978 = arith.constant 240 : i32
        %add3A_1979 = arith.addi %mul3A_1917, %add3A_1978 : i32
        %get3A_1980 = arith.index_cast %add3A_1979 : i32 to index
        %get3A_1981 = tpu.vector_load %arg9[%get3A_1980] {strides = array<i32>} : memref<21504xi32, #tpu.memory_space<vmem>>, vector<16xi32>,
        tpu.vector_store_idx %arg10[%get3A_1981], %broadcast_in_dim3A_33 {add = true} : memref<32256xi32, #tpu.memory_space<vmem>>[vector<16xi32>], vector<16xi32>,
        %add3A_1982 = arith.constant 256 : i32
        %add3A_1983 = arith.addi %mul3A_1917, %add3A_1982 : i32
        %get3A_1984 = arith.index_cast %add3A_1983 : i32 to index
        %get3A_1985 = tpu.vector_load %arg9[%get3A_1984] {strides = array<i32>} : memref<21504xi32, #tpu.memory_space<vmem>>, vector<16xi32>,
        tpu.vector_store_idx %arg10[%get3A_1985], %broadcast_in_dim3A_33 {add = true} : memref<32256xi32, #tpu.memory_space<vmem>>[vector<16xi32>], vector<16xi32>,
        %add3A_1986 = arith.constant 272 : i32
        %add3A_1987 = arith.addi %mul3A_1917, %add3A_1986 : i32
        %get3A_1988 = arith.index_cast %add3A_1987 : i32 to index
        %get3A_1989 = tpu.vector_load %arg9[%get3A_1988] {strides = array<i32>} : memref<21504xi32, #tpu.memory_space<vmem>>, vector<16xi32>,
        tpu.vector_store_idx %arg10[%get3A_1989], %broadcast_in_dim3A_33 {add = true} : memref<32256xi32, #tpu.memory_space<vmem>>[vector<16xi32>], vector<16xi32>,
        %add3A_1990 = arith.constant 288 : i32
        %add3A_1991 = arith.addi %mul3A_1917, %add3A_1990 : i32
        %get3A_1992 = arith.index_cast %add3A_1991 : i32 to index
        %get3A_1993 = tpu.vector_load %arg9[%get3A_1992] {strides = array<i32>} : memref<21504xi32, #tpu.memory_space<vmem>>, vector<16xi32>,
        tpu.vector_store_idx %arg10[%get3A_1993], %broadcast_in_dim3A_33 {add = true} : memref<32256xi32, #tpu.memory_space<vmem>>[vector<16xi32>], vector<16xi32>,
        %add3A_1994 = arith.constant 304 : i32
        %add3A_1995 = arith.addi %mul3A_1917, %add3A_1994 : i32
        %get3A_1996 = arith.index_cast %add3A_1995 : i32 to index
        %get3A_1997 = tpu.vector_load %arg9[%get3A_1996] {strides = array<i32>} : memref<21504xi32, #tpu.memory_space<vmem>>, vector<16xi32>,
        tpu.vector_store_idx %arg10[%get3A_1997], %broadcast_in_dim3A_33 {add = true} : memref<32256xi32, #tpu.memory_space<vmem>>[vector<16xi32>], vector<16xi32>,
        %add3A_1998 = arith.constant 320 : i32
        %add3A_1999 = arith.addi %mul3A_1917, %add3A_1998 : i32
        %get3A_2000 = arith.index_cast %add3A_1999 : i32 to index
        %get3A_2001 = tpu.vector_load %arg9[%get3A_2000] {strides = array<i32>} : memref<21504xi32, #tpu.memory_space<vmem>>, vector<16xi32>,
        tpu.vector_store_idx %arg10[%get3A_2001], %broadcast_in_dim3A_33 {add = true} : memref<32256xi32, #tpu.memory_space<vmem>>[vector<16xi32>], vector<16xi32>,
      }
      %scan3A_1293 = arith.constant 63 : i32
      %get3A_1294 = arith.constant 21168 : index
      %get3A_1295 = tpu.vector_load %arg9[%get3A_1294] {strides = array<i32>} : memref<21504xi32, #tpu.memory_space<vmem>>, vector<16xi32>,
      tpu.vector_store_idx %arg10[%get3A_1295], %broadcast_in_dim3A_33 {add = true} : memref<32256xi32, #tpu.memory_space<vmem>>[vector<16xi32>], vector<16xi32>,
      %get3A_1296 = arith.constant 21184 : index
      %get3A_1297 = tpu.vector_load %arg9[%get3A_1296] {strides = array<i32>} : memref<21504xi32, #tpu.memory_space<vmem>>, vector<16xi32>,
      tpu.vector_store_idx %arg10[%get3A_1297], %broadcast_in_dim3A_33 {add = true} : memref<32256xi32, #tpu.memory_space<vmem>>[vector<16xi32>], vector<16xi32>,
      %get3A_1298 = arith.constant 21200 : index
      %get3A_1299 = tpu.vector_load %arg9[%get3A_1298] {strides = array<i32>} : memref<21504xi32, #tpu.memory_space<vmem>>, vector<16xi32>,
      tpu.vector_store_idx %arg10[%get3A_1299], %broadcast_in_dim3A_33 {add = true} : memref<32256xi32, #tpu.memory_space<vmem>>[vector<16xi32>], vector<16xi32>,
      %get3A_1300 = arith.constant 21216 : index
      %get3A_1301 = tpu.vector_load %arg9[%get3A_1300] {strides = array<i32>} : memref<21504xi32, #tpu.memory_space<vmem>>, vector<16xi32>,
      tpu.vector_store_idx %arg10[%get3A_1301], %broadcast_in_dim3A_33 {add = true} : memref<32256xi32, #tpu.memory_space<vmem>>[vector<16xi32>], vector<16xi32>,
      %get3A_1302 = arith.constant 21232 : index
      %get3A_1303 = tpu.vector_load %arg9[%get3A_1302] {strides = array<i32>} : memref<21504xi32, #tpu.memory_space<vmem>>, vector<16xi32>,
      tpu.vector_store_idx %arg10[%get3A_1303], %broadcast_in_dim3A_33 {add = true} : memref<32256xi32, #tpu.memory_space<vmem>>[vector<16xi32>], vector<16xi32>,
      %get3A_1304 = arith.constant 21248 : index
      %get3A_1305 = tpu.vector_load %arg9[%get3A_1304] {strides = array<i32>} : memref<21504xi32, #tpu.memory_space<vmem>>, vector<16xi32>,
      tpu.vector_store_idx %arg10[%get3A_1305], %broadcast_in_dim3A_33 {add = true} : memref<32256xi32, #tpu.memory_space<vmem>>[vector<16xi32>], vector<16xi32>,
      %get3A_1306 = arith.constant 21264 : index
      %get3A_1307 = tpu.vector_load %arg9[%get3A_1306] {strides = array<i32>} : memref<21504xi32, #tpu.memory_space<vmem>>, vector<16xi32>,
      tpu.vector_store_idx %arg10[%get3A_1307], %broadcast_in_dim3A_33 {add = true} : memref<32256xi32, #tpu.memory_space<vmem>>[vector<16xi32>], vector<16xi32>,
      %get3A_1308 = arith.constant 21280 : index
      %get3A_1309 = tpu.vector_load %arg9[%get3A_1308] {strides = array<i32>} : memref<21504xi32, #tpu.memory_space<vmem>>, vector<16xi32>,
      tpu.vector_store_idx %arg10[%get3A_1309], %broadcast_in_dim3A_33 {add = true} : memref<32256xi32, #tpu.memory_space<vmem>>[vector<16xi32>], vector<16xi32>,
      %get3A_1310 = arith.constant 21296 : index
      %get3A_1311 = tpu.vector_load %arg9[%get3A_1310] {strides = array<i32>} : memref<21504xi32, #tpu.memory_space<vmem>>, vector<16xi32>,
      tpu.vector_store_idx %arg10[%get3A_1311], %broadcast_in_dim3A_33 {add = true} : memref<32256xi32, #tpu.memory_space<vmem>>[vector<16xi32>], vector<16xi32>,
      %get3A_1312 = arith.constant 21312 : index
      %get3A_1313 = tpu.vector_load %arg9[%get3A_1312] {strides = array<i32>} : memref<21504xi32, #tpu.memory_space<vmem>>, vector<16xi32>,
      tpu.vector_store_idx %arg10[%get3A_1313], %broadcast_in_dim3A_33 {add = true} : memref<32256xi32, #tpu.memory_space<vmem>>[vector<16xi32>], vector<16xi32>,
      %get3A_1314 = arith.constant 21328 : index
      %get3A_1315 = tpu.vector_load %arg9[%get3A_1314] {strides = array<i32>} : memref<21504xi32, #tpu.memory_space<vmem>>, vector<16xi32>,
      tpu.vector_store_idx %arg10[%get3A_1315], %broadcast_in_dim3A_33 {add = true} : memref<32256xi32, #tpu.memory_space<vmem>>[vector<16xi32>], vector<16xi32>,
      %get3A_1316 = arith.constant 21344 : index
      %get3A_1317 = tpu.vector_load %arg9[%get3A_1316] {strides = array<i32>} : memref<21504xi32, #tpu.memory_space<vmem>>, vector<16xi32>,
      tpu.vector_store_idx %arg10[%get3A_1317], %broadcast_in_dim3A_33 {add = true} : memref<32256xi32, #tpu.memory_space<vmem>>[vector<16xi32>], vector<16xi32>,
      %get3A_1318 = arith.constant 21360 : index
      %get3A_1319 = tpu.vector_load %arg9[%get3A_1318] {strides = array<i32>} : memref<21504xi32, #tpu.memory_space<vmem>>, vector<16xi32>,
      tpu.vector_store_idx %arg10[%get3A_1319], %broadcast_in_dim3A_33 {add = true} : memref<32256xi32, #tpu.memory_space<vmem>>[vector<16xi32>], vector<16xi32>,
      %get3A_1320 = arith.constant 21376 : index
      %get3A_1321 = tpu.vector_load %arg9[%get3A_1320] {strides = array<i32>} : memref<21504xi32, #tpu.memory_space<vmem>>, vector<16xi32>,
      tpu.vector_store_idx %arg10[%get3A_1321], %broadcast_in_dim3A_33 {add = true} : memref<32256xi32, #tpu.memory_space<vmem>>[vector<16xi32>], vector<16xi32>,
      %get3A_1322 = arith.constant 21392 : index
      %get3A_1323 = tpu.vector_load %arg9[%get3A_1322] {strides = array<i32>} : memref<21504xi32, #tpu.memory_space<vmem>>, vector<16xi32>,
      tpu.vector_store_idx %arg10[%get3A_1323], %broadcast_in_dim3A_33 {add = true} : memref<32256xi32, #tpu.memory_space<vmem>>[vector<16xi32>], vector<16xi32>,
      %get3A_1324 = arith.constant 21408 : index
      %get3A_1325 = tpu.vector_load %arg9[%get3A_1324] {strides = array<i32>} : memref<21504xi32, #tpu.memory_space<vmem>>, vector<16xi32>,
      tpu.vector_store_idx %arg10[%get3A_1325], %broadcast_in_dim3A_33 {add = true} : memref<32256xi32, #tpu.memory_space<vmem>>[vector<16xi32>], vector<16xi32>,
      %get3A_1326 = arith.constant 21424 : index
      %get3A_1327 = tpu.vector_load %arg9[%get3A_1326] {strides = array<i32>} : memref<21504xi32, #tpu.memory_space<vmem>>, vector<16xi32>,
      tpu.vector_store_idx %arg10[%get3A_1327], %broadcast_in_dim3A_33 {add = true} : memref<32256xi32, #tpu.memory_space<vmem>>[vector<16xi32>], vector<16xi32>,
      %get3A_1328 = arith.constant 21440 : index
      %get3A_1329 = tpu.vector_load %arg9[%get3A_1328] {strides = array<i32>} : memref<21504xi32, #tpu.memory_space<vmem>>, vector<16xi32>,
      tpu.vector_store_idx %arg10[%get3A_1329], %broadcast_in_dim3A_33 {add = true} : memref<32256xi32, #tpu.memory_space<vmem>>[vector<16xi32>], vector<16xi32>,
      %get3A_1330 = arith.constant 21456 : index
      %get3A_1331 = tpu.vector_load %arg9[%get3A_1330] {strides = array<i32>} : memref<21504xi32, #tpu.memory_space<vmem>>, vector<16xi32>,
      tpu.vector_store_idx %arg10[%get3A_1331], %broadcast_in_dim3A_33 {add = true} : memref<32256xi32, #tpu.memory_space<vmem>>[vector<16xi32>], vector<16xi32>,
      %get3A_1332 = arith.constant 21472 : index
      %get3A_1333 = tpu.vector_load %arg9[%get3A_1332] {strides = array<i32>} : memref<21504xi32, #tpu.memory_space<vmem>>, vector<16xi32>,
      tpu.vector_store_idx %arg10[%get3A_1333], %broadcast_in_dim3A_33 {add = true} : memref<32256xi32, #tpu.memory_space<vmem>>[vector<16xi32>], vector<16xi32>,
      %get3A_1334 = arith.constant 21488 : index
      %get3A_1335 = tpu.vector_load %arg9[%get3A_1334] {strides = array<i32>} : memref<21504xi32, #tpu.memory_space<vmem>>, vector<16xi32>,
      tpu.vector_store_idx %arg10[%get3A_1335], %broadcast_in_dim3A_33 {add = true} : memref<32256xi32, #tpu.memory_space<vmem>>[vector<16xi32>], vector<16xi32>,
    }
    %scan3A_47 = arith.constant 16 : i32
    "tpu.region"() ({
      %run_scoped3A = tpu.sem_alloc : memref<!tpu.dma_semaphore, #tpu.memory_space<semaphore_mem>>
      %dma_start3A = arith.constant 0 : i32
      %dma_start3A_48 = tpu.memref_slice %arg4[%select_n3A_30, %select_n3A, %dma_start3A] : memref<8x4x32256xi32, #tpu.memory_space<hbm>> -> memref<1x1x32256xi32, #tpu.memory_space<hbm>>
      %dma_start3A_49 = tpu.memref_squeeze %dma_start3A_48 : memref<1x1x32256xi32, #tpu.memory_space<hbm>> -> memref<32256xi32, #tpu.memory_space<hbm>>
      %dma_start3A_50 = arith.constant 0 : i32
      %dma_start3A_51 = tpu.memref_slice %arg4[%select_n3A_30, %select_n3A, %dma_start3A_50] : memref<8x4x32256xi32, #tpu.memory_space<hbm>> -> memref<1x1x32256xi32, #tpu.memory_space<hbm>>
      %dma_start3A_52 = tpu.memref_squeeze %dma_start3A_51 : memref<1x1x32256xi32, #tpu.memory_space<hbm>> -> memref<32256xi32, #tpu.memory_space<hbm>>
      tpu.enqueue_dma source(%arg10 : memref<32256xi32, #tpu.memory_space<vmem>>) target(%dma_start3A_52 : memref<32256xi32, #tpu.memory_space<hbm>>) target_semaphore(%run_scoped3A : memref<!tpu.dma_semaphore, #tpu.memory_space<semaphore_mem>>)
      %dma_wait3A = arith.constant 0 : i32
      %dma_wait3A_53 = tpu.memref_slice %arg4[%select_n3A_30, %select_n3A, %dma_wait3A] : memref<8x4x32256xi32, #tpu.memory_space<hbm>> -> memref<1x1x32256xi32, #tpu.memory_space<hbm>>
      %dma_wait3A_54 = tpu.memref_squeeze %dma_wait3A_53 : memref<1x1x32256xi32, #tpu.memory_space<hbm>> -> memref<32256xi32, #tpu.memory_space<hbm>>
      %dma_wait3A_55 = arith.constant 0 : i32
      %dma_wait3A_56 = tpu.memref_slice %arg4[%select_n3A_30, %select_n3A, %dma_wait3A_55] : memref<8x4x32256xi32, #tpu.memory_space<hbm>> -> memref<1x1x32256xi32, #tpu.memory_space<hbm>>
      %dma_wait3A_57 = tpu.memref_squeeze %dma_wait3A_56 : memref<1x1x32256xi32, #tpu.memory_space<hbm>> -> memref<32256xi32, #tpu.memory_space<hbm>>
      tpu.wait_dma2 semaphore(%run_scoped3A : memref<!tpu.dma_semaphore, #tpu.memory_space<semaphore_mem>>) src(%arg10 : memref<32256xi32, #tpu.memory_space<vmem>>) dst(%dma_wait3A_57 : memref<32256xi32, #tpu.memory_space<hbm>>)
      tpu.yield
    }) : () -> ()
    return
  }
}

module attributes {stable_mosaic.version = 14 : i64} {
  func.func @body(%arg0: memref<8x84x1536xi32, #tpu.memory_space<vmem>>, %arg1: memref<1x1xf32, #tpu.memory_space<vmem>>) attributes {dimension_semantics = [], scalar_prefetch = 0 : i64, scratch_operands = 0 : i64, tpu.core_type = #tpu.core_type<tc>} {
    %get3A = arith.constant 0 : index
    %get3A_0 = arith.constant 0 : index
    %get3A_1 = arith.constant 0 : index
    %get3A_2 = vector.load %arg0[%get3A, %get3A_0, %get3A_1] : memref<8x84x1536xi32, #tpu.memory_space<vmem>>, vector<8x84x1536xi32>
    %convert_element_type3A = arith.sitofp %get3A_2 : vector<8x84x1536xi32> to vector<8x84x1536xf32>
    %reduce_sum3A = arith.constant dense<0.000000e+00> : vector<84x1536xf32>
    %reduce_sum3A_3 = vector.multi_reduction <add>, %convert_element_type3A, %reduce_sum3A [0] : vector<8x84x1536xf32> to vector<84x1536xf32>
    %slice3A = vector.extract_strided_slice %reduce_sum3A_3 {offsets = [0, 0], sizes = [84, 768], strides = [1, 1]} : vector<84x1536xf32> to vector<84x768xf32>
    %slice3A_4 = vector.extract_strided_slice %reduce_sum3A_3 {offsets = [0, 768], sizes = [84, 768], strides = [1, 1]} : vector<84x1536xf32> to vector<84x768xf32>
    %iota3A = tpu.iota {dimensions = array<i32: 0>} : vector<768x768xi32>
    %iota3A_5 = tpu.iota {dimensions = array<i32: 1>} : vector<768x768xi32>
    %le3A = arith.cmpi sle, %iota3A, %iota3A_5 : vector<768x768xi32>
    %convert_element_type3A_6 = arith.extui %le3A : vector<768x768xi1> to vector<768x768xi32>
    %convert_element_type3A_7 = arith.sitofp %convert_element_type3A_6 : vector<768x768xi32> to vector<768x768xf32>
    %dot_general3A = arith.constant dense<0.000000e+00> : vector<84x768xf32>
    %dot_general3A_8 = tpu.matmul %slice3A, %convert_element_type3A_7, %dot_general3A {dimension_numbers = #tpu.dot_dimension_numbers<[1], [0], [0], [1], [0, 0, 1, 1], [], []>, transpose_lhs_hint = false} : vector<84x768xf32>, vector<768x768xf32>, vector<84x768xf32> -> vector<84x768xf32>
    %dot_general3A_9 = arith.constant dense<0.000000e+00> : vector<84x768xf32>
    %dot_general3A_10 = tpu.matmul %slice3A_4, %convert_element_type3A_7, %dot_general3A_9 {dimension_numbers = #tpu.dot_dimension_numbers<[1], [0], [0], [1], [0, 0, 1, 1], [], []>, transpose_lhs_hint = false} : vector<84x768xf32>, vector<768x768xf32>, vector<84x768xf32> -> vector<84x768xf32>
    %sub3A = arith.subf %dot_general3A_8, %slice3A : vector<84x768xf32>
    %sub3A_11 = arith.subf %dot_general3A_10, %slice3A_4 : vector<84x768xf32>
    %sub3A_12 = arith.constant 2.621440e+05 : f32
    %sub3A_13 = vector.broadcast %sub3A_12 : f32 to vector<84x768xf32>
    %sub3A_14 = arith.subf %sub3A_13, %dot_general3A_8 : vector<84x768xf32>
    %max3A = arith.constant 5.000000e-01 : f32
    %max3A_15 = vector.broadcast %max3A : f32 to vector<84x768xf32>
    %max3A_16 = arith.maximumf %sub3A_14, %max3A_15 : vector<84x768xf32>
    %sub3A_17 = arith.constant 2.621440e+05 : f32
    %sub3A_18 = vector.broadcast %sub3A_17 : f32 to vector<84x768xf32>
    %sub3A_19 = arith.subf %sub3A_18, %sub3A : vector<84x768xf32>
    %max3A_20 = arith.constant 5.000000e-01 : f32
    %max3A_21 = vector.broadcast %max3A_20 : f32 to vector<84x768xf32>
    %max3A_22 = arith.maximumf %sub3A_19, %max3A_21 : vector<84x768xf32>
    %div3A = arith.divf %dot_general3A_10, %max3A_16 : vector<84x768xf32>
    %div3A_23 = arith.divf %sub3A_11, %max3A_22 : vector<84x768xf32>
    %sub3A_24 = arith.subf %div3A, %div3A_23 : vector<84x768xf32>
    %iota3A_25 = tpu.iota {dimensions = array<i32: 1>} : vector<1x768xi32>
    %convert_element_type3A_26 = arith.sitofp %iota3A_25 : vector<1x768xi32> to vector<1x768xf32>
    %add3A = arith.constant 5.000000e-01 : f32
    %add3A_27 = vector.broadcast %add3A : f32 to vector<1x768xf32>
    %add3A_28 = arith.addf %convert_element_type3A_26, %add3A_27 : vector<1x768xf32>
    %div3A_29 = arith.constant 7.680000e+02 : f32
    %div3A_30 = vector.broadcast %div3A_29 : f32 to vector<1x768xf32>
    %div3A_31 = arith.divf %add3A_28, %div3A_30 : vector<1x768xf32>
    %mul3A = vector.broadcast %div3A_31 : vector<1x768xf32> to vector<84x768xf32>
    %mul3A_32 = arith.mulf %mul3A, %sub3A_24 : vector<84x768xf32>
    %reduce_sum3A_33 = arith.constant dense<0.000000e+00> : vector<84xf32>
    %reduce_sum3A_34 = vector.multi_reduction <add>, %mul3A_32, %reduce_sum3A_33 [1] : vector<84x768xf32> to vector<84xf32>
    %reduce_sum3A_35 = arith.constant dense<0.000000e+00> : vector<84xf32>
    %reduce_sum3A_36 = vector.multi_reduction <add>, %slice3A_4, %reduce_sum3A_35 [1] : vector<84x768xf32> to vector<84xf32>
    %gt3A = arith.constant 0.000000e+00 : f32
    %gt3A_37 = vector.broadcast %gt3A : f32 to vector<84xf32>
    %gt3A_38 = arith.cmpf ogt, %reduce_sum3A_36, %gt3A_37 : vector<84xf32>
    %convert_element_type3A_39 = arith.extui %gt3A_38 : vector<84xi1> to vector<84xi32>
    %convert_element_type3A_40 = arith.sitofp %convert_element_type3A_39 : vector<84xi32> to vector<84xf32>
    %mul3A_41 = arith.mulf %reduce_sum3A_34, %convert_element_type3A_40 : vector<84xf32>
    %reduce_sum3A_42 = vector.shape_cast %mul3A_41 : vector<84xf32> to vector<1x84xf32>
    %reduce_sum3A_43 = arith.constant dense<0.000000e+00> : vector<1xf32>
    %reduce_sum3A_44 = vector.multi_reduction <add>, %reduce_sum3A_42, %reduce_sum3A_43 [1] : vector<1x84xf32> to vector<1xf32>
    %reduce_sum3A_45 = vector.shape_cast %reduce_sum3A_44 : vector<1xf32> to vector<1x1xf32>
    %reduce_sum3A_46 = vector.extract %reduce_sum3A_45[0, 0] : f32 from vector<1x1xf32>
    %reduce_sum3A_47 = vector.shape_cast %convert_element_type3A_40 : vector<84xf32> to vector<1x84xf32>
    %reduce_sum3A_48 = arith.constant dense<0.000000e+00> : vector<1xf32>
    %reduce_sum3A_49 = vector.multi_reduction <add>, %reduce_sum3A_47, %reduce_sum3A_48 [1] : vector<1x84xf32> to vector<1xf32>
    %reduce_sum3A_50 = vector.shape_cast %reduce_sum3A_49 : vector<1xf32> to vector<1x1xf32>
    %reduce_sum3A_51 = vector.extract %reduce_sum3A_50[0, 0] : f32 from vector<1x1xf32>
    %gt3A_52 = arith.constant 0.000000e+00 : f32
    %gt3A_53 = arith.cmpf ogt, %reduce_sum3A_51, %gt3A_52 : f32
    %div3A_54 = arith.divf %reduce_sum3A_46, %reduce_sum3A_51 : f32
    %jit3A = arith.constant 0.000000e+00 : f32
    %select_n3A = arith.select %gt3A_53, %div3A_54, %jit3A : f32
    %broadcast_in_dim3A = vector.broadcast %select_n3A : f32 to vector<1x1xf32>
    %swap3A = arith.constant 0 : index
    %swap3A_55 = arith.constant 0 : index
    %swap3A_56 = vector.load %arg1[%swap3A, %swap3A_55] : memref<1x1xf32, #tpu.memory_space<vmem>>, vector<1x1xf32>
    tpu.vector_store %arg1[%swap3A, %swap3A_55], %broadcast_in_dim3A {strides = array<i32>} : memref<1x1xf32, #tpu.memory_space<vmem>>, vector<1x1xf32>,
    return
  }
}

</mosaic_0001>

<sc_bundles>
// kernel: kernel.4.cloned.1.call-start
scs
__scs_entry_jumppad:
0x0: {  	(pc) =	sbr.rel $0x88, $3  }
0x1: {  	(tag) =	ssettag $0x0;
	lr =	simm.s32 $0x1  }
0x2: {  	[smem:$0x3F9F] =	sst lr;
	_ =	strace $0xD0000000  }
0x3: {  	_ = 	snop  }
0x4: {  	_ = 	snop  }
0x5: {  	_ = 	snop  }
0x6: {  	_ = 	snop  }
0x7: {  	_ = 	snop  }
__scs_overlays_trampoline_lowered:
0x8: {  	[smem:$0x3FAE] =	sst s0  }
0x9: {  	[smem:$0x3FAF] =	sst s1  }
0xa: {  	[smem:$0x3FB0] =	sst s2  }
0xb: {  	[smem:$0x3FB1] =	sst s3  }
0xc: {  	[smem:$0x3FB2] =	sst s4  }
0xd: {  	[smem:$0x3FB3] =	sst s5  }
0xe: {  	[smem:$0x3FB4] =	sst s6  }
0xf: {  	[smem:$0x3FB5] =	sst s7  }
0x10: {  	[smem:$0x3FB6] =	sst s8  }
0x11: {  	[smem:$0x3FB7] =	sst s9;
	s0 =	simm.s32 @!p0 $0x0  }
0x12: {  	s1 =	sld [smem:$0x3F9D];
	s0 =	simm.s32 @p0 $0x1  }
0x13: {  	[smem:$0x3FB8] =	sst s0;
	s0 =	simm.s32 @!p1 $0x0  }
0x14: {  	s2 =	sld [smem:$0x3F9C];
	s0 =	simm.s32 @p1 $0x1  }
0x15: {  	[smem:$0x3FB9] =	sst s0;
	s0 =	simm.s32 @!p2 $0x0  }
0x16: {  	s3 =	sld [smem:$0x3FDB];
	s0 =	simm.s32 @p2 $0x1  }
0x17: {  	s4 =	simm.s32 $0x1BF5;
	[smem:$0x3FBB] =	sst s0  }
0x18: {  	s0 =	sld [smem:$0x3F9E];
	_ =	swait.ge [sflag:s4], $0x0  }
0x19: {  	s7 =	sld [smem:$0x3F9F]  }
0x1a: {  	s8 =	sadd.s32 $0xFFFFE003, lr  }
0x1b: {  	s9 =	sadd.s32 $0xFFFFFEF7, lr;
	s5 =	simm.s32 $0xFFFFFFFF;
	p2 =	slt.u32 s8, $0xFFFFF086  }
0x1c: {  	p1 =	slt.u32 s9, $0xF7A;
	s5 =	simm.s32 @!p2 $0x0  }
0x1d: {  	s5 =	simm.s32 @p1 $0x1;
	p0 =	seq.s32 s7, s2  }
0x1e: {  	s7 =	smul.u32 @!p0 $0xF7A, s2;
	p2 =	seq.s32 @!p0 s5, $0x0  }
0x1f: {  	s9 =	smul.u32 $0xF7A, s1;
	s8 =	simm.s32 @!p0 $0x1BF5;
	p2 =	por !p2, p0  }
0x20: {  	[sflag:s8] =	ssyncset.s32 @!p0 $0xFFFFF086;
	s6 =	sadd.s32 @!p0 s3, s7;
	s7 =	simm.s32 @!p0 $0x108  }
0x21: {  	s3 =	sadd.s32 s3, s9;
	s6 =	sadd.s32 @!p0 $0x88, s6;
	s7 =	simm.s32 @p2 $0x1082  }
0x22: {  	[simem:s7], [sflag:s8] =	dma.local @!p0 [hbm:s6], $0xF7A  }
0x23: {  	s9 =	sor.u32 $0xD0000000, s2;
	s6 =	simm.s32 $0x108;
	_ =	swait.ge @!p0 [sflag:s8], $0x0  }
0x24: {  	s3 =	sadd.s32 $0x88, s3;
	s6 =	simm.s32 @!p1 $0x1082;
	[sflag:s4] =	ssyncset.s32 $0xFFFFF086  }
0x25: {  	[simem:s6], [sflag:s4] =	dma.local [hbm:s3], $0xF7A  }
0x26: {  	[smem:$0x3F9F] =	sst s1;
	(tag) =	ssettag s2;
	_ =	strace s9  }
0x27: {  	s1 =	sld [smem:$0x3FAF]  }
0x28: {  	s2 =	sld [smem:$0x3FB0]  }
0x29: {  	s4 =	sld [smem:$0x3FB2]  }
0x2a: {  	p0 =	seq.s32 s5, $0x0;
	s5 =	sld [smem:$0x3FB3]  }
0x2b: {  	s6 =	sld [smem:$0x3FB4]  }
0x2c: {  	s7 =	sld [smem:$0x3FB5]  }
0x2d: {  	s3 =	simm.s32 $0x108;
	s8 =	sld [smem:$0x3FB6]  }
0x2e: {  	s3 =	simm.s32 @!p0 $0x1082;
	s9 =	sld [smem:$0x3FB7]  }
0x2f: {  	lr =	sadd.s32 s0, s3;
	s0 =	sld [smem:$0x3FAE]  }
0x30: {  	s3 =	sld [smem:$0x3FB1]  }
0x31: {  	[smem:$0x3FBA] =	sst s10  }
0x32: {  	s10 =	sld [smem:$0x3FB8];
	_ =	sdelay $0x3  }
0x33: {  	p0 =	seq.s32 s10, $0x1;
	s10 =	sld [smem:$0x3FBA];
	_ =	sdelay $0x3  }
0x34: {  	[smem:$0x3FBA] =	sst s10  }
0x35: {  	s10 =	sld [smem:$0x3FB9];
	_ =	sdelay $0x3  }
0x36: {  	p1 =	seq.s32 s10, $0x1;
	s10 =	sld [smem:$0x3FBA];
	_ =	sdelay $0x3  }
0x37: {  	[smem:$0x3FBA] =	sst s10  }
0x38: {  	s10 =	sld [smem:$0x3FBB]  }
0x39: {  	_ = 	snop;
	(pc) =	sbr.ind lr, $3  }
0x3a: {  	_ = 	snop  }
0x3b: {  	_ = 	snop  }
0x3c: {  	p2 =	seq.s32 s10, $0x1;
	s10 =	sld [smem:$0x3FBA]  }
0x3d: {  	_ =	shalt  }
0x3e: {  	_ =	shalt  }
0x3f: {  	_ =	shalt  }
0x40: {  	_ =	shalt  }
0x41: {  	_ =	shalt  }
0x42: {  	_ =	shalt  }
0x43: {  	_ =	shalt  }
0x44: {  	_ =	shalt  }
0x45: {  	_ =	shalt  }
0x46: {  	_ =	shalt  }
0x47: {  	_ =	shalt  }
0x48: {  	_ =	shalt  }
0x49: {  	_ =	shalt  }
0x4a: {  	_ =	shalt  }
0x4b: {  	_ =	shalt  }
0x4c: {  	_ =	shalt  }
0x4d: {  	_ =	shalt  }
0x4e: {  	_ =	shalt  }
0x4f: {  	_ =	shalt  }
0x50: {  	_ =	shalt  }
0x51: {  	_ =	shalt  }
0x52: {  	_ =	shalt  }
0x53: {  	_ =	shalt  }
0x54: {  	_ =	shalt  }
0x55: {  	_ =	shalt  }
0x56: {  	_ =	shalt  }
0x57: {  	_ =	shalt  }
0x58: {  	_ =	shalt  }
0x59: {  	_ =	shalt  }
0x5a: {  	_ =	shalt  }
0x5b: {  	_ =	shalt  }
0x5c: {  	_ =	shalt  }
0x5d: {  	_ =	shalt  }
0x5e: {  	_ =	shalt  }
0x5f: {  	_ =	shalt  }
0x60: {  	_ =	shalt  }
0x61: {  	_ =	shalt  }
0x62: {  	_ =	shalt  }
0x63: {  	_ =	shalt  }
0x64: {  	_ =	shalt  }
0x65: {  	_ =	shalt  }
0x66: {  	_ =	shalt  }
0x67: {  	_ =	shalt  }
0x68: {  	_ =	shalt  }
0x69: {  	_ =	shalt  }
0x6a: {  	_ =	shalt  }
0x6b: {  	_ =	shalt  }
0x6c: {  	_ =	shalt  }
0x6d: {  	_ =	shalt  }
0x6e: {  	_ =	shalt  }
0x6f: {  	_ =	shalt  }
0x70: {  	_ =	shalt  }
0x71: {  	_ =	shalt  }
0x72: {  	_ =	shalt  }
0x73: {  	_ =	shalt  }
0x74: {  	_ =	shalt  }
0x75: {  	_ =	shalt  }
0x76: {  	_ =	shalt  }
0x77: {  	_ =	shalt  }
0x78: {  	_ =	shalt  }
0x79: {  	_ =	shalt  }
0x7a: {  	_ =	shalt  }
0x7b: {  	_ =	shalt  }
0x7c: {  	_ =	shalt  }
0x7d: {  	_ =	shalt  }
0x7e: {  	_ =	shalt  }
0x7f: {  	_ =	shalt  }
0x80: {  	_ =	shalt  }
0x81: {  	_ =	shalt  }
0x82: {  	_ =	shalt  }
0x83: {  	_ =	shalt  }
0x84: {  	_ =	shalt  }
0x85: {  	_ =	shalt  }
0x86: {  	_ =	shalt  }
0x87: {  	_ =	shalt  }
.Lfunc_end0:
.L_simem_size_0:
called_computation_lowered:
.L_overlay_start_0:
0x88: {  	s2 =	sld [smem:$0x3FD9]  }
0x89: {  	s3 =	sld [smem:$0x3FFE];
	_ =	sdelay $0x1  }
0x8a: {  	s1 =	srdreg.scid  }
0x8b: {  	s0 =	sand.u32 $0x1, s1  }
0x8c: {  	s17 =	sshll.u32 s0, $0xA;
	s2 =	sadd.s32 s3, s2  }
0x8d: {  	s2 =	sadd.s32 s2, s17  }
0x8e: {  	[smem:$0x3FC6] =	sst s2  }
0x8f: {  	_ = 	snop  }
0x90: {  	s2 =	sld [smem:$0x3FC8];
	(tm) =	ssettm $0x1  }
0x91: {  	s18 =	sld [smem:$0x3FFB];
	_ =	sdelay $0x3  }
0x92: {  	_ =	strace s18  }
0x93: {  	s3 =	sld [smem:$0x3FFC];
	_ =	sdelay $0x3  }
0x94: {  	_ =	strace s3  }
0x95: {  	s3 =	sld [smem:$0x3FFD];
	_ =	sdelay $0x3  }
0x96: {  	_ =	strace s3  }
0x97: {  	_ =	strace $0x8FFFFFFF  }
0x98: {  	s19 =	sld [smem:$0x3FDB];
	_ =	sdelay $0x1  }
0x99: {  	s4 =	simm.s32 $_scs_section_size  }
0x9a: {  	s5 =	simm.s32 $_size__tile_overlayer_lowered;
	s6 =	simm.s32 $_tile_overlayer_lowered  }
0x9b: {  	s22 =	simm.s32 $0x1BFF;
	s21 =	sshll.u32 s6, $0x1;
	s3 =	sadd.s32 s4, s19  }
0x9c: {  	s7 =	simm.s32 $0x0;
	s20 =	sshll.u32 s5, $0x1;
	s5 =	sadd.s32 s21, s3  }
0x9d: {  	[timem:s7], [sflag:s22] =	dma.local [hbm:s5], s20  }
0x9e: {  	_ =	swait.ge [sflag:s22], s20  }
0x9f: {  	s4 =	ssub.s32 $0x0, s20;
	[sflag:s22] =	ssyncset.done $0x0  }
0xa0: {  	[sflag:s22] =	ssyncadd.s32 s4;
	_ =	sdelay $0x1  }
0xa1: {  	s23 =	simm.s32 $0x1B8B  }
0xa2: {  	_ =	swait.ge [sflag:s23], $0x1  }
0xa3: {  	[sflag:s23] =	ssyncset.done $0x0  }
0xa4: {  	s25 =	simm.s32 $0x1B8E;
	s24 =	sld [smem:$0x3FFE];
	[sflag:s23] =	ssyncadd.s32 $0xFFFFFFFF  }
0xa5: {  	s26 =	simm.s32 $execute0_lowered;
	[smem:$0x3FD2] =	sst s25  }
0xa6: {  	s5 =	sshll.u32 s26, $0x1;
	_ =	strace $0x80000046;
	[dreg:$0x1] =	wrdreg $0xFFFFFFFF  }
0xa7: {  	s28 =	simm.s32 $_size_execute0_lowered;
	s3 =	sadd.s32 s3, s5;
	[dreg:$0x0] =	wrdreg $0x0  }
0xa8: {  	s5 =	sshll.u32 s28, $0x1;
	[dreg:$0x2] =	wrdreg s3  }
0xa9: {  	[dreg:$0x3] =	wrdreg s5  }
0xaa: {  	[dreg:$0x4] =	wrdreg $0xC0  }
0xab: {  	_ =	task [dreg:s7], $0x5FFFF  }
0xac: {  	[dreg:$0x1] =	wrdreg $0xFFFFFFFF  }
0xad: {  	[dreg:$0x0] =	wrdreg $0x60  }
0xae: {  	[dreg:$0x2] =	wrdreg s24  }
0xaf: {  	[dreg:$0x3] =	wrdreg s2  }
0xb0: {  	[dreg:$0x4] =	wrdreg $0x9  }
0xb1: {  	_ =	task.clear_ibuf [dreg:s7], $0x5FFFF;
	_ =	strace $0x90000046  }
0xb2: {  	s29 =	simm.s32 $0x9;
	_ =	strace $0x80000048  }
0xb3: {  	_ =	swait.ge [sflag:s29], $0x1  }
0xb4: {  	[sflag:s29] =	ssyncadd.s32 $0xFFFFFFFF  }
0xb5: {  	_ =	strace $0x90000048  }
0xb6: {  	_ =	sfence  }
0xb7: {  	s30 =	sld [smem:$0x0];
	_ =	sdelay $0x2  }
0xb8: {  	s31 =	sshll.u32 s1, $0xD;
	s1 =	sshrl.u32 s1, $0x2  }
0xb9: {  	s3 =	sand.u32 $0x4000, s31;
	s1 =	sadd.s32 s1, s30  }
0xba: {  	s0 =	sor.u32 s3, s0;
	s1 =	sshll.u32 s1, $0x11  }
0xbb: {  	s0 =	sor.u32 s1, s0  }
0xbc: {  	s0 =	sadd.s32 $0x8F2B, s0  }
0xbd: {  	[sflag:s0] =	ssyncadd.remote.s32 $0x1  }
0xbe: {  	_ =	sfence.sel $0xFFFF  }
0xbf: {  	[dreg:$0x0] =	wrdreg $0xFFFFFFFF;
	(pc) =	sbr.abs _section_cstart, $3  }
0xc0: {  	[dreg:$0x1] =	wrdreg $0xFFFFFFFF  }
0xc1: {  	_ =	task.clear_ibuf [dreg:s7], $0x2FFFF;
	_ =	strace $0x9FFFFFFF  }
0xc2: {  	(tm) =	ssettm $0x7FFFFFFF  }
0xc3: {  	_ =	shalt  }
tec
execute0_lowered:
.L_overlay_start_1:
0x0: {  	(tag) =	ssettag $0x1  }
0x1: {  	s0 =	stileid.u32;
	s7 =	rddreg [dreg:$0x0]  }
0x2: {  	v0 =	vlaneseq.u32;
	s1 =	srdreg.scid;
	s2 =	rddreg [dreg:$0x1]  }
0x3: {  	v1 =	vimm.s32 $0x0;
	v16 =	vimm.s32 $0x600;
	v18 =	vimm.s32 $0xC00;
	s13 =	simm.s32 $0x200;
	s14 =	simm.s32 $0xC000;
	s15 =	simm.s32 $0x6000  }
0x4: {  	v20 =	vimm.s32 $0x1200;
	v22 =	vimm.s32 $0x1800;
	v24 =	vimm.s32 $0x1E00;
	s16 =	simm.s32 $0xC400;
	s17 =	simm.s32 $0x1;
	s18 =	simm.s32 $0xC800  }
0x5: {  	v26 =	vimm.s32 $0x2400;
	v28 =	vimm.s32 $0x2A00;
	v30 =	vimm.s32 $0x3000;
	s19 =	simm.s32 $0x11C00;
	s20 =	simm.s32 $0x2;
	s21 =	simm.s32 $0x80  }
0x6: {  	v32 =	vimm.s32 $0x3600;
	v34 =	vimm.s32 $0x3C00;
	s22 =	simm.s32 $0x3;
	s23 =	simm.s32 $0x0;
	v0 =	vmul.u32 $0x15, v0;
	s3 =	sshll.u32 s0, $0x1  }
0x7: {  	v36 =	vimm.s32 $0x4200;
	v38 =	vimm.s32 $0x4800;
	v40 =	vimm.s32 $0x4E00;
	s8 =	sand.u32 $0x1, s1;
	s5 =	sshrl.u32 s0, $0x2;
	s3 =	sand.u32 $0x6, s3  }
0x8: {  	v42 =	vimm.s32 $0x1;
	s4 =	sshll.u32 s5, $0x7;
	s5 =	smul.u32 $0x600000, s5;
	v3 =	vadd.s32 $0x1, v0;
	v5 =	vadd.s32 $0x2, v0;
	s9 =	sor.u32 s8, s3  }
0x9: {  	v7 =	vadd.s32 $0x3, v0;
	v9 =	vadd.s32 $0x4, v0;
	s3 =	simm.s32 $0x0;
	v11 =	vadd.s32 $0x5, v0;
	s8 =	ssub.s32 $0x2, s8;
	s6 =	smul.u32 $0x1F800, s9  }
0xa: {  	v13 =	vadd.s32 $0x6, v0;
	v15 =	vadd.s32 $0x7, v0;
	v17 =	vadd.s32 $0x8, v0;
	[smem:$0x7FF] =	sst s3;
	s31 =	sshrl.u32 s8, $0x1;
	s11 =	sshrl.u32 s5, $0x3  }
0xb: {  	v19 =	vadd.s32 $0x9, v0;
	v21 =	vadd.s32 $0xA, v0;
	v23 =	vadd.s32 $0xB, v0;
	_ =	strace $0x80000047;
	s10 =	sor.u32 s4, s6;
	s6 =	sadd.s32 $0x400, s7  }
0xc: {  	v25 =	vadd.s32 $0xC, v0;
	v27 =	vadd.s32 $0xD, v0;
	v29 =	vadd.s32 $0xE, v0;
	s12 =	ssub.s32 s8, s31;
	s10 =	sshrl.u32 s10, $0x3;
	s8 =	sadd.s32 s6, s11  }
0xd: {  	v31 =	vadd.s32 $0xF, v0;
	v33 =	vadd.s32 $0x10, v0;
	v35 =	vadd.s32 $0x11, v0;
	s11 =	simm.s32 $0x2000;
	s10 =	sadd.s32 s10, s7;
	s7 =	sshll.u32 s9, $0xF  }
0xe: {  	v37 =	vadd.s32 $0x12, v0;
	v39 =	vadd.s32 $0x13, v0;
	v41 =	vadd.s32 $0x14, v0;
	s9 =	sadd.s32 $0x300400, s10;
	s10 =	smax.u32 s12, $0x1;
	s12 =	simm.s32 $0x200000  }
.LBB2_1:
0xf: {  	s24 =	simm.s32 $0x0  }
.LBB2_2:
0x10: {  	p0 =	sne.s32 s24, $0x1F7C0  }
.Ltmp0:
0x11: {  	_ = 	snop;
	(pc) =	sbr.rel @p0 .LBB2_2-.Ltmp0, $3  }
0x12: {  	_ =	sdelay $0x1  }
0x13: {  	s25 =	sshra.s32 s24, $0x2  }
0x14: {  	s24 =	sadd.s32 $0x40, s24;
	[tilespmem:s25+$0x11C00] =	vst v1  }
0x15: {  	s24 =	simm.s32 $0x0  }
.LBB2_4:
0x16: {  	s25 =	sshll.u32 s24, $0xB  }
0x17: {  	s26 =	sadd.s32 s7, s25  }
0x18: {  	s25 =	sadd.s32 s26, s8;
	s31 =	sshll.u32 s26, $0x2  }
0x19: {  	[tilespmem:s3], [sflag:$0x1] =	stream.strided.gather [hbm4b:s25+s11], $0x6000, s12, s11, $0x38;
	[tilespmem:$0x19A00] =	vst v63  }
0x1a: {  	s25 =	sor.u32 s4, s31  }
0x1b: {  	s26 =	sshrl.u32 s26, $0x7;
	s25 =	sshrl.u32 s25, $0x3  }
0x1c: {  	s26 =	sor.u32 $0x8, s26;
	s28 =	sadd.s32 s2, s25;
	s25 =	simm.s32 $0x80  }
0x1d: {  	[tilespmem:s14], [sflag:$0x1] =	stream.strided.gather [hbm4b:s28+s25], $0x400, s13, s25, $0x38;
	[tilespmem:$0x19A00] =	vst v63  }
0x1e: {  	s28 =	sshll.u32 s26, $0xA  }
0x1f: {  	s26 =	sshll.u32 s26, $0x9;
	s28 =	sadd.s32 s5, s28  }
0x20: {  	s26 =	sor.u32 s4, s26;
	s28 =	sshrl.u32 s28, $0x3  }
0x21: {  	s26 =	sshrl.u32 s26, $0x3;
	s28 =	sadd.s32 s6, s28  }
0x22: {  	[tilespmem:s15], [sflag:$0x2] =	stream.strided.gather [hbm4b:s28+s11], $0x6000, s12, s11, $0x38;
	[tilespmem:$0x19A00] =	vst v63  }
0x23: {  	s26 =	sadd.s32 s2, s26  }
0x24: {  	[tilespmem:s16], [sflag:$0x2] =	stream.strided.gather [hbm4b:s26+s25], $0x400, s13, s25, $0x38;
	[tilespmem:$0x19A00] =	vst v63  }
0x25: {  	_ =	swait.ge [sflag:s17], $0x6000  }
0x26: {  	[sflag:s17] =	ssyncset.done $0x0  }
0x27: {  	[sflag:s17] =	ssyncadd.s32 $0xFFFFA000  }
0x28: {  	_ =	swait.ge [sflag:s17], $0x400  }
0x29: {  	[sflag:s17] =	ssyncset.done $0x0  }
0x2a: {  	[sflag:s17] =	ssyncadd.s32 $0xFFFFFC00  }
0x2b: {  	v43 =	vld [tilespmem:$0x0]  }
0x2c: {  	v44 =	vld [tilespmem:$0x80]  }
0x2d: {  	v45 =	vld [tilespmem:$0x100]  }
0x2e: {  	v46 =	vld [tilespmem:$0x180]  }
0x2f: {  	v47 =	vld [tilespmem:$0x200]  }
0x30: {  	v48 =	vld [tilespmem:$0x280];
	v43 =	vmul.f32 $1.442695020e+00, v43  }
0x31: {  	v49 =	vld [tilespmem:$0x300];
	v44 =	vmul.f32 $1.442695020e+00, v44  }
0x32: {  	v63 =	vld [tilespmem:$0x380];
	v62 =	vmul.f32 $1.442695020e+00, v45;
	(erf) = vpow2.f32 v43  }
0x33: {  	v52 =	vld [tilespmem:$0x2000];
	v51 =	vmul.f32 $1.442695020e+00, v46;
	(erf) = vpow2.f32 v44  }
0x34: {  	v54 =	vld [tilespmem:$0x2080];
	v53 =	vmul.f32 $1.442695020e+00, v47;
	(erf) = vpow2.f32 v62  }
0x35: {  	v56 =	vld [tilespmem:$0x2100];
	v55 =	vmul.f32 $1.442695020e+00, v48;
	(erf) = vpow2.f32 v51  }
0x36: {  	v58 =	vld [tilespmem:$0x2180];
	v57 =	vmul.f32 $1.442695020e+00, v49;
	(erf) = vpow2.f32 v53  }
0x37: {  	v61 =	vmul.f32 $1.442695020e+00, v63;
	v45 =	vld [tilespmem:$0x2200];
	(erf) = vpow2.f32 v55  }
0x38: {  	v63 =	vld [tilespmem:$0x2280];
	v62 =	vmul.f32 $1.442695020e+00, v52;
	(erf) = vpow2.f32 v57  }
0x39: {  	v60 =	vld [tilespmem:$0x2300];
	v59 =	vmul.f32 $1.442695020e+00, v54;
	(erf) = vpow2.f32 v61  }
0x3a: {  	v61 =	vmul.f32 $1.442695020e+00, v56;
	(erf) = vpow2.f32 v62;
	v62 =	vld [tilespmem:$0x2380]  }
0x3b: {  	v49 =	vld [tilespmem:$0x4000];
	v52 =	vmul.f32 $1.442695020e+00, v58;
	v55 =	vpop (erf);
	(erf) = vpow2.f32 v59  }
0x3c: {  	v54 =	vld [tilespmem:$0x4080];
	v53 =	vmul.f32 $1.442695020e+00, v45;
	v56 =	vpop (erf);
	(erf) = vpow2.f32 v61  }
0x3d: {  	v46 =	vld [tilespmem:$0x4100];
	v63 =	vmul.f32 $1.442695020e+00, v63;
	v57 =	vpop (erf);
	(erf) = vpow2.f32 v52  }
0x3e: {  	v50 =	vmul.f32 $1.442695020e+00, v60;
	v51 =	vld [tilespmem:$0x4180];
	v58 =	vpop (erf);
	(erf) = vpow2.f32 v53  }
0x3f: {  	v59 =	vpop (erf);
	(erf) = vpow2.f32 v63;
	v52 =	vmul.f32 $1.442695020e+00, v62  }
0x40: {  	v53 =	vmul.f32 $1.442695020e+00, v49;
	v60 =	vpop (erf);
	(erf) = vpow2.f32 v50  }
0x41: {  	v54 =	vmul.f32 $1.442695020e+00, v54;
	v61 =	vpop (erf);
	(erf) = vpow2.f32 v52  }
0x42: {  	v48 =	vmul.f32 $1.442695020e+00, v46;
	v50 =	vld [tilespmem:$0x4200];
	v62 =	vpop (erf);
	(erf) = vpow2.f32 v53  }
0x43: {  	v49 =	vmul.f32 $1.442695020e+00, v51;
	v63 =	vpop (erf);
	(erf) = vpow2.f32 v54  }
0x44: {  	v2 =	vpop (erf);
	(erf) = vpow2.f32 v48  }
0x45: {  	v4 =	vpop (erf);
	(erf) = vpow2.f32 v49  }
0x46: {  	v54 =	vpop (erf)  }
0x47: {  	v47 =	vmul.f32 $1.442695020e+00, v50;
	v53 =	vpop (erf)  }
0x48: {  	v52 =	vpop (erf)  }
0x49: {  	v43 =	vadd.f32 v56, v55;
	v46 =	vadd.f32 v58, v57;
	(erf) = vpow2.f32 v47;
	v51 =	vpop (erf)  }
0x4a: {  	v6 =	vadd.f32 v62, v61;
	v48 =	vadd.f32 v60, v59;
	v50 =	vpop (erf)  }
0x4b: {  	v43 =	vadd.f32 v46, v43;
	v8 =	vadd.f32 v2, v63;
	v49 =	vpop (erf)  }
0x4c: {  	v6 =	vadd.f32 v6, v48;
	v10 =	vadd.f32 v54, v4;
	v47 =	vpop (erf)  }
0x4d: {  	v12 =	vadd.f32 v52, v53;
	v14 =	vadd.f32 v50, v51;
	v44 =	vpop (erf)  }
0x4e: {  	v8 =	vadd.f32 v10, v8;
	v46 =	vadd.f32 v47, v49;
	v45 =	vpop (erf)  }
0x4f: {  	v10 =	vadd.f32 v14, v12;
	v48 =	vadd.f32 v45, v44  }
0x50: {  	v6 =	vadd.f32 v6, v43  }
0x51: {  	v8 =	vadd.f32 v10, v8;
	v12 =	vadd.f32 v48, v46  }
0x52: {  	v46 =	vpop (erf)  }
0x53: {  	v6 =	vadd.f32 v8, v6;
	v10 =	vadd.f32 v12, v46;
	_ =	sdelay $0x1  }
0x54: {  	v6 =	vadd.f32 v10, v6;
	_ =	sdelay $0x1  }
0x55: {  	(erf) = vrcp.f32 v6;
	_ =	sdelay $0x4  }
0x56: {  	v43 =	vld [tilespmem:$0xC000];
	_ =	sdelay $0x3  }
0x57: {  	v6 =	vpop (erf)  }
0x58: {  	vm0 =	veq.s32 v43, $0x0;
	vm1 =	veq.s32 v43, $0x1;
	v48 =	vmul.f32 $7.680000000e+02, v6  }
0x59: {  	vm2 =	veq.s32 v43, $0x2;
	vm13 =	veq.s32 v43, $0x3;
	vm14 =	veq.s32 v43, $0x4  }
0x5a: {  	vm15 =	veq.s32 v43, $0x5;
	v6 =	vmul.f32 v48, v55;
	v10 =	vmul.f32 v48, v56  }
0x5b: {  	vm9 =	veq.s32 v43, $0x6;
	v12 =	vmul.f32 v48, v57;
	v14 =	vmul.f32 v48, v58  }
0x5c: {  	vm10 =	veq.s32 v43, $0x7;
	v56 =	vmul.f32 v48, v59;
	v59 =	vmul.f32 v48, v62  }
0x5d: {  	vm4 =	veq.s32 v43, $0xA;
	v58 =	vmul.f32 v48, v63;
	v2 =	vmul.f32 v48, v2  }
0x5e: {  	v34 =	vsel vm4, $0x3F00, v34;
	v4 =	vmul.f32 v48, v4;
	v54 =	vmul.f32 v48, v54  }
0x5f: {  	v57 =	vsel vm2, $0xF00, v18;
	v53 =	vmul.f32 v48, v53;
	v52 =	vmul.f32 v48, v52  }
0x60: {  	v51 =	vmul.f32 v48, v51;
	v50 =	vmul.f32 v48, v50;
	v8 =	vsub.f32 $7.680000000e+02, v6  }
0x61: {  	v63 =	vsel vm9, $0x2700, v26;
	v49 =	vmul.f32 v48, v49;
	v44 =	vmul.f32 v48, v44  }
0x62: {  	v45 =	vmul.f32 v48, v45;
	v6 =	vsel vm0, v8, v6;
	v8 =	vsub.f32 $7.680000000e+02, v10  }
0x63: {  	v26 =	vimm.s32 $0x5400;
	v46 =	vmul.f32 v48, v46;
	v6 =	vtrunc.f32 v6  }
0x64: {  	v6 =	vcvt.f32.s32 v6;
	v8 =	vsel vm1, v8, v10;
	v10 =	vsub.f32 $7.680000000e+02, v12  }
0x65: {  	v18 =	vimm.s32 $0x7200;
	v55 =	vsub.f32 $7.680000000e+02, v14;
	v62 =	vsub.f32 $7.680000000e+02, v58  }
0x66: {  	v8 =	vtrunc.f32 v8;
	vm3 =	vlt.s32 v6, $0x2FF;
	v10 =	vsel vm2, v10, v12  }
0x67: {  	v8 =	vcvt.f32.s32 v8;
	v12 =	vsel vm0, $0x300, v1;
	v10 =	vtrunc.f32 v10  }
0x68: {  	v1 =	vimm.s32 $0x5A00;
	v6 =	vnsel vm3, $0x2FF, v6;
	v10 =	vcvt.f32.s32 v10  }
0x69: {  	vm11 =	vlt.s32 v8, $0x2FF;
	v6 =	vadd.s32 v12, v6;
	v12 =	vsel vm1, $0x900, v16  }
0x6a: {  	v8 =	vnsel vm11, $0x2FF, v8;
	vm11 =	veq.s32 v43, $0x8;
	vm12 =	vlt.s32 v10, $0x2FF  }
0x6b: {  	v8 =	vadd.s32 v12, v8;
	v12 =	vsel vm13, v55, v14;
	v14 =	vsub.f32 $7.680000000e+02, v56  }
0x6c: {  	v55 =	vmul.f32 v48, v60;
	v58 =	vsel vm11, v62, v58;
	v62 =	vsub.f32 $7.680000000e+02, v52  }
0x6d: {  	v10 =	vnsel vm12, $0x2FF, v10;
	v12 =	vtrunc.f32 v12;
	v58 =	vtrunc.f32 v58  }
0x6e: {  	v12 =	vcvt.f32.s32 v12;
	v14 =	vsel vm14, v14, v56;
	v60 =	vsub.f32 $7.680000000e+02, v55  }
0x6f: {  	v10 =	vadd.s32 v57, v10;
	v57 =	vmul.f32 v48, v61;
	v14 =	vtrunc.f32 v14  }
0x70: {  	v58 =	vcvt.f32.s32 v58;
	vm6 =	vlt.s32 v12, $0x2FF;
	v14 =	vcvt.f32.s32 v14  }
0x71: {  	v55 =	vsel vm15, v60, v55;
	v60 =	vsel vm13, $0x1500, v20;
	v61 =	vsub.f32 $7.680000000e+02, v57  }
0x72: {  	v20 =	vimm.s32 $0x600;
	v12 =	vnsel vm6, $0x2FF, v12;
	v55 =	vtrunc.f32 v55  }
0x73: {  	vm6 =	veq.s32 v43, $0xB;
	vm7 =	vlt.s32 v14, $0x2FF;
	v55 =	vcvt.f32.s32 v55  }
0x74: {  	v12 =	vadd.s32 v60, v12;
	v60 =	vsel vm14, $0x1B00, v22;
	v56 =	vsel vm9, v61, v57  }
0x75: {  	v57 =	vsub.f32 $7.680000000e+02, v59;
	vm14 =	vlt.s32 v58, $0x2FF;
	v61 =	vsub.f32 $7.680000000e+02, v4  }
0x76: {  	v22 =	vimm.s32 $0x7800;
	v14 =	vnsel vm7, $0x2FF, v14;
	v56 =	vtrunc.f32 v56  }
0x77: {  	v58 =	vnsel vm14, $0x2FF, v58;
	vm14 =	veq.s32 v43, $0xF;
	vm8 =	vlt.s32 v55, $0x2FF  }
0x78: {  	[tilespmem:v0+s18+$0x0] =	vst.idx.msk $0xffff, v6;
	v14 =	vadd.s32 v60, v14;
	v60 =	vsel vm15, $0x2100, v24;
	v56 =	vcvt.f32.s32 v56  }
0x79: {  	[tilespmem:v3+s18+$0x0] =	vst.idx.msk $0xffff, v8;
	v57 =	vsel vm10, v57, v59;
	v59 =	vsub.f32 $7.680000000e+02, v2;
	vm15 =	veq.s32 v43, $0x9  }
0x7a: {  	[tilespmem:v5+s18+$0x0] =	vst.idx.msk $0xffff, v10;
	v4 =	vsel vm4, v61, v4;
	v61 =	vsub.f32 $7.680000000e+02, v44;
	v24 =	vimm.s32 $0x1200  }
0x7b: {  	[tilespmem:v7+s18+$0x0] =	vst.idx.msk $0xffff, v12;
	v55 =	vnsel vm8, $0x2FF, v55;
	v57 =	vtrunc.f32 v57;
	v4 =	vtrunc.f32 v4  }
0x7c: {  	v32 =	vsel vm15, $0x3900, v32;
	vm8 =	veq.s32 v43, $0xC;
	[tilespmem:v9+s18+$0x0] =	vst.idx.msk $0xffff, v14;
	v14 =	vmul.f32 v48, v47  }
0x7d: {  	v55 =	vadd.s32 v60, v55;
	vm12 =	vlt.s32 v56, $0x2FF;
	v57 =	vcvt.f32.s32 v57  }
0x7e: {  	v60 =	vsel vm10, $0x2D00, v28;
	v2 =	vsel vm15, v59, v2;
	v59 =	vsel vm11, $0x3300, v30  }
0x7f: {  	v4 =	vcvt.f32.s32 v4;
	vm10 =	veq.s32 v43, $0xD;
	vm15 =	veq.s32 v43, $0x10  }
0x80: {  	v56 =	vnsel vm12, $0x2FF, v56;
	v2 =	vtrunc.f32 v2;
	v58 =	vadd.s32 v59, v58  }
0x81: {  	v59 =	vsub.f32 $7.680000000e+02, v54;
	v52 =	vsel vm10, v62, v52;
	v6 =	vsel vm10, $0x5100, v40  }
0x82: {  	[tilespmem:v11+s18+$0x0] =	vst.idx.msk $0xffff, v55;
	v55 =	vsel vm14, $0x5D00, v1;
	v1 =	vimm.s32 $0x6000;
	v62 =	vsub.f32 $7.680000000e+02, v45  }
0x83: {  	vm10 =	veq.s32 v43, $0x12;
	vm13 =	vlt.s32 v57, $0x2FF;
	v56 =	vadd.s32 v63, v56  }
0x84: {  	v2 =	vcvt.f32.s32 v2;
	vm7 =	vlt.s32 v4, $0x2FF;
	v63 =	vsel vm6, $0x4500, v36  }
0x85: {  	v52 =	vtrunc.f32 v52;
	v36 =	vsub.f32 $7.680000000e+02, v50;
	v57 =	vnsel vm13, $0x2FF, v57  }
0x86: {  	v54 =	vsel vm6, v59, v54;
	v4 =	vnsel vm7, $0x2FF, v4;
	v52 =	vcvt.f32.s32 v52  }
0x87: {  	vm13 =	veq.s32 v43, $0xE;
	v59 =	vsel vm15, $0x6300, v1;
	v1 =	vimm.s32 $0x6600  }
0x88: {  	v57 =	vadd.s32 v60, v57;
	vm5 =	vlt.s32 v2, $0x2FF;
	v54 =	vtrunc.f32 v54  }
0x89: {  	v4 =	vadd.s32 v34, v4;
	v34 =	vsub.f32 $7.680000000e+02, v51;
	v50 =	vsel vm14, v36, v50  }
0x8a: {  	v60 =	vsub.f32 $7.680000000e+02, v14;
	v2 =	vnsel vm5, $0x2FF, v2;
	v54 =	vcvt.f32.s32 v54  }
0x8b: {  	vm12 =	vlt.s32 v52, $0x2FF;
	v40 =	vtrunc.f32 v50;
	v2 =	vadd.s32 v32, v2  }
0x8c: {  	v32 =	vsub.f32 $7.680000000e+02, v53;
	v51 =	vsel vm13, v34, v51;
	v52 =	vnsel vm12, $0x2FF, v52  }
0x8d: {  	[tilespmem:v13+s18+$0x0] =	vst.idx.msk $0xffff, v56;
	v10 =	vcvt.f32.s32 v40;
	vm12 =	veq.s32 v43, $0x14;
	vm9 =	vlt.s32 v54, $0x2FF  }
0x8e: {  	[tilespmem:v15+s18+$0x0] =	vst.idx.msk $0xffff, v57;
	v51 =	vtrunc.f32 v51;
	v6 =	vadd.s32 v6, v52;
	v52 =	vsel vm13, $0x5700, v26  }
0x8f: {  	[tilespmem:v17+s18+$0x0] =	vst.idx.msk $0xffff, v58;
	v53 =	vsel vm8, v32, v53;
	v54 =	vnsel vm9, $0x2FF, v54;
	v32 =	vsel vm8, $0x4B00, v38  }
0x90: {  	[tilespmem:v19+s18+$0x0] =	vst.idx.msk $0xffff, v2;
	v38 =	vsub.f32 $7.680000000e+02, v49;
	v51 =	vcvt.f32.s32 v51;
	vm7 =	vlt.s32 v10, $0x2FF  }
0x91: {  	vm9 =	veq.s32 v43, $0x11;
	[tilespmem:v21+s18+$0x0] =	vst.idx.msk $0xffff, v4;
	v4 =	vsel vm10, v61, v44;
	v53 =	vtrunc.f32 v53  }
0x92: {  	v54 =	vadd.s32 v63, v54;
	v10 =	vnsel vm7, $0x2FF, v10;
	v14 =	vsel vm9, v60, v14  }
0x93: {  	v4 =	vtrunc.f32 v4;
	v63 =	vsub.f32 $7.680000000e+02, v46;
	v53 =	vcvt.f32.s32 v53  }
0x94: {  	v8 =	vsel vm15, v38, v49;
	vm6 =	vlt.s32 v51, $0x2FF;
	v10 =	vadd.s32 v55, v10  }
0x95: {  	v2 =	vtrunc.f32 v14;
	v4 =	vcvt.f32.s32 v4;
	v38 =	vimm.s32 $0x6C00  }
0x96: {  	v8 =	vtrunc.f32 v8;
	v12 =	vnsel vm6, $0x2FF, v51;
	v2 =	vcvt.f32.s32 v2  }
0x97: {  	vm11 =	vlt.s32 v53, $0x2FF;
	v8 =	vcvt.f32.s32 v8;
	v12 =	vadd.s32 v52, v12  }
0x98: {  	vm13 =	vlt.s32 v4, $0x2FF;
	v53 =	vnsel vm11, $0x2FF, v53;
	vm11 =	veq.s32 v43, $0x13  }
0x99: {  	[tilespmem:v23+s18+$0x0] =	vst.idx.msk $0xffff, v54;
	vm4 =	vlt.s32 v2, $0x2FF;
	v53 =	vadd.s32 v32, v53;
	v14 =	vsel vm11, v62, v45  }
0x9a: {  	v4 =	vnsel vm13, $0x2FF, v4;
	vm8 =	vlt.s32 v8, $0x2FF;
	[tilespmem:v25+s18+$0x0] =	vst.idx.msk $0xffff, v53;
	v14 =	vtrunc.f32 v14  }
0x9b: {  	v8 =	vnsel vm8, $0x2FF, v8;
	[tilespmem:v27+s18+$0x0] =	vst.idx.msk $0xffff, v6;
	v6 =	vsel vm12, v63, v46;
	v14 =	vcvt.f32.s32 v14  }
0x9c: {  	v2 =	vnsel vm4, $0x2FF, v2;
	v8 =	vadd.s32 v59, v8;
	[tilespmem:v29+s18+$0x0] =	vst.idx.msk $0xffff, v12;
	v6 =	vtrunc.f32 v6  }
0x9d: {  	v12 =	vsel vm9, $0x6900, v1;
	[tilespmem:v31+s18+$0x0] =	vst.idx.msk $0xffff, v10;
	vm14 =	vlt.s32 v14, $0x2FF;
	v6 =	vcvt.f32.s32 v6  }
0x9e: {  	v2 =	vadd.s32 v12, v2;
	[tilespmem:v33+s18+$0x0] =	vst.idx.msk $0xffff, v8;
	v8 =	vsel vm10, $0x6F00, v38;
	v10 =	vnsel vm14, $0x2FF, v14  }
0x9f: {  	[tilespmem:v35+s18+$0x0] =	vst.idx.msk $0xffff, v2;
	v2 =	vadd.s32 v8, v4;
	v4 =	vsel vm11, $0x7500, v18;
	vm15 =	vlt.s32 v6, $0x2FF  }
0xa0: {  	[tilespmem:v37+s18+$0x0] =	vst.idx.msk $0xffff, v2;
	v2 =	vadd.s32 v4, v10;
	v4 =	vnsel vm15, $0x2FF, v6;
	v6 =	vsel vm12, $0x7B00, v22  }
0xa1: {  	s29 =	simm.s32 $0xC010;
	v30 =	vimm.s32 $0x4E00;
	v28 =	vimm.s32 $0x1E00;
	[tilespmem:v39+s18+$0x0] =	vst.idx.msk $0xffff, v2;
	v2 =	vadd.s32 v6, v4  }
0xa2: {  	s30 =	simm.s32 $0xC8A0;
	s28 =	simm.s32 $0x150;
	s26 =	simm.s32 $0x10;
	v36 =	vimm.s32 $0x3600;
	v40 =	vimm.s32 $0x4200;
	v32 =	vimm.s32 $0x2A00;
	[tilespmem:v41+s18+$0x0] =	vst.idx.msk $0xffff, v2  }
.LBB2_5:
0xa3: {  	s31 =	sand.u32 $0x70, s26;
	s1 =	sand.u32 $0x1C00, s25  }
0xa4: {  	s31 =	sor.u32 s31, s1  }
0xa5: {  	v2 =	vld [tilespmem:s31+$0x0]  }
0xa6: {  	v4 =	vld [tilespmem:s31+$0x80]  }
0xa7: {  	v6 =	vld [tilespmem:s31+$0x100]  }
0xa8: {  	v8 =	vld [tilespmem:s31+$0x180]  }
0xa9: {  	v10 =	vld [tilespmem:s31+$0x200]  }
0xaa: {  	s1 =	sor.u32 s25, s26;
	v12 =	vld [tilespmem:s31+$0x280];
	v2 =	vmul.f32 $1.442695020e+00, v2  }
0xab: {  	v14 =	vld [tilespmem:s31+$0x300];
	s1 =	sor.u32 $0x380, s1;
	v4 =	vmul.f32 $1.442695020e+00, v4  }
0xac: {  	(erf) = vpow2.f32 v2;
	v2 =	vmul.f32 $1.442695020e+00, v6;
	v6 =	vld [tilespmem:s1+$0x0]  }
0xad: {  	(erf) = vpow2.f32 v4;
	v4 =	vmul.f32 $1.442695020e+00, v8;
	v8 =	vld [tilespmem:s31+$0x2000]  }
0xae: {  	(erf) = vpow2.f32 v2;
	v2 =	vmul.f32 $1.442695020e+00, v10;
	v10 =	vld [tilespmem:s31+$0x2080]  }
0xaf: {  	(erf) = vpow2.f32 v4;
	v4 =	vmul.f32 $1.442695020e+00, v12;
	v12 =	vld [tilespmem:s31+$0x2100]  }
0xb0: {  	(erf) = vpow2.f32 v2;
	v2 =	vmul.f32 $1.442695020e+00, v14;
	v14 =	vld [tilespmem:s31+$0x2180]  }
0xb1: {  	(erf) = vpow2.f32 v4;
	v4 =	vmul.f32 $1.442695020e+00, v6;
	v6 =	vld [tilespmem:s31+$0x2200]  }
0xb2: {  	(erf) = vpow2.f32 v2;
	v2 =	vmul.f32 $1.442695020e+00, v8;
	v8 =	vld [tilespmem:s31+$0x2280]  }
0xb3: {  	(erf) = vpow2.f32 v4;
	v4 =	vmul.f32 $1.442695020e+00, v10;
	v10 =	vld [tilespmem:s31+$0x2300]  }
0xb4: {  	(erf) = vpow2.f32 v2;
	v2 =	vmul.f32 $1.442695020e+00, v12;
	v12 =	vld [tilespmem:s31+$0x2380]  }
0xb5: {  	v52 =	vpop (erf);
	(erf) = vpow2.f32 v4;
	v4 =	vmul.f32 $1.442695020e+00, v14;
	v14 =	vld [tilespmem:s31+$0x4000]  }
0xb6: {  	v53 =	vpop (erf);
	(erf) = vpow2.f32 v2;
	v2 =	vmul.f32 $1.442695020e+00, v6;
	v6 =	vld [tilespmem:s31+$0x4080]  }
0xb7: {  	v56 =	vpop (erf);
	(erf) = vpow2.f32 v4;
	v4 =	vmul.f32 $1.442695020e+00, v8;
	v8 =	vld [tilespmem:s31+$0x4100]  }
0xb8: {  	v58 =	vpop (erf);
	(erf) = vpow2.f32 v2;
	v2 =	vmul.f32 $1.442695020e+00, v10  }
0xb9: {  	v10 =	vld [tilespmem:s31+$0x4180];
	v59 =	vpop (erf);
	(erf) = vpow2.f32 v4;
	v4 =	vmul.f32 $1.442695020e+00, v12  }
0xba: {  	v12 =	vpop (erf);
	(erf) = vpow2.f32 v2;
	v2 =	vmul.f32 $1.442695020e+00, v14  }
0xbb: {  	v14 =	vpop (erf);
	(erf) = vpow2.f32 v4;
	v4 =	vmul.f32 $1.442695020e+00, v6  }
0xbc: {  	v6 =	vpop (erf);
	(erf) = vpow2.f32 v2;
	v2 =	vmul.f32 $1.442695020e+00, v8  }
0xbd: {  	v8 =	vpop (erf);
	(erf) = vpow2.f32 v4  }
0xbe: {  	v4 =	vmul.f32 $1.442695020e+00, v10;
	v10 =	vpop (erf);
	(erf) = vpow2.f32 v2;
	v2 =	vld [tilespmem:s31+$0x4200];
	_ =	sdelay $0x2  }
0xbf: {  	v63 =	vpop (erf);
	(erf) = vpow2.f32 v4  }
0xc0: {  	v57 =	vpop (erf)  }
0xc1: {  	v55 =	vpop (erf);
	v2 =	vmul.f32 $1.442695020e+00, v2  }
0xc2: {  	v54 =	vpop (erf)  }
0xc3: {  	v43 =	vadd.f32 v12, v59;
	v44 =	vadd.f32 v6, v14;
	v51 =	vpop (erf);
	(erf) = vpow2.f32 v2  }
0xc4: {  	v46 =	vadd.f32 v10, v8;
	v60 =	vadd.f32 v57, v63;
	v50 =	vpop (erf)  }
0xc5: {  	v4 =	vadd.f32 v58, v56;
	v61 =	vadd.f32 v54, v55;
	v49 =	vpop (erf)  }
0xc6: {  	v34 =	vadd.f32 v60, v46;
	v2 =	vadd.f32 v53, v52;
	v48 =	vpop (erf)  }
0xc7: {  	v62 =	vadd.f32 v50, v51;
	v47 =	vpop (erf);
	v1 =	vadd.f32 v48, v49  }
0xc8: {  	v2 =	vadd.f32 v4, v2;
	v4 =	vadd.f32 v44, v43;
	v45 =	vpop (erf)  }
0xc9: {  	v60 =	vadd.f32 v62, v61;
	v16 =	vadd.f32 v45, v47  }
0xca: {  	v2 =	vadd.f32 v4, v2  }
0xcb: {  	v4 =	vadd.f32 v60, v34;
	v1 =	vadd.f32 v16, v1  }
0xcc: {  	v44 =	vpop (erf)  }
0xcd: {  	v2 =	vadd.f32 v4, v2;
	v1 =	vadd.f32 v1, v44;
	_ =	sdelay $0x1  }
0xce: {  	v1 =	vadd.f32 v1, v2;
	_ =	sdelay $0x1  }
0xcf: {  	(erf) = vrcp.f32 v1;
	_ =	sdelay $0x3  }
0xd0: {  	v43 =	vld [tilespmem:s29+$0x0];
	_ =	sdelay $0x3  }
0xd1: {  	v16 =	vimm.s32 $0x0  }
0xd2: {  	vm0 =	veq.s32 v43, $0x0;
	vm1 =	veq.s32 v43, $0x1;
	vm13 =	veq.s32 v43, $0x2;
	v1 =	vpop (erf)  }
0xd3: {  	vm14 =	veq.s32 v43, $0x3;
	vm3 =	veq.s32 v43, $0x4;
	v46 =	vmul.f32 $7.680000000e+02, v1  }
0xd4: {  	vm6 =	veq.s32 v43, $0x5;
	vm7 =	veq.s32 v43, $0x6;
	vm8 =	veq.s32 v43, $0x7  }
0xd5: {  	v16 =	vsel vm0, $0x300, v16;
	v1 =	vmul.f32 v46, v52;
	v61 =	vmul.f32 v46, v58  }
0xd6: {  	v62 =	vsel vm1, $0x900, v20;
	v12 =	vmul.f32 v46, v12;
	v6 =	vmul.f32 v46, v6  }
0xd7: {  	v8 =	vmul.f32 v46, v8;
	v10 =	vmul.f32 v46, v10;
	v2 =	vsub.f32 $7.680000000e+02, v1  }
0xd8: {  	v34 =	vsel vm14, $0x1500, v24;
	v55 =	vmul.f32 v46, v55;
	v54 =	vmul.f32 v46, v54  }
0xd9: {  	v51 =	vmul.f32 v46, v51;
	v1 =	vsel vm0, v2, v1;
	v2 =	vmul.f32 v46, v53  }
0xda: {  	v52 =	vadd.s32 s28, v0;
	v50 =	vmul.f32 v46, v50;
	v1 =	vtrunc.f32 v1  }
0xdb: {  	v49 =	vmul.f32 v46, v49;
	v1 =	vcvt.f32.s32 v1;
	v4 =	vsub.f32 $7.680000000e+02, v2  }
0xdc: {  	v58 =	vadd.s32 s28, v3;
	v48 =	vmul.f32 v46, v48;
	v47 =	vmul.f32 v46, v47  }
0xdd: {  	vm2 =	vlt.s32 v1, $0x2FF;
	v2 =	vsel vm1, v4, v2;
	v4 =	vmul.f32 v46, v56  }
0xde: {  	v45 =	vmul.f32 v46, v45;
	v1 =	vnsel vm2, $0x2FF, v1;
	v2 =	vtrunc.f32 v2  }
0xdf: {  	v2 =	vcvt.f32.s32 v2;
	v53 =	vadd.s32 v16, v1;
	v1 =	vsub.f32 $7.680000000e+02, v4  }
0xe0: {  	v44 =	vmul.f32 v46, v44;
	v16 =	vsub.f32 $7.680000000e+02, v61;
	[tilespmem:v52+s18+$0x0] =	vst.idx.msk $0xffff, v53;
	v52 =	vadd.s32 s28, v15  }
0xe1: {  	v53 =	vsub.f32 $7.680000000e+02, v48;
	vm12 =	vlt.s32 v2, $0x2FF;
	v1 =	vsel vm13, v1, v4  }
0xe2: {  	v4 =	vsel vm14, v16, v61;
	v16 =	vmul.f32 v46, v59;
	v61 =	vadd.s32 s28, v5  }
0xe3: {  	vm14 =	veq.s32 v43, $0xA;
	v2 =	vnsel vm12, $0x2FF, v2;
	v1 =	vtrunc.f32 v1  }
0xe4: {  	v4 =	vtrunc.f32 v4;
	vm12 =	veq.s32 v43, $0x8;
	v1 =	vcvt.f32.s32 v1  }
0xe5: {  	v56 =	vadd.s32 v62, v2;
	v2 =	vcvt.f32.s32 v4;
	v4 =	vsub.f32 $7.680000000e+02, v16  }
0xe6: {  	v62 =	vadd.s32 s28, v7;
	[tilespmem:v58+s18+$0x0] =	vst.idx.msk $0xffff, v56;
	v58 =	vimm.s32 $0x6000;
	v56 =	vadd.s32 s28, v17  }
0xe7: {  	vm15 =	vlt.s32 v1, $0x2FF;
	v4 =	vsel vm3, v4, v16;
	v16 =	vimm.s32 $0xC00  }
0xe8: {  	vm4 =	vlt.s32 v2, $0x2FF;
	v1 =	vnsel vm15, $0x2FF, v1;
	v16 =	vsel vm13, $0xF00, v16  }
0xe9: {  	v2 =	vnsel vm4, $0x2FF, v2;
	v4 =	vtrunc.f32 v4;
	vm13 =	veq.s32 v43, $0x9  }
0xea: {  	v4 =	vcvt.f32.s32 v4;
	v60 =	vadd.s32 v16, v1;
	v59 =	vadd.s32 v34, v2  }
0xeb: {  	v1 =	vsub.f32 $7.680000000e+02, v12;
	v2 =	vmul.f32 v46, v14;
	v14 =	vimm.s32 $0x1800  }
0xec: {  	v16 =	vsel vm8, $0x2D00, v32;
	v34 =	vimm.s32 $0x3C00;
	v14 =	vsel vm3, $0x1B00, v14  }
0xed: {  	[tilespmem:v61+s18+$0x0] =	vst.idx.msk $0xffff, v60;
	v60 =	vadd.s32 s28, v25;
	v61 =	vadd.s32 s28, v29;
	v1 =	vsel vm6, v1, v12  }
0xee: {  	vm5 =	vlt.s32 v4, $0x2FF;
	v12 =	vsub.f32 $7.680000000e+02, v2;
	v1 =	vtrunc.f32 v1  }
0xef: {  	v4 =	vnsel vm5, $0x2FF, v4;
	vm5 =	veq.s32 v43, $0x10;
	v1 =	vcvt.f32.s32 v1  }
0xf0: {  	v2 =	vsel vm7, v12, v2;
	v12 =	vsub.f32 $7.680000000e+02, v6;
	v4 =	vadd.s32 v14, v4  }
0xf1: {  	v14 =	vsub.f32 $7.680000000e+02, v8;
	v2 =	vtrunc.f32 v2;
	vm9 =	vlt.s32 v1, $0x2FF  }
0xf2: {  	v2 =	vcvt.f32.s32 v2;
	v6 =	vsel vm8, v12, v6;
	v12 =	vsel vm6, $0x2100, v28  }
0xf3: {  	v8 =	vsel vm12, v14, v8;
	v14 =	vmul.f32 v46, v63;
	vm8 =	veq.s32 v43, $0xB  }
0xf4: {  	v63 =	vsel vm14, $0x3F00, v34;
	v34 =	vsub.f32 $7.680000000e+02, v54;
	v1 =	vnsel vm9, $0x2FF, v1  }
0xf5: {  	v6 =	vtrunc.f32 v6;
	v8 =	vtrunc.f32 v8;
	vm10 =	vlt.s32 v2, $0x2FF  }
0xf6: {  	v6 =	vcvt.f32.s32 v6;
	v1 =	vadd.s32 v12, v1;
	v12 =	vimm.s32 $0x2400  }
0xf7: {  	v8 =	vcvt.f32.s32 v8;
	v2 =	vnsel vm10, $0x2FF, v2;
	v12 =	vsel vm7, $0x2700, v12  }
0xf8: {  	vm10 =	veq.s32 v43, $0xD;
	vm11 =	vlt.s32 v6, $0x2FF;
	v2 =	vadd.s32 v12, v2  }
0xf9: {  	v12 =	vsub.f32 $7.680000000e+02, v10;
	vm15 =	vlt.s32 v8, $0x2FF;
	v54 =	vsel vm10, v34, v54  }
0xfa: {  	v34 =	vsub.f32 $7.680000000e+02, v50;
	v6 =	vnsel vm11, $0x2FF, v6;
	v8 =	vnsel vm15, $0x2FF, v8  }
0xfb: {  	v54 =	vtrunc.f32 v54;
	vm15 =	veq.s32 v43, $0xF;
	v10 =	vsel vm13, v12, v10  }
0xfc: {  	v12 =	vsub.f32 $7.680000000e+02, v14;
	v6 =	vadd.s32 v16, v6;
	v16 =	vmul.f32 v46, v57  }
0xfd: {  	v54 =	vcvt.f32.s32 v54;
	v50 =	vsel vm15, v34, v50;
	v10 =	vtrunc.f32 v10  }
0xfe: {  	vm9 =	veq.s32 v43, $0xC;
	v50 =	vtrunc.f32 v50;
	v10 =	vcvt.f32.s32 v10  }
0xff: {  	v12 =	vsel vm14, v12, v14;
	v14 =	vimm.s32 $0x3000;
	v57 =	vsub.f32 $7.680000000e+02, v16  }
0x100: {  	vm14 =	veq.s32 v43, $0xE;
	v50 =	vcvt.f32.s32 v50;
	v14 =	vsel vm12, $0x3300, v14  }
0x101: {  	v12 =	vtrunc.f32 v12;
	v34 =	vsel vm14, $0x5700, v26;
	vm6 =	vlt.s32 v10, $0x2FF  }
0x102: {  	v8 =	vadd.s32 v14, v8;
	v14 =	vsel vm13, $0x3900, v36;
	vm13 =	vlt.s32 v54, $0x2FF  }
0x103: {  	v12 =	vcvt.f32.s32 v12;
	v10 =	vnsel vm6, $0x2FF, v10;
	v54 =	vnsel vm13, $0x2FF, v54  }
0x104: {  	v10 =	vadd.s32 v14, v10;
	v14 =	vsel vm8, v57, v16;
	v16 =	vsub.f32 $7.680000000e+02, v55  }
0x105: {  	vm7 =	vlt.s32 v12, $0x2FF;
	v57 =	vsel vm8, $0x4500, v40;
	v14 =	vtrunc.f32 v14  }
0x106: {  	v12 =	vnsel vm7, $0x2FF, v12;
	v14 =	vcvt.f32.s32 v14;
	v16 =	vsel vm9, v16, v55  }
0x107: {  	v12 =	vadd.s32 v63, v12;
	v55 =	vsub.f32 $7.680000000e+02, v51;
	v16 =	vtrunc.f32 v16  }
0x108: {  	v63 =	vimm.s32 $0x4800;
	vm11 =	vlt.s32 v14, $0x2FF;
	v16 =	vcvt.f32.s32 v16  }
0x109: {  	v51 =	vsel vm14, v55, v51;
	v55 =	vsel vm10, $0x5100, v30;
	v14 =	vnsel vm11, $0x2FF, v14  }
0x10a: {  	v51 =	vtrunc.f32 v51;
	v54 =	vadd.s32 v55, v54;
	v55 =	vsub.f32 $7.680000000e+02, v49  }
0x10b: {  	vm12 =	vlt.s32 v16, $0x2FF;
	v14 =	vadd.s32 v57, v14;
	v51 =	vcvt.f32.s32 v51  }
0x10c: {  	v57 =	vsel vm9, $0x4B00, v63;
	v63 =	vimm.s32 $0x5A00;
	v16 =	vnsel vm12, $0x2FF, v16  }
0x10d: {  	v49 =	vsel vm5, v55, v49;
	v16 =	vadd.s32 v57, v16;
	vm4 =	vlt.s32 v51, $0x2FF  }
0x10e: {  	v57 =	vadd.s32 s28, v9;
	v49 =	vtrunc.f32 v49;
	v51 =	vnsel vm4, $0x2FF, v51  }
0x10f: {  	v51 =	vadd.s32 v34, v51;
	v34 =	vsel vm15, $0x5D00, v63;
	v63 =	vadd.s32 s28, v11  }
0x110: {  	vm6 =	vlt.s32 v50, $0x2FF;
	v55 =	vadd.s32 s28, v13;
	v49 =	vcvt.f32.s32 v49  }
0x111: {  	[tilespmem:v62+s18+$0x0] =	vst.idx.msk $0xffff, v59;
	v62 =	vimm.s32 $0x6600;
	v59 =	vsub.f32 $7.680000000e+02, v45;
	v50 =	vnsel vm6, $0x2FF, v50  }
0x112: {  	vm8 =	veq.s32 v43, $0x11;
	v50 =	vadd.s32 v34, v50;
	vm7 =	vlt.s32 v49, $0x2FF  }
0x113: {  	v34 =	vsel vm5, $0x6300, v58;
	v49 =	vnsel vm7, $0x2FF, v49;
	[tilespmem:v57+s18+$0x0] =	vst.idx.msk $0xffff, v4;
	v57 =	vadd.s32 s28, v19  }
0x114: {  	v49 =	vadd.s32 v34, v49;
	v4 =	vsel vm8, v53, v48;
	[tilespmem:v63+s18+$0x0] =	vst.idx.msk $0xffff, v1;
	v1 =	vadd.s32 s28, v21  }
0x115: {  	v34 =	vsub.f32 $7.680000000e+02, v47;
	v4 =	vtrunc.f32 v4;
	[tilespmem:v55+s18+$0x0] =	vst.idx.msk $0xffff, v2;
	v2 =	vadd.s32 s28, v23  }
0x116: {  	vm10 =	veq.s32 v43, $0x13;
	vm9 =	veq.s32 v43, $0x12;
	v4 =	vcvt.f32.s32 v4;
	[tilespmem:v52+s18+$0x0] =	vst.idx.msk $0xffff, v6  }
0x117: {  	vm12 =	veq.s32 v43, $0x14;
	v47 =	vsel vm9, v34, v47;
	[tilespmem:v56+s18+$0x0] =	vst.idx.msk $0xffff, v8;
	v8 =	vadd.s32 s28, v27  }
0x118: {  	v63 =	vadd.s32 s28, v39;
	v47 =	vtrunc.f32 v47;
	vm11 =	vlt.s32 v4, $0x2FF;
	[tilespmem:v57+s18+$0x0] =	vst.idx.msk $0xffff, v10  }
0x119: {  	v6 =	vsel vm10, v59, v45;
	v4 =	vnsel vm11, $0x2FF, v4;
	v10 =	vadd.s32 s28, v31;
	[tilespmem:v1+s18+$0x0] =	vst.idx.msk $0xffff, v12  }
0x11a: {  	v6 =	vtrunc.f32 v6;
	v1 =	vadd.s32 s28, v33;
	[tilespmem:v2+s18+$0x0] =	vst.idx.msk $0xffff, v14;
	v14 =	vsub.f32 $7.680000000e+02, v44  }
0x11b: {  	v6 =	vcvt.f32.s32 v6;
	v12 =	vcvt.f32.s32 v47;
	[tilespmem:v60+s18+$0x0] =	vst.idx.msk $0xffff, v16;
	v16 =	vadd.s32 s28, v35  }
0x11c: {  	v2 =	vsel vm8, $0x6900, v62;
	[tilespmem:v8+s18+$0x0] =	vst.idx.msk $0xffff, v54;
	v8 =	vsel vm12, v14, v44;
	v14 =	vadd.s32 s28, v37  }
0x11d: {  	vm14 =	vlt.s32 v6, $0x2FF;
	vm13 =	vlt.s32 v12, $0x2FF;
	[tilespmem:v61+s18+$0x0] =	vst.idx.msk $0xffff, v51;
	v8 =	vtrunc.f32 v8  }
0x11e: {  	v12 =	vnsel vm13, $0x2FF, v12;
	[tilespmem:v10+s18+$0x0] =	vst.idx.msk $0xffff, v50;
	v8 =	vcvt.f32.s32 v8;
	v10 =	vadd.s32 s28, v41  }
0x11f: {  	[tilespmem:v1+s18+$0x0] =	vst.idx.msk $0xffff, v49;
	v1 =	vadd.s32 v2, v4;
	v2 =	vsel vm9, $0x6F00, v38;
	v4 =	vnsel vm14, $0x2FF, v6  }
0x120: {  	[tilespmem:v16+s18+$0x0] =	vst.idx.msk $0xffff, v1;
	v1 =	vadd.s32 v2, v12;
	v2 =	vsel vm10, $0x7500, v18;
	vm15 =	vlt.s32 v8, $0x2FF  }
0x121: {  	[tilespmem:v14+s18+$0x0] =	vst.idx.msk $0xffff, v1;
	v1 =	vadd.s32 v2, v4;
	v2 =	vnsel vm15, $0x2FF, v8;
	v4 =	vsel vm12, $0x7B00, v22  }
0x122: {  	[tilespmem:v63+s18+$0x0] =	vst.idx.msk $0xffff, v1;
	v1 =	vadd.s32 v4, v2  }
0x123: {  	[tilespmem:v10+s18+$0x0] =	vst.idx.msk $0xffff, v1  }
0x124: {  	v1 =	vld [tilespmem:s30+$0xFFFFFF60];
	_ =	sdelay $0x7  }
0x125: {  	[tilespmem:v1+s19+$0x0] =	vst.idx.add.s32.msk $0xffff, v42  }
0x126: {  	v1 =	vld [tilespmem:s30+$0xFFFFFF70];
	_ =	sdelay $0x7  }
0x127: {  	[tilespmem:v1+s19+$0x0] =	vst.idx.add.s32.msk $0xffff, v42  }
0x128: {  	v1 =	vld [tilespmem:s30+$0xFFFFFF80];
	_ =	sdelay $0x7  }
0x129: {  	[tilespmem:v1+s19+$0x0] =	vst.idx.add.s32.msk $0xffff, v42  }
0x12a: {  	v1 =	vld [tilespmem:s30+$0xFFFFFF90];
	_ =	sdelay $0x7  }
0x12b: {  	[tilespmem:v1+s19+$0x0] =	vst.idx.add.s32.msk $0xffff, v42  }
0x12c: {  	v1 =	vld [tilespmem:s30+$0xFFFFFFA0];
	_ =	sdelay $0x7  }
0x12d: {  	s31 =	sand.u32 $0x7FF0, s28;
	[tilespmem:v1+s19+$0x0] =	vst.idx.add.s32.msk $0xffff, v42  }
0x12e: {  	v1 =	vld [tilespmem:s31+$0xC700];
	_ =	sdelay $0x7  }
0x12f: {  	[tilespmem:v1+s19+$0x0] =	vst.idx.add.s32.msk $0xffff, v42  }
0x130: {  	v1 =	vld [tilespmem:s30+$0xFFFFFFC0];
	_ =	sdelay $0x7  }
0x131: {  	[tilespmem:v1+s19+$0x0] =	vst.idx.add.s32.msk $0xffff, v42  }
0x132: {  	v1 =	vld [tilespmem:s30+$0xFFFFFFD0];
	_ =	sdelay $0x7  }
0x133: {  	[tilespmem:v1+s19+$0x0] =	vst.idx.add.s32.msk $0xffff, v42  }
0x134: {  	v1 =	vld [tilespmem:s30+$0xFFFFFFE0];
	_ =	sdelay $0x7  }
0x135: {  	[tilespmem:v1+s19+$0x0] =	vst.idx.add.s32.msk $0xffff, v42  }
0x136: {  	v1 =	vld [tilespmem:s30+$0xFFFFFFF0];
	_ =	sdelay $0x7  }
0x137: {  	[tilespmem:v1+s19+$0x0] =	vst.idx.add.s32.msk $0xffff, v42  }
0x138: {  	v1 =	vld [tilespmem:s30+$0x0];
	_ =	sdelay $0x7  }
0x139: {  	[tilespmem:v1+s19+$0x0] =	vst.idx.add.s32.msk $0xffff, v42  }
0x13a: {  	v1 =	vld [tilespmem:s30+$0x10];
	_ =	sdelay $0x7  }
0x13b: {  	[tilespmem:v1+s19+$0x0] =	vst.idx.add.s32.msk $0xffff, v42  }
0x13c: {  	v1 =	vld [tilespmem:s30+$0x20];
	_ =	sdelay $0x7  }
0x13d: {  	[tilespmem:v1+s19+$0x0] =	vst.idx.add.s32.msk $0xffff, v42  }
0x13e: {  	v1 =	vld [tilespmem:s31+$0xC780];
	_ =	sdelay $0x7  }
0x13f: {  	[tilespmem:v1+s19+$0x0] =	vst.idx.add.s32.msk $0xffff, v42  }
0x140: {  	v1 =	vld [tilespmem:s30+$0x40];
	_ =	sdelay $0x7  }
0x141: {  	[tilespmem:v1+s19+$0x0] =	vst.idx.add.s32.msk $0xffff, v42  }
0x142: {  	v1 =	vld [tilespmem:s30+$0x50];
	_ =	sdelay $0x7  }
0x143: {  	[tilespmem:v1+s19+$0x0] =	vst.idx.add.s32.msk $0xffff, v42  }
0x144: {  	v1 =	vld [tilespmem:s30+$0x60];
	_ =	sdelay $0x7  }
0x145: {  	[tilespmem:v1+s19+$0x0] =	vst.idx.add.s32.msk $0xffff, v42  }
0x146: {  	v1 =	vld [tilespmem:s30+$0x70];
	_ =	sdelay $0x7  }
0x147: {  	[tilespmem:v1+s19+$0x0] =	vst.idx.add.s32.msk $0xffff, v42  }
0x148: {  	v1 =	vld [tilespmem:s30+$0x80];
	_ =	sdelay $0x7  }
0x149: {  	[tilespmem:v1+s19+$0x0] =	vst.idx.add.s32.msk $0xffff, v42  }
0x14a: {  	v1 =	vld [tilespmem:s30+$0x90];
	_ =	sdelay $0x7  }
0x14b: {  	[tilespmem:v1+s19+$0x0] =	vst.idx.add.s32.msk $0xffff, v42  }
0x14c: {  	v1 =	vld [tilespmem:s30+$0xA0];
	_ =	sdelay $0x2  }
0x14d: {  	p0 =	sne.s32 s26, $0x3F0  }
.Ltmp1:
0x14e: {  	_ = 	snop;
	(pc) =	sbr.rel @p0 .LBB2_5-.Ltmp1, $3  }
0x14f: {  	_ =	sdelay $0x1  }
0x150: {  	s25 =	sadd.s32 $0x80, s25;
	s26 =	sadd.s32 $0x10, s26  }
0x151: {  	s29 =	sadd.s32 $0x10, s29;
	s28 =	sadd.s32 $0x150, s28;
	s30 =	sadd.s32 $0x150, s30;
	[tilespmem:v1+s19+$0x0] =	vst.idx.add.s32.msk $0xffff, v42  }
0x152: {  	v1 =	vld [tilespmem:$0x11AB0];
	_ =	sdelay $0x7  }
0x153: {  	[tilespmem:v1+s19+$0x0] =	vst.idx.add.s32.msk $0xffff, v42  }
0x154: {  	v1 =	vld [tilespmem:$0x11AC0];
	_ =	sdelay $0x7  }
0x155: {  	[tilespmem:v1+s19+$0x0] =	vst.idx.add.s32.msk $0xffff, v42  }
0x156: {  	v1 =	vld [tilespmem:$0x11AD0];
	_ =	sdelay $0x7  }
0x157: {  	[tilespmem:v1+s19+$0x0] =	vst.idx.add.s32.msk $0xffff, v42  }
0x158: {  	v1 =	vld [tilespmem:$0x11AE0];
	_ =	sdelay $0x7  }
0x159: {  	[tilespmem:v1+s19+$0x0] =	vst.idx.add.s32.msk $0xffff, v42  }
0x15a: {  	v1 =	vld [tilespmem:$0x11AF0];
	_ =	sdelay $0x7  }
0x15b: {  	[tilespmem:v1+s19+$0x0] =	vst.idx.add.s32.msk $0xffff, v42  }
0x15c: {  	v1 =	vld [tilespmem:$0x11B00];
	_ =	sdelay $0x7  }
0x15d: {  	[tilespmem:v1+s19+$0x0] =	vst.idx.add.s32.msk $0xffff, v42  }
0x15e: {  	v1 =	vld [tilespmem:$0x11B10];
	_ =	sdelay $0x7  }
0x15f: {  	[tilespmem:v1+s19+$0x0] =	vst.idx.add.s32.msk $0xffff, v42  }
0x160: {  	v1 =	vld [tilespmem:$0x11B20];
	_ =	sdelay $0x7  }
0x161: {  	[tilespmem:v1+s19+$0x0] =	vst.idx.add.s32.msk $0xffff, v42  }
0x162: {  	v1 =	vld [tilespmem:$0x11B30];
	_ =	sdelay $0x7  }
0x163: {  	[tilespmem:v1+s19+$0x0] =	vst.idx.add.s32.msk $0xffff, v42  }
0x164: {  	v1 =	vld [tilespmem:$0x11B40];
	_ =	sdelay $0x7  }
0x165: {  	[tilespmem:v1+s19+$0x0] =	vst.idx.add.s32.msk $0xffff, v42  }
0x166: {  	v1 =	vld [tilespmem:$0x11B50];
	_ =	sdelay $0x7  }
0x167: {  	[tilespmem:v1+s19+$0x0] =	vst.idx.add.s32.msk $0xffff, v42  }
0x168: {  	v1 =	vld [tilespmem:$0x11B60];
	_ =	sdelay $0x7  }
0x169: {  	[tilespmem:v1+s19+$0x0] =	vst.idx.add.s32.msk $0xffff, v42  }
0x16a: {  	v1 =	vld [tilespmem:$0x11B70];
	_ =	sdelay $0x7  }
0x16b: {  	[tilespmem:v1+s19+$0x0] =	vst.idx.add.s32.msk $0xffff, v42  }
0x16c: {  	v1 =	vld [tilespmem:$0x11B80];
	_ =	sdelay $0x7  }
0x16d: {  	[tilespmem:v1+s19+$0x0] =	vst.idx.add.s32.msk $0xffff, v42  }
0x16e: {  	v1 =	vld [tilespmem:$0x11B90];
	_ =	sdelay $0x7  }
0x16f: {  	[tilespmem:v1+s19+$0x0] =	vst.idx.add.s32.msk $0xffff, v42  }
0x170: {  	v1 =	vld [tilespmem:$0x11BA0];
	_ =	sdelay $0x7  }
0x171: {  	[tilespmem:v1+s19+$0x0] =	vst.idx.add.s32.msk $0xffff, v42  }
0x172: {  	v1 =	vld [tilespmem:$0x11BB0];
	_ =	sdelay $0x7  }
0x173: {  	[tilespmem:v1+s19+$0x0] =	vst.idx.add.s32.msk $0xffff, v42  }
0x174: {  	v1 =	vld [tilespmem:$0x11BC0];
	_ =	sdelay $0x7  }
0x175: {  	[tilespmem:v1+s19+$0x0] =	vst.idx.add.s32.msk $0xffff, v42  }
0x176: {  	v1 =	vld [tilespmem:$0x11BD0];
	_ =	sdelay $0x7  }
0x177: {  	[tilespmem:v1+s19+$0x0] =	vst.idx.add.s32.msk $0xffff, v42  }
0x178: {  	v1 =	vld [tilespmem:$0x11BE0];
	_ =	sdelay $0x7  }
0x179: {  	[tilespmem:v1+s19+$0x0] =	vst.idx.add.s32.msk $0xffff, v42  }
0x17a: {  	v1 =	vld [tilespmem:$0x11BF0];
	_ =	sdelay $0x7  }
0x17b: {  	[tilespmem:v1+s19+$0x0] =	vst.idx.add.s32.msk $0xffff, v42  }
0x17c: {  	_ =	swait.ge [sflag:s20], $0x6000  }
0x17d: {  	[sflag:s20] =	ssyncset.done $0x0  }
0x17e: {  	[sflag:s20] =	ssyncadd.s32 $0xFFFFA000  }
0x17f: {  	_ =	swait.ge [sflag:s20], $0x400  }
0x180: {  	[sflag:s20] =	ssyncset.done $0x0  }
0x181: {  	[sflag:s20] =	ssyncadd.s32 $0xFFFFFC00  }
0x182: {  	v1 =	vld [tilespmem:$0x6000]  }
0x183: {  	v2 =	vld [tilespmem:$0x6080]  }
0x184: {  	v4 =	vld [tilespmem:$0x6100]  }
0x185: {  	v6 =	vld [tilespmem:$0x6180]  }
0x186: {  	v8 =	vld [tilespmem:$0x6200]  }
0x187: {  	v10 =	vld [tilespmem:$0x6280];
	v1 =	vmul.f32 $1.442695020e+00, v1  }
0x188: {  	v12 =	vld [tilespmem:$0x6300];
	v2 =	vmul.f32 $1.442695020e+00, v2  }
0x189: {  	(erf) = vpow2.f32 v1;
	v1 =	vmul.f32 $1.442695020e+00, v4;
	v4 =	vld [tilespmem:$0x6380]  }
0x18a: {  	(erf) = vpow2.f32 v2;
	v2 =	vmul.f32 $1.442695020e+00, v6;
	v6 =	vld [tilespmem:$0x8000]  }
0x18b: {  	(erf) = vpow2.f32 v1;
	v1 =	vmul.f32 $1.442695020e+00, v8;
	v8 =	vld [tilespmem:$0x8080]  }
0x18c: {  	(erf) = vpow2.f32 v2;
	v2 =	vmul.f32 $1.442695020e+00, v10;
	v10 =	vld [tilespmem:$0x8100]  }
0x18d: {  	(erf) = vpow2.f32 v1;
	v1 =	vmul.f32 $1.442695020e+00, v12;
	v12 =	vld [tilespmem:$0x8180]  }
0x18e: {  	(erf) = vpow2.f32 v2;
	v2 =	vmul.f32 $1.442695020e+00, v4;
	v4 =	vld [tilespmem:$0x8200]  }
0x18f: {  	(erf) = vpow2.f32 v1;
	v1 =	vmul.f32 $1.442695020e+00, v6;
	v6 =	vld [tilespmem:$0x8280]  }
0x190: {  	(erf) = vpow2.f32 v2;
	v2 =	vmul.f32 $1.442695020e+00, v8;
	v8 =	vld [tilespmem:$0x8300]  }
0x191: {  	(erf) = vpow2.f32 v1;
	v1 =	vmul.f32 $1.442695020e+00, v10;
	v10 =	vld [tilespmem:$0x8380]  }
0x192: {  	v14 =	vpop (erf);
	(erf) = vpow2.f32 v2;
	v2 =	vmul.f32 $1.442695020e+00, v12;
	v12 =	vld [tilespmem:$0xA000]  }
0x193: {  	v16 =	vpop (erf);
	(erf) = vpow2.f32 v1;
	v1 =	vmul.f32 $1.442695020e+00, v4;
	v4 =	vld [tilespmem:$0xA080]  }
0x194: {  	v55 =	vpop (erf);
	(erf) = vpow2.f32 v2;
	v2 =	vmul.f32 $1.442695020e+00, v6;
	v6 =	vld [tilespmem:$0xA100]  }
0x195: {  	v56 =	vpop (erf);
	(erf) = vpow2.f32 v1;
	v1 =	vmul.f32 $1.442695020e+00, v8;
	v8 =	vld [tilespmem:$0xA180]  }
0x196: {  	v57 =	vpop (erf);
	(erf) = vpow2.f32 v2;
	v2 =	vmul.f32 $1.442695020e+00, v10  }
0x197: {  	v10 =	vpop (erf);
	(erf) = vpow2.f32 v1;
	v1 =	vmul.f32 $1.442695020e+00, v12  }
0x198: {  	v12 =	vpop (erf);
	(erf) = vpow2.f32 v2;
	v2 =	vmul.f32 $1.442695020e+00, v4  }
0x199: {  	v4 =	vpop (erf);
	(erf) = vpow2.f32 v1;
	v1 =	vmul.f32 $1.442695020e+00, v6  }
0x19a: {  	v6 =	vpop (erf);
	(erf) = vpow2.f32 v2;
	v2 =	vmul.f32 $1.442695020e+00, v8;
	v8 =	vld [tilespmem:$0xA200];
	_ =	sdelay $0x1  }
0x19b: {  	v58 =	vpop (erf);
	(erf) = vpow2.f32 v1  }
0x19c: {  	v1 =	vpop (erf);
	(erf) = vpow2.f32 v2  }
0x19d: {  	v54 =	vpop (erf)  }
0x19e: {  	v53 =	vpop (erf);
	v2 =	vmul.f32 $1.442695020e+00, v8  }
0x19f: {  	v43 =	vadd.f32 v10, v57;
	v46 =	vadd.f32 v4, v12;
	v52 =	vpop (erf)  }
0x1a0: {  	v51 =	vpop (erf);
	(erf) = vpow2.f32 v2  }
0x1a1: {  	v48 =	vadd.f32 v58, v6;
	v43 =	vadd.f32 v46, v43;
	v50 =	vpop (erf)  }
0x1a2: {  	v8 =	vadd.f32 v56, v55;
	v59 =	vadd.f32 v54, v1;
	v49 =	vpop (erf)  }
0x1a3: {  	v2 =	vadd.f32 v16, v14;
	v60 =	vadd.f32 v52, v53;
	v47 =	vpop (erf)  }
0x1a4: {  	v48 =	vadd.f32 v59, v48;
	v61 =	vadd.f32 v50, v51;
	v44 =	vpop (erf)  }
0x1a5: {  	v2 =	vadd.f32 v8, v2;
	v8 =	vadd.f32 v47, v49;
	v45 =	vpop (erf)  }
0x1a6: {  	v61 =	vadd.f32 v61, v60;
	v34 =	vadd.f32 v45, v44  }
0x1a7: {  	v2 =	vadd.f32 v43, v2  }
0x1a8: {  	v63 =	vadd.f32 v61, v48;
	v8 =	vadd.f32 v34, v8  }
0x1a9: {  	v46 =	vpop (erf)  }
0x1aa: {  	v2 =	vadd.f32 v63, v2;
	v8 =	vadd.f32 v8, v46;
	_ =	sdelay $0x1  }
0x1ab: {  	v2 =	vadd.f32 v8, v2;
	_ =	sdelay $0x1  }
0x1ac: {  	(erf) = vrcp.f32 v2;
	_ =	sdelay $0x5  }
0x1ad: {  	v43 =	vld [tilespmem:$0xC400];
	_ =	sdelay $0x2  }
0x1ae: {  	v2 =	vpop (erf)  }
0x1af: {  	v48 =	vmul.f32 $7.680000000e+02, v2  }
0x1b0: {  	v59 =	vimm.s32 $0x1800;
	vm0 =	veq.s32 v43, $0x0  }
0x1b1: {  	vm1 =	veq.s32 v43, $0x1;
	vm2 =	veq.s32 v43, $0x2;
	v2 =	vmul.f32 v48, v14  }
0x1b2: {  	vm13 =	veq.s32 v43, $0x3;
	v14 =	vmul.f32 v48, v16;
	v16 =	vmul.f32 v48, v55  }
0x1b3: {  	vm14 =	veq.s32 v43, $0x4;
	v34 =	vmul.f32 v48, v56;
	v57 =	vmul.f32 v48, v57  }
0x1b4: {  	vm15 =	veq.s32 v43, $0x5;
	v10 =	vmul.f32 v48, v10;
	v12 =	vmul.f32 v48, v12  }
0x1b5: {  	vm9 =	veq.s32 v43, $0x6;
	v4 =	vmul.f32 v48, v4;
	v6 =	vmul.f32 v48, v6  }
0x1b6: {  	vm10 =	veq.s32 v43, $0x7;
	v1 =	vmul.f32 v48, v1;
	v54 =	vmul.f32 v48, v54  }
0x1b7: {  	vm4 =	veq.s32 v43, $0xA;
	v53 =	vmul.f32 v48, v53;
	v52 =	vmul.f32 v48, v52  }
0x1b8: {  	v51 =	vmul.f32 v48, v51;
	v50 =	vmul.f32 v48, v50;
	v8 =	vsub.f32 $7.680000000e+02, v2  }
0x1b9: {  	v49 =	vmul.f32 v48, v49;
	v60 =	vsub.f32 $7.680000000e+02, v57;
	v63 =	vsub.f32 $7.680000000e+02, v10  }
0x1ba: {  	v47 =	vmul.f32 v48, v47;
	v56 =	vsub.f32 $7.680000000e+02, v34;
	v2 =	vsel vm0, v8, v2  }
0x1bb: {  	v8 =	vsub.f32 $7.680000000e+02, v14;
	v55 =	vsel vm14, v60, v57;
	v10 =	vsel vm15, v63, v10  }
0x1bc: {  	v60 =	vsel vm14, $0x1B00, v59;
	v63 =	vsub.f32 $7.680000000e+02, v4;
	v2 =	vtrunc.f32 v2  }
0x1bd: {  	v59 =	vimm.s32 $0x4800;
	v55 =	vtrunc.f32 v55;
	v10 =	vtrunc.f32 v10  }
0x1be: {  	v2 =	vcvt.f32.s32 v2;
	v8 =	vsel vm1, v8, v14;
	v14 =	vsub.f32 $7.680000000e+02, v16  }
0x1bf: {  	v55 =	vcvt.f32.s32 v55;
	v10 =	vcvt.f32.s32 v10;
	v4 =	vsel vm10, v63, v4  }
0x1c0: {  	v8 =	vtrunc.f32 v8;
	v4 =	vtrunc.f32 v4;
	vm3 =	vlt.s32 v2, $0x2FF  }
0x1c1: {  	v8 =	vcvt.f32.s32 v8;
	v14 =	vsel vm2, v14, v16;
	v16 =	vimm.s32 $0x0  }
0x1c2: {  	vm7 =	vlt.s32 v55, $0x2FF;
	vm8 =	vlt.s32 v10, $0x2FF;
	v4 =	vcvt.f32.s32 v4  }
0x1c3: {  	v2 =	vnsel vm3, $0x2FF, v2;
	v16 =	vsel vm0, $0x300, v16;
	v14 =	vtrunc.f32 v14  }
0x1c4: {  	v55 =	vnsel vm7, $0x2FF, v55;
	v10 =	vnsel vm8, $0x2FF, v10;
	vm8 =	veq.s32 v43, $0xC  }
0x1c5: {  	vm11 =	vlt.s32 v8, $0x2FF;
	v14 =	vcvt.f32.s32 v14;
	v2 =	vadd.s32 v16, v2  }
0x1c6: {  	v16 =	vsel vm1, $0x900, v20;
	v55 =	vadd.s32 v60, v55;
	v60 =	vsub.f32 $7.680000000e+02, v6  }
0x1c7: {  	v8 =	vnsel vm11, $0x2FF, v8;
	vm11 =	veq.s32 v43, $0x8;
	vm12 =	vlt.s32 v14, $0x2FF  }
0x1c8: {  	v8 =	vadd.s32 v16, v8;
	v16 =	vsel vm13, v56, v34;
	v34 =	vimm.s32 $0xC00  }
0x1c9: {  	v6 =	vsel vm11, v60, v6;
	v56 =	vmul.f32 v48, v58;
	v60 =	vsel vm10, $0x2D00, v32  }
0x1ca: {  	vm10 =	veq.s32 v43, $0xD;
	v14 =	vnsel vm12, $0x2FF, v14;
	v61 =	vsel vm2, $0xF00, v34  }
0x1cb: {  	v16 =	vtrunc.f32 v16;
	v34 =	vsel vm13, $0x1500, v24;
	v6 =	vtrunc.f32 v6  }
0x1cc: {  	[tilespmem:v0+s18+$0x0] =	vst.idx.msk $0xffff, v2;
	vm13 =	vlt.s32 v4, $0x2FF;
	v2 =	vsel vm10, $0x5100, v30;
	v16 =	vcvt.f32.s32 v16  }
0x1cd: {  	v14 =	vadd.s32 v61, v14;
	v61 =	vsub.f32 $7.680000000e+02, v12;
	v4 =	vnsel vm13, $0x2FF, v4  }
0x1ce: {  	v6 =	vcvt.f32.s32 v6;
	vm13 =	veq.s32 v43, $0xE;
	v4 =	vadd.s32 v60, v4  }
0x1cf: {  	v60 =	vsub.f32 $7.680000000e+02, v54;
	vm6 =	vlt.s32 v16, $0x2FF;
	v12 =	vsel vm9, v61, v12  }
0x1d0: {  	v61 =	vimm.s32 $0x2400;
	vm14 =	vlt.s32 v6, $0x2FF;
	v16 =	vnsel vm6, $0x2FF, v16  }
0x1d1: {  	v12 =	vtrunc.f32 v12;
	v63 =	vsel vm9, $0x2700, v61;
	v6 =	vnsel vm14, $0x2FF, v6  }
0x1d2: {  	v61 =	vimm.s32 $0x3000;
	vm6 =	veq.s32 v43, $0xB;
	vm14 =	veq.s32 v43, $0xF  }
0x1d3: {  	v16 =	vadd.s32 v34, v16;
	v34 =	vsel vm15, $0x2100, v28;
	v12 =	vcvt.f32.s32 v12  }
0x1d4: {  	vm15 =	veq.s32 v43, $0x9;
	v54 =	vsel vm6, v60, v54;
	v10 =	vadd.s32 v34, v10  }
0x1d5: {  	v34 =	vsub.f32 $7.680000000e+02, v56;
	v54 =	vtrunc.f32 v54;
	vm12 =	vlt.s32 v12, $0x2FF  }
0x1d6: {  	[tilespmem:v3+s18+$0x0] =	vst.idx.msk $0xffff, v8;
	v60 =	vimm.s32 $0x3C00;
	v54 =	vcvt.f32.s32 v54;
	v12 =	vnsel vm12, $0x2FF, v12  }
0x1d7: {  	[tilespmem:v5+s18+$0x0] =	vst.idx.msk $0xffff, v14;
	v56 =	vsel vm15, v34, v56;
	v34 =	vsub.f32 $7.680000000e+02, v1;
	v12 =	vadd.s32 v63, v12  }
0x1d8: {  	[tilespmem:v7+s18+$0x0] =	vst.idx.msk $0xffff, v16;
	v63 =	vsel vm11, $0x3300, v61;
	v56 =	vtrunc.f32 v56;
	v61 =	vsel vm15, $0x3900, v36  }
0x1d9: {  	[tilespmem:v9+s18+$0x0] =	vst.idx.msk $0xffff, v55;
	vm9 =	vlt.s32 v54, $0x2FF;
	vm15 =	veq.s32 v43, $0x10;
	v56 =	vcvt.f32.s32 v56  }
0x1da: {  	[tilespmem:v11+s18+$0x0] =	vst.idx.msk $0xffff, v10;
	v6 =	vadd.s32 v63, v6;
	v1 =	vsel vm4, v34, v1;
	v63 =	vsub.f32 $7.680000000e+02, v53  }
0x1db: {  	v54 =	vnsel vm9, $0x2FF, v54;
	v34 =	vsel vm6, $0x4500, v40;
	[tilespmem:v13+s18+$0x0] =	vst.idx.msk $0xffff, v12;
	v12 =	vimm.s32 $0x6000  }
0x1dc: {  	vm9 =	veq.s32 v43, $0x11;
	v1 =	vtrunc.f32 v1;
	v54 =	vadd.s32 v34, v54  }
0x1dd: {  	v34 =	vsub.f32 $7.680000000e+02, v49;
	v12 =	vsel vm15, $0x6300, v12;
	[tilespmem:v15+s18+$0x0] =	vst.idx.msk $0xffff, v4;
	v4 =	vmul.f32 v48, v44  }
0x1de: {  	vm5 =	vlt.s32 v56, $0x2FF;
	v1 =	vcvt.f32.s32 v1;
	v53 =	vsel vm8, v63, v53  }
0x1df: {  	v63 =	vsub.f32 $7.680000000e+02, v52;
	v56 =	vnsel vm5, $0x2FF, v56;
	v53 =	vtrunc.f32 v53  }
0x1e0: {  	[tilespmem:v17+s18+$0x0] =	vst.idx.msk $0xffff, v6;
	v8 =	vsel vm15, v34, v49;
	v6 =	vsub.f32 $7.680000000e+02, v4;
	v56 =	vadd.s32 v61, v56  }
0x1e1: {  	vm7 =	vlt.s32 v1, $0x2FF;
	v61 =	vsel vm4, $0x3F00, v60;
	v52 =	vsel vm10, v63, v52  }
0x1e2: {  	v53 =	vcvt.f32.s32 v53;
	v60 =	vsel vm8, $0x4B00, v59;
	v63 =	vsub.f32 $7.680000000e+02, v50  }
0x1e3: {  	v8 =	vtrunc.f32 v8;
	vm10 =	veq.s32 v43, $0x12;
	v1 =	vnsel vm7, $0x2FF, v1  }
0x1e4: {  	v52 =	vtrunc.f32 v52;
	v8 =	vcvt.f32.s32 v8;
	v1 =	vadd.s32 v61, v1  }
0x1e5: {  	vm11 =	vlt.s32 v53, $0x2FF;
	v52 =	vcvt.f32.s32 v52;
	v61 =	vsub.f32 $7.680000000e+02, v51  }
0x1e6: {  	v50 =	vsel vm14, v63, v50;
	v63 =	vmul.f32 v48, v45;
	v53 =	vnsel vm11, $0x2FF, v53  }
0x1e7: {  	[tilespmem:v19+s18+$0x0] =	vst.idx.msk $0xffff, v56;
	v59 =	vtrunc.f32 v50;
	vm8 =	vlt.s32 v8, $0x2FF;
	vm11 =	veq.s32 v43, $0x13  }
0x1e8: {  	[tilespmem:v21+s18+$0x0] =	vst.idx.msk $0xffff, v1;
	v1 =	vsel vm10, v6, v4;
	v53 =	vadd.s32 v60, v53;
	vm12 =	vlt.s32 v52, $0x2FF  }
0x1e9: {  	v51 =	vsel vm13, v61, v51;
	v14 =	vcvt.f32.s32 v59;
	v60 =	vsel vm13, $0x5700, v26  }
0x1ea: {  	v8 =	vnsel vm8, $0x2FF, v8;
	v61 =	vsub.f32 $7.680000000e+02, v47;
	v45 =	vsub.f32 $7.680000000e+02, v63  }
0x1eb: {  	v1 =	vtrunc.f32 v1;
	v52 =	vnsel vm12, $0x2FF, v52;
	v51 =	vtrunc.f32 v51  }
0x1ec: {  	v8 =	vadd.s32 v12, v8;
	vm12 =	veq.s32 v43, $0x14;
	vm7 =	vlt.s32 v14, $0x2FF  }
0x1ed: {  	v1 =	vcvt.f32.s32 v1;
	v10 =	vnsel vm7, $0x2FF, v14;
	v14 =	vimm.s32 $0x5A00  }
0x1ee: {  	v51 =	vcvt.f32.s32 v51;
	v12 =	vsel vm9, v61, v47;
	v14 =	vsel vm14, $0x5D00, v14  }
0x1ef: {  	v4 =	vsel vm11, v45, v63;
	v10 =	vadd.s32 v14, v10;
	v14 =	vmul.f32 v48, v46  }
0x1f0: {  	v2 =	vadd.s32 v2, v52;
	v12 =	vtrunc.f32 v12;
	v4 =	vtrunc.f32 v4  }
0x1f1: {  	[tilespmem:v23+s18+$0x0] =	vst.idx.msk $0xffff, v54;
	vm6 =	vlt.s32 v51, $0x2FF;
	v6 =	vcvt.f32.s32 v12;
	v12 =	vsub.f32 $7.680000000e+02, v14  }
0x1f2: {  	[tilespmem:v25+s18+$0x0] =	vst.idx.msk $0xffff, v53;
	vm13 =	vlt.s32 v1, $0x2FF;
	v4 =	vcvt.f32.s32 v4;
	v16 =	vnsel vm6, $0x2FF, v51  }
0x1f3: {  	[tilespmem:v27+s18+$0x0] =	vst.idx.msk $0xffff, v2;
	v1 =	vnsel vm13, $0x2FF, v1;
	v16 =	vadd.s32 v60, v16;
	v2 =	vsel vm12, v12, v14  }
0x1f4: {  	vm4 =	vlt.s32 v6, $0x2FF;
	vm14 =	vlt.s32 v4, $0x2FF;
	[tilespmem:v29+s18+$0x0] =	vst.idx.msk $0xffff, v16;
	v2 =	vtrunc.f32 v2  }
0x1f5: {  	v6 =	vnsel vm4, $0x2FF, v6;
	[tilespmem:v31+s18+$0x0] =	vst.idx.msk $0xffff, v10;
	v12 =	vsel vm9, $0x6900, v62;
	v2 =	vcvt.f32.s32 v2  }
0x1f6: {  	v4 =	vnsel vm14, $0x2FF, v4;
	[tilespmem:v33+s18+$0x0] =	vst.idx.msk $0xffff, v8;
	v8 =	vsel vm10, $0x6F00, v38;
	v6 =	vadd.s32 v12, v6  }
0x1f7: {  	v1 =	vadd.s32 v8, v1;
	[tilespmem:v35+s18+$0x0] =	vst.idx.msk $0xffff, v6;
	v6 =	vsel vm11, $0x7500, v18;
	vm15 =	vlt.s32 v2, $0x2FF  }
0x1f8: {  	[tilespmem:v37+s18+$0x0] =	vst.idx.msk $0xffff, v1;
	v1 =	vadd.s32 v6, v4;
	v4 =	vsel vm12, $0x7B00, v22;
	v2 =	vnsel vm15, $0x2FF, v2  }
0x1f9: {  	s25 =	simm.s32 $0x10;
	s26 =	simm.s32 $0x150;
	v34 =	vimm.s32 $0x5400;
	v26 =	vimm.s32 $0x7800;
	[tilespmem:v39+s18+$0x0] =	vst.idx.msk $0xffff, v1;
	v1 =	vadd.s32 v4, v2  }
0x1fa: {  	s28 =	simm.s32 $0xC410;
	s29 =	simm.s32 $0x80;
	s30 =	simm.s32 $0xC8A0;
	v38 =	vimm.s32 $0x6600;
	v18 =	vimm.s32 $0x6C00;
	v22 =	vimm.s32 $0x7200;
	[tilespmem:v41+s18+$0x0] =	vst.idx.msk $0xffff, v1  }
.LBB2_7:
0x1fb: {  	s1 =	sand.u32 $0x70, s25;
	s31 =	sand.u32 $0x1C00, s29  }
0x1fc: {  	s31 =	sor.u32 s1, s31  }
0x1fd: {  	v1 =	vld [tilespmem:s31+$0x6000]  }
0x1fe: {  	v2 =	vld [tilespmem:s31+$0x6080]  }
0x1ff: {  	v4 =	vld [tilespmem:s31+$0x6100]  }
0x200: {  	v6 =	vld [tilespmem:s31+$0x6180]  }
0x201: {  	v8 =	vld [tilespmem:s31+$0x6200]  }
0x202: {  	s1 =	sor.u32 s29, s25;
	v10 =	vld [tilespmem:s31+$0x6280];
	v1 =	vmul.f32 $1.442695020e+00, v1  }
0x203: {  	v12 =	vld [tilespmem:s31+$0x6300];
	s1 =	sor.u32 $0x380, s1;
	v2 =	vmul.f32 $1.442695020e+00, v2  }
0x204: {  	(erf) = vpow2.f32 v1;
	v1 =	vmul.f32 $1.442695020e+00, v4;
	v4 =	vld [tilespmem:s1+$0x6000]  }
0x205: {  	(erf) = vpow2.f32 v2;
	v2 =	vmul.f32 $1.442695020e+00, v6;
	v6 =	vld [tilespmem:s31+$0x8000]  }
0x206: {  	(erf) = vpow2.f32 v1;
	v1 =	vmul.f32 $1.442695020e+00, v8;
	v8 =	vld [tilespmem:s31+$0x8080]  }
0x207: {  	(erf) = vpow2.f32 v2;
	v2 =	vmul.f32 $1.442695020e+00, v10;
	v10 =	vld [tilespmem:s31+$0x8100]  }
0x208: {  	(erf) = vpow2.f32 v1;
	v1 =	vmul.f32 $1.442695020e+00, v12;
	v12 =	vld [tilespmem:s31+$0x8180]  }
0x209: {  	(erf) = vpow2.f32 v2;
	v2 =	vmul.f32 $1.442695020e+00, v4;
	v4 =	vld [tilespmem:s31+$0x8200]  }
0x20a: {  	(erf) = vpow2.f32 v1;
	v1 =	vmul.f32 $1.442695020e+00, v6;
	v6 =	vld [tilespmem:s31+$0x8280]  }
0x20b: {  	(erf) = vpow2.f32 v2;
	v2 =	vmul.f32 $1.442695020e+00, v8;
	v8 =	vld [tilespmem:s31+$0x8300]  }
0x20c: {  	(erf) = vpow2.f32 v1;
	v1 =	vmul.f32 $1.442695020e+00, v10;
	v10 =	vld [tilespmem:s31+$0x8380]  }
0x20d: {  	v14 =	vpop (erf);
	(erf) = vpow2.f32 v2;
	v2 =	vmul.f32 $1.442695020e+00, v12;
	v12 =	vld [tilespmem:s31+$0xA000]  }
0x20e: {  	v16 =	vpop (erf);
	(erf) = vpow2.f32 v1;
	v1 =	vmul.f32 $1.442695020e+00, v4;
	v4 =	vld [tilespmem:s31+$0xA080]  }
0x20f: {  	v52 =	vpop (erf);
	(erf) = vpow2.f32 v2;
	v2 =	vmul.f32 $1.442695020e+00, v6;
	v6 =	vld [tilespmem:s31+$0xA100]  }
0x210: {  	v53 =	vpop (erf);
	(erf) = vpow2.f32 v1;
	v1 =	vmul.f32 $1.442695020e+00, v8  }
0x211: {  	v8 =	vld [tilespmem:s31+$0xA180];
	v56 =	vpop (erf);
	(erf) = vpow2.f32 v2;
	v2 =	vmul.f32 $1.442695020e+00, v10  }
0x212: {  	v10 =	vpop (erf);
	(erf) = vpow2.f32 v1;
	v1 =	vmul.f32 $1.442695020e+00, v12  }
0x213: {  	v12 =	vpop (erf);
	(erf) = vpow2.f32 v2;
	v2 =	vmul.f32 $1.442695020e+00, v4  }
0x214: {  	v4 =	vpop (erf);
	(erf) = vpow2.f32 v1;
	v1 =	vmul.f32 $1.442695020e+00, v6  }
0x215: {  	v6 =	vpop (erf);
	(erf) = vpow2.f32 v2  }
0x216: {  	v2 =	vmul.f32 $1.442695020e+00, v8;
	v8 =	vpop (erf);
	(erf) = vpow2.f32 v1;
	v1 =	vld [tilespmem:s31+$0xA200];
	_ =	sdelay $0x2  }
0x217: {  	v63 =	vpop (erf);
	(erf) = vpow2.f32 v2  }
0x218: {  	v57 =	vpop (erf)  }
0x219: {  	v55 =	vpop (erf);
	v1 =	vmul.f32 $1.442695020e+00, v1  }
0x21a: {  	v54 =	vpop (erf)  }
0x21b: {  	v43 =	vadd.f32 v10, v56;
	v44 =	vadd.f32 v4, v12;
	v51 =	vpop (erf);
	(erf) = vpow2.f32 v1  }
0x21c: {  	v2 =	vadd.f32 v53, v52;
	v46 =	vadd.f32 v8, v6;
	v50 =	vpop (erf)  }
0x21d: {  	v58 =	vadd.f32 v57, v63;
	v49 =	vpop (erf);
	v1 =	vadd.f32 v16, v14  }
0x21e: {  	v59 =	vadd.f32 v54, v55;
	v60 =	vadd.f32 v50, v51;
	v48 =	vpop (erf)  }
0x21f: {  	v47 =	vpop (erf);
	v61 =	vadd.f32 v48, v49;
	v1 =	vadd.f32 v2, v1  }
0x220: {  	v2 =	vadd.f32 v44, v43;
	v43 =	vadd.f32 v58, v46;
	v45 =	vpop (erf)  }
0x221: {  	v58 =	vadd.f32 v60, v59;
	v62 =	vadd.f32 v45, v47  }
0x222: {  	v1 =	vadd.f32 v2, v1  }
0x223: {  	v2 =	vadd.f32 v58, v43;
	v59 =	vadd.f32 v62, v61  }
0x224: {  	v44 =	vpop (erf)  }
0x225: {  	v1 =	vadd.f32 v2, v1;
	v60 =	vadd.f32 v59, v44;
	_ =	sdelay $0x1  }
0x226: {  	v1 =	vadd.f32 v60, v1;
	_ =	sdelay $0x1  }
0x227: {  	(erf) = vrcp.f32 v1;
	_ =	sdelay $0x4  }
0x228: {  	v43 =	vld [tilespmem:s28+$0x0];
	_ =	sdelay $0x3  }
0x229: {  	v1 =	vpop (erf)  }
0x22a: {  	v58 =	vadd.s32 s26, v3;
	vm0 =	veq.s32 v43, $0x0;
	v46 =	vmul.f32 $7.680000000e+02, v1  }
0x22b: {  	vm1 =	veq.s32 v43, $0x1;
	vm13 =	veq.s32 v43, $0x2;
	vm14 =	veq.s32 v43, $0x3  }
0x22c: {  	vm3 =	veq.s32 v43, $0x4;
	vm6 =	veq.s32 v43, $0x5;
	v1 =	vmul.f32 v46, v14  }
0x22d: {  	vm7 =	veq.s32 v43, $0x6;
	v61 =	vmul.f32 v46, v53;
	v10 =	vmul.f32 v46, v10  }
0x22e: {  	v4 =	vmul.f32 v46, v4;
	v6 =	vmul.f32 v46, v6;
	v2 =	vsub.f32 $7.680000000e+02, v1  }
0x22f: {  	vm8 =	veq.s32 v43, $0x7;
	v8 =	vmul.f32 v46, v8;
	v55 =	vmul.f32 v46, v55  }
0x230: {  	v54 =	vmul.f32 v46, v54;
	v1 =	vsel vm0, v2, v1;
	v2 =	vmul.f32 v46, v16  }
0x231: {  	v62 =	vsel vm1, $0x900, v20;
	v51 =	vmul.f32 v46, v51;
	v50 =	vmul.f32 v46, v50  }
0x232: {  	v49 =	vmul.f32 v46, v49;
	v1 =	vtrunc.f32 v1;
	v14 =	vsub.f32 $7.680000000e+02, v2  }
0x233: {  	v48 =	vmul.f32 v46, v48;
	v16 =	vimm.s32 $0x0;
	v1 =	vcvt.f32.s32 v1  }
0x234: {  	v47 =	vmul.f32 v46, v47;
	v16 =	vsel vm0, $0x300, v16;
	v2 =	vsel vm1, v14, v2  }
0x235: {  	vm2 =	vlt.s32 v1, $0x2FF;
	v14 =	vmul.f32 v46, v52;
	v2 =	vtrunc.f32 v2  }
0x236: {  	v52 =	vadd.s32 s26, v0;
	v1 =	vnsel vm2, $0x2FF, v1;
	v2 =	vcvt.f32.s32 v2  }
0x237: {  	v53 =	vadd.s32 v16, v1;
	v1 =	vsub.f32 $7.680000000e+02, v14;
	v16 =	vsub.f32 $7.680000000e+02, v61  }
0x238: {  	v59 =	vsel vm14, $0x1500, v24;
	v45 =	vmul.f32 v46, v45;
	v44 =	vmul.f32 v46, v44  }
0x239: {  	vm12 =	vlt.s32 v2, $0x2FF;
	v1 =	vsel vm13, v1, v14;
	v14 =	vsel vm14, v16, v61  }
0x23a: {  	v16 =	vmul.f32 v46, v56;
	v61 =	vadd.s32 s26, v5;
	vm14 =	veq.s32 v43, $0xA  }
0x23b: {  	v2 =	vnsel vm12, $0x2FF, v2;
	v1 =	vtrunc.f32 v1;
	v14 =	vtrunc.f32 v14  }
0x23c: {  	vm12 =	veq.s32 v43, $0x8;
	[tilespmem:v52+s18+$0x0] =	vst.idx.msk $0xffff, v53;
	v52 =	vadd.s32 s26, v15;
	v1 =	vcvt.f32.s32 v1  }
0x23d: {  	v56 =	vadd.s32 v62, v2;
	v2 =	vcvt.f32.s32 v14;
	v14 =	vsub.f32 $7.680000000e+02, v16  }
0x23e: {  	v62 =	vadd.s32 s26, v7;
	[tilespmem:v58+s18+$0x0] =	vst.idx.msk $0xffff, v56;
	v58 =	vimm.s32 $0x6000;
	v56 =	vadd.s32 s26, v17  }
0x23f: {  	vm15 =	vlt.s32 v1, $0x2FF;
	v14 =	vsel vm3, v14, v16;
	v16 =	vimm.s32 $0xC00  }
0x240: {  	vm4 =	vlt.s32 v2, $0x2FF;
	v1 =	vnsel vm15, $0x2FF, v1;
	v16 =	vsel vm13, $0xF00, v16  }
0x241: {  	v2 =	vnsel vm4, $0x2FF, v2;
	v14 =	vtrunc.f32 v14;
	vm13 =	veq.s32 v43, $0x9  }
0x242: {  	v14 =	vcvt.f32.s32 v14;
	v60 =	vadd.s32 v16, v1;
	v1 =	vsub.f32 $7.680000000e+02, v10  }
0x243: {  	v59 =	vadd.s32 v59, v2;
	v2 =	vmul.f32 v46, v12;
	v16 =	vsel vm8, $0x2D00, v32  }
0x244: {  	[tilespmem:v61+s18+$0x0] =	vst.idx.msk $0xffff, v60;
	v61 =	vsub.f32 $7.680000000e+02, v48;
	vm5 =	vlt.s32 v14, $0x2FF;
	v1 =	vsel vm6, v1, v10  }
0x245: {  	v10 =	vsub.f32 $7.680000000e+02, v2;
	v12 =	vnsel vm5, $0x2FF, v14;
	v14 =	vimm.s32 $0x1800  }
0x246: {  	v1 =	vtrunc.f32 v1;
	vm5 =	veq.s32 v43, $0x10;
	v14 =	vsel vm3, $0x1B00, v14  }
0x247: {  	v1 =	vcvt.f32.s32 v1;
	v2 =	vsel vm7, v10, v2;
	v10 =	vsub.f32 $7.680000000e+02, v4  }
0x248: {  	v12 =	vadd.s32 v14, v12;
	v2 =	vtrunc.f32 v2;
	v14 =	vsub.f32 $7.680000000e+02, v6  }
0x249: {  	vm9 =	vlt.s32 v1, $0x2FF;
	v2 =	vcvt.f32.s32 v2;
	v4 =	vsel vm8, v10, v4  }
0x24a: {  	v10 =	vsel vm6, $0x2100, v28;
	vm8 =	veq.s32 v43, $0xB;
	v1 =	vnsel vm9, $0x2FF, v1  }
0x24b: {  	v4 =	vtrunc.f32 v4;
	v6 =	vsel vm12, v14, v6;
	v14 =	vmul.f32 v46, v63  }
0x24c: {  	v63 =	vimm.s32 $0x3C00;
	vm10 =	vlt.s32 v2, $0x2FF;
	v4 =	vcvt.f32.s32 v4  }
0x24d: {  	v1 =	vadd.s32 v10, v1;
	v10 =	vimm.s32 $0x2400;
	v6 =	vtrunc.f32 v6  }
0x24e: {  	v2 =	vnsel vm10, $0x2FF, v2;
	v10 =	vsel vm7, $0x2700, v10;
	v6 =	vcvt.f32.s32 v6  }
0x24f: {  	vm11 =	vlt.s32 v4, $0x2FF;
	v2 =	vadd.s32 v10, v2;
	v10 =	vsub.f32 $7.680000000e+02, v8  }
0x250: {  	vm9 =	veq.s32 v43, $0xC;
	vm10 =	veq.s32 v43, $0xD;
	v4 =	vnsel vm11, $0x2FF, v4  }
0x251: {  	vm15 =	vlt.s32 v6, $0x2FF;
	v8 =	vsel vm13, v10, v8;
	v10 =	vsub.f32 $7.680000000e+02, v14  }
0x252: {  	v4 =	vadd.s32 v16, v4;
	v16 =	vmul.f32 v46, v57;
	v8 =	vtrunc.f32 v8  }
0x253: {  	v6 =	vnsel vm15, $0x2FF, v6;
	v8 =	vcvt.f32.s32 v8;
	v10 =	vsel vm14, v10, v14  }
0x254: {  	v14 =	vimm.s32 $0x3000;
	v57 =	vsub.f32 $7.680000000e+02, v16;
	v10 =	vtrunc.f32 v10  }
0x255: {  	v14 =	vsel vm12, $0x3300, v14;
	vm6 =	vlt.s32 v8, $0x2FF;
	v10 =	vcvt.f32.s32 v10  }
0x256: {  	v6 =	vadd.s32 v14, v6;
	v14 =	vsel vm13, $0x3900, v36;
	v8 =	vnsel vm6, $0x2FF, v8  }
0x257: {  	vm15 =	veq.s32 v43, $0xF;
	vm7 =	vlt.s32 v10, $0x2FF;
	v8 =	vadd.s32 v14, v8  }
0x258: {  	v14 =	vsel vm8, v57, v16;
	v16 =	vsub.f32 $7.680000000e+02, v55;
	v57 =	vsel vm14, $0x3F00, v63  }
0x259: {  	v63 =	vsub.f32 $7.680000000e+02, v54;
	vm14 =	veq.s32 v43, $0xE;
	v14 =	vtrunc.f32 v14  }
0x25a: {  	v10 =	vnsel vm7, $0x2FF, v10;
	v14 =	vcvt.f32.s32 v14;
	v16 =	vsel vm9, v16, v55  }
0x25b: {  	v10 =	vadd.s32 v57, v10;
	v54 =	vsel vm10, v63, v54;
	v57 =	vsel vm8, $0x4500, v40  }
0x25c: {  	v55 =	vsub.f32 $7.680000000e+02, v51;
	v63 =	vimm.s32 $0x4800;
	v16 =	vtrunc.f32 v16  }
0x25d: {  	v54 =	vtrunc.f32 v54;
	vm11 =	vlt.s32 v14, $0x2FF;
	v16 =	vcvt.f32.s32 v16  }
0x25e: {  	v54 =	vcvt.f32.s32 v54;
	v51 =	vsel vm14, v55, v51;
	v55 =	vsel vm10, $0x5100, v30  }
0x25f: {  	v14 =	vnsel vm11, $0x2FF, v14;
	v51 =	vtrunc.f32 v51;
	vm12 =	vlt.s32 v16, $0x2FF  }
0x260: {  	v14 =	vadd.s32 v57, v14;
	v57 =	vsel vm9, $0x4B00, v63;
	v63 =	vsub.f32 $7.680000000e+02, v50  }
0x261: {  	vm13 =	vlt.s32 v54, $0x2FF;
	v51 =	vcvt.f32.s32 v51;
	v16 =	vnsel vm12, $0x2FF, v16  }
0x262: {  	v54 =	vnsel vm13, $0x2FF, v54;
	v16 =	vadd.s32 v57, v16;
	v50 =	vsel vm15, v63, v50  }
0x263: {  	v54 =	vadd.s32 v55, v54;
	v55 =	vsub.f32 $7.680000000e+02, v49;
	v50 =	vtrunc.f32 v50  }
0x264: {  	vm4 =	vlt.s32 v51, $0x2FF;
	v57 =	vadd.s32 s26, v9;
	v50 =	vcvt.f32.s32 v50  }
0x265: {  	v63 =	vsel vm14, $0x5700, v34;
	v51 =	vnsel vm4, $0x2FF, v51;
	v49 =	vsel vm5, v55, v49  }
0x266: {  	v51 =	vadd.s32 v63, v51;
	v63 =	vimm.s32 $0x5A00;
	vm6 =	vlt.s32 v50, $0x2FF  }
0x267: {  	v55 =	vsel vm15, $0x5D00, v63;
	v63 =	vadd.s32 s26, v11;
	v50 =	vnsel vm6, $0x2FF, v50  }
0x268: {  	v60 =	vsub.f32 $7.680000000e+02, v45;
	v50 =	vadd.s32 v55, v50;
	v55 =	vadd.s32 s26, v13  }
0x269: {  	[tilespmem:v62+s18+$0x0] =	vst.idx.msk $0xffff, v59;
	v62 =	vsub.f32 $7.680000000e+02, v47;
	v59 =	vadd.s32 s26, v19;
	v53 =	vsel vm5, $0x6300, v58  }
0x26a: {  	vm8 =	veq.s32 v43, $0x11;
	vm10 =	veq.s32 v43, $0x13;
	vm9 =	veq.s32 v43, $0x12  }
0x26b: {  	v47 =	vsel vm9, v62, v47;
	v62 =	vadd.s32 s26, v29;
	v49 =	vtrunc.f32 v49;
	[tilespmem:v57+s18+$0x0] =	vst.idx.msk $0xffff, v12  }
0x26c: {  	vm12 =	veq.s32 v43, $0x14;
	v49 =	vcvt.f32.s32 v49;
	[tilespmem:v63+s18+$0x0] =	vst.idx.msk $0xffff, v1;
	v1 =	vadd.s32 s26, v21  }
0x26d: {  	v47 =	vtrunc.f32 v47;
	v12 =	vsel vm8, v61, v48;
	[tilespmem:v55+s18+$0x0] =	vst.idx.msk $0xffff, v2;
	v2 =	vadd.s32 s26, v23  }
0x26e: {  	v61 =	vadd.s32 s26, v25;
	vm7 =	vlt.s32 v49, $0x2FF;
	v12 =	vtrunc.f32 v12;
	[tilespmem:v52+s18+$0x0] =	vst.idx.msk $0xffff, v4  }
0x26f: {  	v49 =	vnsel vm7, $0x2FF, v49;
	v12 =	vcvt.f32.s32 v12;
	[tilespmem:v56+s18+$0x0] =	vst.idx.msk $0xffff, v6;
	v6 =	vadd.s32 s26, v27  }
0x270: {  	v49 =	vadd.s32 v53, v49;
	v63 =	vadd.s32 s26, v39;
	v4 =	vsel vm10, v60, v45;
	[tilespmem:v59+s18+$0x0] =	vst.idx.msk $0xffff, v8  }
0x271: {  	vm11 =	vlt.s32 v12, $0x2FF;
	v4 =	vtrunc.f32 v4;
	v8 =	vadd.s32 s26, v31;
	[tilespmem:v1+s18+$0x0] =	vst.idx.msk $0xffff, v10  }
0x272: {  	v4 =	vcvt.f32.s32 v4;
	v1 =	vadd.s32 s26, v33;
	[tilespmem:v2+s18+$0x0] =	vst.idx.msk $0xffff, v14;
	v14 =	vsub.f32 $7.680000000e+02, v44  }
0x273: {  	v10 =	vnsel vm11, $0x2FF, v12;
	v12 =	vcvt.f32.s32 v47;
	[tilespmem:v61+s18+$0x0] =	vst.idx.msk $0xffff, v16;
	v16 =	vadd.s32 s26, v35  }
0x274: {  	v2 =	vsel vm8, $0x6900, v38;
	[tilespmem:v6+s18+$0x0] =	vst.idx.msk $0xffff, v54;
	v6 =	vsel vm12, v14, v44;
	v14 =	vadd.s32 s26, v37  }
0x275: {  	vm14 =	vlt.s32 v4, $0x2FF;
	vm13 =	vlt.s32 v12, $0x2FF;
	[tilespmem:v62+s18+$0x0] =	vst.idx.msk $0xffff, v51;
	v6 =	vtrunc.f32 v6  }
0x276: {  	v4 =	vnsel vm14, $0x2FF, v4;
	[tilespmem:v8+s18+$0x0] =	vst.idx.msk $0xffff, v50;
	v6 =	vcvt.f32.s32 v6;
	v8 =	vadd.s32 s26, v41  }
0x277: {  	v12 =	vnsel vm13, $0x2FF, v12;
	[tilespmem:v1+s18+$0x0] =	vst.idx.msk $0xffff, v49;
	v1 =	vadd.s32 v2, v10;
	v2 =	vsel vm9, $0x6F00, v18  }
0x278: {  	[tilespmem:v16+s18+$0x0] =	vst.idx.msk $0xffff, v1;
	v1 =	vadd.s32 v2, v12;
	v2 =	vsel vm10, $0x7500, v22;
	vm15 =	vlt.s32 v6, $0x2FF  }
0x279: {  	[tilespmem:v14+s18+$0x0] =	vst.idx.msk $0xffff, v1;
	v1 =	vadd.s32 v2, v4;
	v2 =	vnsel vm15, $0x2FF, v6;
	v4 =	vsel vm12, $0x7B00, v26  }
0x27a: {  	[tilespmem:v63+s18+$0x0] =	vst.idx.msk $0xffff, v1;
	v1 =	vadd.s32 v4, v2  }
0x27b: {  	[tilespmem:v8+s18+$0x0] =	vst.idx.msk $0xffff, v1  }
0x27c: {  	v1 =	vld [tilespmem:s30+$0xFFFFFF60];
	_ =	sdelay $0x7  }
0x27d: {  	[tilespmem:v1+s19+$0x0] =	vst.idx.add.s32.msk $0xffff, v42  }
0x27e: {  	v1 =	vld [tilespmem:s30+$0xFFFFFF70];
	_ =	sdelay $0x7  }
0x27f: {  	[tilespmem:v1+s19+$0x0] =	vst.idx.add.s32.msk $0xffff, v42  }
0x280: {  	v1 =	vld [tilespmem:s30+$0xFFFFFF80];
	_ =	sdelay $0x7  }
0x281: {  	[tilespmem:v1+s19+$0x0] =	vst.idx.add.s32.msk $0xffff, v42  }
0x282: {  	v1 =	vld [tilespmem:s30+$0xFFFFFF90];
	_ =	sdelay $0x7  }
0x283: {  	[tilespmem:v1+s19+$0x0] =	vst.idx.add.s32.msk $0xffff, v42  }
0x284: {  	v1 =	vld [tilespmem:s30+$0xFFFFFFA0];
	_ =	sdelay $0x7  }
0x285: {  	s31 =	sand.u32 $0x7FF0, s26;
	[tilespmem:v1+s19+$0x0] =	vst.idx.add.s32.msk $0xffff, v42  }
0x286: {  	v1 =	vld [tilespmem:s31+$0xC700];
	_ =	sdelay $0x7  }
0x287: {  	[tilespmem:v1+s19+$0x0] =	vst.idx.add.s32.msk $0xffff, v42  }
0x288: {  	v1 =	vld [tilespmem:s30+$0xFFFFFFC0];
	_ =	sdelay $0x7  }
0x289: {  	[tilespmem:v1+s19+$0x0] =	vst.idx.add.s32.msk $0xffff, v42  }
0x28a: {  	v1 =	vld [tilespmem:s30+$0xFFFFFFD0];
	_ =	sdelay $0x7  }
0x28b: {  	[tilespmem:v1+s19+$0x0] =	vst.idx.add.s32.msk $0xffff, v42  }
0x28c: {  	v1 =	vld [tilespmem:s30+$0xFFFFFFE0];
	_ =	sdelay $0x7  }
0x28d: {  	[tilespmem:v1+s19+$0x0] =	vst.idx.add.s32.msk $0xffff, v42  }
0x28e: {  	v1 =	vld [tilespmem:s30+$0xFFFFFFF0];
	_ =	sdelay $0x7  }
0x28f: {  	[tilespmem:v1+s19+$0x0] =	vst.idx.add.s32.msk $0xffff, v42  }
0x290: {  	v1 =	vld [tilespmem:s30+$0x0];
	_ =	sdelay $0x7  }
0x291: {  	[tilespmem:v1+s19+$0x0] =	vst.idx.add.s32.msk $0xffff, v42  }
0x292: {  	v1 =	vld [tilespmem:s30+$0x10];
	_ =	sdelay $0x7  }
0x293: {  	[tilespmem:v1+s19+$0x0] =	vst.idx.add.s32.msk $0xffff, v42  }
0x294: {  	v1 =	vld [tilespmem:s30+$0x20];
	_ =	sdelay $0x7  }
0x295: {  	[tilespmem:v1+s19+$0x0] =	vst.idx.add.s32.msk $0xffff, v42  }
0x296: {  	v1 =	vld [tilespmem:s31+$0xC780];
	_ =	sdelay $0x7  }
0x297: {  	[tilespmem:v1+s19+$0x0] =	vst.idx.add.s32.msk $0xffff, v42  }
0x298: {  	v1 =	vld [tilespmem:s30+$0x40];
	_ =	sdelay $0x7  }
0x299: {  	[tilespmem:v1+s19+$0x0] =	vst.idx.add.s32.msk $0xffff, v42  }
0x29a: {  	v1 =	vld [tilespmem:s30+$0x50];
	_ =	sdelay $0x7  }
0x29b: {  	[tilespmem:v1+s19+$0x0] =	vst.idx.add.s32.msk $0xffff, v42  }
0x29c: {  	v1 =	vld [tilespmem:s30+$0x60];
	_ =	sdelay $0x7  }
0x29d: {  	[tilespmem:v1+s19+$0x0] =	vst.idx.add.s32.msk $0xffff, v42  }
0x29e: {  	v1 =	vld [tilespmem:s30+$0x70];
	_ =	sdelay $0x7  }
0x29f: {  	[tilespmem:v1+s19+$0x0] =	vst.idx.add.s32.msk $0xffff, v42  }
0x2a0: {  	v1 =	vld [tilespmem:s30+$0x80];
	_ =	sdelay $0x7  }
0x2a1: {  	[tilespmem:v1+s19+$0x0] =	vst.idx.add.s32.msk $0xffff, v42  }
0x2a2: {  	v1 =	vld [tilespmem:s30+$0x90];
	_ =	sdelay $0x7  }
0x2a3: {  	[tilespmem:v1+s19+$0x0] =	vst.idx.add.s32.msk $0xffff, v42  }
0x2a4: {  	v1 =	vld [tilespmem:s30+$0xA0];
	_ =	sdelay $0x2  }
0x2a5: {  	p0 =	sne.s32 s25, $0x3F0  }
.Ltmp2:
0x2a6: {  	_ = 	snop;
	(pc) =	sbr.rel @p0 .LBB2_7-.Ltmp2, $3  }
0x2a7: {  	_ =	sdelay $0x1  }
0x2a8: {  	s29 =	sadd.s32 $0x80, s29;
	s25 =	sadd.s32 $0x10, s25  }
0x2a9: {  	s28 =	sadd.s32 $0x10, s28;
	s26 =	sadd.s32 $0x150, s26;
	s30 =	sadd.s32 $0x150, s30;
	[tilespmem:v1+s19+$0x0] =	vst.idx.add.s32.msk $0xffff, v42  }
0x2aa: {  	v1 =	vld [tilespmem:$0x11AB0];
	_ =	sdelay $0x7  }
0x2ab: {  	[tilespmem:v1+s19+$0x0] =	vst.idx.add.s32.msk $0xffff, v42  }
0x2ac: {  	v1 =	vld [tilespmem:$0x11AC0];
	_ =	sdelay $0x7  }
0x2ad: {  	[tilespmem:v1+s19+$0x0] =	vst.idx.add.s32.msk $0xffff, v42  }
0x2ae: {  	v1 =	vld [tilespmem:$0x11AD0];
	_ =	sdelay $0x7  }
0x2af: {  	[tilespmem:v1+s19+$0x0] =	vst.idx.add.s32.msk $0xffff, v42  }
0x2b0: {  	v1 =	vld [tilespmem:$0x11AE0];
	_ =	sdelay $0x7  }
0x2b1: {  	[tilespmem:v1+s19+$0x0] =	vst.idx.add.s32.msk $0xffff, v42  }
0x2b2: {  	v1 =	vld [tilespmem:$0x11AF0];
	_ =	sdelay $0x7  }
0x2b3: {  	[tilespmem:v1+s19+$0x0] =	vst.idx.add.s32.msk $0xffff, v42  }
0x2b4: {  	v1 =	vld [tilespmem:$0x11B00];
	_ =	sdelay $0x7  }
0x2b5: {  	[tilespmem:v1+s19+$0x0] =	vst.idx.add.s32.msk $0xffff, v42  }
0x2b6: {  	v1 =	vld [tilespmem:$0x11B10];
	_ =	sdelay $0x7  }
0x2b7: {  	[tilespmem:v1+s19+$0x0] =	vst.idx.add.s32.msk $0xffff, v42  }
0x2b8: {  	v1 =	vld [tilespmem:$0x11B20];
	_ =	sdelay $0x7  }
0x2b9: {  	[tilespmem:v1+s19+$0x0] =	vst.idx.add.s32.msk $0xffff, v42  }
0x2ba: {  	v1 =	vld [tilespmem:$0x11B30];
	_ =	sdelay $0x7  }
0x2bb: {  	[tilespmem:v1+s19+$0x0] =	vst.idx.add.s32.msk $0xffff, v42  }
0x2bc: {  	v1 =	vld [tilespmem:$0x11B40];
	_ =	sdelay $0x7  }
0x2bd: {  	[tilespmem:v1+s19+$0x0] =	vst.idx.add.s32.msk $0xffff, v42  }
0x2be: {  	v1 =	vld [tilespmem:$0x11B50];
	_ =	sdelay $0x7  }
0x2bf: {  	[tilespmem:v1+s19+$0x0] =	vst.idx.add.s32.msk $0xffff, v42  }
0x2c0: {  	v1 =	vld [tilespmem:$0x11B60];
	_ =	sdelay $0x7  }
0x2c1: {  	[tilespmem:v1+s19+$0x0] =	vst.idx.add.s32.msk $0xffff, v42  }
0x2c2: {  	v1 =	vld [tilespmem:$0x11B70];
	_ =	sdelay $0x7  }
0x2c3: {  	[tilespmem:v1+s19+$0x0] =	vst.idx.add.s32.msk $0xffff, v42  }
0x2c4: {  	v1 =	vld [tilespmem:$0x11B80];
	_ =	sdelay $0x7  }
0x2c5: {  	[tilespmem:v1+s19+$0x0] =	vst.idx.add.s32.msk $0xffff, v42  }
0x2c6: {  	v1 =	vld [tilespmem:$0x11B90];
	_ =	sdelay $0x7  }
0x2c7: {  	[tilespmem:v1+s19+$0x0] =	vst.idx.add.s32.msk $0xffff, v42  }
0x2c8: {  	v1 =	vld [tilespmem:$0x11BA0];
	_ =	sdelay $0x7  }
0x2c9: {  	[tilespmem:v1+s19+$0x0] =	vst.idx.add.s32.msk $0xffff, v42  }
0x2ca: {  	v1 =	vld [tilespmem:$0x11BB0];
	_ =	sdelay $0x7  }
0x2cb: {  	[tilespmem:v1+s19+$0x0] =	vst.idx.add.s32.msk $0xffff, v42  }
0x2cc: {  	v1 =	vld [tilespmem:$0x11BC0];
	_ =	sdelay $0x7  }
0x2cd: {  	[tilespmem:v1+s19+$0x0] =	vst.idx.add.s32.msk $0xffff, v42  }
0x2ce: {  	v1 =	vld [tilespmem:$0x11BD0];
	_ =	sdelay $0x7  }
0x2cf: {  	[tilespmem:v1+s19+$0x0] =	vst.idx.add.s32.msk $0xffff, v42  }
0x2d0: {  	v1 =	vld [tilespmem:$0x11BE0];
	_ =	sdelay $0x7  }
0x2d1: {  	[tilespmem:v1+s19+$0x0] =	vst.idx.add.s32.msk $0xffff, v42  }
0x2d2: {  	v1 =	vld [tilespmem:$0x11BF0];
	_ =	sdelay $0x1  }
0x2d3: {  	s24 =	sadd.s32 $0x1, s24  }
0x2d4: {  	p0 =	sne.s32 s24, $0x10  }
.Ltmp3:
0x2d5: {  	v16 =	vimm.s32 $0x600;
	v18 =	vimm.s32 $0xC00;
	(pc) =	sbr.rel @p0 .LBB2_4-.Ltmp3, $4  }
0x2d6: {  	v20 =	vimm.s32 $0x1200;
	v22 =	vimm.s32 $0x1800;
	v24 =	vimm.s32 $0x1E00  }
0x2d7: {  	v26 =	vimm.s32 $0x2400;
	v28 =	vimm.s32 $0x2A00;
	v30 =	vimm.s32 $0x3000  }
0x2d8: {  	v32 =	vimm.s32 $0x3600;
	v34 =	vimm.s32 $0x3C00;
	v36 =	vimm.s32 $0x4200  }
0x2d9: {  	v38 =	vimm.s32 $0x4800;
	v40 =	vimm.s32 $0x4E00;
	[tilespmem:v1+s19+$0x0] =	vst.idx.add.s32.msk $0xffff, v42;
	v1 =	vimm.s32 $0x0  }
0x2da: {  	s23 =	sadd.s32 $0x1, s23  }
0x2db: {  	p0 =	sne.s32 s23, s10  }
.Ltmp4:
0x2dc: {  	_ = 	snop;
	(pc) =	sbr.rel @p0 .LBB2_1-.Ltmp4, $4  }
0x2dd: {  	[hbm4b:s9+s21] =	stream.strided.scatter [tilespmem:s19], [sflag:$0x3], $0x7E00, s13, s21, $0x38;
	[tilespmem:$0x19A00] =	vst v63  }
0x2de: {  	_ =	swait.ge [sflag:s22], $0x7E00  }
0x2df: {  	[sflag:s22] =	ssyncset.done $0x0  }
0x2e0: {  	[sflag:s22] =	ssyncadd.s32 $0xFFFF8200  }
0x2e1: {  	_ =	sfence.sel $0x180000  }
0x2e2: {  	[bflag:$0x0] =	sbarrier.arrive $0xFFFF  }
0x2e3: {  	_ =	strace $0x90000047  }
0x2e4: {  	[bflag:$0x2] =	sbarrier.arrive $0xFFFF  }
0x2e5: {  	p0 =	sne.s32 s0, $0x0;
	s0 =	rddreg [dreg:$0x2]  }
0x2e6: {  	s0 =	sadd.s32 @!p0 $0x100000, s0  }
0x2e7: {  	[sflag:s0] =	ssyncadd.tile.s32 @!p0 $0x1;
	_ =	shalt  }
.Lfunc_end2:
_tile_overlayer_lowered:
.L_overlay_start_2:
0x2e8: {  	(tag) =	ssettag $0x2  }
0x2e9: {  	s0 =	rddreg [dreg:$0x0];
	s2 =	stileid.u32  }
0x2ea: {  	s1 =	rddreg [dreg:$0x1];
	p0 =	sne.s32 s2, $0x0  }
0x2eb: {  	s3 =	rddreg [dreg:$0x2];
	[bflag:$0x3] =	sbarrier.arrive $0xFFFF;
	s2 =	simm.s32 @!p0 $0x1C03  }
0x2ec: {  	[timem:s3], [sflag:s2] =	dma.local @!p0 [hbm:s0], s1  }
0x2ed: {  	s0 =	simm.s32 @!p0 $0x3  }
0x2ee: {  	_ =	swait.ge @!p0 [sflag:s0], s1  }
0x2ef: {  	s1 =	ssub.s32 @!p0 $0x0, s1;
	[sflag:s0] =	ssyncset.done @!p0 $0x0  }
0x2f0: {  	[sflag:s0] =	ssyncadd.s32 @!p0 s1  }
0x2f1: {  	[bflag:$0x3] =	sbarrier.arrive $0xFFFF  }
0x2f2: {  	_ =	shalt  }

</sc_bundles>
